<compile_context>
chip_gen: v7x
topology: tpu7x:2x2x1
jax: 0.10.2.dev20260603
libtpu: 0.0.44.dev20260713+nightly
codegen_flags: <defaults>
</compile_context>

<pallas_src>
import functools

import jax
import jax.numpy as jnp
from jax import lax
from jax.experimental import pallas as pl
from jax.experimental.pallas import tpu as pltpu
from jax.experimental.pallas import tpu_sc as plsc

NC, NS = 2, 16
NW = NC * NS

_N = 50000
_E = 800000
_CH = [1, 16, 64, 128, 256, 256]
_POOL_M = [12500, 3125, 781, 195]
_POOL_E = [200000, 50000, 12500, 3125]
_POOL_SIZES = [(5.0, 5.0, 10.0), (2.0, 2.0, 1.0), (2.0, 2.0, 1.0), (1.0, 1.0, 1.0)]

_LN = [_N] + _POOL_M
_LC = _CH[1:]
_LE = [_E] + _POOL_E

_ICHUNK = 128


def _ceil(a, b):
    return -(-a // b) * b


_NP = [max(256, _ceil(n + 1, 256)) for n in _LN]
_EW = [_ceil(-(-e // NW), _ICHUNK) for e in _LE]
_EFW = [_ceil(-(-(2 * e) // NW), 16) for e in _POOL_E]


def _row_chunk(nw):
    best = 8
    for d in range(8, _ICHUNK + 1, 8):
        if nw % d == 0:
            best = d
    return best



def _make_mp(lvl):
    n_pad, C, ew = _NP[lvl], _LC[lvl], _EW[lvl]
    zr = n_pad // NS
    mesh = plsc.VectorSubcoreMesh(core_axis_name="c", subcore_axis_name="s", num_cores=NC, num_subcores=NS)

    @functools.partial(
        pl.kernel,
        out_type=(
            jax.ShapeDtypeStruct((NC, n_pad, C), jnp.float32),
            jax.ShapeDtypeStruct((NC, n_pad, 16), jnp.float32),
        ),
        mesh=mesh,
        scratch_types=[
            pltpu.VMEM((_ICHUNK,), jnp.int32),
            pltpu.VMEM((_ICHUNK,), jnp.int32),
            pltpu.VMEM((_ICHUNK, C), jnp.float32),
            pltpu.VMEM((_ICHUNK, 16), jnp.float32),
            pltpu.VMEM_SHARED((n_pad, C), jnp.float32),
            pltpu.VMEM_SHARED((n_pad, 16), jnp.float32),
            pltpu.SemaphoreType.DMA,
        ],
        compiler_params=pltpu.CompilerParams(use_tc_tiling_on_sc=False, needs_layout_passes=False),
        name=f"sc_mp_l{lvl}",
    )
    def mp(h_hbm, src_hbm, dst_hbm, ones_hbm, zc_hbm, z16_hbm,
           agg_out, deg_out, sidx, didx, rows, ones_v, agg_sh, deg_sh, sem):
        cid = lax.axis_index("c")
        sid = lax.axis_index("s")
        wid = sid * NC + cid
        r0 = sid * zr
        pltpu.sync_copy(zc_hbm.at[pl.ds(r0, zr)], agg_sh.at[pl.ds(r0, zr)])
        pltpu.sync_copy(z16_hbm.at[pl.ds(r0, zr)], deg_sh.at[pl.ds(r0, zr)])
        pltpu.sync_copy(ones_hbm, ones_v)
        plsc.subcore_barrier()
        e0 = wid * ew

        @pl.loop(0, ew // _ICHUNK)
        def _(i):
            b = pl.multiple_of(e0 + i * _ICHUNK, _ICHUNK)
            pltpu.sync_copy(src_hbm.at[pl.ds(b, _ICHUNK)], sidx)
            pltpu.sync_copy(dst_hbm.at[pl.ds(b, _ICHUNK)], didx)
            pltpu.async_copy(h_hbm.at[sidx], rows, sem).wait()
            pltpu.sync_copy(rows, agg_sh.at[didx], add=True)
            pltpu.sync_copy(ones_v, deg_sh.at[didx], add=True)

        plsc.subcore_barrier()
        pltpu.sync_copy(agg_sh.at[pl.ds(r0, zr)], agg_out.at[cid, pl.ds(r0, zr)])
        pltpu.sync_copy(deg_sh.at[pl.ds(r0, zr)], deg_out.at[cid, pl.ds(r0, zr)])

    return mp


def _make_pool(i):
    n_pad, m_pad = _NP[i], _NP[i + 1]
    cc = _LC[i] + 32
    nw = n_pad // NW
    rc = _row_chunk(nw)
    efw = _EFW[i]
    zrm = m_pad // NS
    mesh = plsc.VectorSubcoreMesh(core_axis_name="c", subcore_axis_name="s", num_cores=NC, num_subcores=NS)

    @functools.partial(
        pl.kernel,
        out_type=(
            jax.ShapeDtypeStruct((NC, m_pad, cc), jnp.float32),
            jax.ShapeDtypeStruct((NW * efw,), jnp.int32),
        ),
        mesh=mesh,
        scratch_types=[
            pltpu.VMEM((rc,), jnp.int32),
            pltpu.VMEM((rc, cc), jnp.float32),
            pltpu.VMEM((n_pad,), jnp.int32),
            pltpu.VMEM((efw,), jnp.int32),
            pltpu.VMEM((efw,), jnp.int32),
            pltpu.VMEM_SHARED((m_pad, cc), jnp.float32),
        ],
        compiler_params=pltpu.CompilerParams(use_tc_tiling_on_sc=False, needs_layout_passes=False),
        name=f"sc_pool_{i}",
    )
    def pool(xcat_hbm, cl_hbm, ef_hbm, zm_hbm,
             sums_out, ne_out, cidx, rows, table, eb, ob, sums_sh):
        cid = lax.axis_index("c")
        sid = lax.axis_index("s")
        wid = sid * NC + cid
        r0m = sid * zrm
        pltpu.sync_copy(zm_hbm.at[pl.ds(r0m, zrm)], sums_sh.at[pl.ds(r0m, zrm)])
        plsc.subcore_barrier()
        row0 = wid * nw

        @pl.loop(0, nw // rc)
        def _(j):
            b = pl.multiple_of(row0 + j * rc, rc)
            pltpu.sync_copy(cl_hbm.at[pl.ds(b, rc)], cidx)
            pltpu.sync_copy(xcat_hbm.at[pl.ds(b, rc)], rows)
            pltpu.sync_copy(rows, sums_sh.at[cidx], add=True)

        pltpu.sync_copy(cl_hbm, table)
        pltpu.sync_copy(ef_hbm.at[pl.ds(wid * efw, efw)], eb)

        @pl.loop(0, efw // 16)
        def _(t):
            idx = eb[pl.ds(t * 16, 16)]
            ob[pl.ds(t * 16, 16)] = plsc.load_gather(table, [idx])

        pltpu.sync_copy(ob, ne_out.at[pl.ds(wid * efw, efw)])
        plsc.subcore_barrier()
        pltpu.sync_copy(sums_sh.at[pl.ds(r0m, zrm)],
                        sums_out.at[cid, pl.ds(r0m, zrm)])

    return pool



_NB = 16


def _make_tc_a0():
    n_pad = _NP[0]
    br = n_pad // _NB

    def body(x_ref, w1_ref, b1_ref, h_ref):
        h_ref[...] = x_ref[...] * w1_ref[...] + b1_ref[...]

    return pl.pallas_call(
        body,
        grid=(_NB,),
        in_specs=[
            pl.BlockSpec((br, 1), lambda b: (b, 0)),
            pl.BlockSpec((1, _LC[0]), lambda b: (0, 0)),
            pl.BlockSpec((1, _LC[0]), lambda b: (0, 0)),
        ],
        out_specs=pl.BlockSpec((br, _LC[0]), lambda b: (b, 0)),
        out_shape=jax.ShapeDtypeStruct((n_pad, _LC[0]), jnp.float32),
        name="tc_a0",
    )


def _make_tc_diva(i):
    c_in = _LC[i]
    c_out = _LC[i + 1]
    m_pad = _NP[i + 1]

    br = m_pad // _NB

    def body(s0_ref, s1_ref, w1_ref, b1_ref, h_ref, pos_ref):
        s = s0_ref[...] + s1_ref[...]
        den = jnp.maximum(s[:, c_in + 16:c_in + 17], 1.0)
        xn = s[:, :c_in] / den
        pos_ref[...] = s[:, c_in:c_in + 16] / den
        h_ref[...] = (
            jnp.dot(xn, w1_ref[...], preferred_element_type=jnp.float32)
            + b1_ref[...]
        )

    cc = c_in + 32
    return pl.pallas_call(
        body,
        grid=(_NB,),
        in_specs=[
            pl.BlockSpec((br, cc), lambda b: (b, 0)),
            pl.BlockSpec((br, cc), lambda b: (b, 0)),
            pl.BlockSpec((c_in, c_out), lambda b: (0, 0)),
            pl.BlockSpec((1, c_out), lambda b: (0, 0)),
        ],
        out_specs=(
            pl.BlockSpec((br, c_out), lambda b: (b, 0)),
            pl.BlockSpec((br, 16), lambda b: (b, 0)),
        ),
        out_shape=(
            jax.ShapeDtypeStruct((m_pad, c_out), jnp.float32),
            jax.ShapeDtypeStruct((m_pad, 16), jnp.float32),
        ),
        name=f"tc_diva_{i}",
    )


def _make_tc_b(lvl):
    n, c = _LN[lvl], _LC[lvl]
    n_pad = _NP[lvl]
    last = lvl == 4
    if not last:
        vox = _POOL_SIZES[lvl]
        m = _POOL_M[lvl]
        mp_pad = _NP[lvl + 1]

    br = n_pad // _NB

    def body(h_ref, a0_ref, a1_ref, d0_ref, d1_ref, pos_ref, w2_ref, b2_ref,
             g_ref, be_ref, *refs):
        out_refs, stats = refs[:-1], refs[-1]
        p = pl.program_id(0)
        b = pl.program_id(1)

        @pl.when((p == 0) & (b == 0))
        def _():
            stats[...] = jnp.zeros_like(stats)

        agg = a0_ref[...] + a1_ref[...]
        deg = d0_ref[...] + d1_ref[...]
        den = jnp.maximum(deg[:, 0:1], 1.0)
        z = h_ref[...] + agg / den
        out = (
            jnp.dot(z, w2_ref[...], preferred_element_type=jnp.float32)
            + b2_ref[...]
        )
        rid = b * br + lax.broadcasted_iota(jnp.int32, (br, 1), 0)
        msk = rid < n

        @pl.when(p == 0)
        def _():
            om = jnp.where(msk, out, 0.0)
            stats[0:1, :] += jnp.sum(om, axis=0, keepdims=True)

        @pl.when(p == 1)
        def _():
            mu = stats[0:1, :] / n
            dlt = jnp.where(msk, out - mu, 0.0)
            stats[1:2, :] += jnp.sum(dlt * dlt, axis=0, keepdims=True)

        @pl.when(p == 2)
        def _():
            mu = stats[0:1, :] / n
            var = stats[1:2, :] / n
            y = g_ref[...] * (out - mu) / jnp.sqrt(var + 1e-5) + be_ref[...]
            xn = jnp.where(msk, jnp.maximum(y, 0.0), 0.0)
            if last:
                out_refs[0][...] = xn
            else:
                pos = pos_ref[...]
                v0 = jnp.floor(pos[:, 0:1] / vox[0]).astype(jnp.int32)
                v1 = jnp.floor(pos[:, 1:2] / vox[1]).astype(jnp.int32)
                v2 = jnp.floor(pos[:, 2:3] / vox[2]).astype(jnp.int32)
                hh = (v0 * 73856093) ^ (v1 * 19349663) ^ (v2 * 83492791)
                cl = jnp.where(msk, jnp.mod(hh, m),
                               m + jnp.mod(rid, mp_pad - m))
                ones = jnp.ones((br, 16), jnp.float32)
                out_refs[0][...] = jnp.concatenate([xn, pos, ones], axis=1)
                out_refs[1][...] = cl

    rb = lambda w: pl.BlockSpec((br, w), lambda p, b: (b, 0))
    cb = lambda r, w: pl.BlockSpec((r, w), lambda p, b: (0, 0))
    in_specs = [rb(c), rb(c), rb(c), rb(16), rb(16), rb(16),
                cb(c, c), cb(1, c), cb(1, c), cb(1, c)]
    if last:
        out_shape = (jax.ShapeDtypeStruct((n_pad, c), jnp.float32),)
        out_specs = (rb(c),)
    else:
        out_shape = (
            jax.ShapeDtypeStruct((n_pad, c + 32), jnp.float32),
            jax.ShapeDtypeStruct((n_pad, 1), jnp.int32),
        )
        out_specs = (rb(c + 32), rb(1))
    return pl.pallas_call(
        body,
        grid=(3, _NB),
        in_specs=in_specs,
        out_specs=out_specs,
        out_shape=out_shape,
        scratch_shapes=[pltpu.VMEM((8, c), jnp.float32)],
        name=f"tc_b_{lvl}",
    )


_MP = [_make_mp(l) for l in range(5)]
_POOL = [_make_pool(i) for i in range(4)]
_TC_A0 = _make_tc_a0()
_TC_DIVA = [_make_tc_diva(i) for i in range(4)]
_TC_B = [_make_tc_b(l) for l in range(5)]



def _tc_b(lvl, h, agg2, deg2, pos, p):
    return _TC_B[lvl](h, agg2[0], agg2[1], deg2[0], deg2[1], pos,
                      p["W2"], p["b2"].reshape(1, -1),
                      p["gamma"].reshape(1, -1), p["beta"].reshape(1, -1))


def _mp_edges(edges, lvl):
    e = edges.shape[1]
    n, n_pad = _LN[lvl], _NP[lvl]
    ep = NW * _EW[lvl]
    pad = jnp.arange(ep - e, dtype=jnp.int32)
    src = jnp.concatenate([edges[0], pad % n])
    dst = jnp.concatenate([edges[1], n + pad % (n_pad - n)])
    return src, dst


def _run_mp(h, edges, lvl):
    n_pad, c = _NP[lvl], _LC[lvl]
    src, dst = _mp_edges(edges, lvl)
    ones = jnp.ones((_ICHUNK, 16), jnp.float32)
    zc = jnp.zeros((n_pad, c), jnp.float32)
    z16 = jnp.zeros((n_pad, 16), jnp.float32)
    return _MP[lvl](h, src, dst, ones, zc, z16)


def kernel(x, pos, edge_index, params):
    edges = edge_index.astype(jnp.int32)
    n_pad0 = _NP[0]
    x_p = jnp.pad(x, ((0, n_pad0 - _N), (0, 0)))
    pos_p = jnp.pad(pos, ((0, n_pad0 - _N), (0, 13)))

    p = params[0]
    h = _TC_A0(x_p, p["W1"], p["b1"].reshape(1, -1))
    agg2, deg2 = _run_mp(h, edges, 0)
    xcat, cl = _tc_b(0, h, agg2, deg2, pos_p, p)

    for i in range(4):
        ek = _POOL_E[i]
        efp = NW * _EFW[i]
        ef = jnp.concatenate([
            edges[:, :ek].reshape(-1),
            jnp.zeros((efp - 2 * ek,), jnp.int32),
        ])
        zm = jnp.zeros((_NP[i + 1], _LC[i] + 32), jnp.float32)
        sums2, ne = _POOL[i](xcat, cl.reshape(-1), ef, zm)
        edges = ne[:2 * ek].reshape(2, ek)

        p = params[i + 1]
        h, posn = _TC_DIVA[i](sums2[0], sums2[1], p["W1"],
                              p["b1"].reshape(1, -1))
        agg2, deg2 = _run_mp(h, edges, i + 1)
        if i < 3:
            xcat, cl = _tc_b(i + 1, h, agg2, deg2, posn, p)
        else:
            xfin, = _tc_b(4, h, agg2, deg2, posn, p)
    return xfin[:_LN[4]]

# --- scband reference (transcript-rebuilt; emitter-appended) ---
"""Pipeline reference for scband-backbone-29755533427436 (READ-ONLY COPY).

The authoritative reference and input builder live on the scoring server;
editing this copy changes nothing except your own understanding.
"""

import jax, jax.numpy as jnp
import numpy as np

N = 50000
E = 800000
CH = [1, 16, 64, 128, 256, 256]
POOL_M = [12500, 3125, 781, 195]
POOL_E = [200000, 50000, 12500, 3125]
POOL_SIZES = [(5.0, 5.0, 10.0), (2.0, 2.0, 1.0), (2.0, 2.0, 1.0), (1.0, 1.0, 1.0)]


def _init_params(key):
    params = []
    for i in range(5):
        cin, cout = CH[i], CH[i + 1]
        key, k1, k2 = jax.random.split(key, 3)
        params.append({
            "W1": jax.random.normal(k1, (cin, cout), jnp.float32) * np.sqrt(2.0 / cin).astype(np.float32),
            "b1": jnp.zeros((cout,), jnp.float32),
            "W2": jax.random.normal(k2, (cout, cout), jnp.float32) * np.sqrt(2.0 / cout).astype(np.float32),
            "b2": jnp.zeros((cout,), jnp.float32),
            "gamma": jnp.ones((cout,), jnp.float32),
            "beta": jnp.zeros((cout,), jnp.float32),
        })
    return params


def setup_inputs(seed: int = 0) -> dict:
    key = jax.random.key(seed)
    kx, kp, ke, kw = jax.random.split(key, 4)
    x = jax.random.normal(kx, (N, 1), jnp.float32)
    pos = jax.random.uniform(kp, (N, 3), jnp.float32) * 100.0
    edge_index = jax.random.randint(ke, (2, E), 0, N).astype(jnp.int64)
    return {"x": x, "pos": pos, "edge_index": edge_index, "params": _init_params(kw)}


def _block_conv(x, edge_index, p, n):
    # LinearX -> message passing (mean aggregation over incoming edges) -> LinearX -> BatchNorm -> ReLU
    h = x @ p["W1"] + p["b1"]
    src = edge_index[0]
    dst = edge_index[1]
    msg = jnp.take(h, src, axis=0)
    agg = jax.ops.segment_sum(msg, dst, num_segments=n)
    deg = jax.ops.segment_sum(jnp.ones((dst.shape[0],), h.dtype), dst, num_segments=n)
    agg = agg / jnp.maximum(deg, 1.0)[:, None]
    out = (h + agg) @ p["W2"] + p["b2"]
    mu = jnp.mean(out, axis=0)
    var = jnp.var(out, axis=0)
    out = p["gamma"] * (out - mu) / jnp.sqrt(var + 1e-5) + p["beta"]
    return jax.nn.relu(out)


def _graph_pool(x, pos, edge_index, voxel_size, m, e_keep):
    # Voxel-grid pooling: spatial hash of floor(pos/voxel_size) -> fixed number of clusters m.
    v = jnp.floor(pos / jnp.asarray(voxel_size, pos.dtype)).astype(jnp.int32)
    h = (v[:, 0] * 73856093) ^ (v[:, 1] * 19349663) ^ (v[:, 2] * 83492791)
    cluster = jnp.mod(h, m)
    cnt = jax.ops.segment_sum(jnp.ones((x.shape[0],), x.dtype), cluster, num_segments=m)
    denom = jnp.maximum(cnt, 1.0)[:, None]
    xp = jax.ops.segment_sum(x, cluster, num_segments=m) / denom
    pp = jax.ops.segment_sum(pos, cluster, num_segments=m) / denom
    new_edges = jnp.take(cluster, edge_index[:, :e_keep])
    return xp, pp, new_edges


def reference(x, pos, edge_index, params):
    n = x.shape[0]
    x = _block_conv(x, edge_index, params[0], n)
    for i in range(4):
        x, pos, edge_index = _graph_pool(x, pos, edge_index, POOL_SIZES[i], POOL_M[i], POOL_E[i])
        x = _block_conv(x, edge_index, params[i + 1], POOL_M[i])
    return x

if __name__ == "__main__":
    import jax
    _d = setup_inputs()
    print(jax.jit(kernel)(*tuple(_d.values())))

</pallas_src>

<mosaic_0001>
#map = affine_map<(d0, d1) -> (0, 0)>
#map1 = affine_map<(d0, d1) -> (0)>
#map2 = affine_map<(d0, d1) -> (0, 0, 0)>
module attributes {stable_mosaic.version = 14 : i64} {
  func.func @sc_pool_1(%arg0: i32, %arg1: i32, %arg2: memref<12544x96xf32, #tpu.memory_space<hbm>>, %arg3: memref<12544xi32, #tpu.memory_space<hbm>>, %arg4: memref<100352xi32, #tpu.memory_space<hbm>>, %arg5: memref<3328x96xf32, #tpu.memory_space<hbm>>, %arg6: memref<2x3328x96xf32, #tpu.memory_space<hbm>>, %arg7: memref<100352xi32, #tpu.memory_space<hbm>>, %arg8: memref<56xi32, #tpu.memory_space<vmem>>, %arg9: memref<56x96xf32, #tpu.memory_space<vmem>>, %arg10: memref<12544xi32, #tpu.memory_space<vmem>>, %arg11: memref<3136xi32, #tpu.memory_space<vmem>>, %arg12: memref<3136xi32, #tpu.memory_space<vmem>>, %arg13: memref<3328x96xf32, #tpu.memory_space<vmem_shared>>) attributes {dimension_semantics = [#tpu.dimension_semantics<core_parallel>, #tpu.dimension_semantics<subcore_parallel>], iteration_bounds = array<i64: 2, 16>, scalar_prefetch = 0 : i64, scratch_operands = 6 : i64, tpu.core_type = #tpu.core_type<sc_vector_subcore>, window_params = [{transform_indices = #map}, {transform_indices = #map1}, {transform_indices = #map1}, {transform_indices = #map}, {transform_indices = #map2}, {transform_indices = #map1}]} {
    %mul3A = arith.constant 2 : i32
    %mul3A_0 = arith.muli %arg1, %mul3A : i32
    %add3A = arith.addi %mul3A_0, %arg0 : i32
    %mul3A_1 = arith.constant 208 : i32
    %mul3A_2 = arith.muli %arg1, %mul3A_1 : i32
    "tpu.region"() ({
      %run_scoped3A = tpu.sem_alloc : memref<!tpu.dma_semaphore, #tpu.memory_space<semaphore_mem>>
      %dma_start3A = arith.constant 0 : i32
      %dma_start3A_19 = tpu.memref_slice %arg13[%mul3A_2, %dma_start3A] : memref<3328x96xf32, #tpu.memory_space<vmem_shared>> -> memref<208x96xf32, #tpu.memory_space<vmem_shared>>
      %dma_start3A_20 = arith.constant 0 : i32
      %dma_start3A_21 = tpu.memref_slice %arg5[%mul3A_2, %dma_start3A_20] : memref<3328x96xf32, #tpu.memory_space<hbm>> -> memref<208x96xf32, #tpu.memory_space<hbm>>
      tpu.enqueue_dma source(%dma_start3A_21 : memref<208x96xf32, #tpu.memory_space<hbm>>) target(%dma_start3A_19 : memref<208x96xf32, #tpu.memory_space<vmem_shared>>) target_semaphore(%run_scoped3A : memref<!tpu.dma_semaphore, #tpu.memory_space<semaphore_mem>>)
      %dma_wait3A = arith.constant 0 : i32
      %dma_wait3A_22 = tpu.memref_slice %arg13[%mul3A_2, %dma_wait3A] : memref<3328x96xf32, #tpu.memory_space<vmem_shared>> -> memref<208x96xf32, #tpu.memory_space<vmem_shared>>
      %dma_wait3A_23 = arith.constant 0 : i32
      %dma_wait3A_24 = tpu.memref_slice %arg5[%mul3A_2, %dma_wait3A_23] : memref<3328x96xf32, #tpu.memory_space<hbm>> -> memref<208x96xf32, #tpu.memory_space<hbm>>
      tpu.wait_dma2 semaphore(%run_scoped3A : memref<!tpu.dma_semaphore, #tpu.memory_space<semaphore_mem>>) src(%dma_wait3A_24 : memref<208x96xf32, #tpu.memory_space<hbm>>) dst(%dma_wait3A_22 : memref<208x96xf32, #tpu.memory_space<vmem_shared>>)
      tpu.yield
    }) : () -> ()
    %barrier3A = arith.constant 0 : index
    tpu.barrier barrier_id(%barrier3A)
    %mul3A_3 = arith.constant 392 : i32
    %mul3A_4 = arith.muli %add3A, %mul3A_3 : i32
    %scan3A = arith.constant 0 : i32
    %scan3A_5 = arith.constant 7 : i32
    %scan3A_6 = arith.addi %scan3A, %scan3A_5 : i32
    %scan3A_7 = arith.constant 1 : i32
    scf.for %scan3A_19 = %scan3A to %scan3A_6 step %scan3A_7  : i32 {
      %mul3A_20 = arith.constant 1 : i32
      %mul3A_21 = arith.muli %scan3A_19, %mul3A_20 : i32
      %add3A_22 = arith.constant 0 : i32
      %add3A_23 = arith.addi %add3A_22, %mul3A_21 : i32
      %mul3A_24 = arith.constant 56 : i32
      %mul3A_25 = arith.muli %add3A_23, %mul3A_24 : i32
      %add3A_26 = arith.addi %mul3A_4, %mul3A_25 : i32
      %multiple_of3A = tpu.assume_multiple %add3A_26, 56 : i32
      "tpu.region"() ({
        %run_scoped3A = tpu.sem_alloc : memref<!tpu.dma_semaphore, #tpu.memory_space<semaphore_mem>>
        %dma_start3A = tpu.memref_slice %arg3[%multiple_of3A] : memref<12544xi32, #tpu.memory_space<hbm>> -> memref<56xi32, #tpu.memory_space<hbm>>
        %dma_start3A_27 = tpu.memref_slice %arg3[%multiple_of3A] : memref<12544xi32, #tpu.memory_space<hbm>> -> memref<56xi32, #tpu.memory_space<hbm>>
        tpu.enqueue_dma source(%dma_start3A_27 : memref<56xi32, #tpu.memory_space<hbm>>) target(%arg8 : memref<56xi32, #tpu.memory_space<vmem>>) target_semaphore(%run_scoped3A : memref<!tpu.dma_semaphore, #tpu.memory_space<semaphore_mem>>)
        %dma_wait3A = tpu.memref_slice %arg3[%multiple_of3A] : memref<12544xi32, #tpu.memory_space<hbm>> -> memref<56xi32, #tpu.memory_space<hbm>>
        %dma_wait3A_28 = tpu.memref_slice %arg3[%multiple_of3A] : memref<12544xi32, #tpu.memory_space<hbm>> -> memref<56xi32, #tpu.memory_space<hbm>>
        tpu.wait_dma2 semaphore(%run_scoped3A : memref<!tpu.dma_semaphore, #tpu.memory_space<semaphore_mem>>) src(%dma_wait3A_28 : memref<56xi32, #tpu.memory_space<hbm>>) dst(%arg8 : memref<56xi32, #tpu.memory_space<vmem>>)
        tpu.yield
      }) : () -> ()
      "tpu.region"() ({
        %run_scoped3A = tpu.sem_alloc : memref<!tpu.dma_semaphore, #tpu.memory_space<semaphore_mem>>
        %dma_start3A = arith.constant 0 : i32
        %dma_start3A_27 = tpu.memref_slice %arg2[%multiple_of3A, %dma_start3A] : memref<12544x96xf32, #tpu.memory_space<hbm>> -> memref<56x96xf32, #tpu.memory_space<hbm>>
        %dma_start3A_28 = arith.constant 0 : i32
        %dma_start3A_29 = tpu.memref_slice %arg2[%multiple_of3A, %dma_start3A_28] : memref<12544x96xf32, #tpu.memory_space<hbm>> -> memref<56x96xf32, #tpu.memory_space<hbm>>
        tpu.enqueue_dma source(%dma_start3A_29 : memref<56x96xf32, #tpu.memory_space<hbm>>) target(%arg9 : memref<56x96xf32, #tpu.memory_space<vmem>>) target_semaphore(%run_scoped3A : memref<!tpu.dma_semaphore, #tpu.memory_space<semaphore_mem>>)
        %dma_wait3A = arith.constant 0 : i32
        %dma_wait3A_30 = tpu.memref_slice %arg2[%multiple_of3A, %dma_wait3A] : memref<12544x96xf32, #tpu.memory_space<hbm>> -> memref<56x96xf32, #tpu.memory_space<hbm>>
        %dma_wait3A_31 = arith.constant 0 : i32
        %dma_wait3A_32 = tpu.memref_slice %arg2[%multiple_of3A, %dma_wait3A_31] : memref<12544x96xf32, #tpu.memory_space<hbm>> -> memref<56x96xf32, #tpu.memory_space<hbm>>
        tpu.wait_dma2 semaphore(%run_scoped3A : memref<!tpu.dma_semaphore, #tpu.memory_space<semaphore_mem>>) src(%dma_wait3A_32 : memref<56x96xf32, #tpu.memory_space<hbm>>) dst(%arg9 : memref<56x96xf32, #tpu.memory_space<vmem>>)
        tpu.yield
      }) : () -> ()
      "tpu.region"() ({
        %run_scoped3A = tpu.sem_alloc : memref<!tpu.dma_semaphore, #tpu.memory_space<semaphore_mem>>
        %dma_start3A = arith.constant 0 : i32
        %dma_start3A_27 = arith.constant 0 : i32
        %dma_start3A_28 = tpu.memref_slice %arg13[%dma_start3A, %dma_start3A_27] : memref<3328x96xf32, #tpu.memory_space<vmem_shared>> -> memref<3328x96xf32, #tpu.memory_space<vmem_shared>>
        tpu.enqueue_indirect_dma source(%arg9 : memref<56x96xf32, #tpu.memory_space<vmem>>) target(%dma_start3A_28 : memref<3328x96xf32, #tpu.memory_space<vmem_shared>>) offsets(%arg8 : memref<56xi32, #tpu.memory_space<vmem>>) semaphore(%run_scoped3A : memref<!tpu.dma_semaphore, #tpu.memory_space<semaphore_mem>>) {add = true}
        %dma_wait3A = arith.constant 0 : i32
        %dma_wait3A_29 = arith.constant 0 : i32
        %dma_wait3A_30 = tpu.memref_slice %arg13[%dma_wait3A, %dma_wait3A_29] : memref<3328x96xf32, #tpu.memory_space<vmem_shared>> -> memref<3328x96xf32, #tpu.memory_space<vmem_shared>>
        tpu.wait_indirect_dma semaphore(%run_scoped3A : memref<!tpu.dma_semaphore, #tpu.memory_space<semaphore_mem>>) src(%arg9 : memref<56x96xf32, #tpu.memory_space<vmem>>) dst(%dma_wait3A_30 : memref<3328x96xf32, #tpu.memory_space<vmem_shared>>)
        tpu.yield
      }) : () -> ()
    }
    %scan3A_8 = arith.constant 7 : i32
    "tpu.region"() ({
      %run_scoped3A = tpu.sem_alloc : memref<!tpu.dma_semaphore, #tpu.memory_space<semaphore_mem>>
      tpu.enqueue_dma source(%arg3 : memref<12544xi32, #tpu.memory_space<hbm>>) target(%arg10 : memref<12544xi32, #tpu.memory_space<vmem>>) target_semaphore(%run_scoped3A : memref<!tpu.dma_semaphore, #tpu.memory_space<semaphore_mem>>)
      tpu.wait_dma2 semaphore(%run_scoped3A : memref<!tpu.dma_semaphore, #tpu.memory_space<semaphore_mem>>) src(%arg3 : memref<12544xi32, #tpu.memory_space<hbm>>) dst(%arg10 : memref<12544xi32, #tpu.memory_space<vmem>>)
      tpu.yield
    }) : () -> ()
    %mul3A_9 = arith.constant 3136 : i32
    %mul3A_10 = arith.muli %add3A, %mul3A_9 : i32
    "tpu.region"() ({
      %run_scoped3A = tpu.sem_alloc : memref<!tpu.dma_semaphore, #tpu.memory_space<semaphore_mem>>
      %dma_start3A = tpu.memref_slice %arg4[%mul3A_10] : memref<100352xi32, #tpu.memory_space<hbm>> -> memref<3136xi32, #tpu.memory_space<hbm>>
      %dma_start3A_19 = tpu.memref_slice %arg4[%mul3A_10] : memref<100352xi32, #tpu.memory_space<hbm>> -> memref<3136xi32, #tpu.memory_space<hbm>>
      tpu.enqueue_dma source(%dma_start3A_19 : memref<3136xi32, #tpu.memory_space<hbm>>) target(%arg11 : memref<3136xi32, #tpu.memory_space<vmem>>) target_semaphore(%run_scoped3A : memref<!tpu.dma_semaphore, #tpu.memory_space<semaphore_mem>>)
      %dma_wait3A = tpu.memref_slice %arg4[%mul3A_10] : memref<100352xi32, #tpu.memory_space<hbm>> -> memref<3136xi32, #tpu.memory_space<hbm>>
      %dma_wait3A_20 = tpu.memref_slice %arg4[%mul3A_10] : memref<100352xi32, #tpu.memory_space<hbm>> -> memref<3136xi32, #tpu.memory_space<hbm>>
      tpu.wait_dma2 semaphore(%run_scoped3A : memref<!tpu.dma_semaphore, #tpu.memory_space<semaphore_mem>>) src(%dma_wait3A_20 : memref<3136xi32, #tpu.memory_space<hbm>>) dst(%arg11 : memref<3136xi32, #tpu.memory_space<vmem>>)
      tpu.yield
    }) : () -> ()
    %scan3A_11 = arith.constant 0 : i32
    %scan3A_12 = arith.constant 196 : i32
    %scan3A_13 = arith.addi %scan3A_11, %scan3A_12 : i32
    %scan3A_14 = arith.constant 1 : i32
    scf.for %scan3A_19 = %scan3A_11 to %scan3A_13 step %scan3A_14  : i32 {
      %mul3A_20 = arith.constant 1 : i32
      %mul3A_21 = arith.muli %scan3A_19, %mul3A_20 : i32
      %add3A_22 = arith.constant 0 : i32
      %add3A_23 = arith.addi %add3A_22, %mul3A_21 : i32
      %mul3A_24 = arith.constant 16 : i32
      %mul3A_25 = arith.muli %add3A_23, %mul3A_24 : i32
      %get3A = arith.index_cast %mul3A_25 : i32 to index
      %get3A_26 = tpu.vector_load %arg11[%get3A] {strides = array<i32>} : memref<3136xi32, #tpu.memory_space<vmem>>, vector<16xi32>,
      %gather3A = tpu.vector_load_idx %arg10[%get3A_26] : memref<12544xi32, #tpu.memory_space<vmem>>[vector<16xi32>], vector<16xi32>,
      %mul3A_27 = arith.constant 16 : i32
      %mul3A_28 = arith.muli %add3A_23, %mul3A_27 : i32
      %swap3A = arith.index_cast %mul3A_28 : i32 to index
      %swap3A_29 = tpu.vector_load %arg12[%swap3A] {strides = array<i32>} : memref<3136xi32, #tpu.memory_space<vmem>>, vector<16xi32>,
      tpu.vector_store %arg12[%swap3A], %gather3A {strides = array<i32>} : memref<3136xi32, #tpu.memory_space<vmem>>, vector<16xi32>,
    }
    %scan3A_15 = arith.constant 196 : i32
    %mul3A_16 = arith.constant 3136 : i32
    %mul3A_17 = arith.muli %add3A, %mul3A_16 : i32
    "tpu.region"() ({
      %run_scoped3A = tpu.sem_alloc : memref<!tpu.dma_semaphore, #tpu.memory_space<semaphore_mem>>
      %dma_start3A = tpu.memref_slice %arg7[%mul3A_17] : memref<100352xi32, #tpu.memory_space<hbm>> -> memref<3136xi32, #tpu.memory_space<hbm>>
      %dma_start3A_19 = tpu.memref_slice %arg7[%mul3A_17] : memref<100352xi32, #tpu.memory_space<hbm>> -> memref<3136xi32, #tpu.memory_space<hbm>>
      tpu.enqueue_dma source(%arg12 : memref<3136xi32, #tpu.memory_space<vmem>>) target(%dma_start3A_19 : memref<3136xi32, #tpu.memory_space<hbm>>) target_semaphore(%run_scoped3A : memref<!tpu.dma_semaphore, #tpu.memory_space<semaphore_mem>>)
      %dma_wait3A = tpu.memref_slice %arg7[%mul3A_17] : memref<100352xi32, #tpu.memory_space<hbm>> -> memref<3136xi32, #tpu.memory_space<hbm>>
      %dma_wait3A_20 = tpu.memref_slice %arg7[%mul3A_17] : memref<100352xi32, #tpu.memory_space<hbm>> -> memref<3136xi32, #tpu.memory_space<hbm>>
      tpu.wait_dma2 semaphore(%run_scoped3A : memref<!tpu.dma_semaphore, #tpu.memory_space<semaphore_mem>>) src(%arg12 : memref<3136xi32, #tpu.memory_space<vmem>>) dst(%dma_wait3A_20 : memref<3136xi32, #tpu.memory_space<hbm>>)
      tpu.yield
    }) : () -> ()
    %barrier3A_18 = arith.constant 0 : index
    tpu.barrier barrier_id(%barrier3A_18)
    "tpu.region"() ({
      %run_scoped3A = tpu.sem_alloc : memref<!tpu.dma_semaphore, #tpu.memory_space<semaphore_mem>>
      %dma_start3A = arith.constant 0 : i32
      %dma_start3A_19 = tpu.memref_slice %arg6[%arg0, %mul3A_2, %dma_start3A] : memref<2x3328x96xf32, #tpu.memory_space<hbm>> -> memref<1x208x96xf32, #tpu.memory_space<hbm>>
      %dma_start3A_20 = tpu.memref_squeeze %dma_start3A_19 : memref<1x208x96xf32, #tpu.memory_space<hbm>> -> memref<208x96xf32, #tpu.memory_space<hbm>>
      %dma_start3A_21 = arith.constant 0 : i32
      %dma_start3A_22 = tpu.memref_slice %arg13[%mul3A_2, %dma_start3A_21] : memref<3328x96xf32, #tpu.memory_space<vmem_shared>> -> memref<208x96xf32, #tpu.memory_space<vmem_shared>>
      tpu.enqueue_dma source(%dma_start3A_22 : memref<208x96xf32, #tpu.memory_space<vmem_shared>>) target(%dma_start3A_20 : memref<208x96xf32, #tpu.memory_space<hbm>>) target_semaphore(%run_scoped3A : memref<!tpu.dma_semaphore, #tpu.memory_space<semaphore_mem>>)
      %dma_wait3A = arith.constant 0 : i32
      %dma_wait3A_23 = tpu.memref_slice %arg6[%arg0, %mul3A_2, %dma_wait3A] : memref<2x3328x96xf32, #tpu.memory_space<hbm>> -> memref<1x208x96xf32, #tpu.memory_space<hbm>>
      %dma_wait3A_24 = tpu.memref_squeeze %dma_wait3A_23 : memref<1x208x96xf32, #tpu.memory_space<hbm>> -> memref<208x96xf32, #tpu.memory_space<hbm>>
      %dma_wait3A_25 = arith.constant 0 : i32
      %dma_wait3A_26 = tpu.memref_slice %arg13[%mul3A_2, %dma_wait3A_25] : memref<3328x96xf32, #tpu.memory_space<vmem_shared>> -> memref<208x96xf32, #tpu.memory_space<vmem_shared>>
      tpu.wait_dma2 semaphore(%run_scoped3A : memref<!tpu.dma_semaphore, #tpu.memory_space<semaphore_mem>>) src(%dma_wait3A_26 : memref<208x96xf32, #tpu.memory_space<vmem_shared>>) dst(%dma_wait3A_24 : memref<208x96xf32, #tpu.memory_space<hbm>>)
      tpu.yield
    }) : () -> ()
    return
  }
}

#map = affine_map<(d0, d1) -> (0, 0)>
#map1 = affine_map<(d0, d1) -> (0)>
#map2 = affine_map<(d0, d1) -> (0, 0, 0)>
module attributes {stable_mosaic.version = 14 : i64} {
  func.func @sc_pool_0(%arg0: i32, %arg1: i32, %arg2: memref<50176x48xf32, #tpu.memory_space<hbm>>, %arg3: memref<50176xi32, #tpu.memory_space<hbm>>, %arg4: memref<400384xi32, #tpu.memory_space<hbm>>, %arg5: memref<12544x48xf32, #tpu.memory_space<hbm>>, %arg6: memref<2x12544x48xf32, #tpu.memory_space<hbm>>, %arg7: memref<400384xi32, #tpu.memory_space<hbm>>, %arg8: memref<112xi32, #tpu.memory_space<vmem>>, %arg9: memref<112x48xf32, #tpu.memory_space<vmem>>, %arg10: memref<50176xi32, #tpu.memory_space<vmem>>, %arg11: memref<12512xi32, #tpu.memory_space<vmem>>, %arg12: memref<12512xi32, #tpu.memory_space<vmem>>, %arg13: memref<12544x48xf32, #tpu.memory_space<vmem_shared>>) attributes {dimension_semantics = [#tpu.dimension_semantics<core_parallel>, #tpu.dimension_semantics<subcore_parallel>], iteration_bounds = array<i64: 2, 16>, scalar_prefetch = 0 : i64, scratch_operands = 6 : i64, tpu.core_type = #tpu.core_type<sc_vector_subcore>, window_params = [{transform_indices = #map}, {transform_indices = #map1}, {transform_indices = #map1}, {transform_indices = #map}, {transform_indices = #map2}, {transform_indices = #map1}]} {
    %mul3A = arith.constant 2 : i32
    %mul3A_0 = arith.muli %arg1, %mul3A : i32
    %add3A = arith.addi %mul3A_0, %arg0 : i32
    %mul3A_1 = arith.constant 784 : i32
    %mul3A_2 = arith.muli %arg1, %mul3A_1 : i32
    "tpu.region"() ({
      %run_scoped3A = tpu.sem_alloc : memref<!tpu.dma_semaphore, #tpu.memory_space<semaphore_mem>>
      %dma_start3A = arith.constant 0 : i32
      %dma_start3A_19 = tpu.memref_slice %arg13[%mul3A_2, %dma_start3A] : memref<12544x48xf32, #tpu.memory_space<vmem_shared>> -> memref<784x48xf32, #tpu.memory_space<vmem_shared>>
      %dma_start3A_20 = arith.constant 0 : i32
      %dma_start3A_21 = tpu.memref_slice %arg5[%mul3A_2, %dma_start3A_20] : memref<12544x48xf32, #tpu.memory_space<hbm>> -> memref<784x48xf32, #tpu.memory_space<hbm>>
      tpu.enqueue_dma source(%dma_start3A_21 : memref<784x48xf32, #tpu.memory_space<hbm>>) target(%dma_start3A_19 : memref<784x48xf32, #tpu.memory_space<vmem_shared>>) target_semaphore(%run_scoped3A : memref<!tpu.dma_semaphore, #tpu.memory_space<semaphore_mem>>)
      %dma_wait3A = arith.constant 0 : i32
      %dma_wait3A_22 = tpu.memref_slice %arg13[%mul3A_2, %dma_wait3A] : memref<12544x48xf32, #tpu.memory_space<vmem_shared>> -> memref<784x48xf32, #tpu.memory_space<vmem_shared>>
      %dma_wait3A_23 = arith.constant 0 : i32
      %dma_wait3A_24 = tpu.memref_slice %arg5[%mul3A_2, %dma_wait3A_23] : memref<12544x48xf32, #tpu.memory_space<hbm>> -> memref<784x48xf32, #tpu.memory_space<hbm>>
      tpu.wait_dma2 semaphore(%run_scoped3A : memref<!tpu.dma_semaphore, #tpu.memory_space<semaphore_mem>>) src(%dma_wait3A_24 : memref<784x48xf32, #tpu.memory_space<hbm>>) dst(%dma_wait3A_22 : memref<784x48xf32, #tpu.memory_space<vmem_shared>>)
      tpu.yield
    }) : () -> ()
    %barrier3A = arith.constant 0 : index
    tpu.barrier barrier_id(%barrier3A)
    %mul3A_3 = arith.constant 1568 : i32
    %mul3A_4 = arith.muli %add3A, %mul3A_3 : i32
    %scan3A = arith.constant 0 : i32
    %scan3A_5 = arith.constant 14 : i32
    %scan3A_6 = arith.addi %scan3A, %scan3A_5 : i32
    %scan3A_7 = arith.constant 1 : i32
    scf.for %scan3A_19 = %scan3A to %scan3A_6 step %scan3A_7  : i32 {
      %mul3A_20 = arith.constant 1 : i32
      %mul3A_21 = arith.muli %scan3A_19, %mul3A_20 : i32
      %add3A_22 = arith.constant 0 : i32
      %add3A_23 = arith.addi %add3A_22, %mul3A_21 : i32
      %mul3A_24 = arith.constant 112 : i32
      %mul3A_25 = arith.muli %add3A_23, %mul3A_24 : i32
      %add3A_26 = arith.addi %mul3A_4, %mul3A_25 : i32
      %multiple_of3A = tpu.assume_multiple %add3A_26, 112 : i32
      "tpu.region"() ({
        %run_scoped3A = tpu.sem_alloc : memref<!tpu.dma_semaphore, #tpu.memory_space<semaphore_mem>>
        %dma_start3A = tpu.memref_slice %arg3[%multiple_of3A] : memref<50176xi32, #tpu.memory_space<hbm>> -> memref<112xi32, #tpu.memory_space<hbm>>
        %dma_start3A_27 = tpu.memref_slice %arg3[%multiple_of3A] : memref<50176xi32, #tpu.memory_space<hbm>> -> memref<112xi32, #tpu.memory_space<hbm>>
        tpu.enqueue_dma source(%dma_start3A_27 : memref<112xi32, #tpu.memory_space<hbm>>) target(%arg8 : memref<112xi32, #tpu.memory_space<vmem>>) target_semaphore(%run_scoped3A : memref<!tpu.dma_semaphore, #tpu.memory_space<semaphore_mem>>)
        %dma_wait3A = tpu.memref_slice %arg3[%multiple_of3A] : memref<50176xi32, #tpu.memory_space<hbm>> -> memref<112xi32, #tpu.memory_space<hbm>>
        %dma_wait3A_28 = tpu.memref_slice %arg3[%multiple_of3A] : memref<50176xi32, #tpu.memory_space<hbm>> -> memref<112xi32, #tpu.memory_space<hbm>>
        tpu.wait_dma2 semaphore(%run_scoped3A : memref<!tpu.dma_semaphore, #tpu.memory_space<semaphore_mem>>) src(%dma_wait3A_28 : memref<112xi32, #tpu.memory_space<hbm>>) dst(%arg8 : memref<112xi32, #tpu.memory_space<vmem>>)
        tpu.yield
      }) : () -> ()
      "tpu.region"() ({
        %run_scoped3A = tpu.sem_alloc : memref<!tpu.dma_semaphore, #tpu.memory_space<semaphore_mem>>
        %dma_start3A = arith.constant 0 : i32
        %dma_start3A_27 = tpu.memref_slice %arg2[%multiple_of3A, %dma_start3A] : memref<50176x48xf32, #tpu.memory_space<hbm>> -> memref<112x48xf32, #tpu.memory_space<hbm>>
        %dma_start3A_28 = arith.constant 0 : i32
        %dma_start3A_29 = tpu.memref_slice %arg2[%multiple_of3A, %dma_start3A_28] : memref<50176x48xf32, #tpu.memory_space<hbm>> -> memref<112x48xf32, #tpu.memory_space<hbm>>
        tpu.enqueue_dma source(%dma_start3A_29 : memref<112x48xf32, #tpu.memory_space<hbm>>) target(%arg9 : memref<112x48xf32, #tpu.memory_space<vmem>>) target_semaphore(%run_scoped3A : memref<!tpu.dma_semaphore, #tpu.memory_space<semaphore_mem>>)
        %dma_wait3A = arith.constant 0 : i32
        %dma_wait3A_30 = tpu.memref_slice %arg2[%multiple_of3A, %dma_wait3A] : memref<50176x48xf32, #tpu.memory_space<hbm>> -> memref<112x48xf32, #tpu.memory_space<hbm>>
        %dma_wait3A_31 = arith.constant 0 : i32
        %dma_wait3A_32 = tpu.memref_slice %arg2[%multiple_of3A, %dma_wait3A_31] : memref<50176x48xf32, #tpu.memory_space<hbm>> -> memref<112x48xf32, #tpu.memory_space<hbm>>
        tpu.wait_dma2 semaphore(%run_scoped3A : memref<!tpu.dma_semaphore, #tpu.memory_space<semaphore_mem>>) src(%dma_wait3A_32 : memref<112x48xf32, #tpu.memory_space<hbm>>) dst(%arg9 : memref<112x48xf32, #tpu.memory_space<vmem>>)
        tpu.yield
      }) : () -> ()
      "tpu.region"() ({
        %run_scoped3A = tpu.sem_alloc : memref<!tpu.dma_semaphore, #tpu.memory_space<semaphore_mem>>
        %dma_start3A = arith.constant 0 : i32
        %dma_start3A_27 = arith.constant 0 : i32
        %dma_start3A_28 = tpu.memref_slice %arg13[%dma_start3A, %dma_start3A_27] : memref<12544x48xf32, #tpu.memory_space<vmem_shared>> -> memref<12544x48xf32, #tpu.memory_space<vmem_shared>>
        tpu.enqueue_indirect_dma source(%arg9 : memref<112x48xf32, #tpu.memory_space<vmem>>) target(%dma_start3A_28 : memref<12544x48xf32, #tpu.memory_space<vmem_shared>>) offsets(%arg8 : memref<112xi32, #tpu.memory_space<vmem>>) semaphore(%run_scoped3A : memref<!tpu.dma_semaphore, #tpu.memory_space<semaphore_mem>>) {add = true}
        %dma_wait3A = arith.constant 0 : i32
        %dma_wait3A_29 = arith.constant 0 : i32
        %dma_wait3A_30 = tpu.memref_slice %arg13[%dma_wait3A, %dma_wait3A_29] : memref<12544x48xf32, #tpu.memory_space<vmem_shared>> -> memref<12544x48xf32, #tpu.memory_space<vmem_shared>>
        tpu.wait_indirect_dma semaphore(%run_scoped3A : memref<!tpu.dma_semaphore, #tpu.memory_space<semaphore_mem>>) src(%arg9 : memref<112x48xf32, #tpu.memory_space<vmem>>) dst(%dma_wait3A_30 : memref<12544x48xf32, #tpu.memory_space<vmem_shared>>)
        tpu.yield
      }) : () -> ()
    }
    %scan3A_8 = arith.constant 14 : i32
    "tpu.region"() ({
      %run_scoped3A = tpu.sem_alloc : memref<!tpu.dma_semaphore, #tpu.memory_space<semaphore_mem>>
      tpu.enqueue_dma source(%arg3 : memref<50176xi32, #tpu.memory_space<hbm>>) target(%arg10 : memref<50176xi32, #tpu.memory_space<vmem>>) target_semaphore(%run_scoped3A : memref<!tpu.dma_semaphore, #tpu.memory_space<semaphore_mem>>)
      tpu.wait_dma2 semaphore(%run_scoped3A : memref<!tpu.dma_semaphore, #tpu.memory_space<semaphore_mem>>) src(%arg3 : memref<50176xi32, #tpu.memory_space<hbm>>) dst(%arg10 : memref<50176xi32, #tpu.memory_space<vmem>>)
      tpu.yield
    }) : () -> ()
    %mul3A_9 = arith.constant 12512 : i32
    %mul3A_10 = arith.muli %add3A, %mul3A_9 : i32
    "tpu.region"() ({
      %run_scoped3A = tpu.sem_alloc : memref<!tpu.dma_semaphore, #tpu.memory_space<semaphore_mem>>
      %dma_start3A = tpu.memref_slice %arg4[%mul3A_10] : memref<400384xi32, #tpu.memory_space<hbm>> -> memref<12512xi32, #tpu.memory_space<hbm>>
      %dma_start3A_19 = tpu.memref_slice %arg4[%mul3A_10] : memref<400384xi32, #tpu.memory_space<hbm>> -> memref<12512xi32, #tpu.memory_space<hbm>>
      tpu.enqueue_dma source(%dma_start3A_19 : memref<12512xi32, #tpu.memory_space<hbm>>) target(%arg11 : memref<12512xi32, #tpu.memory_space<vmem>>) target_semaphore(%run_scoped3A : memref<!tpu.dma_semaphore, #tpu.memory_space<semaphore_mem>>)
      %dma_wait3A = tpu.memref_slice %arg4[%mul3A_10] : memref<400384xi32, #tpu.memory_space<hbm>> -> memref<12512xi32, #tpu.memory_space<hbm>>
      %dma_wait3A_20 = tpu.memref_slice %arg4[%mul3A_10] : memref<400384xi32, #tpu.memory_space<hbm>> -> memref<12512xi32, #tpu.memory_space<hbm>>
      tpu.wait_dma2 semaphore(%run_scoped3A : memref<!tpu.dma_semaphore, #tpu.memory_space<semaphore_mem>>) src(%dma_wait3A_20 : memref<12512xi32, #tpu.memory_space<hbm>>) dst(%arg11 : memref<12512xi32, #tpu.memory_space<vmem>>)
      tpu.yield
    }) : () -> ()
    %scan3A_11 = arith.constant 0 : i32
    %scan3A_12 = arith.constant 782 : i32
    %scan3A_13 = arith.addi %scan3A_11, %scan3A_12 : i32
    %scan3A_14 = arith.constant 1 : i32
    scf.for %scan3A_19 = %scan3A_11 to %scan3A_13 step %scan3A_14  : i32 {
      %mul3A_20 = arith.constant 1 : i32
      %mul3A_21 = arith.muli %scan3A_19, %mul3A_20 : i32
      %add3A_22 = arith.constant 0 : i32
      %add3A_23 = arith.addi %add3A_22, %mul3A_21 : i32
      %mul3A_24 = arith.constant 16 : i32
      %mul3A_25 = arith.muli %add3A_23, %mul3A_24 : i32
      %get3A = arith.index_cast %mul3A_25 : i32 to index
      %get3A_26 = tpu.vector_load %arg11[%get3A] {strides = array<i32>} : memref<12512xi32, #tpu.memory_space<vmem>>, vector<16xi32>,
      %gather3A = tpu.vector_load_idx %arg10[%get3A_26] : memref<50176xi32, #tpu.memory_space<vmem>>[vector<16xi32>], vector<16xi32>,
      %mul3A_27 = arith.constant 16 : i32
      %mul3A_28 = arith.muli %add3A_23, %mul3A_27 : i32
      %swap3A = arith.index_cast %mul3A_28 : i32 to index
      %swap3A_29 = tpu.vector_load %arg12[%swap3A] {strides = array<i32>} : memref<12512xi32, #tpu.memory_space<vmem>>, vector<16xi32>,
      tpu.vector_store %arg12[%swap3A], %gather3A {strides = array<i32>} : memref<12512xi32, #tpu.memory_space<vmem>>, vector<16xi32>,
    }
    %scan3A_15 = arith.constant 782 : i32
    %mul3A_16 = arith.constant 12512 : i32
    %mul3A_17 = arith.muli %add3A, %mul3A_16 : i32
    "tpu.region"() ({
      %run_scoped3A = tpu.sem_alloc : memref<!tpu.dma_semaphore, #tpu.memory_space<semaphore_mem>>
      %dma_start3A = tpu.memref_slice %arg7[%mul3A_17] : memref<400384xi32, #tpu.memory_space<hbm>> -> memref<12512xi32, #tpu.memory_space<hbm>>
      %dma_start3A_19 = tpu.memref_slice %arg7[%mul3A_17] : memref<400384xi32, #tpu.memory_space<hbm>> -> memref<12512xi32, #tpu.memory_space<hbm>>
      tpu.enqueue_dma source(%arg12 : memref<12512xi32, #tpu.memory_space<vmem>>) target(%dma_start3A_19 : memref<12512xi32, #tpu.memory_space<hbm>>) target_semaphore(%run_scoped3A : memref<!tpu.dma_semaphore, #tpu.memory_space<semaphore_mem>>)
      %dma_wait3A = tpu.memref_slice %arg7[%mul3A_17] : memref<400384xi32, #tpu.memory_space<hbm>> -> memref<12512xi32, #tpu.memory_space<hbm>>
      %dma_wait3A_20 = tpu.memref_slice %arg7[%mul3A_17] : memref<400384xi32, #tpu.memory_space<hbm>> -> memref<12512xi32, #tpu.memory_space<hbm>>
      tpu.wait_dma2 semaphore(%run_scoped3A : memref<!tpu.dma_semaphore, #tpu.memory_space<semaphore_mem>>) src(%arg12 : memref<12512xi32, #tpu.memory_space<vmem>>) dst(%dma_wait3A_20 : memref<12512xi32, #tpu.memory_space<hbm>>)
      tpu.yield
    }) : () -> ()
    %barrier3A_18 = arith.constant 0 : index
    tpu.barrier barrier_id(%barrier3A_18)
    "tpu.region"() ({
      %run_scoped3A = tpu.sem_alloc : memref<!tpu.dma_semaphore, #tpu.memory_space<semaphore_mem>>
      %dma_start3A = arith.constant 0 : i32
      %dma_start3A_19 = tpu.memref_slice %arg6[%arg0, %mul3A_2, %dma_start3A] : memref<2x12544x48xf32, #tpu.memory_space<hbm>> -> memref<1x784x48xf32, #tpu.memory_space<hbm>>
      %dma_start3A_20 = tpu.memref_squeeze %dma_start3A_19 : memref<1x784x48xf32, #tpu.memory_space<hbm>> -> memref<784x48xf32, #tpu.memory_space<hbm>>
      %dma_start3A_21 = arith.constant 0 : i32
      %dma_start3A_22 = tpu.memref_slice %arg13[%mul3A_2, %dma_start3A_21] : memref<12544x48xf32, #tpu.memory_space<vmem_shared>> -> memref<784x48xf32, #tpu.memory_space<vmem_shared>>
      tpu.enqueue_dma source(%dma_start3A_22 : memref<784x48xf32, #tpu.memory_space<vmem_shared>>) target(%dma_start3A_20 : memref<784x48xf32, #tpu.memory_space<hbm>>) target_semaphore(%run_scoped3A : memref<!tpu.dma_semaphore, #tpu.memory_space<semaphore_mem>>)
      %dma_wait3A = arith.constant 0 : i32
      %dma_wait3A_23 = tpu.memref_slice %arg6[%arg0, %mul3A_2, %dma_wait3A] : memref<2x12544x48xf32, #tpu.memory_space<hbm>> -> memref<1x784x48xf32, #tpu.memory_space<hbm>>
      %dma_wait3A_24 = tpu.memref_squeeze %dma_wait3A_23 : memref<1x784x48xf32, #tpu.memory_space<hbm>> -> memref<784x48xf32, #tpu.memory_space<hbm>>
      %dma_wait3A_25 = arith.constant 0 : i32
      %dma_wait3A_26 = tpu.memref_slice %arg13[%mul3A_2, %dma_wait3A_25] : memref<12544x48xf32, #tpu.memory_space<vmem_shared>> -> memref<784x48xf32, #tpu.memory_space<vmem_shared>>
      tpu.wait_dma2 semaphore(%run_scoped3A : memref<!tpu.dma_semaphore, #tpu.memory_space<semaphore_mem>>) src(%dma_wait3A_26 : memref<784x48xf32, #tpu.memory_space<vmem_shared>>) dst(%dma_wait3A_24 : memref<784x48xf32, #tpu.memory_space<hbm>>)
      tpu.yield
    }) : () -> ()
    return
  }
}

#map = affine_map<(d0, d1) -> (0, 0)>
#map1 = affine_map<(d0, d1) -> (0)>
#map2 = affine_map<(d0, d1) -> (0, 0, 0)>
module attributes {stable_mosaic.version = 14 : i64} {
  func.func @sc_mp_l0(%arg0: i32, %arg1: i32, %arg2: memref<50176x16xf32, #tpu.memory_space<hbm>>, %arg3: memref<802816xi32, #tpu.memory_space<hbm>>, %arg4: memref<802816xi32, #tpu.memory_space<hbm>>, %arg5: memref<128x16xf32, #tpu.memory_space<hbm>>, %arg6: memref<50176x16xf32, #tpu.memory_space<hbm>>, %arg7: memref<50176x16xf32, #tpu.memory_space<hbm>>, %arg8: memref<2x50176x16xf32, #tpu.memory_space<hbm>>, %arg9: memref<2x50176x16xf32, #tpu.memory_space<hbm>>, %arg10: memref<128xi32, #tpu.memory_space<vmem>>, %arg11: memref<128xi32, #tpu.memory_space<vmem>>, %arg12: memref<128x16xf32, #tpu.memory_space<vmem>>, %arg13: memref<128x16xf32, #tpu.memory_space<vmem>>, %arg14: memref<50176x16xf32, #tpu.memory_space<vmem_shared>>, %arg15: memref<50176x16xf32, #tpu.memory_space<vmem_shared>>, %arg16: memref<!tpu.dma_semaphore, #tpu.memory_space<semaphore_mem>>) attributes {dimension_semantics = [#tpu.dimension_semantics<core_parallel>, #tpu.dimension_semantics<subcore_parallel>], iteration_bounds = array<i64: 2, 16>, scalar_prefetch = 0 : i64, scratch_operands = 7 : i64, tpu.core_type = #tpu.core_type<sc_vector_subcore>, window_params = [{transform_indices = #map}, {transform_indices = #map1}, {transform_indices = #map1}, {transform_indices = #map}, {transform_indices = #map}, {transform_indices = #map}, {transform_indices = #map2}, {transform_indices = #map2}]} {
    %mul3A = arith.constant 2 : i32
    %mul3A_0 = arith.muli %arg1, %mul3A : i32
    %add3A = arith.addi %mul3A_0, %arg0 : i32
    %mul3A_1 = arith.constant 3136 : i32
    %mul3A_2 = arith.muli %arg1, %mul3A_1 : i32
    "tpu.region"() ({
      %run_scoped3A = tpu.sem_alloc : memref<!tpu.dma_semaphore, #tpu.memory_space<semaphore_mem>>
      %dma_start3A = arith.constant 0 : i32
      %dma_start3A_10 = tpu.memref_slice %arg14[%mul3A_2, %dma_start3A] : memref<50176x16xf32, #tpu.memory_space<vmem_shared>> -> memref<3136x16xf32, #tpu.memory_space<vmem_shared>>
      %dma_start3A_11 = arith.constant 0 : i32
      %dma_start3A_12 = tpu.memref_slice %arg6[%mul3A_2, %dma_start3A_11] : memref<50176x16xf32, #tpu.memory_space<hbm>> -> memref<3136x16xf32, #tpu.memory_space<hbm>>
      tpu.enqueue_dma source(%dma_start3A_12 : memref<3136x16xf32, #tpu.memory_space<hbm>>) target(%dma_start3A_10 : memref<3136x16xf32, #tpu.memory_space<vmem_shared>>) target_semaphore(%run_scoped3A : memref<!tpu.dma_semaphore, #tpu.memory_space<semaphore_mem>>)
      %dma_wait3A = arith.constant 0 : i32
      %dma_wait3A_13 = tpu.memref_slice %arg14[%mul3A_2, %dma_wait3A] : memref<50176x16xf32, #tpu.memory_space<vmem_shared>> -> memref<3136x16xf32, #tpu.memory_space<vmem_shared>>
      %dma_wait3A_14 = arith.constant 0 : i32
      %dma_wait3A_15 = tpu.memref_slice %arg6[%mul3A_2, %dma_wait3A_14] : memref<50176x16xf32, #tpu.memory_space<hbm>> -> memref<3136x16xf32, #tpu.memory_space<hbm>>
      tpu.wait_dma2 semaphore(%run_scoped3A : memref<!tpu.dma_semaphore, #tpu.memory_space<semaphore_mem>>) src(%dma_wait3A_15 : memref<3136x16xf32, #tpu.memory_space<hbm>>) dst(%dma_wait3A_13 : memref<3136x16xf32, #tpu.memory_space<vmem_shared>>)
      tpu.yield
    }) : () -> ()
    "tpu.region"() ({
      %run_scoped3A = tpu.sem_alloc : memref<!tpu.dma_semaphore, #tpu.memory_space<semaphore_mem>>
      %dma_start3A = arith.constant 0 : i32
      %dma_start3A_10 = tpu.memref_slice %arg15[%mul3A_2, %dma_start3A] : memref<50176x16xf32, #tpu.memory_space<vmem_shared>> -> memref<3136x16xf32, #tpu.memory_space<vmem_shared>>
      %dma_start3A_11 = arith.constant 0 : i32
      %dma_start3A_12 = tpu.memref_slice %arg7[%mul3A_2, %dma_start3A_11] : memref<50176x16xf32, #tpu.memory_space<hbm>> -> memref<3136x16xf32, #tpu.memory_space<hbm>>
      tpu.enqueue_dma source(%dma_start3A_12 : memref<3136x16xf32, #tpu.memory_space<hbm>>) target(%dma_start3A_10 : memref<3136x16xf32, #tpu.memory_space<vmem_shared>>) target_semaphore(%run_scoped3A : memref<!tpu.dma_semaphore, #tpu.memory_space<semaphore_mem>>)
      %dma_wait3A = arith.constant 0 : i32
      %dma_wait3A_13 = tpu.memref_slice %arg15[%mul3A_2, %dma_wait3A] : memref<50176x16xf32, #tpu.memory_space<vmem_shared>> -> memref<3136x16xf32, #tpu.memory_space<vmem_shared>>
      %dma_wait3A_14 = arith.constant 0 : i32
      %dma_wait3A_15 = tpu.memref_slice %arg7[%mul3A_2, %dma_wait3A_14] : memref<50176x16xf32, #tpu.memory_space<hbm>> -> memref<3136x16xf32, #tpu.memory_space<hbm>>
      tpu.wait_dma2 semaphore(%run_scoped3A : memref<!tpu.dma_semaphore, #tpu.memory_space<semaphore_mem>>) src(%dma_wait3A_15 : memref<3136x16xf32, #tpu.memory_space<hbm>>) dst(%dma_wait3A_13 : memref<3136x16xf32, #tpu.memory_space<vmem_shared>>)
      tpu.yield
    }) : () -> ()
    "tpu.region"() ({
      %run_scoped3A = tpu.sem_alloc : memref<!tpu.dma_semaphore, #tpu.memory_space<semaphore_mem>>
      tpu.enqueue_dma source(%arg5 : memref<128x16xf32, #tpu.memory_space<hbm>>) target(%arg13 : memref<128x16xf32, #tpu.memory_space<vmem>>) target_semaphore(%run_scoped3A : memref<!tpu.dma_semaphore, #tpu.memory_space<semaphore_mem>>)
      tpu.wait_dma2 semaphore(%run_scoped3A : memref<!tpu.dma_semaphore, #tpu.memory_space<semaphore_mem>>) src(%arg5 : memref<128x16xf32, #tpu.memory_space<hbm>>) dst(%arg13 : memref<128x16xf32, #tpu.memory_space<vmem>>)
      tpu.yield
    }) : () -> ()
    %barrier3A = arith.constant 0 : index
    tpu.barrier barrier_id(%barrier3A)
    %mul3A_3 = arith.constant 25088 : i32
    %mul3A_4 = arith.muli %add3A, %mul3A_3 : i32
    %scan3A = arith.constant 0 : i32
    %scan3A_5 = arith.constant 196 : i32
    %scan3A_6 = arith.addi %scan3A, %scan3A_5 : i32
    %scan3A_7 = arith.constant 1 : i32
    scf.for %scan3A_10 = %scan3A to %scan3A_6 step %scan3A_7  : i32 {
      %mul3A_11 = arith.constant 1 : i32
      %mul3A_12 = arith.muli %scan3A_10, %mul3A_11 : i32
      %add3A_13 = arith.constant 0 : i32
      %add3A_14 = arith.addi %add3A_13, %mul3A_12 : i32
      %mul3A_15 = arith.constant 128 : i32
      %mul3A_16 = arith.muli %add3A_14, %mul3A_15 : i32
      %add3A_17 = arith.addi %mul3A_4, %mul3A_16 : i32
      %multiple_of3A = tpu.assume_multiple %add3A_17, 128 : i32
      "tpu.region"() ({
        %run_scoped3A = tpu.sem_alloc : memref<!tpu.dma_semaphore, #tpu.memory_space<semaphore_mem>>
        %dma_start3A_22 = tpu.memref_slice %arg3[%multiple_of3A] : memref<802816xi32, #tpu.memory_space<hbm>> -> memref<128xi32, #tpu.memory_space<hbm>>
        %dma_start3A_23 = tpu.memref_slice %arg3[%multiple_of3A] : memref<802816xi32, #tpu.memory_space<hbm>> -> memref<128xi32, #tpu.memory_space<hbm>>
        tpu.enqueue_dma source(%dma_start3A_23 : memref<128xi32, #tpu.memory_space<hbm>>) target(%arg10 : memref<128xi32, #tpu.memory_space<vmem>>) target_semaphore(%run_scoped3A : memref<!tpu.dma_semaphore, #tpu.memory_space<semaphore_mem>>)
        %dma_wait3A_24 = tpu.memref_slice %arg3[%multiple_of3A] : memref<802816xi32, #tpu.memory_space<hbm>> -> memref<128xi32, #tpu.memory_space<hbm>>
        %dma_wait3A_25 = tpu.memref_slice %arg3[%multiple_of3A] : memref<802816xi32, #tpu.memory_space<hbm>> -> memref<128xi32, #tpu.memory_space<hbm>>
        tpu.wait_dma2 semaphore(%run_scoped3A : memref<!tpu.dma_semaphore, #tpu.memory_space<semaphore_mem>>) src(%dma_wait3A_25 : memref<128xi32, #tpu.memory_space<hbm>>) dst(%arg10 : memref<128xi32, #tpu.memory_space<vmem>>)
        tpu.yield
      }) : () -> ()
      "tpu.region"() ({
        %run_scoped3A = tpu.sem_alloc : memref<!tpu.dma_semaphore, #tpu.memory_space<semaphore_mem>>
        %dma_start3A_22 = tpu.memref_slice %arg4[%multiple_of3A] : memref<802816xi32, #tpu.memory_space<hbm>> -> memref<128xi32, #tpu.memory_space<hbm>>
        %dma_start3A_23 = tpu.memref_slice %arg4[%multiple_of3A] : memref<802816xi32, #tpu.memory_space<hbm>> -> memref<128xi32, #tpu.memory_space<hbm>>
        tpu.enqueue_dma source(%dma_start3A_23 : memref<128xi32, #tpu.memory_space<hbm>>) target(%arg11 : memref<128xi32, #tpu.memory_space<vmem>>) target_semaphore(%run_scoped3A : memref<!tpu.dma_semaphore, #tpu.memory_space<semaphore_mem>>)
        %dma_wait3A_24 = tpu.memref_slice %arg4[%multiple_of3A] : memref<802816xi32, #tpu.memory_space<hbm>> -> memref<128xi32, #tpu.memory_space<hbm>>
        %dma_wait3A_25 = tpu.memref_slice %arg4[%multiple_of3A] : memref<802816xi32, #tpu.memory_space<hbm>> -> memref<128xi32, #tpu.memory_space<hbm>>
        tpu.wait_dma2 semaphore(%run_scoped3A : memref<!tpu.dma_semaphore, #tpu.memory_space<semaphore_mem>>) src(%dma_wait3A_25 : memref<128xi32, #tpu.memory_space<hbm>>) dst(%arg11 : memref<128xi32, #tpu.memory_space<vmem>>)
        tpu.yield
      }) : () -> ()
      %dma_start3A = arith.constant 0 : i32
      %dma_start3A_18 = arith.constant 0 : i32
      %dma_start3A_19 = tpu.memref_slice %arg2[%dma_start3A, %dma_start3A_18] : memref<50176x16xf32, #tpu.memory_space<hbm>> -> memref<50176x16xf32, #tpu.memory_space<hbm>>
      tpu.enqueue_indirect_dma source(%dma_start3A_19 : memref<50176x16xf32, #tpu.memory_space<hbm>>) target(%arg12 : memref<128x16xf32, #tpu.memory_space<vmem>>) offsets(%arg10 : memref<128xi32, #tpu.memory_space<vmem>>) semaphore(%arg16 : memref<!tpu.dma_semaphore, #tpu.memory_space<semaphore_mem>>)
      %dma_wait3A = arith.constant 0 : i32
      %dma_wait3A_20 = arith.constant 0 : i32
      %dma_wait3A_21 = tpu.memref_slice %arg2[%dma_wait3A, %dma_wait3A_20] : memref<50176x16xf32, #tpu.memory_space<hbm>> -> memref<50176x16xf32, #tpu.memory_space<hbm>>
      tpu.wait_indirect_dma semaphore(%arg16 : memref<!tpu.dma_semaphore, #tpu.memory_space<semaphore_mem>>) src(%dma_wait3A_21 : memref<50176x16xf32, #tpu.memory_space<hbm>>) dst(%arg12 : memref<128x16xf32, #tpu.memory_space<vmem>>)
      "tpu.region"() ({
        %run_scoped3A = tpu.sem_alloc : memref<!tpu.dma_semaphore, #tpu.memory_space<semaphore_mem>>
        %dma_start3A_22 = arith.constant 0 : i32
        %dma_start3A_23 = arith.constant 0 : i32
        %dma_start3A_24 = tpu.memref_slice %arg14[%dma_start3A_22, %dma_start3A_23] : memref<50176x16xf32, #tpu.memory_space<vmem_shared>> -> memref<50176x16xf32, #tpu.memory_space<vmem_shared>>
        tpu.enqueue_indirect_dma source(%arg12 : memref<128x16xf32, #tpu.memory_space<vmem>>) target(%dma_start3A_24 : memref<50176x16xf32, #tpu.memory_space<vmem_shared>>) offsets(%arg11 : memref<128xi32, #tpu.memory_space<vmem>>) semaphore(%run_scoped3A : memref<!tpu.dma_semaphore, #tpu.memory_space<semaphore_mem>>) {add = true}
        %dma_wait3A_25 = arith.constant 0 : i32
        %dma_wait3A_26 = arith.constant 0 : i32
        %dma_wait3A_27 = tpu.memref_slice %arg14[%dma_wait3A_25, %dma_wait3A_26] : memref<50176x16xf32, #tpu.memory_space<vmem_shared>> -> memref<50176x16xf32, #tpu.memory_space<vmem_shared>>
        tpu.wait_indirect_dma semaphore(%run_scoped3A : memref<!tpu.dma_semaphore, #tpu.memory_space<semaphore_mem>>) src(%arg12 : memref<128x16xf32, #tpu.memory_space<vmem>>) dst(%dma_wait3A_27 : memref<50176x16xf32, #tpu.memory_space<vmem_shared>>)
        tpu.yield
      }) : () -> ()
      "tpu.region"() ({
        %run_scoped3A = tpu.sem_alloc : memref<!tpu.dma_semaphore, #tpu.memory_space<semaphore_mem>>
        %dma_start3A_22 = arith.constant 0 : i32
        %dma_start3A_23 = arith.constant 0 : i32
        %dma_start3A_24 = tpu.memref_slice %arg15[%dma_start3A_22, %dma_start3A_23] : memref<50176x16xf32, #tpu.memory_space<vmem_shared>> -> memref<50176x16xf32, #tpu.memory_space<vmem_shared>>
        tpu.enqueue_indirect_dma source(%arg13 : memref<128x16xf32, #tpu.memory_space<vmem>>) target(%dma_start3A_24 : memref<50176x16xf32, #tpu.memory_space<vmem_shared>>) offsets(%arg11 : memref<128xi32, #tpu.memory_space<vmem>>) semaphore(%run_scoped3A : memref<!tpu.dma_semaphore, #tpu.memory_space<semaphore_mem>>) {add = true}
        %dma_wait3A_25 = arith.constant 0 : i32
        %dma_wait3A_26 = arith.constant 0 : i32
        %dma_wait3A_27 = tpu.memref_slice %arg15[%dma_wait3A_25, %dma_wait3A_26] : memref<50176x16xf32, #tpu.memory_space<vmem_shared>> -> memref<50176x16xf32, #tpu.memory_space<vmem_shared>>
        tpu.wait_indirect_dma semaphore(%run_scoped3A : memref<!tpu.dma_semaphore, #tpu.memory_space<semaphore_mem>>) src(%arg13 : memref<128x16xf32, #tpu.memory_space<vmem>>) dst(%dma_wait3A_27 : memref<50176x16xf32, #tpu.memory_space<vmem_shared>>)
        tpu.yield
      }) : () -> ()
    }
    %scan3A_8 = arith.constant 196 : i32
    %barrier3A_9 = arith.constant 0 : index
    tpu.barrier barrier_id(%barrier3A_9)
    "tpu.region"() ({
      %run_scoped3A = tpu.sem_alloc : memref<!tpu.dma_semaphore, #tpu.memory_space<semaphore_mem>>
      %dma_start3A = arith.constant 0 : i32
      %dma_start3A_10 = tpu.memref_slice %arg8[%arg0, %mul3A_2, %dma_start3A] : memref<2x50176x16xf32, #tpu.memory_space<hbm>> -> memref<1x3136x16xf32, #tpu.memory_space<hbm>>
      %dma_start3A_11 = tpu.memref_squeeze %dma_start3A_10 : memref<1x3136x16xf32, #tpu.memory_space<hbm>> -> memref<3136x16xf32, #tpu.memory_space<hbm>>
      %dma_start3A_12 = arith.constant 0 : i32
      %dma_start3A_13 = tpu.memref_slice %arg14[%mul3A_2, %dma_start3A_12] : memref<50176x16xf32, #tpu.memory_space<vmem_shared>> -> memref<3136x16xf32, #tpu.memory_space<vmem_shared>>
      tpu.enqueue_dma source(%dma_start3A_13 : memref<3136x16xf32, #tpu.memory_space<vmem_shared>>) target(%dma_start3A_11 : memref<3136x16xf32, #tpu.memory_space<hbm>>) target_semaphore(%run_scoped3A : memref<!tpu.dma_semaphore, #tpu.memory_space<semaphore_mem>>)
      %dma_wait3A = arith.constant 0 : i32
      %dma_wait3A_14 = tpu.memref_slice %arg8[%arg0, %mul3A_2, %dma_wait3A] : memref<2x50176x16xf32, #tpu.memory_space<hbm>> -> memref<1x3136x16xf32, #tpu.memory_space<hbm>>
      %dma_wait3A_15 = tpu.memref_squeeze %dma_wait3A_14 : memref<1x3136x16xf32, #tpu.memory_space<hbm>> -> memref<3136x16xf32, #tpu.memory_space<hbm>>
      %dma_wait3A_16 = arith.constant 0 : i32
      %dma_wait3A_17 = tpu.memref_slice %arg14[%mul3A_2, %dma_wait3A_16] : memref<50176x16xf32, #tpu.memory_space<vmem_shared>> -> memref<3136x16xf32, #tpu.memory_space<vmem_shared>>
      tpu.wait_dma2 semaphore(%run_scoped3A : memref<!tpu.dma_semaphore, #tpu.memory_space<semaphore_mem>>) src(%dma_wait3A_17 : memref<3136x16xf32, #tpu.memory_space<vmem_shared>>) dst(%dma_wait3A_15 : memref<3136x16xf32, #tpu.memory_space<hbm>>)
      tpu.yield
    }) : () -> ()
    "tpu.region"() ({
      %run_scoped3A = tpu.sem_alloc : memref<!tpu.dma_semaphore, #tpu.memory_space<semaphore_mem>>
      %dma_start3A = arith.constant 0 : i32
      %dma_start3A_10 = tpu.memref_slice %arg9[%arg0, %mul3A_2, %dma_start3A] : memref<2x50176x16xf32, #tpu.memory_space<hbm>> -> memref<1x3136x16xf32, #tpu.memory_space<hbm>>
      %dma_start3A_11 = tpu.memref_squeeze %dma_start3A_10 : memref<1x3136x16xf32, #tpu.memory_space<hbm>> -> memref<3136x16xf32, #tpu.memory_space<hbm>>
      %dma_start3A_12 = arith.constant 0 : i32
      %dma_start3A_13 = tpu.memref_slice %arg15[%mul3A_2, %dma_start3A_12] : memref<50176x16xf32, #tpu.memory_space<vmem_shared>> -> memref<3136x16xf32, #tpu.memory_space<vmem_shared>>
      tpu.enqueue_dma source(%dma_start3A_13 : memref<3136x16xf32, #tpu.memory_space<vmem_shared>>) target(%dma_start3A_11 : memref<3136x16xf32, #tpu.memory_space<hbm>>) target_semaphore(%run_scoped3A : memref<!tpu.dma_semaphore, #tpu.memory_space<semaphore_mem>>)
      %dma_wait3A = arith.constant 0 : i32
      %dma_wait3A_14 = tpu.memref_slice %arg9[%arg0, %mul3A_2, %dma_wait3A] : memref<2x50176x16xf32, #tpu.memory_space<hbm>> -> memref<1x3136x16xf32, #tpu.memory_space<hbm>>
      %dma_wait3A_15 = tpu.memref_squeeze %dma_wait3A_14 : memref<1x3136x16xf32, #tpu.memory_space<hbm>> -> memref<3136x16xf32, #tpu.memory_space<hbm>>
      %dma_wait3A_16 = arith.constant 0 : i32
      %dma_wait3A_17 = tpu.memref_slice %arg15[%mul3A_2, %dma_wait3A_16] : memref<50176x16xf32, #tpu.memory_space<vmem_shared>> -> memref<3136x16xf32, #tpu.memory_space<vmem_shared>>
      tpu.wait_dma2 semaphore(%run_scoped3A : memref<!tpu.dma_semaphore, #tpu.memory_space<semaphore_mem>>) src(%dma_wait3A_17 : memref<3136x16xf32, #tpu.memory_space<vmem_shared>>) dst(%dma_wait3A_15 : memref<3136x16xf32, #tpu.memory_space<hbm>>)
      tpu.yield
    }) : () -> ()
    return
  }
}

#map = affine_map<(d0, d1) -> (0, 0)>
#map1 = affine_map<(d0, d1) -> (0)>
#map2 = affine_map<(d0, d1) -> (0, 0, 0)>
module attributes {stable_mosaic.version = 14 : i64} {
  func.func @sc_mp_l1(%arg0: i32, %arg1: i32, %arg2: memref<12544x64xf32, #tpu.memory_space<hbm>>, %arg3: memref<200704xi32, #tpu.memory_space<hbm>>, %arg4: memref<200704xi32, #tpu.memory_space<hbm>>, %arg5: memref<128x16xf32, #tpu.memory_space<hbm>>, %arg6: memref<12544x64xf32, #tpu.memory_space<hbm>>, %arg7: memref<12544x16xf32, #tpu.memory_space<hbm>>, %arg8: memref<2x12544x64xf32, #tpu.memory_space<hbm>>, %arg9: memref<2x12544x16xf32, #tpu.memory_space<hbm>>, %arg10: memref<128xi32, #tpu.memory_space<vmem>>, %arg11: memref<128xi32, #tpu.memory_space<vmem>>, %arg12: memref<128x64xf32, #tpu.memory_space<vmem>>, %arg13: memref<128x16xf32, #tpu.memory_space<vmem>>, %arg14: memref<12544x64xf32, #tpu.memory_space<vmem_shared>>, %arg15: memref<12544x16xf32, #tpu.memory_space<vmem_shared>>, %arg16: memref<!tpu.dma_semaphore, #tpu.memory_space<semaphore_mem>>) attributes {dimension_semantics = [#tpu.dimension_semantics<core_parallel>, #tpu.dimension_semantics<subcore_parallel>], iteration_bounds = array<i64: 2, 16>, scalar_prefetch = 0 : i64, scratch_operands = 7 : i64, tpu.core_type = #tpu.core_type<sc_vector_subcore>, window_params = [{transform_indices = #map}, {transform_indices = #map1}, {transform_indices = #map1}, {transform_indices = #map}, {transform_indices = #map}, {transform_indices = #map}, {transform_indices = #map2}, {transform_indices = #map2}]} {
    %mul3A = arith.constant 2 : i32
    %mul3A_0 = arith.muli %arg1, %mul3A : i32
    %add3A = arith.addi %mul3A_0, %arg0 : i32
    %mul3A_1 = arith.constant 784 : i32
    %mul3A_2 = arith.muli %arg1, %mul3A_1 : i32
    "tpu.region"() ({
      %run_scoped3A = tpu.sem_alloc : memref<!tpu.dma_semaphore, #tpu.memory_space<semaphore_mem>>
      %dma_start3A = arith.constant 0 : i32
      %dma_start3A_10 = tpu.memref_slice %arg14[%mul3A_2, %dma_start3A] : memref<12544x64xf32, #tpu.memory_space<vmem_shared>> -> memref<784x64xf32, #tpu.memory_space<vmem_shared>>
      %dma_start3A_11 = arith.constant 0 : i32
      %dma_start3A_12 = tpu.memref_slice %arg6[%mul3A_2, %dma_start3A_11] : memref<12544x64xf32, #tpu.memory_space<hbm>> -> memref<784x64xf32, #tpu.memory_space<hbm>>
      tpu.enqueue_dma source(%dma_start3A_12 : memref<784x64xf32, #tpu.memory_space<hbm>>) target(%dma_start3A_10 : memref<784x64xf32, #tpu.memory_space<vmem_shared>>) target_semaphore(%run_scoped3A : memref<!tpu.dma_semaphore, #tpu.memory_space<semaphore_mem>>)
      %dma_wait3A = arith.constant 0 : i32
      %dma_wait3A_13 = tpu.memref_slice %arg14[%mul3A_2, %dma_wait3A] : memref<12544x64xf32, #tpu.memory_space<vmem_shared>> -> memref<784x64xf32, #tpu.memory_space<vmem_shared>>
      %dma_wait3A_14 = arith.constant 0 : i32
      %dma_wait3A_15 = tpu.memref_slice %arg6[%mul3A_2, %dma_wait3A_14] : memref<12544x64xf32, #tpu.memory_space<hbm>> -> memref<784x64xf32, #tpu.memory_space<hbm>>
      tpu.wait_dma2 semaphore(%run_scoped3A : memref<!tpu.dma_semaphore, #tpu.memory_space<semaphore_mem>>) src(%dma_wait3A_15 : memref<784x64xf32, #tpu.memory_space<hbm>>) dst(%dma_wait3A_13 : memref<784x64xf32, #tpu.memory_space<vmem_shared>>)
      tpu.yield
    }) : () -> ()
    "tpu.region"() ({
      %run_scoped3A = tpu.sem_alloc : memref<!tpu.dma_semaphore, #tpu.memory_space<semaphore_mem>>
      %dma_start3A = arith.constant 0 : i32
      %dma_start3A_10 = tpu.memref_slice %arg15[%mul3A_2, %dma_start3A] : memref<12544x16xf32, #tpu.memory_space<vmem_shared>> -> memref<784x16xf32, #tpu.memory_space<vmem_shared>>
      %dma_start3A_11 = arith.constant 0 : i32
      %dma_start3A_12 = tpu.memref_slice %arg7[%mul3A_2, %dma_start3A_11] : memref<12544x16xf32, #tpu.memory_space<hbm>> -> memref<784x16xf32, #tpu.memory_space<hbm>>
      tpu.enqueue_dma source(%dma_start3A_12 : memref<784x16xf32, #tpu.memory_space<hbm>>) target(%dma_start3A_10 : memref<784x16xf32, #tpu.memory_space<vmem_shared>>) target_semaphore(%run_scoped3A : memref<!tpu.dma_semaphore, #tpu.memory_space<semaphore_mem>>)
      %dma_wait3A = arith.constant 0 : i32
      %dma_wait3A_13 = tpu.memref_slice %arg15[%mul3A_2, %dma_wait3A] : memref<12544x16xf32, #tpu.memory_space<vmem_shared>> -> memref<784x16xf32, #tpu.memory_space<vmem_shared>>
      %dma_wait3A_14 = arith.constant 0 : i32
      %dma_wait3A_15 = tpu.memref_slice %arg7[%mul3A_2, %dma_wait3A_14] : memref<12544x16xf32, #tpu.memory_space<hbm>> -> memref<784x16xf32, #tpu.memory_space<hbm>>
      tpu.wait_dma2 semaphore(%run_scoped3A : memref<!tpu.dma_semaphore, #tpu.memory_space<semaphore_mem>>) src(%dma_wait3A_15 : memref<784x16xf32, #tpu.memory_space<hbm>>) dst(%dma_wait3A_13 : memref<784x16xf32, #tpu.memory_space<vmem_shared>>)
      tpu.yield
    }) : () -> ()
    "tpu.region"() ({
      %run_scoped3A = tpu.sem_alloc : memref<!tpu.dma_semaphore, #tpu.memory_space<semaphore_mem>>
      tpu.enqueue_dma source(%arg5 : memref<128x16xf32, #tpu.memory_space<hbm>>) target(%arg13 : memref<128x16xf32, #tpu.memory_space<vmem>>) target_semaphore(%run_scoped3A : memref<!tpu.dma_semaphore, #tpu.memory_space<semaphore_mem>>)
      tpu.wait_dma2 semaphore(%run_scoped3A : memref<!tpu.dma_semaphore, #tpu.memory_space<semaphore_mem>>) src(%arg5 : memref<128x16xf32, #tpu.memory_space<hbm>>) dst(%arg13 : memref<128x16xf32, #tpu.memory_space<vmem>>)
      tpu.yield
    }) : () -> ()
    %barrier3A = arith.constant 0 : index
    tpu.barrier barrier_id(%barrier3A)
    %mul3A_3 = arith.constant 6272 : i32
    %mul3A_4 = arith.muli %add3A, %mul3A_3 : i32
    %scan3A = arith.constant 0 : i32
    %scan3A_5 = arith.constant 49 : i32
    %scan3A_6 = arith.addi %scan3A, %scan3A_5 : i32
    %scan3A_7 = arith.constant 1 : i32
    scf.for %scan3A_10 = %scan3A to %scan3A_6 step %scan3A_7  : i32 {
      %mul3A_11 = arith.constant 1 : i32
      %mul3A_12 = arith.muli %scan3A_10, %mul3A_11 : i32
      %add3A_13 = arith.constant 0 : i32
      %add3A_14 = arith.addi %add3A_13, %mul3A_12 : i32
      %mul3A_15 = arith.constant 128 : i32
      %mul3A_16 = arith.muli %add3A_14, %mul3A_15 : i32
      %add3A_17 = arith.addi %mul3A_4, %mul3A_16 : i32
      %multiple_of3A = tpu.assume_multiple %add3A_17, 128 : i32
      "tpu.region"() ({
        %run_scoped3A = tpu.sem_alloc : memref<!tpu.dma_semaphore, #tpu.memory_space<semaphore_mem>>
        %dma_start3A_22 = tpu.memref_slice %arg3[%multiple_of3A] : memref<200704xi32, #tpu.memory_space<hbm>> -> memref<128xi32, #tpu.memory_space<hbm>>
        %dma_start3A_23 = tpu.memref_slice %arg3[%multiple_of3A] : memref<200704xi32, #tpu.memory_space<hbm>> -> memref<128xi32, #tpu.memory_space<hbm>>
        tpu.enqueue_dma source(%dma_start3A_23 : memref<128xi32, #tpu.memory_space<hbm>>) target(%arg10 : memref<128xi32, #tpu.memory_space<vmem>>) target_semaphore(%run_scoped3A : memref<!tpu.dma_semaphore, #tpu.memory_space<semaphore_mem>>)
        %dma_wait3A_24 = tpu.memref_slice %arg3[%multiple_of3A] : memref<200704xi32, #tpu.memory_space<hbm>> -> memref<128xi32, #tpu.memory_space<hbm>>
        %dma_wait3A_25 = tpu.memref_slice %arg3[%multiple_of3A] : memref<200704xi32, #tpu.memory_space<hbm>> -> memref<128xi32, #tpu.memory_space<hbm>>
        tpu.wait_dma2 semaphore(%run_scoped3A : memref<!tpu.dma_semaphore, #tpu.memory_space<semaphore_mem>>) src(%dma_wait3A_25 : memref<128xi32, #tpu.memory_space<hbm>>) dst(%arg10 : memref<128xi32, #tpu.memory_space<vmem>>)
        tpu.yield
      }) : () -> ()
      "tpu.region"() ({
        %run_scoped3A = tpu.sem_alloc : memref<!tpu.dma_semaphore, #tpu.memory_space<semaphore_mem>>
        %dma_start3A_22 = tpu.memref_slice %arg4[%multiple_of3A] : memref<200704xi32, #tpu.memory_space<hbm>> -> memref<128xi32, #tpu.memory_space<hbm>>
        %dma_start3A_23 = tpu.memref_slice %arg4[%multiple_of3A] : memref<200704xi32, #tpu.memory_space<hbm>> -> memref<128xi32, #tpu.memory_space<hbm>>
        tpu.enqueue_dma source(%dma_start3A_23 : memref<128xi32, #tpu.memory_space<hbm>>) target(%arg11 : memref<128xi32, #tpu.memory_space<vmem>>) target_semaphore(%run_scoped3A : memref<!tpu.dma_semaphore, #tpu.memory_space<semaphore_mem>>)
        %dma_wait3A_24 = tpu.memref_slice %arg4[%multiple_of3A] : memref<200704xi32, #tpu.memory_space<hbm>> -> memref<128xi32, #tpu.memory_space<hbm>>
        %dma_wait3A_25 = tpu.memref_slice %arg4[%multiple_of3A] : memref<200704xi32, #tpu.memory_space<hbm>> -> memref<128xi32, #tpu.memory_space<hbm>>
        tpu.wait_dma2 semaphore(%run_scoped3A : memref<!tpu.dma_semaphore, #tpu.memory_space<semaphore_mem>>) src(%dma_wait3A_25 : memref<128xi32, #tpu.memory_space<hbm>>) dst(%arg11 : memref<128xi32, #tpu.memory_space<vmem>>)
        tpu.yield
      }) : () -> ()
      %dma_start3A = arith.constant 0 : i32
      %dma_start3A_18 = arith.constant 0 : i32
      %dma_start3A_19 = tpu.memref_slice %arg2[%dma_start3A, %dma_start3A_18] : memref<12544x64xf32, #tpu.memory_space<hbm>> -> memref<12544x64xf32, #tpu.memory_space<hbm>>
      tpu.enqueue_indirect_dma source(%dma_start3A_19 : memref<12544x64xf32, #tpu.memory_space<hbm>>) target(%arg12 : memref<128x64xf32, #tpu.memory_space<vmem>>) offsets(%arg10 : memref<128xi32, #tpu.memory_space<vmem>>) semaphore(%arg16 : memref<!tpu.dma_semaphore, #tpu.memory_space<semaphore_mem>>)
      %dma_wait3A = arith.constant 0 : i32
      %dma_wait3A_20 = arith.constant 0 : i32
      %dma_wait3A_21 = tpu.memref_slice %arg2[%dma_wait3A, %dma_wait3A_20] : memref<12544x64xf32, #tpu.memory_space<hbm>> -> memref<12544x64xf32, #tpu.memory_space<hbm>>
      tpu.wait_indirect_dma semaphore(%arg16 : memref<!tpu.dma_semaphore, #tpu.memory_space<semaphore_mem>>) src(%dma_wait3A_21 : memref<12544x64xf32, #tpu.memory_space<hbm>>) dst(%arg12 : memref<128x64xf32, #tpu.memory_space<vmem>>)
      "tpu.region"() ({
        %run_scoped3A = tpu.sem_alloc : memref<!tpu.dma_semaphore, #tpu.memory_space<semaphore_mem>>
        %dma_start3A_22 = arith.constant 0 : i32
        %dma_start3A_23 = arith.constant 0 : i32
        %dma_start3A_24 = tpu.memref_slice %arg14[%dma_start3A_22, %dma_start3A_23] : memref<12544x64xf32, #tpu.memory_space<vmem_shared>> -> memref<12544x64xf32, #tpu.memory_space<vmem_shared>>
        tpu.enqueue_indirect_dma source(%arg12 : memref<128x64xf32, #tpu.memory_space<vmem>>) target(%dma_start3A_24 : memref<12544x64xf32, #tpu.memory_space<vmem_shared>>) offsets(%arg11 : memref<128xi32, #tpu.memory_space<vmem>>) semaphore(%run_scoped3A : memref<!tpu.dma_semaphore, #tpu.memory_space<semaphore_mem>>) {add = true}
        %dma_wait3A_25 = arith.constant 0 : i32
        %dma_wait3A_26 = arith.constant 0 : i32
        %dma_wait3A_27 = tpu.memref_slice %arg14[%dma_wait3A_25, %dma_wait3A_26] : memref<12544x64xf32, #tpu.memory_space<vmem_shared>> -> memref<12544x64xf32, #tpu.memory_space<vmem_shared>>
        tpu.wait_indirect_dma semaphore(%run_scoped3A : memref<!tpu.dma_semaphore, #tpu.memory_space<semaphore_mem>>) src(%arg12 : memref<128x64xf32, #tpu.memory_space<vmem>>) dst(%dma_wait3A_27 : memref<12544x64xf32, #tpu.memory_space<vmem_shared>>)
        tpu.yield
      }) : () -> ()
      "tpu.region"() ({
        %run_scoped3A = tpu.sem_alloc : memref<!tpu.dma_semaphore, #tpu.memory_space<semaphore_mem>>
        %dma_start3A_22 = arith.constant 0 : i32
        %dma_start3A_23 = arith.constant 0 : i32
        %dma_start3A_24 = tpu.memref_slice %arg15[%dma_start3A_22, %dma_start3A_23] : memref<12544x16xf32, #tpu.memory_space<vmem_shared>> -> memref<12544x16xf32, #tpu.memory_space<vmem_shared>>
        tpu.enqueue_indirect_dma source(%arg13 : memref<128x16xf32, #tpu.memory_space<vmem>>) target(%dma_start3A_24 : memref<12544x16xf32, #tpu.memory_space<vmem_shared>>) offsets(%arg11 : memref<128xi32, #tpu.memory_space<vmem>>) semaphore(%run_scoped3A : memref<!tpu.dma_semaphore, #tpu.memory_space<semaphore_mem>>) {add = true}
        %dma_wait3A_25 = arith.constant 0 : i32
        %dma_wait3A_26 = arith.constant 0 : i32
        %dma_wait3A_27 = tpu.memref_slice %arg15[%dma_wait3A_25, %dma_wait3A_26] : memref<12544x16xf32, #tpu.memory_space<vmem_shared>> -> memref<12544x16xf32, #tpu.memory_space<vmem_shared>>
        tpu.wait_indirect_dma semaphore(%run_scoped3A : memref<!tpu.dma_semaphore, #tpu.memory_space<semaphore_mem>>) src(%arg13 : memref<128x16xf32, #tpu.memory_space<vmem>>) dst(%dma_wait3A_27 : memref<12544x16xf32, #tpu.memory_space<vmem_shared>>)
        tpu.yield
      }) : () -> ()
    }
    %scan3A_8 = arith.constant 49 : i32
    %barrier3A_9 = arith.constant 0 : index
    tpu.barrier barrier_id(%barrier3A_9)
    "tpu.region"() ({
      %run_scoped3A = tpu.sem_alloc : memref<!tpu.dma_semaphore, #tpu.memory_space<semaphore_mem>>
      %dma_start3A = arith.constant 0 : i32
      %dma_start3A_10 = tpu.memref_slice %arg8[%arg0, %mul3A_2, %dma_start3A] : memref<2x12544x64xf32, #tpu.memory_space<hbm>> -> memref<1x784x64xf32, #tpu.memory_space<hbm>>
      %dma_start3A_11 = tpu.memref_squeeze %dma_start3A_10 : memref<1x784x64xf32, #tpu.memory_space<hbm>> -> memref<784x64xf32, #tpu.memory_space<hbm>>
      %dma_start3A_12 = arith.constant 0 : i32
      %dma_start3A_13 = tpu.memref_slice %arg14[%mul3A_2, %dma_start3A_12] : memref<12544x64xf32, #tpu.memory_space<vmem_shared>> -> memref<784x64xf32, #tpu.memory_space<vmem_shared>>
      tpu.enqueue_dma source(%dma_start3A_13 : memref<784x64xf32, #tpu.memory_space<vmem_shared>>) target(%dma_start3A_11 : memref<784x64xf32, #tpu.memory_space<hbm>>) target_semaphore(%run_scoped3A : memref<!tpu.dma_semaphore, #tpu.memory_space<semaphore_mem>>)
      %dma_wait3A = arith.constant 0 : i32
      %dma_wait3A_14 = tpu.memref_slice %arg8[%arg0, %mul3A_2, %dma_wait3A] : memref<2x12544x64xf32, #tpu.memory_space<hbm>> -> memref<1x784x64xf32, #tpu.memory_space<hbm>>
      %dma_wait3A_15 = tpu.memref_squeeze %dma_wait3A_14 : memref<1x784x64xf32, #tpu.memory_space<hbm>> -> memref<784x64xf32, #tpu.memory_space<hbm>>
      %dma_wait3A_16 = arith.constant 0 : i32
      %dma_wait3A_17 = tpu.memref_slice %arg14[%mul3A_2, %dma_wait3A_16] : memref<12544x64xf32, #tpu.memory_space<vmem_shared>> -> memref<784x64xf32, #tpu.memory_space<vmem_shared>>
      tpu.wait_dma2 semaphore(%run_scoped3A : memref<!tpu.dma_semaphore, #tpu.memory_space<semaphore_mem>>) src(%dma_wait3A_17 : memref<784x64xf32, #tpu.memory_space<vmem_shared>>) dst(%dma_wait3A_15 : memref<784x64xf32, #tpu.memory_space<hbm>>)
      tpu.yield
    }) : () -> ()
    "tpu.region"() ({
      %run_scoped3A = tpu.sem_alloc : memref<!tpu.dma_semaphore, #tpu.memory_space<semaphore_mem>>
      %dma_start3A = arith.constant 0 : i32
      %dma_start3A_10 = tpu.memref_slice %arg9[%arg0, %mul3A_2, %dma_start3A] : memref<2x12544x16xf32, #tpu.memory_space<hbm>> -> memref<1x784x16xf32, #tpu.memory_space<hbm>>
      %dma_start3A_11 = tpu.memref_squeeze %dma_start3A_10 : memref<1x784x16xf32, #tpu.memory_space<hbm>> -> memref<784x16xf32, #tpu.memory_space<hbm>>
      %dma_start3A_12 = arith.constant 0 : i32
      %dma_start3A_13 = tpu.memref_slice %arg15[%mul3A_2, %dma_start3A_12] : memref<12544x16xf32, #tpu.memory_space<vmem_shared>> -> memref<784x16xf32, #tpu.memory_space<vmem_shared>>
      tpu.enqueue_dma source(%dma_start3A_13 : memref<784x16xf32, #tpu.memory_space<vmem_shared>>) target(%dma_start3A_11 : memref<784x16xf32, #tpu.memory_space<hbm>>) target_semaphore(%run_scoped3A : memref<!tpu.dma_semaphore, #tpu.memory_space<semaphore_mem>>)
      %dma_wait3A = arith.constant 0 : i32
      %dma_wait3A_14 = tpu.memref_slice %arg9[%arg0, %mul3A_2, %dma_wait3A] : memref<2x12544x16xf32, #tpu.memory_space<hbm>> -> memref<1x784x16xf32, #tpu.memory_space<hbm>>
      %dma_wait3A_15 = tpu.memref_squeeze %dma_wait3A_14 : memref<1x784x16xf32, #tpu.memory_space<hbm>> -> memref<784x16xf32, #tpu.memory_space<hbm>>
      %dma_wait3A_16 = arith.constant 0 : i32
      %dma_wait3A_17 = tpu.memref_slice %arg15[%mul3A_2, %dma_wait3A_16] : memref<12544x16xf32, #tpu.memory_space<vmem_shared>> -> memref<784x16xf32, #tpu.memory_space<vmem_shared>>
      tpu.wait_dma2 semaphore(%run_scoped3A : memref<!tpu.dma_semaphore, #tpu.memory_space<semaphore_mem>>) src(%dma_wait3A_17 : memref<784x16xf32, #tpu.memory_space<vmem_shared>>) dst(%dma_wait3A_15 : memref<784x16xf32, #tpu.memory_space<hbm>>)
      tpu.yield
    }) : () -> ()
    return
  }
}

#map = affine_map<(d0, d1) -> (0, 0)>
#map1 = affine_map<(d0, d1) -> (0)>
#map2 = affine_map<(d0, d1) -> (0, 0, 0)>
module attributes {stable_mosaic.version = 14 : i64} {
  func.func @sc_mp_l2(%arg0: i32, %arg1: i32, %arg2: memref<3328x128xf32, #tpu.memory_space<hbm>>, %arg3: memref<53248xi32, #tpu.memory_space<hbm>>, %arg4: memref<53248xi32, #tpu.memory_space<hbm>>, %arg5: memref<128x16xf32, #tpu.memory_space<hbm>>, %arg6: memref<3328x128xf32, #tpu.memory_space<hbm>>, %arg7: memref<3328x16xf32, #tpu.memory_space<hbm>>, %arg8: memref<2x3328x128xf32, #tpu.memory_space<hbm>>, %arg9: memref<2x3328x16xf32, #tpu.memory_space<hbm>>, %arg10: memref<128xi32, #tpu.memory_space<vmem>>, %arg11: memref<128xi32, #tpu.memory_space<vmem>>, %arg12: memref<128x128xf32, #tpu.memory_space<vmem>>, %arg13: memref<128x16xf32, #tpu.memory_space<vmem>>, %arg14: memref<3328x128xf32, #tpu.memory_space<vmem_shared>>, %arg15: memref<3328x16xf32, #tpu.memory_space<vmem_shared>>, %arg16: memref<!tpu.dma_semaphore, #tpu.memory_space<semaphore_mem>>) attributes {dimension_semantics = [#tpu.dimension_semantics<core_parallel>, #tpu.dimension_semantics<subcore_parallel>], iteration_bounds = array<i64: 2, 16>, scalar_prefetch = 0 : i64, scratch_operands = 7 : i64, tpu.core_type = #tpu.core_type<sc_vector_subcore>, window_params = [{transform_indices = #map}, {transform_indices = #map1}, {transform_indices = #map1}, {transform_indices = #map}, {transform_indices = #map}, {transform_indices = #map}, {transform_indices = #map2}, {transform_indices = #map2}]} {
    %mul3A = arith.constant 2 : i32
    %mul3A_0 = arith.muli %arg1, %mul3A : i32
    %add3A = arith.addi %mul3A_0, %arg0 : i32
    %mul3A_1 = arith.constant 208 : i32
    %mul3A_2 = arith.muli %arg1, %mul3A_1 : i32
    "tpu.region"() ({
      %run_scoped3A = tpu.sem_alloc : memref<!tpu.dma_semaphore, #tpu.memory_space<semaphore_mem>>
      %dma_start3A = arith.constant 0 : i32
      %dma_start3A_10 = tpu.memref_slice %arg14[%mul3A_2, %dma_start3A] : memref<3328x128xf32, #tpu.memory_space<vmem_shared>> -> memref<208x128xf32, #tpu.memory_space<vmem_shared>>
      %dma_start3A_11 = arith.constant 0 : i32
      %dma_start3A_12 = tpu.memref_slice %arg6[%mul3A_2, %dma_start3A_11] : memref<3328x128xf32, #tpu.memory_space<hbm>> -> memref<208x128xf32, #tpu.memory_space<hbm>>
      tpu.enqueue_dma source(%dma_start3A_12 : memref<208x128xf32, #tpu.memory_space<hbm>>) target(%dma_start3A_10 : memref<208x128xf32, #tpu.memory_space<vmem_shared>>) target_semaphore(%run_scoped3A : memref<!tpu.dma_semaphore, #tpu.memory_space<semaphore_mem>>)
      %dma_wait3A = arith.constant 0 : i32
      %dma_wait3A_13 = tpu.memref_slice %arg14[%mul3A_2, %dma_wait3A] : memref<3328x128xf32, #tpu.memory_space<vmem_shared>> -> memref<208x128xf32, #tpu.memory_space<vmem_shared>>
      %dma_wait3A_14 = arith.constant 0 : i32
      %dma_wait3A_15 = tpu.memref_slice %arg6[%mul3A_2, %dma_wait3A_14] : memref<3328x128xf32, #tpu.memory_space<hbm>> -> memref<208x128xf32, #tpu.memory_space<hbm>>
      tpu.wait_dma2 semaphore(%run_scoped3A : memref<!tpu.dma_semaphore, #tpu.memory_space<semaphore_mem>>) src(%dma_wait3A_15 : memref<208x128xf32, #tpu.memory_space<hbm>>) dst(%dma_wait3A_13 : memref<208x128xf32, #tpu.memory_space<vmem_shared>>)
      tpu.yield
    }) : () -> ()
    "tpu.region"() ({
      %run_scoped3A = tpu.sem_alloc : memref<!tpu.dma_semaphore, #tpu.memory_space<semaphore_mem>>
      %dma_start3A = arith.constant 0 : i32
      %dma_start3A_10 = tpu.memref_slice %arg15[%mul3A_2, %dma_start3A] : memref<3328x16xf32, #tpu.memory_space<vmem_shared>> -> memref<208x16xf32, #tpu.memory_space<vmem_shared>>
      %dma_start3A_11 = arith.constant 0 : i32
      %dma_start3A_12 = tpu.memref_slice %arg7[%mul3A_2, %dma_start3A_11] : memref<3328x16xf32, #tpu.memory_space<hbm>> -> memref<208x16xf32, #tpu.memory_space<hbm>>
      tpu.enqueue_dma source(%dma_start3A_12 : memref<208x16xf32, #tpu.memory_space<hbm>>) target(%dma_start3A_10 : memref<208x16xf32, #tpu.memory_space<vmem_shared>>) target_semaphore(%run_scoped3A : memref<!tpu.dma_semaphore, #tpu.memory_space<semaphore_mem>>)
      %dma_wait3A = arith.constant 0 : i32
      %dma_wait3A_13 = tpu.memref_slice %arg15[%mul3A_2, %dma_wait3A] : memref<3328x16xf32, #tpu.memory_space<vmem_shared>> -> memref<208x16xf32, #tpu.memory_space<vmem_shared>>
      %dma_wait3A_14 = arith.constant 0 : i32
      %dma_wait3A_15 = tpu.memref_slice %arg7[%mul3A_2, %dma_wait3A_14] : memref<3328x16xf32, #tpu.memory_space<hbm>> -> memref<208x16xf32, #tpu.memory_space<hbm>>
      tpu.wait_dma2 semaphore(%run_scoped3A : memref<!tpu.dma_semaphore, #tpu.memory_space<semaphore_mem>>) src(%dma_wait3A_15 : memref<208x16xf32, #tpu.memory_space<hbm>>) dst(%dma_wait3A_13 : memref<208x16xf32, #tpu.memory_space<vmem_shared>>)
      tpu.yield
    }) : () -> ()
    "tpu.region"() ({
      %run_scoped3A = tpu.sem_alloc : memref<!tpu.dma_semaphore, #tpu.memory_space<semaphore_mem>>
      tpu.enqueue_dma source(%arg5 : memref<128x16xf32, #tpu.memory_space<hbm>>) target(%arg13 : memref<128x16xf32, #tpu.memory_space<vmem>>) target_semaphore(%run_scoped3A : memref<!tpu.dma_semaphore, #tpu.memory_space<semaphore_mem>>)
      tpu.wait_dma2 semaphore(%run_scoped3A : memref<!tpu.dma_semaphore, #tpu.memory_space<semaphore_mem>>) src(%arg5 : memref<128x16xf32, #tpu.memory_space<hbm>>) dst(%arg13 : memref<128x16xf32, #tpu.memory_space<vmem>>)
      tpu.yield
    }) : () -> ()
    %barrier3A = arith.constant 0 : index
    tpu.barrier barrier_id(%barrier3A)
    %mul3A_3 = arith.constant 1664 : i32
    %mul3A_4 = arith.muli %add3A, %mul3A_3 : i32
    %scan3A = arith.constant 0 : i32
    %scan3A_5 = arith.constant 13 : i32
    %scan3A_6 = arith.addi %scan3A, %scan3A_5 : i32
    %scan3A_7 = arith.constant 1 : i32
    scf.for %scan3A_10 = %scan3A to %scan3A_6 step %scan3A_7  : i32 {
      %mul3A_11 = arith.constant 1 : i32
      %mul3A_12 = arith.muli %scan3A_10, %mul3A_11 : i32
      %add3A_13 = arith.constant 0 : i32
      %add3A_14 = arith.addi %add3A_13, %mul3A_12 : i32
      %mul3A_15 = arith.constant 128 : i32
      %mul3A_16 = arith.muli %add3A_14, %mul3A_15 : i32
      %add3A_17 = arith.addi %mul3A_4, %mul3A_16 : i32
      %multiple_of3A = tpu.assume_multiple %add3A_17, 128 : i32
      "tpu.region"() ({
        %run_scoped3A = tpu.sem_alloc : memref<!tpu.dma_semaphore, #tpu.memory_space<semaphore_mem>>
        %dma_start3A_22 = tpu.memref_slice %arg3[%multiple_of3A] : memref<53248xi32, #tpu.memory_space<hbm>> -> memref<128xi32, #tpu.memory_space<hbm>>
        %dma_start3A_23 = tpu.memref_slice %arg3[%multiple_of3A] : memref<53248xi32, #tpu.memory_space<hbm>> -> memref<128xi32, #tpu.memory_space<hbm>>
        tpu.enqueue_dma source(%dma_start3A_23 : memref<128xi32, #tpu.memory_space<hbm>>) target(%arg10 : memref<128xi32, #tpu.memory_space<vmem>>) target_semaphore(%run_scoped3A : memref<!tpu.dma_semaphore, #tpu.memory_space<semaphore_mem>>)
        %dma_wait3A_24 = tpu.memref_slice %arg3[%multiple_of3A] : memref<53248xi32, #tpu.memory_space<hbm>> -> memref<128xi32, #tpu.memory_space<hbm>>
        %dma_wait3A_25 = tpu.memref_slice %arg3[%multiple_of3A] : memref<53248xi32, #tpu.memory_space<hbm>> -> memref<128xi32, #tpu.memory_space<hbm>>
        tpu.wait_dma2 semaphore(%run_scoped3A : memref<!tpu.dma_semaphore, #tpu.memory_space<semaphore_mem>>) src(%dma_wait3A_25 : memref<128xi32, #tpu.memory_space<hbm>>) dst(%arg10 : memref<128xi32, #tpu.memory_space<vmem>>)
        tpu.yield
      }) : () -> ()
      "tpu.region"() ({
        %run_scoped3A = tpu.sem_alloc : memref<!tpu.dma_semaphore, #tpu.memory_space<semaphore_mem>>
        %dma_start3A_22 = tpu.memref_slice %arg4[%multiple_of3A] : memref<53248xi32, #tpu.memory_space<hbm>> -> memref<128xi32, #tpu.memory_space<hbm>>
        %dma_start3A_23 = tpu.memref_slice %arg4[%multiple_of3A] : memref<53248xi32, #tpu.memory_space<hbm>> -> memref<128xi32, #tpu.memory_space<hbm>>
        tpu.enqueue_dma source(%dma_start3A_23 : memref<128xi32, #tpu.memory_space<hbm>>) target(%arg11 : memref<128xi32, #tpu.memory_space<vmem>>) target_semaphore(%run_scoped3A : memref<!tpu.dma_semaphore, #tpu.memory_space<semaphore_mem>>)
        %dma_wait3A_24 = tpu.memref_slice %arg4[%multiple_of3A] : memref<53248xi32, #tpu.memory_space<hbm>> -> memref<128xi32, #tpu.memory_space<hbm>>
        %dma_wait3A_25 = tpu.memref_slice %arg4[%multiple_of3A] : memref<53248xi32, #tpu.memory_space<hbm>> -> memref<128xi32, #tpu.memory_space<hbm>>
        tpu.wait_dma2 semaphore(%run_scoped3A : memref<!tpu.dma_semaphore, #tpu.memory_space<semaphore_mem>>) src(%dma_wait3A_25 : memref<128xi32, #tpu.memory_space<hbm>>) dst(%arg11 : memref<128xi32, #tpu.memory_space<vmem>>)
        tpu.yield
      }) : () -> ()
      %dma_start3A = arith.constant 0 : i32
      %dma_start3A_18 = arith.constant 0 : i32
      %dma_start3A_19 = tpu.memref_slice %arg2[%dma_start3A, %dma_start3A_18] : memref<3328x128xf32, #tpu.memory_space<hbm>> -> memref<3328x128xf32, #tpu.memory_space<hbm>>
      tpu.enqueue_indirect_dma source(%dma_start3A_19 : memref<3328x128xf32, #tpu.memory_space<hbm>>) target(%arg12 : memref<128x128xf32, #tpu.memory_space<vmem>>) offsets(%arg10 : memref<128xi32, #tpu.memory_space<vmem>>) semaphore(%arg16 : memref<!tpu.dma_semaphore, #tpu.memory_space<semaphore_mem>>)
      %dma_wait3A = arith.constant 0 : i32
      %dma_wait3A_20 = arith.constant 0 : i32
      %dma_wait3A_21 = tpu.memref_slice %arg2[%dma_wait3A, %dma_wait3A_20] : memref<3328x128xf32, #tpu.memory_space<hbm>> -> memref<3328x128xf32, #tpu.memory_space<hbm>>
      tpu.wait_indirect_dma semaphore(%arg16 : memref<!tpu.dma_semaphore, #tpu.memory_space<semaphore_mem>>) src(%dma_wait3A_21 : memref<3328x128xf32, #tpu.memory_space<hbm>>) dst(%arg12 : memref<128x128xf32, #tpu.memory_space<vmem>>)
      "tpu.region"() ({
        %run_scoped3A = tpu.sem_alloc : memref<!tpu.dma_semaphore, #tpu.memory_space<semaphore_mem>>
        %dma_start3A_22 = arith.constant 0 : i32
        %dma_start3A_23 = arith.constant 0 : i32
        %dma_start3A_24 = tpu.memref_slice %arg14[%dma_start3A_22, %dma_start3A_23] : memref<3328x128xf32, #tpu.memory_space<vmem_shared>> -> memref<3328x128xf32, #tpu.memory_space<vmem_shared>>
        tpu.enqueue_indirect_dma source(%arg12 : memref<128x128xf32, #tpu.memory_space<vmem>>) target(%dma_start3A_24 : memref<3328x128xf32, #tpu.memory_space<vmem_shared>>) offsets(%arg11 : memref<128xi32, #tpu.memory_space<vmem>>) semaphore(%run_scoped3A : memref<!tpu.dma_semaphore, #tpu.memory_space<semaphore_mem>>) {add = true}
        %dma_wait3A_25 = arith.constant 0 : i32
        %dma_wait3A_26 = arith.constant 0 : i32
        %dma_wait3A_27 = tpu.memref_slice %arg14[%dma_wait3A_25, %dma_wait3A_26] : memref<3328x128xf32, #tpu.memory_space<vmem_shared>> -> memref<3328x128xf32, #tpu.memory_space<vmem_shared>>
        tpu.wait_indirect_dma semaphore(%run_scoped3A : memref<!tpu.dma_semaphore, #tpu.memory_space<semaphore_mem>>) src(%arg12 : memref<128x128xf32, #tpu.memory_space<vmem>>) dst(%dma_wait3A_27 : memref<3328x128xf32, #tpu.memory_space<vmem_shared>>)
        tpu.yield
      }) : () -> ()
      "tpu.region"() ({
        %run_scoped3A = tpu.sem_alloc : memref<!tpu.dma_semaphore, #tpu.memory_space<semaphore_mem>>
        %dma_start3A_22 = arith.constant 0 : i32
        %dma_start3A_23 = arith.constant 0 : i32
        %dma_start3A_24 = tpu.memref_slice %arg15[%dma_start3A_22, %dma_start3A_23] : memref<3328x16xf32, #tpu.memory_space<vmem_shared>> -> memref<3328x16xf32, #tpu.memory_space<vmem_shared>>
        tpu.enqueue_indirect_dma source(%arg13 : memref<128x16xf32, #tpu.memory_space<vmem>>) target(%dma_start3A_24 : memref<3328x16xf32, #tpu.memory_space<vmem_shared>>) offsets(%arg11 : memref<128xi32, #tpu.memory_space<vmem>>) semaphore(%run_scoped3A : memref<!tpu.dma_semaphore, #tpu.memory_space<semaphore_mem>>) {add = true}
        %dma_wait3A_25 = arith.constant 0 : i32
        %dma_wait3A_26 = arith.constant 0 : i32
        %dma_wait3A_27 = tpu.memref_slice %arg15[%dma_wait3A_25, %dma_wait3A_26] : memref<3328x16xf32, #tpu.memory_space<vmem_shared>> -> memref<3328x16xf32, #tpu.memory_space<vmem_shared>>
        tpu.wait_indirect_dma semaphore(%run_scoped3A : memref<!tpu.dma_semaphore, #tpu.memory_space<semaphore_mem>>) src(%arg13 : memref<128x16xf32, #tpu.memory_space<vmem>>) dst(%dma_wait3A_27 : memref<3328x16xf32, #tpu.memory_space<vmem_shared>>)
        tpu.yield
      }) : () -> ()
    }
    %scan3A_8 = arith.constant 13 : i32
    %barrier3A_9 = arith.constant 0 : index
    tpu.barrier barrier_id(%barrier3A_9)
    "tpu.region"() ({
      %run_scoped3A = tpu.sem_alloc : memref<!tpu.dma_semaphore, #tpu.memory_space<semaphore_mem>>
      %dma_start3A = arith.constant 0 : i32
      %dma_start3A_10 = tpu.memref_slice %arg8[%arg0, %mul3A_2, %dma_start3A] : memref<2x3328x128xf32, #tpu.memory_space<hbm>> -> memref<1x208x128xf32, #tpu.memory_space<hbm>>
      %dma_start3A_11 = tpu.memref_squeeze %dma_start3A_10 : memref<1x208x128xf32, #tpu.memory_space<hbm>> -> memref<208x128xf32, #tpu.memory_space<hbm>>
      %dma_start3A_12 = arith.constant 0 : i32
      %dma_start3A_13 = tpu.memref_slice %arg14[%mul3A_2, %dma_start3A_12] : memref<3328x128xf32, #tpu.memory_space<vmem_shared>> -> memref<208x128xf32, #tpu.memory_space<vmem_shared>>
      tpu.enqueue_dma source(%dma_start3A_13 : memref<208x128xf32, #tpu.memory_space<vmem_shared>>) target(%dma_start3A_11 : memref<208x128xf32, #tpu.memory_space<hbm>>) target_semaphore(%run_scoped3A : memref<!tpu.dma_semaphore, #tpu.memory_space<semaphore_mem>>)
      %dma_wait3A = arith.constant 0 : i32
      %dma_wait3A_14 = tpu.memref_slice %arg8[%arg0, %mul3A_2, %dma_wait3A] : memref<2x3328x128xf32, #tpu.memory_space<hbm>> -> memref<1x208x128xf32, #tpu.memory_space<hbm>>
      %dma_wait3A_15 = tpu.memref_squeeze %dma_wait3A_14 : memref<1x208x128xf32, #tpu.memory_space<hbm>> -> memref<208x128xf32, #tpu.memory_space<hbm>>
      %dma_wait3A_16 = arith.constant 0 : i32
      %dma_wait3A_17 = tpu.memref_slice %arg14[%mul3A_2, %dma_wait3A_16] : memref<3328x128xf32, #tpu.memory_space<vmem_shared>> -> memref<208x128xf32, #tpu.memory_space<vmem_shared>>
      tpu.wait_dma2 semaphore(%run_scoped3A : memref<!tpu.dma_semaphore, #tpu.memory_space<semaphore_mem>>) src(%dma_wait3A_17 : memref<208x128xf32, #tpu.memory_space<vmem_shared>>) dst(%dma_wait3A_15 : memref<208x128xf32, #tpu.memory_space<hbm>>)
      tpu.yield
    }) : () -> ()
    "tpu.region"() ({
      %run_scoped3A = tpu.sem_alloc : memref<!tpu.dma_semaphore, #tpu.memory_space<semaphore_mem>>
      %dma_start3A = arith.constant 0 : i32
      %dma_start3A_10 = tpu.memref_slice %arg9[%arg0, %mul3A_2, %dma_start3A] : memref<2x3328x16xf32, #tpu.memory_space<hbm>> -> memref<1x208x16xf32, #tpu.memory_space<hbm>>
      %dma_start3A_11 = tpu.memref_squeeze %dma_start3A_10 : memref<1x208x16xf32, #tpu.memory_space<hbm>> -> memref<208x16xf32, #tpu.memory_space<hbm>>
      %dma_start3A_12 = arith.constant 0 : i32
      %dma_start3A_13 = tpu.memref_slice %arg15[%mul3A_2, %dma_start3A_12] : memref<3328x16xf32, #tpu.memory_space<vmem_shared>> -> memref<208x16xf32, #tpu.memory_space<vmem_shared>>
      tpu.enqueue_dma source(%dma_start3A_13 : memref<208x16xf32, #tpu.memory_space<vmem_shared>>) target(%dma_start3A_11 : memref<208x16xf32, #tpu.memory_space<hbm>>) target_semaphore(%run_scoped3A : memref<!tpu.dma_semaphore, #tpu.memory_space<semaphore_mem>>)
      %dma_wait3A = arith.constant 0 : i32
      %dma_wait3A_14 = tpu.memref_slice %arg9[%arg0, %mul3A_2, %dma_wait3A] : memref<2x3328x16xf32, #tpu.memory_space<hbm>> -> memref<1x208x16xf32, #tpu.memory_space<hbm>>
      %dma_wait3A_15 = tpu.memref_squeeze %dma_wait3A_14 : memref<1x208x16xf32, #tpu.memory_space<hbm>> -> memref<208x16xf32, #tpu.memory_space<hbm>>
      %dma_wait3A_16 = arith.constant 0 : i32
      %dma_wait3A_17 = tpu.memref_slice %arg15[%mul3A_2, %dma_wait3A_16] : memref<3328x16xf32, #tpu.memory_space<vmem_shared>> -> memref<208x16xf32, #tpu.memory_space<vmem_shared>>
      tpu.wait_dma2 semaphore(%run_scoped3A : memref<!tpu.dma_semaphore, #tpu.memory_space<semaphore_mem>>) src(%dma_wait3A_17 : memref<208x16xf32, #tpu.memory_space<vmem_shared>>) dst(%dma_wait3A_15 : memref<208x16xf32, #tpu.memory_space<hbm>>)
      tpu.yield
    }) : () -> ()
    return
  }
}

#map = affine_map<(d0, d1) -> (0, 0)>
#map1 = affine_map<(d0, d1) -> (0)>
#map2 = affine_map<(d0, d1) -> (0, 0, 0)>
module attributes {stable_mosaic.version = 14 : i64} {
  func.func @sc_pool_2(%arg0: i32, %arg1: i32, %arg2: memref<3328x160xf32, #tpu.memory_space<hbm>>, %arg3: memref<3328xi32, #tpu.memory_space<hbm>>, %arg4: memref<25088xi32, #tpu.memory_space<hbm>>, %arg5: memref<1024x160xf32, #tpu.memory_space<hbm>>, %arg6: memref<2x1024x160xf32, #tpu.memory_space<hbm>>, %arg7: memref<25088xi32, #tpu.memory_space<hbm>>, %arg8: memref<104xi32, #tpu.memory_space<vmem>>, %arg9: memref<104x160xf32, #tpu.memory_space<vmem>>, %arg10: memref<3328xi32, #tpu.memory_space<vmem>>, %arg11: memref<784xi32, #tpu.memory_space<vmem>>, %arg12: memref<784xi32, #tpu.memory_space<vmem>>, %arg13: memref<1024x160xf32, #tpu.memory_space<vmem_shared>>) attributes {dimension_semantics = [#tpu.dimension_semantics<core_parallel>, #tpu.dimension_semantics<subcore_parallel>], iteration_bounds = array<i64: 2, 16>, scalar_prefetch = 0 : i64, scratch_operands = 6 : i64, tpu.core_type = #tpu.core_type<sc_vector_subcore>, window_params = [{transform_indices = #map}, {transform_indices = #map1}, {transform_indices = #map1}, {transform_indices = #map}, {transform_indices = #map2}, {transform_indices = #map1}]} {
    %mul3A = arith.constant 2 : i32
    %mul3A_0 = arith.muli %arg1, %mul3A : i32
    %add3A = arith.addi %mul3A_0, %arg0 : i32
    %mul3A_1 = arith.constant 64 : i32
    %mul3A_2 = arith.muli %arg1, %mul3A_1 : i32
    "tpu.region"() ({
      %run_scoped3A = tpu.sem_alloc : memref<!tpu.dma_semaphore, #tpu.memory_space<semaphore_mem>>
      %dma_start3A = arith.constant 0 : i32
      %dma_start3A_23 = tpu.memref_slice %arg13[%mul3A_2, %dma_start3A] : memref<1024x160xf32, #tpu.memory_space<vmem_shared>> -> memref<64x160xf32, #tpu.memory_space<vmem_shared>>
      %dma_start3A_24 = arith.constant 0 : i32
      %dma_start3A_25 = tpu.memref_slice %arg5[%mul3A_2, %dma_start3A_24] : memref<1024x160xf32, #tpu.memory_space<hbm>> -> memref<64x160xf32, #tpu.memory_space<hbm>>
      tpu.enqueue_dma source(%dma_start3A_25 : memref<64x160xf32, #tpu.memory_space<hbm>>) target(%dma_start3A_23 : memref<64x160xf32, #tpu.memory_space<vmem_shared>>) target_semaphore(%run_scoped3A : memref<!tpu.dma_semaphore, #tpu.memory_space<semaphore_mem>>)
      %dma_wait3A = arith.constant 0 : i32
      %dma_wait3A_26 = tpu.memref_slice %arg13[%mul3A_2, %dma_wait3A] : memref<1024x160xf32, #tpu.memory_space<vmem_shared>> -> memref<64x160xf32, #tpu.memory_space<vmem_shared>>
      %dma_wait3A_27 = arith.constant 0 : i32
      %dma_wait3A_28 = tpu.memref_slice %arg5[%mul3A_2, %dma_wait3A_27] : memref<1024x160xf32, #tpu.memory_space<hbm>> -> memref<64x160xf32, #tpu.memory_space<hbm>>
      tpu.wait_dma2 semaphore(%run_scoped3A : memref<!tpu.dma_semaphore, #tpu.memory_space<semaphore_mem>>) src(%dma_wait3A_28 : memref<64x160xf32, #tpu.memory_space<hbm>>) dst(%dma_wait3A_26 : memref<64x160xf32, #tpu.memory_space<vmem_shared>>)
      tpu.yield
    }) : () -> ()
    %barrier3A = arith.constant 0 : index
    tpu.barrier barrier_id(%barrier3A)
    %mul3A_3 = arith.constant 104 : i32
    %mul3A_4 = arith.muli %add3A, %mul3A_3 : i32
    %scan3A = arith.constant 0 : i32
    %mul3A_5 = arith.constant 1 : i32
    %mul3A_6 = arith.muli %scan3A, %mul3A_5 : i32
    %add3A_7 = arith.constant 0 : i32
    %add3A_8 = arith.addi %add3A_7, %mul3A_6 : i32
    %mul3A_9 = arith.constant 104 : i32
    %mul3A_10 = arith.muli %add3A_8, %mul3A_9 : i32
    %add3A_11 = arith.addi %mul3A_4, %mul3A_10 : i32
    %multiple_of3A = tpu.assume_multiple %add3A_11, 104 : i32
    "tpu.region"() ({
      %run_scoped3A = tpu.sem_alloc : memref<!tpu.dma_semaphore, #tpu.memory_space<semaphore_mem>>
      %dma_start3A = tpu.memref_slice %arg3[%multiple_of3A] : memref<3328xi32, #tpu.memory_space<hbm>> -> memref<104xi32, #tpu.memory_space<hbm>>
      %dma_start3A_23 = tpu.memref_slice %arg3[%multiple_of3A] : memref<3328xi32, #tpu.memory_space<hbm>> -> memref<104xi32, #tpu.memory_space<hbm>>
      tpu.enqueue_dma source(%dma_start3A_23 : memref<104xi32, #tpu.memory_space<hbm>>) target(%arg8 : memref<104xi32, #tpu.memory_space<vmem>>) target_semaphore(%run_scoped3A : memref<!tpu.dma_semaphore, #tpu.memory_space<semaphore_mem>>)
      %dma_wait3A = tpu.memref_slice %arg3[%multiple_of3A] : memref<3328xi32, #tpu.memory_space<hbm>> -> memref<104xi32, #tpu.memory_space<hbm>>
      %dma_wait3A_24 = tpu.memref_slice %arg3[%multiple_of3A] : memref<3328xi32, #tpu.memory_space<hbm>> -> memref<104xi32, #tpu.memory_space<hbm>>
      tpu.wait_dma2 semaphore(%run_scoped3A : memref<!tpu.dma_semaphore, #tpu.memory_space<semaphore_mem>>) src(%dma_wait3A_24 : memref<104xi32, #tpu.memory_space<hbm>>) dst(%arg8 : memref<104xi32, #tpu.memory_space<vmem>>)
      tpu.yield
    }) : () -> ()
    "tpu.region"() ({
      %run_scoped3A = tpu.sem_alloc : memref<!tpu.dma_semaphore, #tpu.memory_space<semaphore_mem>>
      %dma_start3A = arith.constant 0 : i32
      %dma_start3A_23 = tpu.memref_slice %arg2[%multiple_of3A, %dma_start3A] : memref<3328x160xf32, #tpu.memory_space<hbm>> -> memref<104x160xf32, #tpu.memory_space<hbm>>
      %dma_start3A_24 = arith.constant 0 : i32
      %dma_start3A_25 = tpu.memref_slice %arg2[%multiple_of3A, %dma_start3A_24] : memref<3328x160xf32, #tpu.memory_space<hbm>> -> memref<104x160xf32, #tpu.memory_space<hbm>>
      tpu.enqueue_dma source(%dma_start3A_25 : memref<104x160xf32, #tpu.memory_space<hbm>>) target(%arg9 : memref<104x160xf32, #tpu.memory_space<vmem>>) target_semaphore(%run_scoped3A : memref<!tpu.dma_semaphore, #tpu.memory_space<semaphore_mem>>)
      %dma_wait3A = arith.constant 0 : i32
      %dma_wait3A_26 = tpu.memref_slice %arg2[%multiple_of3A, %dma_wait3A] : memref<3328x160xf32, #tpu.memory_space<hbm>> -> memref<104x160xf32, #tpu.memory_space<hbm>>
      %dma_wait3A_27 = arith.constant 0 : i32
      %dma_wait3A_28 = tpu.memref_slice %arg2[%multiple_of3A, %dma_wait3A_27] : memref<3328x160xf32, #tpu.memory_space<hbm>> -> memref<104x160xf32, #tpu.memory_space<hbm>>
      tpu.wait_dma2 semaphore(%run_scoped3A : memref<!tpu.dma_semaphore, #tpu.memory_space<semaphore_mem>>) src(%dma_wait3A_28 : memref<104x160xf32, #tpu.memory_space<hbm>>) dst(%arg9 : memref<104x160xf32, #tpu.memory_space<vmem>>)
      tpu.yield
    }) : () -> ()
    "tpu.region"() ({
      %run_scoped3A = tpu.sem_alloc : memref<!tpu.dma_semaphore, #tpu.memory_space<semaphore_mem>>
      %dma_start3A = arith.constant 0 : i32
      %dma_start3A_23 = arith.constant 0 : i32
      %dma_start3A_24 = tpu.memref_slice %arg13[%dma_start3A, %dma_start3A_23] : memref<1024x160xf32, #tpu.memory_space<vmem_shared>> -> memref<1024x160xf32, #tpu.memory_space<vmem_shared>>
      tpu.enqueue_indirect_dma source(%arg9 : memref<104x160xf32, #tpu.memory_space<vmem>>) target(%dma_start3A_24 : memref<1024x160xf32, #tpu.memory_space<vmem_shared>>) offsets(%arg8 : memref<104xi32, #tpu.memory_space<vmem>>) semaphore(%run_scoped3A : memref<!tpu.dma_semaphore, #tpu.memory_space<semaphore_mem>>) {add = true}
      %dma_wait3A = arith.constant 0 : i32
      %dma_wait3A_25 = arith.constant 0 : i32
      %dma_wait3A_26 = tpu.memref_slice %arg13[%dma_wait3A, %dma_wait3A_25] : memref<1024x160xf32, #tpu.memory_space<vmem_shared>> -> memref<1024x160xf32, #tpu.memory_space<vmem_shared>>
      tpu.wait_indirect_dma semaphore(%run_scoped3A : memref<!tpu.dma_semaphore, #tpu.memory_space<semaphore_mem>>) src(%arg9 : memref<104x160xf32, #tpu.memory_space<vmem>>) dst(%dma_wait3A_26 : memref<1024x160xf32, #tpu.memory_space<vmem_shared>>)
      tpu.yield
    }) : () -> ()
    %scan3A_12 = arith.constant 1 : i32
    "tpu.region"() ({
      %run_scoped3A = tpu.sem_alloc : memref<!tpu.dma_semaphore, #tpu.memory_space<semaphore_mem>>
      tpu.enqueue_dma source(%arg3 : memref<3328xi32, #tpu.memory_space<hbm>>) target(%arg10 : memref<3328xi32, #tpu.memory_space<vmem>>) target_semaphore(%run_scoped3A : memref<!tpu.dma_semaphore, #tpu.memory_space<semaphore_mem>>)
      tpu.wait_dma2 semaphore(%run_scoped3A : memref<!tpu.dma_semaphore, #tpu.memory_space<semaphore_mem>>) src(%arg3 : memref<3328xi32, #tpu.memory_space<hbm>>) dst(%arg10 : memref<3328xi32, #tpu.memory_space<vmem>>)
      tpu.yield
    }) : () -> ()
    %mul3A_13 = arith.constant 784 : i32
    %mul3A_14 = arith.muli %add3A, %mul3A_13 : i32
    "tpu.region"() ({
      %run_scoped3A = tpu.sem_alloc : memref<!tpu.dma_semaphore, #tpu.memory_space<semaphore_mem>>
      %dma_start3A = tpu.memref_slice %arg4[%mul3A_14] : memref<25088xi32, #tpu.memory_space<hbm>> -> memref<784xi32, #tpu.memory_space<hbm>>
      %dma_start3A_23 = tpu.memref_slice %arg4[%mul3A_14] : memref<25088xi32, #tpu.memory_space<hbm>> -> memref<784xi32, #tpu.memory_space<hbm>>
      tpu.enqueue_dma source(%dma_start3A_23 : memref<784xi32, #tpu.memory_space<hbm>>) target(%arg11 : memref<784xi32, #tpu.memory_space<vmem>>) target_semaphore(%run_scoped3A : memref<!tpu.dma_semaphore, #tpu.memory_space<semaphore_mem>>)
      %dma_wait3A = tpu.memref_slice %arg4[%mul3A_14] : memref<25088xi32, #tpu.memory_space<hbm>> -> memref<784xi32, #tpu.memory_space<hbm>>
      %dma_wait3A_24 = tpu.memref_slice %arg4[%mul3A_14] : memref<25088xi32, #tpu.memory_space<hbm>> -> memref<784xi32, #tpu.memory_space<hbm>>
      tpu.wait_dma2 semaphore(%run_scoped3A : memref<!tpu.dma_semaphore, #tpu.memory_space<semaphore_mem>>) src(%dma_wait3A_24 : memref<784xi32, #tpu.memory_space<hbm>>) dst(%arg11 : memref<784xi32, #tpu.memory_space<vmem>>)
      tpu.yield
    }) : () -> ()
    %scan3A_15 = arith.constant 0 : i32
    %scan3A_16 = arith.constant 49 : i32
    %scan3A_17 = arith.addi %scan3A_15, %scan3A_16 : i32
    %scan3A_18 = arith.constant 1 : i32
    scf.for %scan3A_23 = %scan3A_15 to %scan3A_17 step %scan3A_18  : i32 {
      %mul3A_24 = arith.constant 1 : i32
      %mul3A_25 = arith.muli %scan3A_23, %mul3A_24 : i32
      %add3A_26 = arith.constant 0 : i32
      %add3A_27 = arith.addi %add3A_26, %mul3A_25 : i32
      %mul3A_28 = arith.constant 16 : i32
      %mul3A_29 = arith.muli %add3A_27, %mul3A_28 : i32
      %get3A = arith.index_cast %mul3A_29 : i32 to index
      %get3A_30 = tpu.vector_load %arg11[%get3A] {strides = array<i32>} : memref<784xi32, #tpu.memory_space<vmem>>, vector<16xi32>,
      %gather3A = tpu.vector_load_idx %arg10[%get3A_30] : memref<3328xi32, #tpu.memory_space<vmem>>[vector<16xi32>], vector<16xi32>,
      %mul3A_31 = arith.constant 16 : i32
      %mul3A_32 = arith.muli %add3A_27, %mul3A_31 : i32
      %swap3A = arith.index_cast %mul3A_32 : i32 to index
      %swap3A_33 = tpu.vector_load %arg12[%swap3A] {strides = array<i32>} : memref<784xi32, #tpu.memory_space<vmem>>, vector<16xi32>,
      tpu.vector_store %arg12[%swap3A], %gather3A {strides = array<i32>} : memref<784xi32, #tpu.memory_space<vmem>>, vector<16xi32>,
    }
    %scan3A_19 = arith.constant 49 : i32
    %mul3A_20 = arith.constant 784 : i32
    %mul3A_21 = arith.muli %add3A, %mul3A_20 : i32
    "tpu.region"() ({
      %run_scoped3A = tpu.sem_alloc : memref<!tpu.dma_semaphore, #tpu.memory_space<semaphore_mem>>
      %dma_start3A = tpu.memref_slice %arg7[%mul3A_21] : memref<25088xi32, #tpu.memory_space<hbm>> -> memref<784xi32, #tpu.memory_space<hbm>>
      %dma_start3A_23 = tpu.memref_slice %arg7[%mul3A_21] : memref<25088xi32, #tpu.memory_space<hbm>> -> memref<784xi32, #tpu.memory_space<hbm>>
      tpu.enqueue_dma source(%arg12 : memref<784xi32, #tpu.memory_space<vmem>>) target(%dma_start3A_23 : memref<784xi32, #tpu.memory_space<hbm>>) target_semaphore(%run_scoped3A : memref<!tpu.dma_semaphore, #tpu.memory_space<semaphore_mem>>)
      %dma_wait3A = tpu.memref_slice %arg7[%mul3A_21] : memref<25088xi32, #tpu.memory_space<hbm>> -> memref<784xi32, #tpu.memory_space<hbm>>
      %dma_wait3A_24 = tpu.memref_slice %arg7[%mul3A_21] : memref<25088xi32, #tpu.memory_space<hbm>> -> memref<784xi32, #tpu.memory_space<hbm>>
      tpu.wait_dma2 semaphore(%run_scoped3A : memref<!tpu.dma_semaphore, #tpu.memory_space<semaphore_mem>>) src(%arg12 : memref<784xi32, #tpu.memory_space<vmem>>) dst(%dma_wait3A_24 : memref<784xi32, #tpu.memory_space<hbm>>)
      tpu.yield
    }) : () -> ()
    %barrier3A_22 = arith.constant 0 : index
    tpu.barrier barrier_id(%barrier3A_22)
    "tpu.region"() ({
      %run_scoped3A = tpu.sem_alloc : memref<!tpu.dma_semaphore, #tpu.memory_space<semaphore_mem>>
      %dma_start3A = arith.constant 0 : i32
      %dma_start3A_23 = tpu.memref_slice %arg6[%arg0, %mul3A_2, %dma_start3A] : memref<2x1024x160xf32, #tpu.memory_space<hbm>> -> memref<1x64x160xf32, #tpu.memory_space<hbm>>
      %dma_start3A_24 = tpu.memref_squeeze %dma_start3A_23 : memref<1x64x160xf32, #tpu.memory_space<hbm>> -> memref<64x160xf32, #tpu.memory_space<hbm>>
      %dma_start3A_25 = arith.constant 0 : i32
      %dma_start3A_26 = tpu.memref_slice %arg13[%mul3A_2, %dma_start3A_25] : memref<1024x160xf32, #tpu.memory_space<vmem_shared>> -> memref<64x160xf32, #tpu.memory_space<vmem_shared>>
      tpu.enqueue_dma source(%dma_start3A_26 : memref<64x160xf32, #tpu.memory_space<vmem_shared>>) target(%dma_start3A_24 : memref<64x160xf32, #tpu.memory_space<hbm>>) target_semaphore(%run_scoped3A : memref<!tpu.dma_semaphore, #tpu.memory_space<semaphore_mem>>)
      %dma_wait3A = arith.constant 0 : i32
      %dma_wait3A_27 = tpu.memref_slice %arg6[%arg0, %mul3A_2, %dma_wait3A] : memref<2x1024x160xf32, #tpu.memory_space<hbm>> -> memref<1x64x160xf32, #tpu.memory_space<hbm>>
      %dma_wait3A_28 = tpu.memref_squeeze %dma_wait3A_27 : memref<1x64x160xf32, #tpu.memory_space<hbm>> -> memref<64x160xf32, #tpu.memory_space<hbm>>
      %dma_wait3A_29 = arith.constant 0 : i32
      %dma_wait3A_30 = tpu.memref_slice %arg13[%mul3A_2, %dma_wait3A_29] : memref<1024x160xf32, #tpu.memory_space<vmem_shared>> -> memref<64x160xf32, #tpu.memory_space<vmem_shared>>
      tpu.wait_dma2 semaphore(%run_scoped3A : memref<!tpu.dma_semaphore, #tpu.memory_space<semaphore_mem>>) src(%dma_wait3A_30 : memref<64x160xf32, #tpu.memory_space<vmem_shared>>) dst(%dma_wait3A_28 : memref<64x160xf32, #tpu.memory_space<hbm>>)
      tpu.yield
    }) : () -> ()
    return
  }
}

#map = affine_map<(d0, d1) -> (0, 0)>
#map1 = affine_map<(d0, d1) -> (0)>
#map2 = affine_map<(d0, d1) -> (0, 0, 0)>
module attributes {stable_mosaic.version = 14 : i64} {
  func.func @sc_pool_3(%arg0: i32, %arg1: i32, %arg2: memref<1024x288xf32, #tpu.memory_space<hbm>>, %arg3: memref<1024xi32, #tpu.memory_space<hbm>>, %arg4: memref<6656xi32, #tpu.memory_space<hbm>>, %arg5: memref<256x288xf32, #tpu.memory_space<hbm>>, %arg6: memref<2x256x288xf32, #tpu.memory_space<hbm>>, %arg7: memref<6656xi32, #tpu.memory_space<hbm>>, %arg8: memref<32xi32, #tpu.memory_space<vmem>>, %arg9: memref<32x288xf32, #tpu.memory_space<vmem>>, %arg10: memref<1024xi32, #tpu.memory_space<vmem>>, %arg11: memref<208xi32, #tpu.memory_space<vmem>>, %arg12: memref<208xi32, #tpu.memory_space<vmem>>, %arg13: memref<256x288xf32, #tpu.memory_space<vmem_shared>>) attributes {dimension_semantics = [#tpu.dimension_semantics<core_parallel>, #tpu.dimension_semantics<subcore_parallel>], iteration_bounds = array<i64: 2, 16>, scalar_prefetch = 0 : i64, scratch_operands = 6 : i64, tpu.core_type = #tpu.core_type<sc_vector_subcore>, window_params = [{transform_indices = #map}, {transform_indices = #map1}, {transform_indices = #map1}, {transform_indices = #map}, {transform_indices = #map2}, {transform_indices = #map1}]} {
    %mul3A = arith.constant 2 : i32
    %mul3A_0 = arith.muli %arg1, %mul3A : i32
    %add3A = arith.addi %mul3A_0, %arg0 : i32
    %mul3A_1 = arith.constant 16 : i32
    %mul3A_2 = arith.muli %arg1, %mul3A_1 : i32
    "tpu.region"() ({
      %run_scoped3A = tpu.sem_alloc : memref<!tpu.dma_semaphore, #tpu.memory_space<semaphore_mem>>
      %dma_start3A = arith.constant 0 : i32
      %dma_start3A_23 = tpu.memref_slice %arg13[%mul3A_2, %dma_start3A] : memref<256x288xf32, #tpu.memory_space<vmem_shared>> -> memref<16x288xf32, #tpu.memory_space<vmem_shared>>
      %dma_start3A_24 = arith.constant 0 : i32
      %dma_start3A_25 = tpu.memref_slice %arg5[%mul3A_2, %dma_start3A_24] : memref<256x288xf32, #tpu.memory_space<hbm>> -> memref<16x288xf32, #tpu.memory_space<hbm>>
      tpu.enqueue_dma source(%dma_start3A_25 : memref<16x288xf32, #tpu.memory_space<hbm>>) target(%dma_start3A_23 : memref<16x288xf32, #tpu.memory_space<vmem_shared>>) target_semaphore(%run_scoped3A : memref<!tpu.dma_semaphore, #tpu.memory_space<semaphore_mem>>)
      %dma_wait3A = arith.constant 0 : i32
      %dma_wait3A_26 = tpu.memref_slice %arg13[%mul3A_2, %dma_wait3A] : memref<256x288xf32, #tpu.memory_space<vmem_shared>> -> memref<16x288xf32, #tpu.memory_space<vmem_shared>>
      %dma_wait3A_27 = arith.constant 0 : i32
      %dma_wait3A_28 = tpu.memref_slice %arg5[%mul3A_2, %dma_wait3A_27] : memref<256x288xf32, #tpu.memory_space<hbm>> -> memref<16x288xf32, #tpu.memory_space<hbm>>
      tpu.wait_dma2 semaphore(%run_scoped3A : memref<!tpu.dma_semaphore, #tpu.memory_space<semaphore_mem>>) src(%dma_wait3A_28 : memref<16x288xf32, #tpu.memory_space<hbm>>) dst(%dma_wait3A_26 : memref<16x288xf32, #tpu.memory_space<vmem_shared>>)
      tpu.yield
    }) : () -> ()
    %barrier3A = arith.constant 0 : index
    tpu.barrier barrier_id(%barrier3A)
    %mul3A_3 = arith.constant 32 : i32
    %mul3A_4 = arith.muli %add3A, %mul3A_3 : i32
    %scan3A = arith.constant 0 : i32
    %mul3A_5 = arith.constant 1 : i32
    %mul3A_6 = arith.muli %scan3A, %mul3A_5 : i32
    %add3A_7 = arith.constant 0 : i32
    %add3A_8 = arith.addi %add3A_7, %mul3A_6 : i32
    %mul3A_9 = arith.constant 32 : i32
    %mul3A_10 = arith.muli %add3A_8, %mul3A_9 : i32
    %add3A_11 = arith.addi %mul3A_4, %mul3A_10 : i32
    %multiple_of3A = tpu.assume_multiple %add3A_11, 32 : i32
    "tpu.region"() ({
      %run_scoped3A = tpu.sem_alloc : memref<!tpu.dma_semaphore, #tpu.memory_space<semaphore_mem>>
      %dma_start3A = tpu.memref_slice %arg3[%multiple_of3A] : memref<1024xi32, #tpu.memory_space<hbm>> -> memref<32xi32, #tpu.memory_space<hbm>>
      %dma_start3A_23 = tpu.memref_slice %arg3[%multiple_of3A] : memref<1024xi32, #tpu.memory_space<hbm>> -> memref<32xi32, #tpu.memory_space<hbm>>
      tpu.enqueue_dma source(%dma_start3A_23 : memref<32xi32, #tpu.memory_space<hbm>>) target(%arg8 : memref<32xi32, #tpu.memory_space<vmem>>) target_semaphore(%run_scoped3A : memref<!tpu.dma_semaphore, #tpu.memory_space<semaphore_mem>>)
      %dma_wait3A = tpu.memref_slice %arg3[%multiple_of3A] : memref<1024xi32, #tpu.memory_space<hbm>> -> memref<32xi32, #tpu.memory_space<hbm>>
      %dma_wait3A_24 = tpu.memref_slice %arg3[%multiple_of3A] : memref<1024xi32, #tpu.memory_space<hbm>> -> memref<32xi32, #tpu.memory_space<hbm>>
      tpu.wait_dma2 semaphore(%run_scoped3A : memref<!tpu.dma_semaphore, #tpu.memory_space<semaphore_mem>>) src(%dma_wait3A_24 : memref<32xi32, #tpu.memory_space<hbm>>) dst(%arg8 : memref<32xi32, #tpu.memory_space<vmem>>)
      tpu.yield
    }) : () -> ()
    "tpu.region"() ({
      %run_scoped3A = tpu.sem_alloc : memref<!tpu.dma_semaphore, #tpu.memory_space<semaphore_mem>>
      %dma_start3A = arith.constant 0 : i32
      %dma_start3A_23 = tpu.memref_slice %arg2[%multiple_of3A, %dma_start3A] : memref<1024x288xf32, #tpu.memory_space<hbm>> -> memref<32x288xf32, #tpu.memory_space<hbm>>
      %dma_start3A_24 = arith.constant 0 : i32
      %dma_start3A_25 = tpu.memref_slice %arg2[%multiple_of3A, %dma_start3A_24] : memref<1024x288xf32, #tpu.memory_space<hbm>> -> memref<32x288xf32, #tpu.memory_space<hbm>>
      tpu.enqueue_dma source(%dma_start3A_25 : memref<32x288xf32, #tpu.memory_space<hbm>>) target(%arg9 : memref<32x288xf32, #tpu.memory_space<vmem>>) target_semaphore(%run_scoped3A : memref<!tpu.dma_semaphore, #tpu.memory_space<semaphore_mem>>)
      %dma_wait3A = arith.constant 0 : i32
      %dma_wait3A_26 = tpu.memref_slice %arg2[%multiple_of3A, %dma_wait3A] : memref<1024x288xf32, #tpu.memory_space<hbm>> -> memref<32x288xf32, #tpu.memory_space<hbm>>
      %dma_wait3A_27 = arith.constant 0 : i32
      %dma_wait3A_28 = tpu.memref_slice %arg2[%multiple_of3A, %dma_wait3A_27] : memref<1024x288xf32, #tpu.memory_space<hbm>> -> memref<32x288xf32, #tpu.memory_space<hbm>>
      tpu.wait_dma2 semaphore(%run_scoped3A : memref<!tpu.dma_semaphore, #tpu.memory_space<semaphore_mem>>) src(%dma_wait3A_28 : memref<32x288xf32, #tpu.memory_space<hbm>>) dst(%arg9 : memref<32x288xf32, #tpu.memory_space<vmem>>)
      tpu.yield
    }) : () -> ()
    "tpu.region"() ({
      %run_scoped3A = tpu.sem_alloc : memref<!tpu.dma_semaphore, #tpu.memory_space<semaphore_mem>>
      %dma_start3A = arith.constant 0 : i32
      %dma_start3A_23 = arith.constant 0 : i32
      %dma_start3A_24 = tpu.memref_slice %arg13[%dma_start3A, %dma_start3A_23] : memref<256x288xf32, #tpu.memory_space<vmem_shared>> -> memref<256x288xf32, #tpu.memory_space<vmem_shared>>
      tpu.enqueue_indirect_dma source(%arg9 : memref<32x288xf32, #tpu.memory_space<vmem>>) target(%dma_start3A_24 : memref<256x288xf32, #tpu.memory_space<vmem_shared>>) offsets(%arg8 : memref<32xi32, #tpu.memory_space<vmem>>) semaphore(%run_scoped3A : memref<!tpu.dma_semaphore, #tpu.memory_space<semaphore_mem>>) {add = true}
      %dma_wait3A = arith.constant 0 : i32
      %dma_wait3A_25 = arith.constant 0 : i32
      %dma_wait3A_26 = tpu.memref_slice %arg13[%dma_wait3A, %dma_wait3A_25] : memref<256x288xf32, #tpu.memory_space<vmem_shared>> -> memref<256x288xf32, #tpu.memory_space<vmem_shared>>
      tpu.wait_indirect_dma semaphore(%run_scoped3A : memref<!tpu.dma_semaphore, #tpu.memory_space<semaphore_mem>>) src(%arg9 : memref<32x288xf32, #tpu.memory_space<vmem>>) dst(%dma_wait3A_26 : memref<256x288xf32, #tpu.memory_space<vmem_shared>>)
      tpu.yield
    }) : () -> ()
    %scan3A_12 = arith.constant 1 : i32
    "tpu.region"() ({
      %run_scoped3A = tpu.sem_alloc : memref<!tpu.dma_semaphore, #tpu.memory_space<semaphore_mem>>
      tpu.enqueue_dma source(%arg3 : memref<1024xi32, #tpu.memory_space<hbm>>) target(%arg10 : memref<1024xi32, #tpu.memory_space<vmem>>) target_semaphore(%run_scoped3A : memref<!tpu.dma_semaphore, #tpu.memory_space<semaphore_mem>>)
      tpu.wait_dma2 semaphore(%run_scoped3A : memref<!tpu.dma_semaphore, #tpu.memory_space<semaphore_mem>>) src(%arg3 : memref<1024xi32, #tpu.memory_space<hbm>>) dst(%arg10 : memref<1024xi32, #tpu.memory_space<vmem>>)
      tpu.yield
    }) : () -> ()
    %mul3A_13 = arith.constant 208 : i32
    %mul3A_14 = arith.muli %add3A, %mul3A_13 : i32
    "tpu.region"() ({
      %run_scoped3A = tpu.sem_alloc : memref<!tpu.dma_semaphore, #tpu.memory_space<semaphore_mem>>
      %dma_start3A = tpu.memref_slice %arg4[%mul3A_14] : memref<6656xi32, #tpu.memory_space<hbm>> -> memref<208xi32, #tpu.memory_space<hbm>>
      %dma_start3A_23 = tpu.memref_slice %arg4[%mul3A_14] : memref<6656xi32, #tpu.memory_space<hbm>> -> memref<208xi32, #tpu.memory_space<hbm>>
      tpu.enqueue_dma source(%dma_start3A_23 : memref<208xi32, #tpu.memory_space<hbm>>) target(%arg11 : memref<208xi32, #tpu.memory_space<vmem>>) target_semaphore(%run_scoped3A : memref<!tpu.dma_semaphore, #tpu.memory_space<semaphore_mem>>)
      %dma_wait3A = tpu.memref_slice %arg4[%mul3A_14] : memref<6656xi32, #tpu.memory_space<hbm>> -> memref<208xi32, #tpu.memory_space<hbm>>
      %dma_wait3A_24 = tpu.memref_slice %arg4[%mul3A_14] : memref<6656xi32, #tpu.memory_space<hbm>> -> memref<208xi32, #tpu.memory_space<hbm>>
      tpu.wait_dma2 semaphore(%run_scoped3A : memref<!tpu.dma_semaphore, #tpu.memory_space<semaphore_mem>>) src(%dma_wait3A_24 : memref<208xi32, #tpu.memory_space<hbm>>) dst(%arg11 : memref<208xi32, #tpu.memory_space<vmem>>)
      tpu.yield
    }) : () -> ()
    %scan3A_15 = arith.constant 0 : i32
    %scan3A_16 = arith.constant 13 : i32
    %scan3A_17 = arith.addi %scan3A_15, %scan3A_16 : i32
    %scan3A_18 = arith.constant 1 : i32
    scf.for %scan3A_23 = %scan3A_15 to %scan3A_17 step %scan3A_18  : i32 {
      %mul3A_24 = arith.constant 1 : i32
      %mul3A_25 = arith.muli %scan3A_23, %mul3A_24 : i32
      %add3A_26 = arith.constant 0 : i32
      %add3A_27 = arith.addi %add3A_26, %mul3A_25 : i32
      %mul3A_28 = arith.constant 16 : i32
      %mul3A_29 = arith.muli %add3A_27, %mul3A_28 : i32
      %get3A = arith.index_cast %mul3A_29 : i32 to index
      %get3A_30 = tpu.vector_load %arg11[%get3A] {strides = array<i32>} : memref<208xi32, #tpu.memory_space<vmem>>, vector<16xi32>,
      %gather3A = tpu.vector_load_idx %arg10[%get3A_30] : memref<1024xi32, #tpu.memory_space<vmem>>[vector<16xi32>], vector<16xi32>,
      %mul3A_31 = arith.constant 16 : i32
      %mul3A_32 = arith.muli %add3A_27, %mul3A_31 : i32
      %swap3A = arith.index_cast %mul3A_32 : i32 to index
      %swap3A_33 = tpu.vector_load %arg12[%swap3A] {strides = array<i32>} : memref<208xi32, #tpu.memory_space<vmem>>, vector<16xi32>,
      tpu.vector_store %arg12[%swap3A], %gather3A {strides = array<i32>} : memref<208xi32, #tpu.memory_space<vmem>>, vector<16xi32>,
    }
    %scan3A_19 = arith.constant 13 : i32
    %mul3A_20 = arith.constant 208 : i32
    %mul3A_21 = arith.muli %add3A, %mul3A_20 : i32
    "tpu.region"() ({
      %run_scoped3A = tpu.sem_alloc : memref<!tpu.dma_semaphore, #tpu.memory_space<semaphore_mem>>
      %dma_start3A = tpu.memref_slice %arg7[%mul3A_21] : memref<6656xi32, #tpu.memory_space<hbm>> -> memref<208xi32, #tpu.memory_space<hbm>>
      %dma_start3A_23 = tpu.memref_slice %arg7[%mul3A_21] : memref<6656xi32, #tpu.memory_space<hbm>> -> memref<208xi32, #tpu.memory_space<hbm>>
      tpu.enqueue_dma source(%arg12 : memref<208xi32, #tpu.memory_space<vmem>>) target(%dma_start3A_23 : memref<208xi32, #tpu.memory_space<hbm>>) target_semaphore(%run_scoped3A : memref<!tpu.dma_semaphore, #tpu.memory_space<semaphore_mem>>)
      %dma_wait3A = tpu.memref_slice %arg7[%mul3A_21] : memref<6656xi32, #tpu.memory_space<hbm>> -> memref<208xi32, #tpu.memory_space<hbm>>
      %dma_wait3A_24 = tpu.memref_slice %arg7[%mul3A_21] : memref<6656xi32, #tpu.memory_space<hbm>> -> memref<208xi32, #tpu.memory_space<hbm>>
      tpu.wait_dma2 semaphore(%run_scoped3A : memref<!tpu.dma_semaphore, #tpu.memory_space<semaphore_mem>>) src(%arg12 : memref<208xi32, #tpu.memory_space<vmem>>) dst(%dma_wait3A_24 : memref<208xi32, #tpu.memory_space<hbm>>)
      tpu.yield
    }) : () -> ()
    %barrier3A_22 = arith.constant 0 : index
    tpu.barrier barrier_id(%barrier3A_22)
    "tpu.region"() ({
      %run_scoped3A = tpu.sem_alloc : memref<!tpu.dma_semaphore, #tpu.memory_space<semaphore_mem>>
      %dma_start3A = arith.constant 0 : i32
      %dma_start3A_23 = tpu.memref_slice %arg6[%arg0, %mul3A_2, %dma_start3A] : memref<2x256x288xf32, #tpu.memory_space<hbm>> -> memref<1x16x288xf32, #tpu.memory_space<hbm>>
      %dma_start3A_24 = tpu.memref_squeeze %dma_start3A_23 : memref<1x16x288xf32, #tpu.memory_space<hbm>> -> memref<16x288xf32, #tpu.memory_space<hbm>>
      %dma_start3A_25 = arith.constant 0 : i32
      %dma_start3A_26 = tpu.memref_slice %arg13[%mul3A_2, %dma_start3A_25] : memref<256x288xf32, #tpu.memory_space<vmem_shared>> -> memref<16x288xf32, #tpu.memory_space<vmem_shared>>
      tpu.enqueue_dma source(%dma_start3A_26 : memref<16x288xf32, #tpu.memory_space<vmem_shared>>) target(%dma_start3A_24 : memref<16x288xf32, #tpu.memory_space<hbm>>) target_semaphore(%run_scoped3A : memref<!tpu.dma_semaphore, #tpu.memory_space<semaphore_mem>>)
      %dma_wait3A = arith.constant 0 : i32
      %dma_wait3A_27 = tpu.memref_slice %arg6[%arg0, %mul3A_2, %dma_wait3A] : memref<2x256x288xf32, #tpu.memory_space<hbm>> -> memref<1x16x288xf32, #tpu.memory_space<hbm>>
      %dma_wait3A_28 = tpu.memref_squeeze %dma_wait3A_27 : memref<1x16x288xf32, #tpu.memory_space<hbm>> -> memref<16x288xf32, #tpu.memory_space<hbm>>
      %dma_wait3A_29 = arith.constant 0 : i32
      %dma_wait3A_30 = tpu.memref_slice %arg13[%mul3A_2, %dma_wait3A_29] : memref<256x288xf32, #tpu.memory_space<vmem_shared>> -> memref<16x288xf32, #tpu.memory_space<vmem_shared>>
      tpu.wait_dma2 semaphore(%run_scoped3A : memref<!tpu.dma_semaphore, #tpu.memory_space<semaphore_mem>>) src(%dma_wait3A_30 : memref<16x288xf32, #tpu.memory_space<vmem_shared>>) dst(%dma_wait3A_28 : memref<16x288xf32, #tpu.memory_space<hbm>>)
      tpu.yield
    }) : () -> ()
    return
  }
}

#map = affine_map<(d0, d1) -> (0, 0)>
#map1 = affine_map<(d0, d1) -> (0)>
#map2 = affine_map<(d0, d1) -> (0, 0, 0)>
module attributes {stable_mosaic.version = 14 : i64} {
  func.func @sc_mp_l3(%arg0: i32, %arg1: i32, %arg2: memref<1024x256xf32, #tpu.memory_space<hbm>>, %arg3: memref<16384xi32, #tpu.memory_space<hbm>>, %arg4: memref<16384xi32, #tpu.memory_space<hbm>>, %arg5: memref<128x16xf32, #tpu.memory_space<hbm>>, %arg6: memref<1024x256xf32, #tpu.memory_space<hbm>>, %arg7: memref<1024x16xf32, #tpu.memory_space<hbm>>, %arg8: memref<2x1024x256xf32, #tpu.memory_space<hbm>>, %arg9: memref<2x1024x16xf32, #tpu.memory_space<hbm>>, %arg10: memref<128xi32, #tpu.memory_space<vmem>>, %arg11: memref<128xi32, #tpu.memory_space<vmem>>, %arg12: memref<128x256xf32, #tpu.memory_space<vmem>>, %arg13: memref<128x16xf32, #tpu.memory_space<vmem>>, %arg14: memref<1024x256xf32, #tpu.memory_space<vmem_shared>>, %arg15: memref<1024x16xf32, #tpu.memory_space<vmem_shared>>, %arg16: memref<!tpu.dma_semaphore, #tpu.memory_space<semaphore_mem>>) attributes {dimension_semantics = [#tpu.dimension_semantics<core_parallel>, #tpu.dimension_semantics<subcore_parallel>], iteration_bounds = array<i64: 2, 16>, scalar_prefetch = 0 : i64, scratch_operands = 7 : i64, tpu.core_type = #tpu.core_type<sc_vector_subcore>, window_params = [{transform_indices = #map}, {transform_indices = #map1}, {transform_indices = #map1}, {transform_indices = #map}, {transform_indices = #map}, {transform_indices = #map}, {transform_indices = #map2}, {transform_indices = #map2}]} {
    %mul3A = arith.constant 2 : i32
    %mul3A_0 = arith.muli %arg1, %mul3A : i32
    %add3A = arith.addi %mul3A_0, %arg0 : i32
    %mul3A_1 = arith.constant 64 : i32
    %mul3A_2 = arith.muli %arg1, %mul3A_1 : i32
    "tpu.region"() ({
      %run_scoped3A = tpu.sem_alloc : memref<!tpu.dma_semaphore, #tpu.memory_space<semaphore_mem>>
      %dma_start3A = arith.constant 0 : i32
      %dma_start3A_10 = tpu.memref_slice %arg14[%mul3A_2, %dma_start3A] : memref<1024x256xf32, #tpu.memory_space<vmem_shared>> -> memref<64x256xf32, #tpu.memory_space<vmem_shared>>
      %dma_start3A_11 = arith.constant 0 : i32
      %dma_start3A_12 = tpu.memref_slice %arg6[%mul3A_2, %dma_start3A_11] : memref<1024x256xf32, #tpu.memory_space<hbm>> -> memref<64x256xf32, #tpu.memory_space<hbm>>
      tpu.enqueue_dma source(%dma_start3A_12 : memref<64x256xf32, #tpu.memory_space<hbm>>) target(%dma_start3A_10 : memref<64x256xf32, #tpu.memory_space<vmem_shared>>) target_semaphore(%run_scoped3A : memref<!tpu.dma_semaphore, #tpu.memory_space<semaphore_mem>>)
      %dma_wait3A = arith.constant 0 : i32
      %dma_wait3A_13 = tpu.memref_slice %arg14[%mul3A_2, %dma_wait3A] : memref<1024x256xf32, #tpu.memory_space<vmem_shared>> -> memref<64x256xf32, #tpu.memory_space<vmem_shared>>
      %dma_wait3A_14 = arith.constant 0 : i32
      %dma_wait3A_15 = tpu.memref_slice %arg6[%mul3A_2, %dma_wait3A_14] : memref<1024x256xf32, #tpu.memory_space<hbm>> -> memref<64x256xf32, #tpu.memory_space<hbm>>
      tpu.wait_dma2 semaphore(%run_scoped3A : memref<!tpu.dma_semaphore, #tpu.memory_space<semaphore_mem>>) src(%dma_wait3A_15 : memref<64x256xf32, #tpu.memory_space<hbm>>) dst(%dma_wait3A_13 : memref<64x256xf32, #tpu.memory_space<vmem_shared>>)
      tpu.yield
    }) : () -> ()
    "tpu.region"() ({
      %run_scoped3A = tpu.sem_alloc : memref<!tpu.dma_semaphore, #tpu.memory_space<semaphore_mem>>
      %dma_start3A = arith.constant 0 : i32
      %dma_start3A_10 = tpu.memref_slice %arg15[%mul3A_2, %dma_start3A] : memref<1024x16xf32, #tpu.memory_space<vmem_shared>> -> memref<64x16xf32, #tpu.memory_space<vmem_shared>>
      %dma_start3A_11 = arith.constant 0 : i32
      %dma_start3A_12 = tpu.memref_slice %arg7[%mul3A_2, %dma_start3A_11] : memref<1024x16xf32, #tpu.memory_space<hbm>> -> memref<64x16xf32, #tpu.memory_space<hbm>>
      tpu.enqueue_dma source(%dma_start3A_12 : memref<64x16xf32, #tpu.memory_space<hbm>>) target(%dma_start3A_10 : memref<64x16xf32, #tpu.memory_space<vmem_shared>>) target_semaphore(%run_scoped3A : memref<!tpu.dma_semaphore, #tpu.memory_space<semaphore_mem>>)
      %dma_wait3A = arith.constant 0 : i32
      %dma_wait3A_13 = tpu.memref_slice %arg15[%mul3A_2, %dma_wait3A] : memref<1024x16xf32, #tpu.memory_space<vmem_shared>> -> memref<64x16xf32, #tpu.memory_space<vmem_shared>>
      %dma_wait3A_14 = arith.constant 0 : i32
      %dma_wait3A_15 = tpu.memref_slice %arg7[%mul3A_2, %dma_wait3A_14] : memref<1024x16xf32, #tpu.memory_space<hbm>> -> memref<64x16xf32, #tpu.memory_space<hbm>>
      tpu.wait_dma2 semaphore(%run_scoped3A : memref<!tpu.dma_semaphore, #tpu.memory_space<semaphore_mem>>) src(%dma_wait3A_15 : memref<64x16xf32, #tpu.memory_space<hbm>>) dst(%dma_wait3A_13 : memref<64x16xf32, #tpu.memory_space<vmem_shared>>)
      tpu.yield
    }) : () -> ()
    "tpu.region"() ({
      %run_scoped3A = tpu.sem_alloc : memref<!tpu.dma_semaphore, #tpu.memory_space<semaphore_mem>>
      tpu.enqueue_dma source(%arg5 : memref<128x16xf32, #tpu.memory_space<hbm>>) target(%arg13 : memref<128x16xf32, #tpu.memory_space<vmem>>) target_semaphore(%run_scoped3A : memref<!tpu.dma_semaphore, #tpu.memory_space<semaphore_mem>>)
      tpu.wait_dma2 semaphore(%run_scoped3A : memref<!tpu.dma_semaphore, #tpu.memory_space<semaphore_mem>>) src(%arg5 : memref<128x16xf32, #tpu.memory_space<hbm>>) dst(%arg13 : memref<128x16xf32, #tpu.memory_space<vmem>>)
      tpu.yield
    }) : () -> ()
    %barrier3A = arith.constant 0 : index
    tpu.barrier barrier_id(%barrier3A)
    %mul3A_3 = arith.constant 512 : i32
    %mul3A_4 = arith.muli %add3A, %mul3A_3 : i32
    %scan3A = arith.constant 0 : i32
    %scan3A_5 = arith.constant 4 : i32
    %scan3A_6 = arith.addi %scan3A, %scan3A_5 : i32
    %scan3A_7 = arith.constant 1 : i32
    scf.for %scan3A_10 = %scan3A to %scan3A_6 step %scan3A_7  : i32 {
      %mul3A_11 = arith.constant 1 : i32
      %mul3A_12 = arith.muli %scan3A_10, %mul3A_11 : i32
      %add3A_13 = arith.constant 0 : i32
      %add3A_14 = arith.addi %add3A_13, %mul3A_12 : i32
      %mul3A_15 = arith.constant 128 : i32
      %mul3A_16 = arith.muli %add3A_14, %mul3A_15 : i32
      %add3A_17 = arith.addi %mul3A_4, %mul3A_16 : i32
      %multiple_of3A = tpu.assume_multiple %add3A_17, 128 : i32
      "tpu.region"() ({
        %run_scoped3A = tpu.sem_alloc : memref<!tpu.dma_semaphore, #tpu.memory_space<semaphore_mem>>
        %dma_start3A_22 = tpu.memref_slice %arg3[%multiple_of3A] : memref<16384xi32, #tpu.memory_space<hbm>> -> memref<128xi32, #tpu.memory_space<hbm>>
        %dma_start3A_23 = tpu.memref_slice %arg3[%multiple_of3A] : memref<16384xi32, #tpu.memory_space<hbm>> -> memref<128xi32, #tpu.memory_space<hbm>>
        tpu.enqueue_dma source(%dma_start3A_23 : memref<128xi32, #tpu.memory_space<hbm>>) target(%arg10 : memref<128xi32, #tpu.memory_space<vmem>>) target_semaphore(%run_scoped3A : memref<!tpu.dma_semaphore, #tpu.memory_space<semaphore_mem>>)
        %dma_wait3A_24 = tpu.memref_slice %arg3[%multiple_of3A] : memref<16384xi32, #tpu.memory_space<hbm>> -> memref<128xi32, #tpu.memory_space<hbm>>
        %dma_wait3A_25 = tpu.memref_slice %arg3[%multiple_of3A] : memref<16384xi32, #tpu.memory_space<hbm>> -> memref<128xi32, #tpu.memory_space<hbm>>
        tpu.wait_dma2 semaphore(%run_scoped3A : memref<!tpu.dma_semaphore, #tpu.memory_space<semaphore_mem>>) src(%dma_wait3A_25 : memref<128xi32, #tpu.memory_space<hbm>>) dst(%arg10 : memref<128xi32, #tpu.memory_space<vmem>>)
        tpu.yield
      }) : () -> ()
      "tpu.region"() ({
        %run_scoped3A = tpu.sem_alloc : memref<!tpu.dma_semaphore, #tpu.memory_space<semaphore_mem>>
        %dma_start3A_22 = tpu.memref_slice %arg4[%multiple_of3A] : memref<16384xi32, #tpu.memory_space<hbm>> -> memref<128xi32, #tpu.memory_space<hbm>>
        %dma_start3A_23 = tpu.memref_slice %arg4[%multiple_of3A] : memref<16384xi32, #tpu.memory_space<hbm>> -> memref<128xi32, #tpu.memory_space<hbm>>
        tpu.enqueue_dma source(%dma_start3A_23 : memref<128xi32, #tpu.memory_space<hbm>>) target(%arg11 : memref<128xi32, #tpu.memory_space<vmem>>) target_semaphore(%run_scoped3A : memref<!tpu.dma_semaphore, #tpu.memory_space<semaphore_mem>>)
        %dma_wait3A_24 = tpu.memref_slice %arg4[%multiple_of3A] : memref<16384xi32, #tpu.memory_space<hbm>> -> memref<128xi32, #tpu.memory_space<hbm>>
        %dma_wait3A_25 = tpu.memref_slice %arg4[%multiple_of3A] : memref<16384xi32, #tpu.memory_space<hbm>> -> memref<128xi32, #tpu.memory_space<hbm>>
        tpu.wait_dma2 semaphore(%run_scoped3A : memref<!tpu.dma_semaphore, #tpu.memory_space<semaphore_mem>>) src(%dma_wait3A_25 : memref<128xi32, #tpu.memory_space<hbm>>) dst(%arg11 : memref<128xi32, #tpu.memory_space<vmem>>)
        tpu.yield
      }) : () -> ()
      %dma_start3A = arith.constant 0 : i32
      %dma_start3A_18 = arith.constant 0 : i32
      %dma_start3A_19 = tpu.memref_slice %arg2[%dma_start3A, %dma_start3A_18] : memref<1024x256xf32, #tpu.memory_space<hbm>> -> memref<1024x256xf32, #tpu.memory_space<hbm>>
      tpu.enqueue_indirect_dma source(%dma_start3A_19 : memref<1024x256xf32, #tpu.memory_space<hbm>>) target(%arg12 : memref<128x256xf32, #tpu.memory_space<vmem>>) offsets(%arg10 : memref<128xi32, #tpu.memory_space<vmem>>) semaphore(%arg16 : memref<!tpu.dma_semaphore, #tpu.memory_space<semaphore_mem>>)
      %dma_wait3A = arith.constant 0 : i32
      %dma_wait3A_20 = arith.constant 0 : i32
      %dma_wait3A_21 = tpu.memref_slice %arg2[%dma_wait3A, %dma_wait3A_20] : memref<1024x256xf32, #tpu.memory_space<hbm>> -> memref<1024x256xf32, #tpu.memory_space<hbm>>
      tpu.wait_indirect_dma semaphore(%arg16 : memref<!tpu.dma_semaphore, #tpu.memory_space<semaphore_mem>>) src(%dma_wait3A_21 : memref<1024x256xf32, #tpu.memory_space<hbm>>) dst(%arg12 : memref<128x256xf32, #tpu.memory_space<vmem>>)
      "tpu.region"() ({
        %run_scoped3A = tpu.sem_alloc : memref<!tpu.dma_semaphore, #tpu.memory_space<semaphore_mem>>
        %dma_start3A_22 = arith.constant 0 : i32
        %dma_start3A_23 = arith.constant 0 : i32
        %dma_start3A_24 = tpu.memref_slice %arg14[%dma_start3A_22, %dma_start3A_23] : memref<1024x256xf32, #tpu.memory_space<vmem_shared>> -> memref<1024x256xf32, #tpu.memory_space<vmem_shared>>
        tpu.enqueue_indirect_dma source(%arg12 : memref<128x256xf32, #tpu.memory_space<vmem>>) target(%dma_start3A_24 : memref<1024x256xf32, #tpu.memory_space<vmem_shared>>) offsets(%arg11 : memref<128xi32, #tpu.memory_space<vmem>>) semaphore(%run_scoped3A : memref<!tpu.dma_semaphore, #tpu.memory_space<semaphore_mem>>) {add = true}
        %dma_wait3A_25 = arith.constant 0 : i32
        %dma_wait3A_26 = arith.constant 0 : i32
        %dma_wait3A_27 = tpu.memref_slice %arg14[%dma_wait3A_25, %dma_wait3A_26] : memref<1024x256xf32, #tpu.memory_space<vmem_shared>> -> memref<1024x256xf32, #tpu.memory_space<vmem_shared>>
        tpu.wait_indirect_dma semaphore(%run_scoped3A : memref<!tpu.dma_semaphore, #tpu.memory_space<semaphore_mem>>) src(%arg12 : memref<128x256xf32, #tpu.memory_space<vmem>>) dst(%dma_wait3A_27 : memref<1024x256xf32, #tpu.memory_space<vmem_shared>>)
        tpu.yield
      }) : () -> ()
      "tpu.region"() ({
        %run_scoped3A = tpu.sem_alloc : memref<!tpu.dma_semaphore, #tpu.memory_space<semaphore_mem>>
        %dma_start3A_22 = arith.constant 0 : i32
        %dma_start3A_23 = arith.constant 0 : i32
        %dma_start3A_24 = tpu.memref_slice %arg15[%dma_start3A_22, %dma_start3A_23] : memref<1024x16xf32, #tpu.memory_space<vmem_shared>> -> memref<1024x16xf32, #tpu.memory_space<vmem_shared>>
        tpu.enqueue_indirect_dma source(%arg13 : memref<128x16xf32, #tpu.memory_space<vmem>>) target(%dma_start3A_24 : memref<1024x16xf32, #tpu.memory_space<vmem_shared>>) offsets(%arg11 : memref<128xi32, #tpu.memory_space<vmem>>) semaphore(%run_scoped3A : memref<!tpu.dma_semaphore, #tpu.memory_space<semaphore_mem>>) {add = true}
        %dma_wait3A_25 = arith.constant 0 : i32
        %dma_wait3A_26 = arith.constant 0 : i32
        %dma_wait3A_27 = tpu.memref_slice %arg15[%dma_wait3A_25, %dma_wait3A_26] : memref<1024x16xf32, #tpu.memory_space<vmem_shared>> -> memref<1024x16xf32, #tpu.memory_space<vmem_shared>>
        tpu.wait_indirect_dma semaphore(%run_scoped3A : memref<!tpu.dma_semaphore, #tpu.memory_space<semaphore_mem>>) src(%arg13 : memref<128x16xf32, #tpu.memory_space<vmem>>) dst(%dma_wait3A_27 : memref<1024x16xf32, #tpu.memory_space<vmem_shared>>)
        tpu.yield
      }) : () -> ()
    }
    %scan3A_8 = arith.constant 4 : i32
    %barrier3A_9 = arith.constant 0 : index
    tpu.barrier barrier_id(%barrier3A_9)
    "tpu.region"() ({
      %run_scoped3A = tpu.sem_alloc : memref<!tpu.dma_semaphore, #tpu.memory_space<semaphore_mem>>
      %dma_start3A = arith.constant 0 : i32
      %dma_start3A_10 = tpu.memref_slice %arg8[%arg0, %mul3A_2, %dma_start3A] : memref<2x1024x256xf32, #tpu.memory_space<hbm>> -> memref<1x64x256xf32, #tpu.memory_space<hbm>>
      %dma_start3A_11 = tpu.memref_squeeze %dma_start3A_10 : memref<1x64x256xf32, #tpu.memory_space<hbm>> -> memref<64x256xf32, #tpu.memory_space<hbm>>
      %dma_start3A_12 = arith.constant 0 : i32
      %dma_start3A_13 = tpu.memref_slice %arg14[%mul3A_2, %dma_start3A_12] : memref<1024x256xf32, #tpu.memory_space<vmem_shared>> -> memref<64x256xf32, #tpu.memory_space<vmem_shared>>
      tpu.enqueue_dma source(%dma_start3A_13 : memref<64x256xf32, #tpu.memory_space<vmem_shared>>) target(%dma_start3A_11 : memref<64x256xf32, #tpu.memory_space<hbm>>) target_semaphore(%run_scoped3A : memref<!tpu.dma_semaphore, #tpu.memory_space<semaphore_mem>>)
      %dma_wait3A = arith.constant 0 : i32
      %dma_wait3A_14 = tpu.memref_slice %arg8[%arg0, %mul3A_2, %dma_wait3A] : memref<2x1024x256xf32, #tpu.memory_space<hbm>> -> memref<1x64x256xf32, #tpu.memory_space<hbm>>
      %dma_wait3A_15 = tpu.memref_squeeze %dma_wait3A_14 : memref<1x64x256xf32, #tpu.memory_space<hbm>> -> memref<64x256xf32, #tpu.memory_space<hbm>>
      %dma_wait3A_16 = arith.constant 0 : i32
      %dma_wait3A_17 = tpu.memref_slice %arg14[%mul3A_2, %dma_wait3A_16] : memref<1024x256xf32, #tpu.memory_space<vmem_shared>> -> memref<64x256xf32, #tpu.memory_space<vmem_shared>>
      tpu.wait_dma2 semaphore(%run_scoped3A : memref<!tpu.dma_semaphore, #tpu.memory_space<semaphore_mem>>) src(%dma_wait3A_17 : memref<64x256xf32, #tpu.memory_space<vmem_shared>>) dst(%dma_wait3A_15 : memref<64x256xf32, #tpu.memory_space<hbm>>)
      tpu.yield
    }) : () -> ()
    "tpu.region"() ({
      %run_scoped3A = tpu.sem_alloc : memref<!tpu.dma_semaphore, #tpu.memory_space<semaphore_mem>>
      %dma_start3A = arith.constant 0 : i32
      %dma_start3A_10 = tpu.memref_slice %arg9[%arg0, %mul3A_2, %dma_start3A] : memref<2x1024x16xf32, #tpu.memory_space<hbm>> -> memref<1x64x16xf32, #tpu.memory_space<hbm>>
      %dma_start3A_11 = tpu.memref_squeeze %dma_start3A_10 : memref<1x64x16xf32, #tpu.memory_space<hbm>> -> memref<64x16xf32, #tpu.memory_space<hbm>>
      %dma_start3A_12 = arith.constant 0 : i32
      %dma_start3A_13 = tpu.memref_slice %arg15[%mul3A_2, %dma_start3A_12] : memref<1024x16xf32, #tpu.memory_space<vmem_shared>> -> memref<64x16xf32, #tpu.memory_space<vmem_shared>>
      tpu.enqueue_dma source(%dma_start3A_13 : memref<64x16xf32, #tpu.memory_space<vmem_shared>>) target(%dma_start3A_11 : memref<64x16xf32, #tpu.memory_space<hbm>>) target_semaphore(%run_scoped3A : memref<!tpu.dma_semaphore, #tpu.memory_space<semaphore_mem>>)
      %dma_wait3A = arith.constant 0 : i32
      %dma_wait3A_14 = tpu.memref_slice %arg9[%arg0, %mul3A_2, %dma_wait3A] : memref<2x1024x16xf32, #tpu.memory_space<hbm>> -> memref<1x64x16xf32, #tpu.memory_space<hbm>>
      %dma_wait3A_15 = tpu.memref_squeeze %dma_wait3A_14 : memref<1x64x16xf32, #tpu.memory_space<hbm>> -> memref<64x16xf32, #tpu.memory_space<hbm>>
      %dma_wait3A_16 = arith.constant 0 : i32
      %dma_wait3A_17 = tpu.memref_slice %arg15[%mul3A_2, %dma_wait3A_16] : memref<1024x16xf32, #tpu.memory_space<vmem_shared>> -> memref<64x16xf32, #tpu.memory_space<vmem_shared>>
      tpu.wait_dma2 semaphore(%run_scoped3A : memref<!tpu.dma_semaphore, #tpu.memory_space<semaphore_mem>>) src(%dma_wait3A_17 : memref<64x16xf32, #tpu.memory_space<vmem_shared>>) dst(%dma_wait3A_15 : memref<64x16xf32, #tpu.memory_space<hbm>>)
      tpu.yield
    }) : () -> ()
    return
  }
}

#map = affine_map<(d0, d1) -> (0, 0)>
#map1 = affine_map<(d0, d1) -> (0)>
#map2 = affine_map<(d0, d1) -> (0, 0, 0)>
module attributes {stable_mosaic.version = 14 : i64} {
  func.func @sc_mp_l4(%arg0: i32, %arg1: i32, %arg2: memref<256x256xf32, #tpu.memory_space<hbm>>, %arg3: memref<4096xi32, #tpu.memory_space<hbm>>, %arg4: memref<4096xi32, #tpu.memory_space<hbm>>, %arg5: memref<128x16xf32, #tpu.memory_space<hbm>>, %arg6: memref<256x256xf32, #tpu.memory_space<hbm>>, %arg7: memref<256x16xf32, #tpu.memory_space<hbm>>, %arg8: memref<2x256x256xf32, #tpu.memory_space<hbm>>, %arg9: memref<2x256x16xf32, #tpu.memory_space<hbm>>, %arg10: memref<128xi32, #tpu.memory_space<vmem>>, %arg11: memref<128xi32, #tpu.memory_space<vmem>>, %arg12: memref<128x256xf32, #tpu.memory_space<vmem>>, %arg13: memref<128x16xf32, #tpu.memory_space<vmem>>, %arg14: memref<256x256xf32, #tpu.memory_space<vmem_shared>>, %arg15: memref<256x16xf32, #tpu.memory_space<vmem_shared>>, %arg16: memref<!tpu.dma_semaphore, #tpu.memory_space<semaphore_mem>>) attributes {dimension_semantics = [#tpu.dimension_semantics<core_parallel>, #tpu.dimension_semantics<subcore_parallel>], iteration_bounds = array<i64: 2, 16>, scalar_prefetch = 0 : i64, scratch_operands = 7 : i64, tpu.core_type = #tpu.core_type<sc_vector_subcore>, window_params = [{transform_indices = #map}, {transform_indices = #map1}, {transform_indices = #map1}, {transform_indices = #map}, {transform_indices = #map}, {transform_indices = #map}, {transform_indices = #map2}, {transform_indices = #map2}]} {
    %mul3A = arith.constant 2 : i32
    %mul3A_0 = arith.muli %arg1, %mul3A : i32
    %add3A = arith.addi %mul3A_0, %arg0 : i32
    %mul3A_1 = arith.constant 16 : i32
    %mul3A_2 = arith.muli %arg1, %mul3A_1 : i32
    "tpu.region"() ({
      %run_scoped3A = tpu.sem_alloc : memref<!tpu.dma_semaphore, #tpu.memory_space<semaphore_mem>>
      %dma_start3A_18 = arith.constant 0 : i32
      %dma_start3A_19 = tpu.memref_slice %arg14[%mul3A_2, %dma_start3A_18] : memref<256x256xf32, #tpu.memory_space<vmem_shared>> -> memref<16x256xf32, #tpu.memory_space<vmem_shared>>
      %dma_start3A_20 = arith.constant 0 : i32
      %dma_start3A_21 = tpu.memref_slice %arg6[%mul3A_2, %dma_start3A_20] : memref<256x256xf32, #tpu.memory_space<hbm>> -> memref<16x256xf32, #tpu.memory_space<hbm>>
      tpu.enqueue_dma source(%dma_start3A_21 : memref<16x256xf32, #tpu.memory_space<hbm>>) target(%dma_start3A_19 : memref<16x256xf32, #tpu.memory_space<vmem_shared>>) target_semaphore(%run_scoped3A : memref<!tpu.dma_semaphore, #tpu.memory_space<semaphore_mem>>)
      %dma_wait3A_22 = arith.constant 0 : i32
      %dma_wait3A_23 = tpu.memref_slice %arg14[%mul3A_2, %dma_wait3A_22] : memref<256x256xf32, #tpu.memory_space<vmem_shared>> -> memref<16x256xf32, #tpu.memory_space<vmem_shared>>
      %dma_wait3A_24 = arith.constant 0 : i32
      %dma_wait3A_25 = tpu.memref_slice %arg6[%mul3A_2, %dma_wait3A_24] : memref<256x256xf32, #tpu.memory_space<hbm>> -> memref<16x256xf32, #tpu.memory_space<hbm>>
      tpu.wait_dma2 semaphore(%run_scoped3A : memref<!tpu.dma_semaphore, #tpu.memory_space<semaphore_mem>>) src(%dma_wait3A_25 : memref<16x256xf32, #tpu.memory_space<hbm>>) dst(%dma_wait3A_23 : memref<16x256xf32, #tpu.memory_space<vmem_shared>>)
      tpu.yield
    }) : () -> ()
    "tpu.region"() ({
      %run_scoped3A = tpu.sem_alloc : memref<!tpu.dma_semaphore, #tpu.memory_space<semaphore_mem>>
      %dma_start3A_18 = arith.constant 0 : i32
      %dma_start3A_19 = tpu.memref_slice %arg15[%mul3A_2, %dma_start3A_18] : memref<256x16xf32, #tpu.memory_space<vmem_shared>> -> memref<16x16xf32, #tpu.memory_space<vmem_shared>>
      %dma_start3A_20 = arith.constant 0 : i32
      %dma_start3A_21 = tpu.memref_slice %arg7[%mul3A_2, %dma_start3A_20] : memref<256x16xf32, #tpu.memory_space<hbm>> -> memref<16x16xf32, #tpu.memory_space<hbm>>
      tpu.enqueue_dma source(%dma_start3A_21 : memref<16x16xf32, #tpu.memory_space<hbm>>) target(%dma_start3A_19 : memref<16x16xf32, #tpu.memory_space<vmem_shared>>) target_semaphore(%run_scoped3A : memref<!tpu.dma_semaphore, #tpu.memory_space<semaphore_mem>>)
      %dma_wait3A_22 = arith.constant 0 : i32
      %dma_wait3A_23 = tpu.memref_slice %arg15[%mul3A_2, %dma_wait3A_22] : memref<256x16xf32, #tpu.memory_space<vmem_shared>> -> memref<16x16xf32, #tpu.memory_space<vmem_shared>>
      %dma_wait3A_24 = arith.constant 0 : i32
      %dma_wait3A_25 = tpu.memref_slice %arg7[%mul3A_2, %dma_wait3A_24] : memref<256x16xf32, #tpu.memory_space<hbm>> -> memref<16x16xf32, #tpu.memory_space<hbm>>
      tpu.wait_dma2 semaphore(%run_scoped3A : memref<!tpu.dma_semaphore, #tpu.memory_space<semaphore_mem>>) src(%dma_wait3A_25 : memref<16x16xf32, #tpu.memory_space<hbm>>) dst(%dma_wait3A_23 : memref<16x16xf32, #tpu.memory_space<vmem_shared>>)
      tpu.yield
    }) : () -> ()
    "tpu.region"() ({
      %run_scoped3A = tpu.sem_alloc : memref<!tpu.dma_semaphore, #tpu.memory_space<semaphore_mem>>
      tpu.enqueue_dma source(%arg5 : memref<128x16xf32, #tpu.memory_space<hbm>>) target(%arg13 : memref<128x16xf32, #tpu.memory_space<vmem>>) target_semaphore(%run_scoped3A : memref<!tpu.dma_semaphore, #tpu.memory_space<semaphore_mem>>)
      tpu.wait_dma2 semaphore(%run_scoped3A : memref<!tpu.dma_semaphore, #tpu.memory_space<semaphore_mem>>) src(%arg5 : memref<128x16xf32, #tpu.memory_space<hbm>>) dst(%arg13 : memref<128x16xf32, #tpu.memory_space<vmem>>)
      tpu.yield
    }) : () -> ()
    %barrier3A = arith.constant 0 : index
    tpu.barrier barrier_id(%barrier3A)
    %mul3A_3 = arith.constant 128 : i32
    %mul3A_4 = arith.muli %add3A, %mul3A_3 : i32
    %scan3A = arith.constant 0 : i32
    %mul3A_5 = arith.constant 1 : i32
    %mul3A_6 = arith.muli %scan3A, %mul3A_5 : i32
    %add3A_7 = arith.constant 0 : i32
    %add3A_8 = arith.addi %add3A_7, %mul3A_6 : i32
    %mul3A_9 = arith.constant 128 : i32
    %mul3A_10 = arith.muli %add3A_8, %mul3A_9 : i32
    %add3A_11 = arith.addi %mul3A_4, %mul3A_10 : i32
    %multiple_of3A = tpu.assume_multiple %add3A_11, 128 : i32
    "tpu.region"() ({
      %run_scoped3A = tpu.sem_alloc : memref<!tpu.dma_semaphore, #tpu.memory_space<semaphore_mem>>
      %dma_start3A_18 = tpu.memref_slice %arg3[%multiple_of3A] : memref<4096xi32, #tpu.memory_space<hbm>> -> memref<128xi32, #tpu.memory_space<hbm>>
      %dma_start3A_19 = tpu.memref_slice %arg3[%multiple_of3A] : memref<4096xi32, #tpu.memory_space<hbm>> -> memref<128xi32, #tpu.memory_space<hbm>>
      tpu.enqueue_dma source(%dma_start3A_19 : memref<128xi32, #tpu.memory_space<hbm>>) target(%arg10 : memref<128xi32, #tpu.memory_space<vmem>>) target_semaphore(%run_scoped3A : memref<!tpu.dma_semaphore, #tpu.memory_space<semaphore_mem>>)
      %dma_wait3A_20 = tpu.memref_slice %arg3[%multiple_of3A] : memref<4096xi32, #tpu.memory_space<hbm>> -> memref<128xi32, #tpu.memory_space<hbm>>
      %dma_wait3A_21 = tpu.memref_slice %arg3[%multiple_of3A] : memref<4096xi32, #tpu.memory_space<hbm>> -> memref<128xi32, #tpu.memory_space<hbm>>
      tpu.wait_dma2 semaphore(%run_scoped3A : memref<!tpu.dma_semaphore, #tpu.memory_space<semaphore_mem>>) src(%dma_wait3A_21 : memref<128xi32, #tpu.memory_space<hbm>>) dst(%arg10 : memref<128xi32, #tpu.memory_space<vmem>>)
      tpu.yield
    }) : () -> ()
    "tpu.region"() ({
      %run_scoped3A = tpu.sem_alloc : memref<!tpu.dma_semaphore, #tpu.memory_space<semaphore_mem>>
      %dma_start3A_18 = tpu.memref_slice %arg4[%multiple_of3A] : memref<4096xi32, #tpu.memory_space<hbm>> -> memref<128xi32, #tpu.memory_space<hbm>>
      %dma_start3A_19 = tpu.memref_slice %arg4[%multiple_of3A] : memref<4096xi32, #tpu.memory_space<hbm>> -> memref<128xi32, #tpu.memory_space<hbm>>
      tpu.enqueue_dma source(%dma_start3A_19 : memref<128xi32, #tpu.memory_space<hbm>>) target(%arg11 : memref<128xi32, #tpu.memory_space<vmem>>) target_semaphore(%run_scoped3A : memref<!tpu.dma_semaphore, #tpu.memory_space<semaphore_mem>>)
      %dma_wait3A_20 = tpu.memref_slice %arg4[%multiple_of3A] : memref<4096xi32, #tpu.memory_space<hbm>> -> memref<128xi32, #tpu.memory_space<hbm>>
      %dma_wait3A_21 = tpu.memref_slice %arg4[%multiple_of3A] : memref<4096xi32, #tpu.memory_space<hbm>> -> memref<128xi32, #tpu.memory_space<hbm>>
      tpu.wait_dma2 semaphore(%run_scoped3A : memref<!tpu.dma_semaphore, #tpu.memory_space<semaphore_mem>>) src(%dma_wait3A_21 : memref<128xi32, #tpu.memory_space<hbm>>) dst(%arg11 : memref<128xi32, #tpu.memory_space<vmem>>)
      tpu.yield
    }) : () -> ()
    %dma_start3A = arith.constant 0 : i32
    %dma_start3A_12 = arith.constant 0 : i32
    %dma_start3A_13 = tpu.memref_slice %arg2[%dma_start3A, %dma_start3A_12] : memref<256x256xf32, #tpu.memory_space<hbm>> -> memref<256x256xf32, #tpu.memory_space<hbm>>
    tpu.enqueue_indirect_dma source(%dma_start3A_13 : memref<256x256xf32, #tpu.memory_space<hbm>>) target(%arg12 : memref<128x256xf32, #tpu.memory_space<vmem>>) offsets(%arg10 : memref<128xi32, #tpu.memory_space<vmem>>) semaphore(%arg16 : memref<!tpu.dma_semaphore, #tpu.memory_space<semaphore_mem>>)
    %dma_wait3A = arith.constant 0 : i32
    %dma_wait3A_14 = arith.constant 0 : i32
    %dma_wait3A_15 = tpu.memref_slice %arg2[%dma_wait3A, %dma_wait3A_14] : memref<256x256xf32, #tpu.memory_space<hbm>> -> memref<256x256xf32, #tpu.memory_space<hbm>>
    tpu.wait_indirect_dma semaphore(%arg16 : memref<!tpu.dma_semaphore, #tpu.memory_space<semaphore_mem>>) src(%dma_wait3A_15 : memref<256x256xf32, #tpu.memory_space<hbm>>) dst(%arg12 : memref<128x256xf32, #tpu.memory_space<vmem>>)
    "tpu.region"() ({
      %run_scoped3A = tpu.sem_alloc : memref<!tpu.dma_semaphore, #tpu.memory_space<semaphore_mem>>
      %dma_start3A_18 = arith.constant 0 : i32
      %dma_start3A_19 = arith.constant 0 : i32
      %dma_start3A_20 = tpu.memref_slice %arg14[%dma_start3A_18, %dma_start3A_19] : memref<256x256xf32, #tpu.memory_space<vmem_shared>> -> memref<256x256xf32, #tpu.memory_space<vmem_shared>>
      tpu.enqueue_indirect_dma source(%arg12 : memref<128x256xf32, #tpu.memory_space<vmem>>) target(%dma_start3A_20 : memref<256x256xf32, #tpu.memory_space<vmem_shared>>) offsets(%arg11 : memref<128xi32, #tpu.memory_space<vmem>>) semaphore(%run_scoped3A : memref<!tpu.dma_semaphore, #tpu.memory_space<semaphore_mem>>) {add = true}
      %dma_wait3A_21 = arith.constant 0 : i32
      %dma_wait3A_22 = arith.constant 0 : i32
      %dma_wait3A_23 = tpu.memref_slice %arg14[%dma_wait3A_21, %dma_wait3A_22] : memref<256x256xf32, #tpu.memory_space<vmem_shared>> -> memref<256x256xf32, #tpu.memory_space<vmem_shared>>
      tpu.wait_indirect_dma semaphore(%run_scoped3A : memref<!tpu.dma_semaphore, #tpu.memory_space<semaphore_mem>>) src(%arg12 : memref<128x256xf32, #tpu.memory_space<vmem>>) dst(%dma_wait3A_23 : memref<256x256xf32, #tpu.memory_space<vmem_shared>>)
      tpu.yield
    }) : () -> ()
    "tpu.region"() ({
      %run_scoped3A = tpu.sem_alloc : memref<!tpu.dma_semaphore, #tpu.memory_space<semaphore_mem>>
      %dma_start3A_18 = arith.constant 0 : i32
      %dma_start3A_19 = arith.constant 0 : i32
      %dma_start3A_20 = tpu.memref_slice %arg15[%dma_start3A_18, %dma_start3A_19] : memref<256x16xf32, #tpu.memory_space<vmem_shared>> -> memref<256x16xf32, #tpu.memory_space<vmem_shared>>
      tpu.enqueue_indirect_dma source(%arg13 : memref<128x16xf32, #tpu.memory_space<vmem>>) target(%dma_start3A_20 : memref<256x16xf32, #tpu.memory_space<vmem_shared>>) offsets(%arg11 : memref<128xi32, #tpu.memory_space<vmem>>) semaphore(%run_scoped3A : memref<!tpu.dma_semaphore, #tpu.memory_space<semaphore_mem>>) {add = true}
      %dma_wait3A_21 = arith.constant 0 : i32
      %dma_wait3A_22 = arith.constant 0 : i32
      %dma_wait3A_23 = tpu.memref_slice %arg15[%dma_wait3A_21, %dma_wait3A_22] : memref<256x16xf32, #tpu.memory_space<vmem_shared>> -> memref<256x16xf32, #tpu.memory_space<vmem_shared>>
      tpu.wait_indirect_dma semaphore(%run_scoped3A : memref<!tpu.dma_semaphore, #tpu.memory_space<semaphore_mem>>) src(%arg13 : memref<128x16xf32, #tpu.memory_space<vmem>>) dst(%dma_wait3A_23 : memref<256x16xf32, #tpu.memory_space<vmem_shared>>)
      tpu.yield
    }) : () -> ()
    %scan3A_16 = arith.constant 1 : i32
    %barrier3A_17 = arith.constant 0 : index
    tpu.barrier barrier_id(%barrier3A_17)
    "tpu.region"() ({
      %run_scoped3A = tpu.sem_alloc : memref<!tpu.dma_semaphore, #tpu.memory_space<semaphore_mem>>
      %dma_start3A_18 = arith.constant 0 : i32
      %dma_start3A_19 = tpu.memref_slice %arg8[%arg0, %mul3A_2, %dma_start3A_18] : memref<2x256x256xf32, #tpu.memory_space<hbm>> -> memref<1x16x256xf32, #tpu.memory_space<hbm>>
      %dma_start3A_20 = tpu.memref_squeeze %dma_start3A_19 : memref<1x16x256xf32, #tpu.memory_space<hbm>> -> memref<16x256xf32, #tpu.memory_space<hbm>>
      %dma_start3A_21 = arith.constant 0 : i32
      %dma_start3A_22 = tpu.memref_slice %arg14[%mul3A_2, %dma_start3A_21] : memref<256x256xf32, #tpu.memory_space<vmem_shared>> -> memref<16x256xf32, #tpu.memory_space<vmem_shared>>
      tpu.enqueue_dma source(%dma_start3A_22 : memref<16x256xf32, #tpu.memory_space<vmem_shared>>) target(%dma_start3A_20 : memref<16x256xf32, #tpu.memory_space<hbm>>) target_semaphore(%run_scoped3A : memref<!tpu.dma_semaphore, #tpu.memory_space<semaphore_mem>>)
      %dma_wait3A_23 = arith.constant 0 : i32
      %dma_wait3A_24 = tpu.memref_slice %arg8[%arg0, %mul3A_2, %dma_wait3A_23] : memref<2x256x256xf32, #tpu.memory_space<hbm>> -> memref<1x16x256xf32, #tpu.memory_space<hbm>>
      %dma_wait3A_25 = tpu.memref_squeeze %dma_wait3A_24 : memref<1x16x256xf32, #tpu.memory_space<hbm>> -> memref<16x256xf32, #tpu.memory_space<hbm>>
      %dma_wait3A_26 = arith.constant 0 : i32
      %dma_wait3A_27 = tpu.memref_slice %arg14[%mul3A_2, %dma_wait3A_26] : memref<256x256xf32, #tpu.memory_space<vmem_shared>> -> memref<16x256xf32, #tpu.memory_space<vmem_shared>>
      tpu.wait_dma2 semaphore(%run_scoped3A : memref<!tpu.dma_semaphore, #tpu.memory_space<semaphore_mem>>) src(%dma_wait3A_27 : memref<16x256xf32, #tpu.memory_space<vmem_shared>>) dst(%dma_wait3A_25 : memref<16x256xf32, #tpu.memory_space<hbm>>)
      tpu.yield
    }) : () -> ()
    "tpu.region"() ({
      %run_scoped3A = tpu.sem_alloc : memref<!tpu.dma_semaphore, #tpu.memory_space<semaphore_mem>>
      %dma_start3A_18 = arith.constant 0 : i32
      %dma_start3A_19 = tpu.memref_slice %arg9[%arg0, %mul3A_2, %dma_start3A_18] : memref<2x256x16xf32, #tpu.memory_space<hbm>> -> memref<1x16x16xf32, #tpu.memory_space<hbm>>
      %dma_start3A_20 = tpu.memref_squeeze %dma_start3A_19 : memref<1x16x16xf32, #tpu.memory_space<hbm>> -> memref<16x16xf32, #tpu.memory_space<hbm>>
      %dma_start3A_21 = arith.constant 0 : i32
      %dma_start3A_22 = tpu.memref_slice %arg15[%mul3A_2, %dma_start3A_21] : memref<256x16xf32, #tpu.memory_space<vmem_shared>> -> memref<16x16xf32, #tpu.memory_space<vmem_shared>>
      tpu.enqueue_dma source(%dma_start3A_22 : memref<16x16xf32, #tpu.memory_space<vmem_shared>>) target(%dma_start3A_20 : memref<16x16xf32, #tpu.memory_space<hbm>>) target_semaphore(%run_scoped3A : memref<!tpu.dma_semaphore, #tpu.memory_space<semaphore_mem>>)
      %dma_wait3A_23 = arith.constant 0 : i32
      %dma_wait3A_24 = tpu.memref_slice %arg9[%arg0, %mul3A_2, %dma_wait3A_23] : memref<2x256x16xf32, #tpu.memory_space<hbm>> -> memref<1x16x16xf32, #tpu.memory_space<hbm>>
      %dma_wait3A_25 = tpu.memref_squeeze %dma_wait3A_24 : memref<1x16x16xf32, #tpu.memory_space<hbm>> -> memref<16x16xf32, #tpu.memory_space<hbm>>
      %dma_wait3A_26 = arith.constant 0 : i32
      %dma_wait3A_27 = tpu.memref_slice %arg15[%mul3A_2, %dma_wait3A_26] : memref<256x16xf32, #tpu.memory_space<vmem_shared>> -> memref<16x16xf32, #tpu.memory_space<vmem_shared>>
      tpu.wait_dma2 semaphore(%run_scoped3A : memref<!tpu.dma_semaphore, #tpu.memory_space<semaphore_mem>>) src(%dma_wait3A_27 : memref<16x16xf32, #tpu.memory_space<vmem_shared>>) dst(%dma_wait3A_25 : memref<16x16xf32, #tpu.memory_space<hbm>>)
      tpu.yield
    }) : () -> ()
    return
  }
}

module attributes {stable_mosaic.version = 14 : i64} {
  func.func @tc_a0(%arg0: i32, %arg1: memref<3136x1xf32, #tpu.memory_space<vmem>>, %arg2: memref<1x16xf32, #tpu.memory_space<vmem>>, %arg3: memref<1x16xf32, #tpu.memory_space<vmem>>, %arg4: memref<3136x16xf32, #tpu.memory_space<vmem>>) attributes {dimension_semantics = [#tpu.dimension_semantics<arbitrary>], iteration_bounds = array<i64: 16>, scalar_prefetch = 0 : i64, scratch_operands = 0 : i64, tpu.core_type = #tpu.core_type<tc>, window_params = [{transform_indices = @transform_0, window_bounds = array<i64: 3136, 1>}, {pipeline_mode = #tpu.pipeline_mode<synchronous>, transform_indices = @transform_1, window_bounds = array<i64: 1, 16>}, {pipeline_mode = #tpu.pipeline_mode<synchronous>, transform_indices = @transform_2, window_bounds = array<i64: 1, 16>}, {transform_indices = @transform_3, window_bounds = array<i64: 3136, 16>}]} {
    %get3A = arith.constant 0 : index
    %get3A_0 = arith.constant 0 : index
    %get3A_1 = vector.load %arg1[%get3A, %get3A_0] : memref<3136x1xf32, #tpu.memory_space<vmem>>, vector<3136x1xf32>
    %get3A_2 = arith.constant 0 : index
    %get3A_3 = arith.constant 0 : index
    %get3A_4 = vector.load %arg2[%get3A_2, %get3A_3] : memref<1x16xf32, #tpu.memory_space<vmem>>, vector<1x16xf32>
    %mul3A = vector.broadcast %get3A_1 : vector<3136x1xf32> to vector<3136x16xf32>
    %mul3A_5 = vector.broadcast %get3A_4 : vector<1x16xf32> to vector<3136x16xf32>
    %mul3A_6 = arith.mulf %mul3A, %mul3A_5 : vector<3136x16xf32>
    %get3A_7 = arith.constant 0 : index
    %get3A_8 = arith.constant 0 : index
    %get3A_9 = vector.load %arg3[%get3A_7, %get3A_8] : memref<1x16xf32, #tpu.memory_space<vmem>>, vector<1x16xf32>
    %add3A = vector.broadcast %get3A_9 : vector<1x16xf32> to vector<3136x16xf32>
    %add3A_10 = arith.addf %mul3A_6, %add3A : vector<3136x16xf32>
    %swap3A = arith.constant 0 : index
    %swap3A_11 = arith.constant 0 : index
    %swap3A_12 = vector.load %arg4[%swap3A, %swap3A_11] : memref<3136x16xf32, #tpu.memory_space<vmem>>, vector<3136x16xf32>
    tpu.vector_store %arg4[%swap3A, %swap3A_11], %add3A_10 {strides = array<i32>} : memref<3136x16xf32, #tpu.memory_space<vmem>>, vector<3136x16xf32>,
    return
  }
  func.func @transform_0(%arg0: i32) -> (i32, i32) {
    %c0_i32 = arith.constant 0 : i32
    %c0_i32_0 = arith.constant 0 : i32
    return %arg0, %c0_i32 : i32, i32
  }
  func.func @transform_1(%arg0: i32) -> (i32, i32) {
    %c0_i32 = arith.constant 0 : i32
    %c0_i32_0 = arith.constant 0 : i32
    %c0_i32_1 = arith.constant 0 : i32
    return %c0_i32, %c0_i32_0 : i32, i32
  }
  func.func @transform_2(%arg0: i32) -> (i32, i32) {
    %c0_i32 = arith.constant 0 : i32
    %c0_i32_0 = arith.constant 0 : i32
    %c0_i32_1 = arith.constant 0 : i32
    return %c0_i32, %c0_i32_0 : i32, i32
  }
  func.func @transform_3(%arg0: i32) -> (i32, i32) {
    %c0_i32 = arith.constant 0 : i32
    %c0_i32_0 = arith.constant 0 : i32
    return %arg0, %c0_i32 : i32, i32
  }
}

module attributes {stable_mosaic.version = 14 : i64} {
  func.func @tc_b_0(%arg0: i32, %arg1: i32, %arg2: memref<3136x16xf32, #tpu.memory_space<vmem>>, %arg3: memref<3136x16xf32, #tpu.memory_space<vmem>>, %arg4: memref<3136x16xf32, #tpu.memory_space<vmem>>, %arg5: memref<3136x16xf32, #tpu.memory_space<vmem>>, %arg6: memref<3136x16xf32, #tpu.memory_space<vmem>>, %arg7: memref<3136x16xf32, #tpu.memory_space<vmem>>, %arg8: memref<16x16xf32, #tpu.memory_space<vmem>>, %arg9: memref<1x16xf32, #tpu.memory_space<vmem>>, %arg10: memref<1x16xf32, #tpu.memory_space<vmem>>, %arg11: memref<1x16xf32, #tpu.memory_space<vmem>>, %arg12: memref<3136x48xf32, #tpu.memory_space<vmem>>, %arg13: memref<3136x1xi32, #tpu.memory_space<vmem>>, %arg14: memref<8x16xf32, #tpu.memory_space<vmem>>) attributes {dimension_semantics = [#tpu.dimension_semantics<arbitrary>, #tpu.dimension_semantics<arbitrary>], iteration_bounds = array<i64: 3, 16>, scalar_prefetch = 0 : i64, scratch_operands = 1 : i64, tpu.core_type = #tpu.core_type<tc>, window_params = [{transform_indices = @transform_0, window_bounds = array<i64: 3136, 16>}, {transform_indices = @transform_1, window_bounds = array<i64: 3136, 16>}, {transform_indices = @transform_2, window_bounds = array<i64: 3136, 16>}, {transform_indices = @transform_3, window_bounds = array<i64: 3136, 16>}, {transform_indices = @transform_4, window_bounds = array<i64: 3136, 16>}, {transform_indices = @transform_5, window_bounds = array<i64: 3136, 16>}, {pipeline_mode = #tpu.pipeline_mode<synchronous>, transform_indices = @transform_6, window_bounds = array<i64: 16, 16>}, {pipeline_mode = #tpu.pipeline_mode<synchronous>, transform_indices = @transform_7, window_bounds = array<i64: 1, 16>}, {pipeline_mode = #tpu.pipeline_mode<synchronous>, transform_indices = @transform_8, window_bounds = array<i64: 1, 16>}, {pipeline_mode = #tpu.pipeline_mode<synchronous>, transform_indices = @transform_9, window_bounds = array<i64: 1, 16>}, {transform_indices = @transform_10, window_bounds = array<i64: 3136, 48>}, {transform_indices = @transform_11, window_bounds = array<i64: 3136, 1>}]} {
    %eq3A = arith.constant 0 : i32
    %eq3A_0 = arith.cmpi eq, %arg0, %eq3A : i32
    %eq3A_1 = arith.constant 0 : i32
    %eq3A_2 = arith.cmpi eq, %arg1, %eq3A_1 : i32
    %and3A = arith.andi %eq3A_0, %eq3A_2 : i1
    %convert_element_type3A = arith.extui %and3A : i1 to i32
    %cond3A = arith.constant 0 : i32
    %cond3A_3 = arith.cmpi ne, %convert_element_type3A, %cond3A : i32
    scf.if %cond3A_3 {
      %broadcast_in_dim3A = arith.constant 0.000000e+00 : f32
      %broadcast_in_dim3A_52 = vector.broadcast %broadcast_in_dim3A : f32 to vector<8x16xf32>
      %swap3A = arith.constant 0 : index
      %swap3A_53 = arith.constant 0 : index
      %swap3A_54 = vector.load %arg14[%swap3A, %swap3A_53] : memref<8x16xf32, #tpu.memory_space<vmem>>, vector<8x16xf32>
      tpu.vector_store %arg14[%swap3A, %swap3A_53], %broadcast_in_dim3A_52 {strides = array<i32>} : memref<8x16xf32, #tpu.memory_space<vmem>>, vector<8x16xf32>,
    } else {
    }
    %get3A = arith.constant 0 : index
    %get3A_4 = arith.constant 0 : index
    %get3A_5 = vector.load %arg3[%get3A, %get3A_4] : memref<3136x16xf32, #tpu.memory_space<vmem>>, vector<3136x16xf32>
    %get3A_6 = arith.constant 0 : index
    %get3A_7 = arith.constant 0 : index
    %get3A_8 = vector.load %arg4[%get3A_6, %get3A_7] : memref<3136x16xf32, #tpu.memory_space<vmem>>, vector<3136x16xf32>
    %add3A = arith.addf %get3A_5, %get3A_8 : vector<3136x16xf32>
    %get3A_9 = arith.constant 0 : index
    %get3A_10 = arith.constant 0 : index
    %get3A_11 = vector.load %arg5[%get3A_9, %get3A_10] : memref<3136x16xf32, #tpu.memory_space<vmem>>, vector<3136x16xf32>
    %get3A_12 = arith.constant 0 : index
    %get3A_13 = arith.constant 0 : index
    %get3A_14 = vector.load %arg6[%get3A_12, %get3A_13] : memref<3136x16xf32, #tpu.memory_space<vmem>>, vector<3136x16xf32>
    %add3A_15 = arith.addf %get3A_11, %get3A_14 : vector<3136x16xf32>
    %slice3A = vector.extract_strided_slice %add3A_15 {offsets = [0, 0], sizes = [3136, 1], strides = [1, 1]} : vector<3136x16xf32> to vector<3136x1xf32>
    %max3A = arith.constant 1.000000e+00 : f32
    %max3A_16 = vector.broadcast %max3A : f32 to vector<3136x1xf32>
    %max3A_17 = arith.maximumf %slice3A, %max3A_16 : vector<3136x1xf32>
    %get3A_18 = arith.constant 0 : index
    %get3A_19 = arith.constant 0 : index
    %get3A_20 = vector.load %arg2[%get3A_18, %get3A_19] : memref<3136x16xf32, #tpu.memory_space<vmem>>, vector<3136x16xf32>
    %div3A = vector.broadcast %max3A_17 : vector<3136x1xf32> to vector<3136x16xf32>
    %div3A_21 = arith.divf %add3A, %div3A : vector<3136x16xf32>
    %add3A_22 = arith.addf %get3A_20, %div3A_21 : vector<3136x16xf32>
    %get3A_23 = arith.constant 0 : index
    %get3A_24 = arith.constant 0 : index
    %get3A_25 = vector.load %arg8[%get3A_23, %get3A_24] : memref<16x16xf32, #tpu.memory_space<vmem>>, vector<16x16xf32>
    %dot_general3A = arith.constant dense<0.000000e+00> : vector<3136x16xf32>
    %dot_general3A_26 = tpu.matmul %add3A_22, %get3A_25, %dot_general3A {dimension_numbers = #tpu.dot_dimension_numbers<[1], [0], [0], [1], [0, 0, 1, 1], [], []>, transpose_lhs_hint = false} : vector<3136x16xf32>, vector<16x16xf32>, vector<3136x16xf32> -> vector<3136x16xf32>
    %get3A_27 = arith.constant 0 : index
    %get3A_28 = arith.constant 0 : index
    %get3A_29 = vector.load %arg9[%get3A_27, %get3A_28] : memref<1x16xf32, #tpu.memory_space<vmem>>, vector<1x16xf32>
    %add3A_30 = vector.broadcast %get3A_29 : vector<1x16xf32> to vector<3136x16xf32>
    %add3A_31 = arith.addf %dot_general3A_26, %add3A_30 : vector<3136x16xf32>
    %mul3A = arith.constant 3136 : i32
    %mul3A_32 = arith.muli %arg1, %mul3A : i32
    %iota3A = tpu.iota {dimensions = array<i32: 0>} : vector<3136x1xi32>
    %add3A_33 = vector.broadcast %mul3A_32 : i32 to vector<3136x1xi32>
    %add3A_34 = arith.addi %add3A_33, %iota3A : vector<3136x1xi32>
    %lt3A = arith.constant 50000 : i32
    %lt3A_35 = vector.broadcast %lt3A : i32 to vector<3136x1xi32>
    %lt3A_36 = arith.cmpi slt, %add3A_34, %lt3A_35 : vector<3136x1xi32>
    %eq3A_37 = arith.constant 0 : i32
    %eq3A_38 = arith.cmpi eq, %arg0, %eq3A_37 : i32
    %convert_element_type3A_39 = arith.extui %eq3A_38 : i1 to i32
    %cond3A_40 = arith.constant 0 : i32
    %cond3A_41 = arith.cmpi ne, %convert_element_type3A_39, %cond3A_40 : i32
    scf.if %cond3A_41 {
      %jit3A = arith.constant 0.000000e+00 : f32
      %broadcast_in_dim3A = vector.shape_cast %lt3A_36 : vector<3136x1xi1> to vector<3136x1xi1>
      %broadcast_in_dim3A_52 = vector.broadcast %broadcast_in_dim3A : vector<3136x1xi1> to vector<3136x16xi1>
      %broadcast_in_dim3A_53 = vector.broadcast %jit3A : f32 to vector<3136x16xf32>
      %select_n3A = arith.select %broadcast_in_dim3A_52, %add3A_31, %broadcast_in_dim3A_53 : vector<3136x16xi1>, vector<3136x16xf32>
      %get3A_54 = arith.constant 0 : index
      %get3A_55 = arith.constant 0 : index
      %get3A_56 = vector.load %arg14[%get3A_54, %get3A_55] : memref<8x16xf32, #tpu.memory_space<vmem>>, vector<1x16xf32>
      %reduce_sum3A = arith.constant dense<0.000000e+00> : vector<16xf32>
      %reduce_sum3A_57 = vector.multi_reduction <add>, %select_n3A, %reduce_sum3A [0] : vector<3136x16xf32> to vector<16xf32>
      %broadcast_in_dim3A_58 = vector.shape_cast %reduce_sum3A_57 : vector<16xf32> to vector<1x16xf32>
      %add3A_59 = arith.addf %get3A_56, %broadcast_in_dim3A_58 : vector<1x16xf32>
      %swap3A = arith.constant 0 : index
      %swap3A_60 = arith.constant 0 : index
      %swap3A_61 = vector.load %arg14[%swap3A, %swap3A_60] : memref<8x16xf32, #tpu.memory_space<vmem>>, vector<1x16xf32>
      tpu.vector_store %arg14[%swap3A, %swap3A_60], %add3A_59 {strides = array<i32>} : memref<8x16xf32, #tpu.memory_space<vmem>>, vector<1x16xf32>,
    } else {
    }
    %eq3A_42 = arith.constant 1 : i32
    %eq3A_43 = arith.cmpi eq, %arg0, %eq3A_42 : i32
    %convert_element_type3A_44 = arith.extui %eq3A_43 : i1 to i32
    %cond3A_45 = arith.constant 0 : i32
    %cond3A_46 = arith.cmpi ne, %convert_element_type3A_44, %cond3A_45 : i32
    scf.if %cond3A_46 {
      %get3A_52 = arith.constant 0 : index
      %get3A_53 = arith.constant 0 : index
      %get3A_54 = vector.load %arg14[%get3A_52, %get3A_53] : memref<8x16xf32, #tpu.memory_space<vmem>>, vector<1x16xf32>
      %div3A_55 = arith.constant 5.000000e+04 : f32
      %div3A_56 = vector.broadcast %div3A_55 : f32 to vector<1x16xf32>
      %div3A_57 = arith.divf %get3A_54, %div3A_56 : vector<1x16xf32>
      %sub3A = vector.broadcast %div3A_57 : vector<1x16xf32> to vector<3136x16xf32>
      %sub3A_58 = arith.subf %add3A_31, %sub3A : vector<3136x16xf32>
      %jit3A = arith.constant 0.000000e+00 : f32
      %broadcast_in_dim3A = vector.shape_cast %lt3A_36 : vector<3136x1xi1> to vector<3136x1xi1>
      %broadcast_in_dim3A_59 = vector.broadcast %broadcast_in_dim3A : vector<3136x1xi1> to vector<3136x16xi1>
      %broadcast_in_dim3A_60 = vector.broadcast %jit3A : f32 to vector<3136x16xf32>
      %select_n3A = arith.select %broadcast_in_dim3A_59, %sub3A_58, %broadcast_in_dim3A_60 : vector<3136x16xi1>, vector<3136x16xf32>
      %get3A_61 = arith.constant 1 : index
      %get3A_62 = arith.constant 0 : index
      %get3A_63 = vector.load %arg14[%get3A_61, %get3A_62] : memref<8x16xf32, #tpu.memory_space<vmem>>, vector<1x16xf32>
      %mul3A_64 = arith.mulf %select_n3A, %select_n3A : vector<3136x16xf32>
      %reduce_sum3A = arith.constant dense<0.000000e+00> : vector<16xf32>
      %reduce_sum3A_65 = vector.multi_reduction <add>, %mul3A_64, %reduce_sum3A [0] : vector<3136x16xf32> to vector<16xf32>
      %broadcast_in_dim3A_66 = vector.shape_cast %reduce_sum3A_65 : vector<16xf32> to vector<1x16xf32>
      %add3A_67 = arith.addf %get3A_63, %broadcast_in_dim3A_66 : vector<1x16xf32>
      %swap3A = arith.constant 1 : index
      %swap3A_68 = arith.constant 0 : index
      %swap3A_69 = vector.load %arg14[%swap3A, %swap3A_68] : memref<8x16xf32, #tpu.memory_space<vmem>>, vector<1x16xf32>
      tpu.vector_store %arg14[%swap3A, %swap3A_68], %add3A_67 {strides = array<i32>} : memref<8x16xf32, #tpu.memory_space<vmem>>, vector<1x16xf32>,
    } else {
    }
    %eq3A_47 = arith.constant 2 : i32
    %eq3A_48 = arith.cmpi eq, %arg0, %eq3A_47 : i32
    %convert_element_type3A_49 = arith.extui %eq3A_48 : i1 to i32
    %cond3A_50 = arith.constant 0 : i32
    %cond3A_51 = arith.cmpi ne, %convert_element_type3A_49, %cond3A_50 : i32
    scf.if %cond3A_51 {
      %get3A_52 = arith.constant 0 : index
      %get3A_53 = arith.constant 0 : index
      %get3A_54 = vector.load %arg14[%get3A_52, %get3A_53] : memref<8x16xf32, #tpu.memory_space<vmem>>, vector<1x16xf32>
      %div3A_55 = arith.constant 5.000000e+04 : f32
      %div3A_56 = vector.broadcast %div3A_55 : f32 to vector<1x16xf32>
      %div3A_57 = arith.divf %get3A_54, %div3A_56 : vector<1x16xf32>
      %get3A_58 = arith.constant 1 : index
      %get3A_59 = arith.constant 0 : index
      %get3A_60 = vector.load %arg14[%get3A_58, %get3A_59] : memref<8x16xf32, #tpu.memory_space<vmem>>, vector<1x16xf32>
      %div3A_61 = arith.constant 5.000000e+04 : f32
      %div3A_62 = vector.broadcast %div3A_61 : f32 to vector<1x16xf32>
      %div3A_63 = arith.divf %get3A_60, %div3A_62 : vector<1x16xf32>
      %get3A_64 = arith.constant 0 : index
      %get3A_65 = arith.constant 0 : index
      %get3A_66 = vector.load %arg10[%get3A_64, %get3A_65] : memref<1x16xf32, #tpu.memory_space<vmem>>, vector<1x16xf32>
      %sub3A = vector.broadcast %div3A_57 : vector<1x16xf32> to vector<3136x16xf32>
      %sub3A_67 = arith.subf %add3A_31, %sub3A : vector<3136x16xf32>
      %mul3A_68 = vector.broadcast %get3A_66 : vector<1x16xf32> to vector<3136x16xf32>
      %mul3A_69 = arith.mulf %mul3A_68, %sub3A_67 : vector<3136x16xf32>
      %add3A_70 = arith.constant 9.99999974E-6 : f32
      %add3A_71 = vector.broadcast %add3A_70 : f32 to vector<1x16xf32>
      %add3A_72 = arith.addf %div3A_63, %add3A_71 : vector<1x16xf32>
      %sqrt3A = math.sqrt %add3A_72 : vector<1x16xf32>
      %div3A_73 = vector.broadcast %sqrt3A : vector<1x16xf32> to vector<3136x16xf32>
      %div3A_74 = arith.divf %mul3A_69, %div3A_73 : vector<3136x16xf32>
      %get3A_75 = arith.constant 0 : index
      %get3A_76 = arith.constant 0 : index
      %get3A_77 = vector.load %arg11[%get3A_75, %get3A_76] : memref<1x16xf32, #tpu.memory_space<vmem>>, vector<1x16xf32>
      %add3A_78 = vector.broadcast %get3A_77 : vector<1x16xf32> to vector<3136x16xf32>
      %add3A_79 = arith.addf %div3A_74, %add3A_78 : vector<3136x16xf32>
      %max3A_80 = arith.constant 0.000000e+00 : f32
      %max3A_81 = vector.broadcast %max3A_80 : f32 to vector<3136x16xf32>
      %max3A_82 = arith.maximumf %add3A_79, %max3A_81 : vector<3136x16xf32>
      %jit3A = arith.constant 0.000000e+00 : f32
      %broadcast_in_dim3A = vector.shape_cast %lt3A_36 : vector<3136x1xi1> to vector<3136x1xi1>
      %broadcast_in_dim3A_83 = vector.broadcast %broadcast_in_dim3A : vector<3136x1xi1> to vector<3136x16xi1>
      %broadcast_in_dim3A_84 = vector.broadcast %jit3A : f32 to vector<3136x16xf32>
      %select_n3A = arith.select %broadcast_in_dim3A_83, %max3A_82, %broadcast_in_dim3A_84 : vector<3136x16xi1>, vector<3136x16xf32>
      %get3A_85 = arith.constant 0 : index
      %get3A_86 = arith.constant 0 : index
      %get3A_87 = vector.load %arg7[%get3A_85, %get3A_86] : memref<3136x16xf32, #tpu.memory_space<vmem>>, vector<3136x16xf32>
      %slice3A_88 = vector.extract_strided_slice %get3A_87 {offsets = [0, 0], sizes = [3136, 1], strides = [1, 1]} : vector<3136x16xf32> to vector<3136x1xf32>
      %div3A_89 = arith.constant 5.000000e+00 : f32
      %div3A_90 = vector.broadcast %div3A_89 : f32 to vector<3136x1xf32>
      %div3A_91 = arith.divf %slice3A_88, %div3A_90 : vector<3136x1xf32>
      %floor3A = math.floor %div3A_91 : vector<3136x1xf32>
      %convert_element_type3A_92 = arith.fptosi %floor3A : vector<3136x1xf32> to vector<3136x1xi32>
      %slice3A_93 = vector.extract_strided_slice %get3A_87 {offsets = [0, 1], sizes = [3136, 1], strides = [1, 1]} : vector<3136x16xf32> to vector<3136x1xf32>
      %div3A_94 = arith.constant 5.000000e+00 : f32
      %div3A_95 = vector.broadcast %div3A_94 : f32 to vector<3136x1xf32>
      %div3A_96 = arith.divf %slice3A_93, %div3A_95 : vector<3136x1xf32>
      %floor3A_97 = math.floor %div3A_96 : vector<3136x1xf32>
      %convert_element_type3A_98 = arith.fptosi %floor3A_97 : vector<3136x1xf32> to vector<3136x1xi32>
      %slice3A_99 = vector.extract_strided_slice %get3A_87 {offsets = [0, 2], sizes = [3136, 1], strides = [1, 1]} : vector<3136x16xf32> to vector<3136x1xf32>
      %div3A_100 = arith.constant 1.000000e+01 : f32
      %div3A_101 = vector.broadcast %div3A_100 : f32 to vector<3136x1xf32>
      %div3A_102 = arith.divf %slice3A_99, %div3A_101 : vector<3136x1xf32>
      %floor3A_103 = math.floor %div3A_102 : vector<3136x1xf32>
      %convert_element_type3A_104 = arith.fptosi %floor3A_103 : vector<3136x1xf32> to vector<3136x1xi32>
      %mul3A_105 = arith.constant 73856093 : i32
      %mul3A_106 = vector.broadcast %mul3A_105 : i32 to vector<3136x1xi32>
      %mul3A_107 = arith.muli %convert_element_type3A_92, %mul3A_106 : vector<3136x1xi32>
      %mul3A_108 = arith.constant 19349663 : i32
      %mul3A_109 = vector.broadcast %mul3A_108 : i32 to vector<3136x1xi32>
      %mul3A_110 = arith.muli %convert_element_type3A_98, %mul3A_109 : vector<3136x1xi32>
      %xor3A = arith.xori %mul3A_107, %mul3A_110 : vector<3136x1xi32>
      %mul3A_111 = arith.constant 83492791 : i32
      %mul3A_112 = vector.broadcast %mul3A_111 : i32 to vector<3136x1xi32>
      %mul3A_113 = arith.muli %convert_element_type3A_104, %mul3A_112 : vector<3136x1xi32>
      %xor3A_114 = arith.xori %xor3A, %mul3A_113 : vector<3136x1xi32>
      %jit3A_115 = arith.constant 12500 : i32
      %eq3A_116 = arith.constant 0 : i32
      %eq3A_117 = arith.cmpi eq, %jit3A_115, %eq3A_116 : i32
      %jit3A_118 = arith.constant 1 : i32
      %select_n3A_119 = arith.select %eq3A_117, %jit3A_118, %jit3A_115 : i32
      %rem3A = vector.broadcast %select_n3A_119 : i32 to vector<3136x1xi32>
      %rem3A_120 = arith.remsi %xor3A_114, %rem3A : vector<3136x1xi32>
      %ne3A = arith.constant 0 : i32
      %ne3A_121 = vector.broadcast %ne3A : i32 to vector<3136x1xi32>
      %ne3A_122 = arith.cmpi ne, %rem3A_120, %ne3A_121 : vector<3136x1xi32>
      %lt3A_123 = arith.constant 0 : i32
      %lt3A_124 = vector.broadcast %lt3A_123 : i32 to vector<3136x1xi32>
      %lt3A_125 = arith.cmpi slt, %rem3A_120, %lt3A_124 : vector<3136x1xi32>
      %lt3A_126 = arith.constant 0 : i32
      %lt3A_127 = arith.cmpi slt, %select_n3A_119, %lt3A_126 : i32
      %ne3A_128 = vector.broadcast %lt3A_127 : i1 to vector<3136x1xi1>
      %ne3A_129 = vector.broadcast %ne3A_128 : vector<3136x1xi1> to vector<3136x1xi1>
      %ne3A_130 = arith.xori %lt3A_125, %ne3A_129 : vector<3136x1xi1>
      %and3A_131 = arith.andi %ne3A_130, %ne3A_122 : vector<3136x1xi1>
      %add3A_132 = vector.broadcast %select_n3A_119 : i32 to vector<3136x1xi32>
      %add3A_133 = arith.addi %rem3A_120, %add3A_132 : vector<3136x1xi32>
      %select_n3A_134 = arith.select %and3A_131, %add3A_133, %rem3A_120 : vector<3136x1xi1>, vector<3136x1xi32>
      %jit3A_135 = arith.constant 44 : i32
      %eq3A_136 = arith.constant 0 : i32
      %eq3A_137 = arith.cmpi eq, %jit3A_135, %eq3A_136 : i32
      %jit3A_138 = arith.constant 1 : i32
      %select_n3A_139 = arith.select %eq3A_137, %jit3A_138, %jit3A_135 : i32
      %rem3A_140 = vector.broadcast %select_n3A_139 : i32 to vector<3136x1xi32>
      %rem3A_141 = arith.remsi %add3A_34, %rem3A_140 : vector<3136x1xi32>
      %ne3A_142 = arith.constant 0 : i32
      %ne3A_143 = vector.broadcast %ne3A_142 : i32 to vector<3136x1xi32>
      %ne3A_144 = arith.cmpi ne, %rem3A_141, %ne3A_143 : vector<3136x1xi32>
      %lt3A_145 = arith.constant 0 : i32
      %lt3A_146 = vector.broadcast %lt3A_145 : i32 to vector<3136x1xi32>
      %lt3A_147 = arith.cmpi slt, %rem3A_141, %lt3A_146 : vector<3136x1xi32>
      %lt3A_148 = arith.constant 0 : i32
      %lt3A_149 = arith.cmpi slt, %select_n3A_139, %lt3A_148 : i32
      %ne3A_150 = vector.broadcast %lt3A_149 : i1 to vector<3136x1xi1>
      %ne3A_151 = vector.broadcast %ne3A_150 : vector<3136x1xi1> to vector<3136x1xi1>
      %ne3A_152 = arith.xori %lt3A_147, %ne3A_151 : vector<3136x1xi1>
      %and3A_153 = arith.andi %ne3A_152, %ne3A_144 : vector<3136x1xi1>
      %add3A_154 = vector.broadcast %select_n3A_139 : i32 to vector<3136x1xi32>
      %add3A_155 = arith.addi %rem3A_141, %add3A_154 : vector<3136x1xi32>
      %select_n3A_156 = arith.select %and3A_153, %add3A_155, %rem3A_141 : vector<3136x1xi1>, vector<3136x1xi32>
      %add3A_157 = arith.constant 12500 : i32
      %add3A_158 = vector.broadcast %add3A_157 : i32 to vector<3136x1xi32>
      %add3A_159 = arith.addi %add3A_158, %select_n3A_156 : vector<3136x1xi32>
      %select_n3A_160 = arith.select %lt3A_36, %select_n3A_134, %add3A_159 : vector<3136x1xi1>, vector<3136x1xi32>
      %broadcast_in_dim3A_161 = arith.constant 1.000000e+00 : f32
      %broadcast_in_dim3A_162 = vector.broadcast %broadcast_in_dim3A_161 : f32 to vector<3136x16xf32>
      %concatenate3A = tpu.concatenate %select_n3A, %get3A_87, %broadcast_in_dim3A_162 in 1 : vector<3136x16xf32>, vector<3136x16xf32>, vector<3136x16xf32> -> vector<3136x48xf32>
      %swap3A = arith.constant 0 : index
      %swap3A_163 = arith.constant 0 : index
      %swap3A_164 = vector.load %arg12[%swap3A, %swap3A_163] : memref<3136x48xf32, #tpu.memory_space<vmem>>, vector<3136x48xf32>
      tpu.vector_store %arg12[%swap3A, %swap3A_163], %concatenate3A {strides = array<i32>} : memref<3136x48xf32, #tpu.memory_space<vmem>>, vector<3136x48xf32>,
      %swap3A_165 = arith.constant 0 : index
      %swap3A_166 = arith.constant 0 : index
      %swap3A_167 = vector.load %arg13[%swap3A_165, %swap3A_166] : memref<3136x1xi32, #tpu.memory_space<vmem>>, vector<3136x1xi32>
      tpu.vector_store %arg13[%swap3A_165, %swap3A_166], %select_n3A_160 {strides = array<i32>} : memref<3136x1xi32, #tpu.memory_space<vmem>>, vector<3136x1xi32>,
    } else {
    }
    return
  }
  func.func @transform_0(%arg0: i32, %arg1: i32) -> (i32, i32) {
    %c0_i32 = arith.constant 0 : i32
    %c0_i32_0 = arith.constant 0 : i32
    return %arg1, %c0_i32 : i32, i32
  }
  func.func @transform_1(%arg0: i32, %arg1: i32) -> (i32, i32) {
    %c0_i32 = arith.constant 0 : i32
    %c0_i32_0 = arith.constant 0 : i32
    return %arg1, %c0_i32 : i32, i32
  }
  func.func @transform_2(%arg0: i32, %arg1: i32) -> (i32, i32) {
    %c0_i32 = arith.constant 0 : i32
    %c0_i32_0 = arith.constant 0 : i32
    return %arg1, %c0_i32 : i32, i32
  }
  func.func @transform_3(%arg0: i32, %arg1: i32) -> (i32, i32) {
    %c0_i32 = arith.constant 0 : i32
    %c0_i32_0 = arith.constant 0 : i32
    return %arg1, %c0_i32 : i32, i32
  }
  func.func @transform_4(%arg0: i32, %arg1: i32) -> (i32, i32) {
    %c0_i32 = arith.constant 0 : i32
    %c0_i32_0 = arith.constant 0 : i32
    return %arg1, %c0_i32 : i32, i32
  }
  func.func @transform_5(%arg0: i32, %arg1: i32) -> (i32, i32) {
    %c0_i32 = arith.constant 0 : i32
    %c0_i32_0 = arith.constant 0 : i32
    return %arg1, %c0_i32 : i32, i32
  }
  func.func @transform_6(%arg0: i32, %arg1: i32) -> (i32, i32) {
    %c0_i32 = arith.constant 0 : i32
    %c0_i32_0 = arith.constant 0 : i32
    %c0_i32_1 = arith.constant 0 : i32
    return %c0_i32, %c0_i32_0 : i32, i32
  }
  func.func @transform_7(%arg0: i32, %arg1: i32) -> (i32, i32) {
    %c0_i32 = arith.constant 0 : i32
    %c0_i32_0 = arith.constant 0 : i32
    %c0_i32_1 = arith.constant 0 : i32
    return %c0_i32, %c0_i32_0 : i32, i32
  }
  func.func @transform_8(%arg0: i32, %arg1: i32) -> (i32, i32) {
    %c0_i32 = arith.constant 0 : i32
    %c0_i32_0 = arith.constant 0 : i32
    %c0_i32_1 = arith.constant 0 : i32
    return %c0_i32, %c0_i32_0 : i32, i32
  }
  func.func @transform_9(%arg0: i32, %arg1: i32) -> (i32, i32) {
    %c0_i32 = arith.constant 0 : i32
    %c0_i32_0 = arith.constant 0 : i32
    %c0_i32_1 = arith.constant 0 : i32
    return %c0_i32, %c0_i32_0 : i32, i32
  }
  func.func @transform_10(%arg0: i32, %arg1: i32) -> (i32, i32) {
    %c0_i32 = arith.constant 0 : i32
    %c0_i32_0 = arith.constant 0 : i32
    return %arg1, %c0_i32 : i32, i32
  }
  func.func @transform_11(%arg0: i32, %arg1: i32) -> (i32, i32) {
    %c0_i32 = arith.constant 0 : i32
    %c0_i32_0 = arith.constant 0 : i32
    return %arg1, %c0_i32 : i32, i32
  }
}

module attributes {stable_mosaic.version = 14 : i64} {
  func.func @tc_diva_0(%arg0: i32, %arg1: memref<784x48xf32, #tpu.memory_space<vmem>>, %arg2: memref<784x48xf32, #tpu.memory_space<vmem>>, %arg3: memref<16x64xf32, #tpu.memory_space<vmem>>, %arg4: memref<1x64xf32, #tpu.memory_space<vmem>>, %arg5: memref<784x64xf32, #tpu.memory_space<vmem>>, %arg6: memref<784x16xf32, #tpu.memory_space<vmem>>) attributes {dimension_semantics = [#tpu.dimension_semantics<arbitrary>], iteration_bounds = array<i64: 16>, scalar_prefetch = 0 : i64, scratch_operands = 0 : i64, tpu.core_type = #tpu.core_type<tc>, window_params = [{transform_indices = @transform_0, window_bounds = array<i64: 784, 48>}, {transform_indices = @transform_1, window_bounds = array<i64: 784, 48>}, {pipeline_mode = #tpu.pipeline_mode<synchronous>, transform_indices = @transform_2, window_bounds = array<i64: 16, 64>}, {pipeline_mode = #tpu.pipeline_mode<synchronous>, transform_indices = @transform_3, window_bounds = array<i64: 1, 64>}, {transform_indices = @transform_4, window_bounds = array<i64: 784, 64>}, {transform_indices = @transform_5, window_bounds = array<i64: 784, 16>}]} {
    %get3A = arith.constant 0 : index
    %get3A_0 = arith.constant 0 : index
    %get3A_1 = vector.load %arg1[%get3A, %get3A_0] : memref<784x48xf32, #tpu.memory_space<vmem>>, vector<784x48xf32>
    %get3A_2 = arith.constant 0 : index
    %get3A_3 = arith.constant 0 : index
    %get3A_4 = vector.load %arg2[%get3A_2, %get3A_3] : memref<784x48xf32, #tpu.memory_space<vmem>>, vector<784x48xf32>
    %add3A = arith.addf %get3A_1, %get3A_4 : vector<784x48xf32>
    %slice3A = vector.extract_strided_slice %add3A {offsets = [0, 32], sizes = [784, 1], strides = [1, 1]} : vector<784x48xf32> to vector<784x1xf32>
    %max3A = arith.constant 1.000000e+00 : f32
    %max3A_5 = vector.broadcast %max3A : f32 to vector<784x1xf32>
    %max3A_6 = arith.maximumf %slice3A, %max3A_5 : vector<784x1xf32>
    %slice3A_7 = vector.extract_strided_slice %add3A {offsets = [0, 0], sizes = [784, 16], strides = [1, 1]} : vector<784x48xf32> to vector<784x16xf32>
    %div3A = vector.broadcast %max3A_6 : vector<784x1xf32> to vector<784x16xf32>
    %div3A_8 = arith.divf %slice3A_7, %div3A : vector<784x16xf32>
    %slice3A_9 = vector.extract_strided_slice %add3A {offsets = [0, 16], sizes = [784, 16], strides = [1, 1]} : vector<784x48xf32> to vector<784x16xf32>
    %div3A_10 = vector.broadcast %max3A_6 : vector<784x1xf32> to vector<784x16xf32>
    %div3A_11 = arith.divf %slice3A_9, %div3A_10 : vector<784x16xf32>
    %swap3A = arith.constant 0 : index
    %swap3A_12 = arith.constant 0 : index
    %swap3A_13 = vector.load %arg6[%swap3A, %swap3A_12] : memref<784x16xf32, #tpu.memory_space<vmem>>, vector<784x16xf32>
    tpu.vector_store %arg6[%swap3A, %swap3A_12], %div3A_11 {strides = array<i32>} : memref<784x16xf32, #tpu.memory_space<vmem>>, vector<784x16xf32>,
    %get3A_14 = arith.constant 0 : index
    %get3A_15 = arith.constant 0 : index
    %get3A_16 = vector.load %arg3[%get3A_14, %get3A_15] : memref<16x64xf32, #tpu.memory_space<vmem>>, vector<16x64xf32>
    %dot_general3A = arith.constant dense<0.000000e+00> : vector<784x64xf32>
    %dot_general3A_17 = tpu.matmul %div3A_8, %get3A_16, %dot_general3A {dimension_numbers = #tpu.dot_dimension_numbers<[1], [0], [0], [1], [0, 0, 1, 1], [], []>, transpose_lhs_hint = false} : vector<784x16xf32>, vector<16x64xf32>, vector<784x64xf32> -> vector<784x64xf32>
    %get3A_18 = arith.constant 0 : index
    %get3A_19 = arith.constant 0 : index
    %get3A_20 = vector.load %arg4[%get3A_18, %get3A_19] : memref<1x64xf32, #tpu.memory_space<vmem>>, vector<1x64xf32>
    %add3A_21 = vector.broadcast %get3A_20 : vector<1x64xf32> to vector<784x64xf32>
    %add3A_22 = arith.addf %dot_general3A_17, %add3A_21 : vector<784x64xf32>
    %swap3A_23 = arith.constant 0 : index
    %swap3A_24 = arith.constant 0 : index
    %swap3A_25 = vector.load %arg5[%swap3A_23, %swap3A_24] : memref<784x64xf32, #tpu.memory_space<vmem>>, vector<784x64xf32>
    tpu.vector_store %arg5[%swap3A_23, %swap3A_24], %add3A_22 {strides = array<i32>} : memref<784x64xf32, #tpu.memory_space<vmem>>, vector<784x64xf32>,
    return
  }
  func.func @transform_0(%arg0: i32) -> (i32, i32) {
    %c0_i32 = arith.constant 0 : i32
    %c0_i32_0 = arith.constant 0 : i32
    return %arg0, %c0_i32 : i32, i32
  }
  func.func @transform_1(%arg0: i32) -> (i32, i32) {
    %c0_i32 = arith.constant 0 : i32
    %c0_i32_0 = arith.constant 0 : i32
    return %arg0, %c0_i32 : i32, i32
  }
  func.func @transform_2(%arg0: i32) -> (i32, i32) {
    %c0_i32 = arith.constant 0 : i32
    %c0_i32_0 = arith.constant 0 : i32
    %c0_i32_1 = arith.constant 0 : i32
    return %c0_i32, %c0_i32_0 : i32, i32
  }
  func.func @transform_3(%arg0: i32) -> (i32, i32) {
    %c0_i32 = arith.constant 0 : i32
    %c0_i32_0 = arith.constant 0 : i32
    %c0_i32_1 = arith.constant 0 : i32
    return %c0_i32, %c0_i32_0 : i32, i32
  }
  func.func @transform_4(%arg0: i32) -> (i32, i32) {
    %c0_i32 = arith.constant 0 : i32
    %c0_i32_0 = arith.constant 0 : i32
    return %arg0, %c0_i32 : i32, i32
  }
  func.func @transform_5(%arg0: i32) -> (i32, i32) {
    %c0_i32 = arith.constant 0 : i32
    %c0_i32_0 = arith.constant 0 : i32
    return %arg0, %c0_i32 : i32, i32
  }
}

module attributes {stable_mosaic.version = 14 : i64} {
  func.func @tc_b_1(%arg0: i32, %arg1: i32, %arg2: memref<784x64xf32, #tpu.memory_space<vmem>>, %arg3: memref<784x64xf32, #tpu.memory_space<vmem>>, %arg4: memref<784x64xf32, #tpu.memory_space<vmem>>, %arg5: memref<784x16xf32, #tpu.memory_space<vmem>>, %arg6: memref<784x16xf32, #tpu.memory_space<vmem>>, %arg7: memref<784x16xf32, #tpu.memory_space<vmem>>, %arg8: memref<64x64xf32, #tpu.memory_space<vmem>>, %arg9: memref<1x64xf32, #tpu.memory_space<vmem>>, %arg10: memref<1x64xf32, #tpu.memory_space<vmem>>, %arg11: memref<1x64xf32, #tpu.memory_space<vmem>>, %arg12: memref<784x96xf32, #tpu.memory_space<vmem>>, %arg13: memref<784x1xi32, #tpu.memory_space<vmem>>, %arg14: memref<8x64xf32, #tpu.memory_space<vmem>>) attributes {dimension_semantics = [#tpu.dimension_semantics<arbitrary>, #tpu.dimension_semantics<arbitrary>], iteration_bounds = array<i64: 3, 16>, scalar_prefetch = 0 : i64, scratch_operands = 1 : i64, tpu.core_type = #tpu.core_type<tc>, window_params = [{transform_indices = @transform_0, window_bounds = array<i64: 784, 64>}, {transform_indices = @transform_1, window_bounds = array<i64: 784, 64>}, {transform_indices = @transform_2, window_bounds = array<i64: 784, 64>}, {transform_indices = @transform_3, window_bounds = array<i64: 784, 16>}, {transform_indices = @transform_4, window_bounds = array<i64: 784, 16>}, {transform_indices = @transform_5, window_bounds = array<i64: 784, 16>}, {pipeline_mode = #tpu.pipeline_mode<synchronous>, transform_indices = @transform_6, window_bounds = array<i64: 64, 64>}, {pipeline_mode = #tpu.pipeline_mode<synchronous>, transform_indices = @transform_7, window_bounds = array<i64: 1, 64>}, {pipeline_mode = #tpu.pipeline_mode<synchronous>, transform_indices = @transform_8, window_bounds = array<i64: 1, 64>}, {pipeline_mode = #tpu.pipeline_mode<synchronous>, transform_indices = @transform_9, window_bounds = array<i64: 1, 64>}, {transform_indices = @transform_10, window_bounds = array<i64: 784, 96>}, {transform_indices = @transform_11, window_bounds = array<i64: 784, 1>}]} {
    %eq3A = arith.constant 0 : i32
    %eq3A_0 = arith.cmpi eq, %arg0, %eq3A : i32
    %eq3A_1 = arith.constant 0 : i32
    %eq3A_2 = arith.cmpi eq, %arg1, %eq3A_1 : i32
    %and3A = arith.andi %eq3A_0, %eq3A_2 : i1
    %convert_element_type3A = arith.extui %and3A : i1 to i32
    %cond3A = arith.constant 0 : i32
    %cond3A_3 = arith.cmpi ne, %convert_element_type3A, %cond3A : i32
    scf.if %cond3A_3 {
      %broadcast_in_dim3A = arith.constant 0.000000e+00 : f32
      %broadcast_in_dim3A_52 = vector.broadcast %broadcast_in_dim3A : f32 to vector<8x64xf32>
      %swap3A = arith.constant 0 : index
      %swap3A_53 = arith.constant 0 : index
      %swap3A_54 = vector.load %arg14[%swap3A, %swap3A_53] : memref<8x64xf32, #tpu.memory_space<vmem>>, vector<8x64xf32>
      tpu.vector_store %arg14[%swap3A, %swap3A_53], %broadcast_in_dim3A_52 {strides = array<i32>} : memref<8x64xf32, #tpu.memory_space<vmem>>, vector<8x64xf32>,
    } else {
    }
    %get3A = arith.constant 0 : index
    %get3A_4 = arith.constant 0 : index
    %get3A_5 = vector.load %arg3[%get3A, %get3A_4] : memref<784x64xf32, #tpu.memory_space<vmem>>, vector<784x64xf32>
    %get3A_6 = arith.constant 0 : index
    %get3A_7 = arith.constant 0 : index
    %get3A_8 = vector.load %arg4[%get3A_6, %get3A_7] : memref<784x64xf32, #tpu.memory_space<vmem>>, vector<784x64xf32>
    %add3A = arith.addf %get3A_5, %get3A_8 : vector<784x64xf32>
    %get3A_9 = arith.constant 0 : index
    %get3A_10 = arith.constant 0 : index
    %get3A_11 = vector.load %arg5[%get3A_9, %get3A_10] : memref<784x16xf32, #tpu.memory_space<vmem>>, vector<784x16xf32>
    %get3A_12 = arith.constant 0 : index
    %get3A_13 = arith.constant 0 : index
    %get3A_14 = vector.load %arg6[%get3A_12, %get3A_13] : memref<784x16xf32, #tpu.memory_space<vmem>>, vector<784x16xf32>
    %add3A_15 = arith.addf %get3A_11, %get3A_14 : vector<784x16xf32>
    %slice3A = vector.extract_strided_slice %add3A_15 {offsets = [0, 0], sizes = [784, 1], strides = [1, 1]} : vector<784x16xf32> to vector<784x1xf32>
    %max3A = arith.constant 1.000000e+00 : f32
    %max3A_16 = vector.broadcast %max3A : f32 to vector<784x1xf32>
    %max3A_17 = arith.maximumf %slice3A, %max3A_16 : vector<784x1xf32>
    %get3A_18 = arith.constant 0 : index
    %get3A_19 = arith.constant 0 : index
    %get3A_20 = vector.load %arg2[%get3A_18, %get3A_19] : memref<784x64xf32, #tpu.memory_space<vmem>>, vector<784x64xf32>
    %div3A = vector.broadcast %max3A_17 : vector<784x1xf32> to vector<784x64xf32>
    %div3A_21 = arith.divf %add3A, %div3A : vector<784x64xf32>
    %add3A_22 = arith.addf %get3A_20, %div3A_21 : vector<784x64xf32>
    %get3A_23 = arith.constant 0 : index
    %get3A_24 = arith.constant 0 : index
    %get3A_25 = vector.load %arg8[%get3A_23, %get3A_24] : memref<64x64xf32, #tpu.memory_space<vmem>>, vector<64x64xf32>
    %dot_general3A = arith.constant dense<0.000000e+00> : vector<784x64xf32>
    %dot_general3A_26 = tpu.matmul %add3A_22, %get3A_25, %dot_general3A {dimension_numbers = #tpu.dot_dimension_numbers<[1], [0], [0], [1], [0, 0, 1, 1], [], []>, transpose_lhs_hint = false} : vector<784x64xf32>, vector<64x64xf32>, vector<784x64xf32> -> vector<784x64xf32>
    %get3A_27 = arith.constant 0 : index
    %get3A_28 = arith.constant 0 : index
    %get3A_29 = vector.load %arg9[%get3A_27, %get3A_28] : memref<1x64xf32, #tpu.memory_space<vmem>>, vector<1x64xf32>
    %add3A_30 = vector.broadcast %get3A_29 : vector<1x64xf32> to vector<784x64xf32>
    %add3A_31 = arith.addf %dot_general3A_26, %add3A_30 : vector<784x64xf32>
    %mul3A = arith.constant 784 : i32
    %mul3A_32 = arith.muli %arg1, %mul3A : i32
    %iota3A = tpu.iota {dimensions = array<i32: 0>} : vector<784x1xi32>
    %add3A_33 = vector.broadcast %mul3A_32 : i32 to vector<784x1xi32>
    %add3A_34 = arith.addi %add3A_33, %iota3A : vector<784x1xi32>
    %lt3A = arith.constant 12500 : i32
    %lt3A_35 = vector.broadcast %lt3A : i32 to vector<784x1xi32>
    %lt3A_36 = arith.cmpi slt, %add3A_34, %lt3A_35 : vector<784x1xi32>
    %eq3A_37 = arith.constant 0 : i32
    %eq3A_38 = arith.cmpi eq, %arg0, %eq3A_37 : i32
    %convert_element_type3A_39 = arith.extui %eq3A_38 : i1 to i32
    %cond3A_40 = arith.constant 0 : i32
    %cond3A_41 = arith.cmpi ne, %convert_element_type3A_39, %cond3A_40 : i32
    scf.if %cond3A_41 {
      %jit3A = arith.constant 0.000000e+00 : f32
      %broadcast_in_dim3A = vector.shape_cast %lt3A_36 : vector<784x1xi1> to vector<784x1xi1>
      %broadcast_in_dim3A_52 = vector.broadcast %broadcast_in_dim3A : vector<784x1xi1> to vector<784x64xi1>
      %broadcast_in_dim3A_53 = vector.broadcast %jit3A : f32 to vector<784x64xf32>
      %select_n3A = arith.select %broadcast_in_dim3A_52, %add3A_31, %broadcast_in_dim3A_53 : vector<784x64xi1>, vector<784x64xf32>
      %get3A_54 = arith.constant 0 : index
      %get3A_55 = arith.constant 0 : index
      %get3A_56 = vector.load %arg14[%get3A_54, %get3A_55] : memref<8x64xf32, #tpu.memory_space<vmem>>, vector<1x64xf32>
      %reduce_sum3A = arith.constant dense<0.000000e+00> : vector<64xf32>
      %reduce_sum3A_57 = vector.multi_reduction <add>, %select_n3A, %reduce_sum3A [0] : vector<784x64xf32> to vector<64xf32>
      %broadcast_in_dim3A_58 = vector.shape_cast %reduce_sum3A_57 : vector<64xf32> to vector<1x64xf32>
      %add3A_59 = arith.addf %get3A_56, %broadcast_in_dim3A_58 : vector<1x64xf32>
      %swap3A = arith.constant 0 : index
      %swap3A_60 = arith.constant 0 : index
      %swap3A_61 = vector.load %arg14[%swap3A, %swap3A_60] : memref<8x64xf32, #tpu.memory_space<vmem>>, vector<1x64xf32>
      tpu.vector_store %arg14[%swap3A, %swap3A_60], %add3A_59 {strides = array<i32>} : memref<8x64xf32, #tpu.memory_space<vmem>>, vector<1x64xf32>,
    } else {
    }
    %eq3A_42 = arith.constant 1 : i32
    %eq3A_43 = arith.cmpi eq, %arg0, %eq3A_42 : i32
    %convert_element_type3A_44 = arith.extui %eq3A_43 : i1 to i32
    %cond3A_45 = arith.constant 0 : i32
    %cond3A_46 = arith.cmpi ne, %convert_element_type3A_44, %cond3A_45 : i32
    scf.if %cond3A_46 {
      %get3A_52 = arith.constant 0 : index
      %get3A_53 = arith.constant 0 : index
      %get3A_54 = vector.load %arg14[%get3A_52, %get3A_53] : memref<8x64xf32, #tpu.memory_space<vmem>>, vector<1x64xf32>
      %div3A_55 = arith.constant 1.250000e+04 : f32
      %div3A_56 = vector.broadcast %div3A_55 : f32 to vector<1x64xf32>
      %div3A_57 = arith.divf %get3A_54, %div3A_56 : vector<1x64xf32>
      %sub3A = vector.broadcast %div3A_57 : vector<1x64xf32> to vector<784x64xf32>
      %sub3A_58 = arith.subf %add3A_31, %sub3A : vector<784x64xf32>
      %jit3A = arith.constant 0.000000e+00 : f32
      %broadcast_in_dim3A = vector.shape_cast %lt3A_36 : vector<784x1xi1> to vector<784x1xi1>
      %broadcast_in_dim3A_59 = vector.broadcast %broadcast_in_dim3A : vector<784x1xi1> to vector<784x64xi1>
      %broadcast_in_dim3A_60 = vector.broadcast %jit3A : f32 to vector<784x64xf32>
      %select_n3A = arith.select %broadcast_in_dim3A_59, %sub3A_58, %broadcast_in_dim3A_60 : vector<784x64xi1>, vector<784x64xf32>
      %get3A_61 = arith.constant 1 : index
      %get3A_62 = arith.constant 0 : index
      %get3A_63 = vector.load %arg14[%get3A_61, %get3A_62] : memref<8x64xf32, #tpu.memory_space<vmem>>, vector<1x64xf32>
      %mul3A_64 = arith.mulf %select_n3A, %select_n3A : vector<784x64xf32>
      %reduce_sum3A = arith.constant dense<0.000000e+00> : vector<64xf32>
      %reduce_sum3A_65 = vector.multi_reduction <add>, %mul3A_64, %reduce_sum3A [0] : vector<784x64xf32> to vector<64xf32>
      %broadcast_in_dim3A_66 = vector.shape_cast %reduce_sum3A_65 : vector<64xf32> to vector<1x64xf32>
      %add3A_67 = arith.addf %get3A_63, %broadcast_in_dim3A_66 : vector<1x64xf32>
      %swap3A = arith.constant 1 : index
      %swap3A_68 = arith.constant 0 : index
      %swap3A_69 = vector.load %arg14[%swap3A, %swap3A_68] : memref<8x64xf32, #tpu.memory_space<vmem>>, vector<1x64xf32>
      tpu.vector_store %arg14[%swap3A, %swap3A_68], %add3A_67 {strides = array<i32>} : memref<8x64xf32, #tpu.memory_space<vmem>>, vector<1x64xf32>,
    } else {
    }
    %eq3A_47 = arith.constant 2 : i32
    %eq3A_48 = arith.cmpi eq, %arg0, %eq3A_47 : i32
    %convert_element_type3A_49 = arith.extui %eq3A_48 : i1 to i32
    %cond3A_50 = arith.constant 0 : i32
    %cond3A_51 = arith.cmpi ne, %convert_element_type3A_49, %cond3A_50 : i32
    scf.if %cond3A_51 {
      %get3A_52 = arith.constant 0 : index
      %get3A_53 = arith.constant 0 : index
      %get3A_54 = vector.load %arg14[%get3A_52, %get3A_53] : memref<8x64xf32, #tpu.memory_space<vmem>>, vector<1x64xf32>
      %div3A_55 = arith.constant 1.250000e+04 : f32
      %div3A_56 = vector.broadcast %div3A_55 : f32 to vector<1x64xf32>
      %div3A_57 = arith.divf %get3A_54, %div3A_56 : vector<1x64xf32>
      %get3A_58 = arith.constant 1 : index
      %get3A_59 = arith.constant 0 : index
      %get3A_60 = vector.load %arg14[%get3A_58, %get3A_59] : memref<8x64xf32, #tpu.memory_space<vmem>>, vector<1x64xf32>
      %div3A_61 = arith.constant 1.250000e+04 : f32
      %div3A_62 = vector.broadcast %div3A_61 : f32 to vector<1x64xf32>
      %div3A_63 = arith.divf %get3A_60, %div3A_62 : vector<1x64xf32>
      %get3A_64 = arith.constant 0 : index
      %get3A_65 = arith.constant 0 : index
      %get3A_66 = vector.load %arg10[%get3A_64, %get3A_65] : memref<1x64xf32, #tpu.memory_space<vmem>>, vector<1x64xf32>
      %sub3A = vector.broadcast %div3A_57 : vector<1x64xf32> to vector<784x64xf32>
      %sub3A_67 = arith.subf %add3A_31, %sub3A : vector<784x64xf32>
      %mul3A_68 = vector.broadcast %get3A_66 : vector<1x64xf32> to vector<784x64xf32>
      %mul3A_69 = arith.mulf %mul3A_68, %sub3A_67 : vector<784x64xf32>
      %add3A_70 = arith.constant 9.99999974E-6 : f32
      %add3A_71 = vector.broadcast %add3A_70 : f32 to vector<1x64xf32>
      %add3A_72 = arith.addf %div3A_63, %add3A_71 : vector<1x64xf32>
      %sqrt3A = math.sqrt %add3A_72 : vector<1x64xf32>
      %div3A_73 = vector.broadcast %sqrt3A : vector<1x64xf32> to vector<784x64xf32>
      %div3A_74 = arith.divf %mul3A_69, %div3A_73 : vector<784x64xf32>
      %get3A_75 = arith.constant 0 : index
      %get3A_76 = arith.constant 0 : index
      %get3A_77 = vector.load %arg11[%get3A_75, %get3A_76] : memref<1x64xf32, #tpu.memory_space<vmem>>, vector<1x64xf32>
      %add3A_78 = vector.broadcast %get3A_77 : vector<1x64xf32> to vector<784x64xf32>
      %add3A_79 = arith.addf %div3A_74, %add3A_78 : vector<784x64xf32>
      %max3A_80 = arith.constant 0.000000e+00 : f32
      %max3A_81 = vector.broadcast %max3A_80 : f32 to vector<784x64xf32>
      %max3A_82 = arith.maximumf %add3A_79, %max3A_81 : vector<784x64xf32>
      %jit3A = arith.constant 0.000000e+00 : f32
      %broadcast_in_dim3A = vector.shape_cast %lt3A_36 : vector<784x1xi1> to vector<784x1xi1>
      %broadcast_in_dim3A_83 = vector.broadcast %broadcast_in_dim3A : vector<784x1xi1> to vector<784x64xi1>
      %broadcast_in_dim3A_84 = vector.broadcast %jit3A : f32 to vector<784x64xf32>
      %select_n3A = arith.select %broadcast_in_dim3A_83, %max3A_82, %broadcast_in_dim3A_84 : vector<784x64xi1>, vector<784x64xf32>
      %get3A_85 = arith.constant 0 : index
      %get3A_86 = arith.constant 0 : index
      %get3A_87 = vector.load %arg7[%get3A_85, %get3A_86] : memref<784x16xf32, #tpu.memory_space<vmem>>, vector<784x16xf32>
      %slice3A_88 = vector.extract_strided_slice %get3A_87 {offsets = [0, 0], sizes = [784, 1], strides = [1, 1]} : vector<784x16xf32> to vector<784x1xf32>
      %div3A_89 = arith.constant 2.000000e+00 : f32
      %div3A_90 = vector.broadcast %div3A_89 : f32 to vector<784x1xf32>
      %div3A_91 = arith.divf %slice3A_88, %div3A_90 : vector<784x1xf32>
      %floor3A = math.floor %div3A_91 : vector<784x1xf32>
      %convert_element_type3A_92 = arith.fptosi %floor3A : vector<784x1xf32> to vector<784x1xi32>
      %slice3A_93 = vector.extract_strided_slice %get3A_87 {offsets = [0, 1], sizes = [784, 1], strides = [1, 1]} : vector<784x16xf32> to vector<784x1xf32>
      %div3A_94 = arith.constant 2.000000e+00 : f32
      %div3A_95 = vector.broadcast %div3A_94 : f32 to vector<784x1xf32>
      %div3A_96 = arith.divf %slice3A_93, %div3A_95 : vector<784x1xf32>
      %floor3A_97 = math.floor %div3A_96 : vector<784x1xf32>
      %convert_element_type3A_98 = arith.fptosi %floor3A_97 : vector<784x1xf32> to vector<784x1xi32>
      %slice3A_99 = vector.extract_strided_slice %get3A_87 {offsets = [0, 2], sizes = [784, 1], strides = [1, 1]} : vector<784x16xf32> to vector<784x1xf32>
      %div3A_100 = arith.constant 1.000000e+00 : f32
      %div3A_101 = vector.broadcast %div3A_100 : f32 to vector<784x1xf32>
      %div3A_102 = arith.divf %slice3A_99, %div3A_101 : vector<784x1xf32>
      %floor3A_103 = math.floor %div3A_102 : vector<784x1xf32>
      %convert_element_type3A_104 = arith.fptosi %floor3A_103 : vector<784x1xf32> to vector<784x1xi32>
      %mul3A_105 = arith.constant 73856093 : i32
      %mul3A_106 = vector.broadcast %mul3A_105 : i32 to vector<784x1xi32>
      %mul3A_107 = arith.muli %convert_element_type3A_92, %mul3A_106 : vector<784x1xi32>
      %mul3A_108 = arith.constant 19349663 : i32
      %mul3A_109 = vector.broadcast %mul3A_108 : i32 to vector<784x1xi32>
      %mul3A_110 = arith.muli %convert_element_type3A_98, %mul3A_109 : vector<784x1xi32>
      %xor3A = arith.xori %mul3A_107, %mul3A_110 : vector<784x1xi32>
      %mul3A_111 = arith.constant 83492791 : i32
      %mul3A_112 = vector.broadcast %mul3A_111 : i32 to vector<784x1xi32>
      %mul3A_113 = arith.muli %convert_element_type3A_104, %mul3A_112 : vector<784x1xi32>
      %xor3A_114 = arith.xori %xor3A, %mul3A_113 : vector<784x1xi32>
      %jit3A_115 = arith.constant 3125 : i32
      %eq3A_116 = arith.constant 0 : i32
      %eq3A_117 = arith.cmpi eq, %jit3A_115, %eq3A_116 : i32
      %jit3A_118 = arith.constant 1 : i32
      %select_n3A_119 = arith.select %eq3A_117, %jit3A_118, %jit3A_115 : i32
      %rem3A = vector.broadcast %select_n3A_119 : i32 to vector<784x1xi32>
      %rem3A_120 = arith.remsi %xor3A_114, %rem3A : vector<784x1xi32>
      %ne3A = arith.constant 0 : i32
      %ne3A_121 = vector.broadcast %ne3A : i32 to vector<784x1xi32>
      %ne3A_122 = arith.cmpi ne, %rem3A_120, %ne3A_121 : vector<784x1xi32>
      %lt3A_123 = arith.constant 0 : i32
      %lt3A_124 = vector.broadcast %lt3A_123 : i32 to vector<784x1xi32>
      %lt3A_125 = arith.cmpi slt, %rem3A_120, %lt3A_124 : vector<784x1xi32>
      %lt3A_126 = arith.constant 0 : i32
      %lt3A_127 = arith.cmpi slt, %select_n3A_119, %lt3A_126 : i32
      %ne3A_128 = vector.broadcast %lt3A_127 : i1 to vector<784x1xi1>
      %ne3A_129 = vector.broadcast %ne3A_128 : vector<784x1xi1> to vector<784x1xi1>
      %ne3A_130 = arith.xori %lt3A_125, %ne3A_129 : vector<784x1xi1>
      %and3A_131 = arith.andi %ne3A_130, %ne3A_122 : vector<784x1xi1>
      %add3A_132 = vector.broadcast %select_n3A_119 : i32 to vector<784x1xi32>
      %add3A_133 = arith.addi %rem3A_120, %add3A_132 : vector<784x1xi32>
      %select_n3A_134 = arith.select %and3A_131, %add3A_133, %rem3A_120 : vector<784x1xi1>, vector<784x1xi32>
      %jit3A_135 = arith.constant 203 : i32
      %eq3A_136 = arith.constant 0 : i32
      %eq3A_137 = arith.cmpi eq, %jit3A_135, %eq3A_136 : i32
      %jit3A_138 = arith.constant 1 : i32
      %select_n3A_139 = arith.select %eq3A_137, %jit3A_138, %jit3A_135 : i32
      %rem3A_140 = vector.broadcast %select_n3A_139 : i32 to vector<784x1xi32>
      %rem3A_141 = arith.remsi %add3A_34, %rem3A_140 : vector<784x1xi32>
      %ne3A_142 = arith.constant 0 : i32
      %ne3A_143 = vector.broadcast %ne3A_142 : i32 to vector<784x1xi32>
      %ne3A_144 = arith.cmpi ne, %rem3A_141, %ne3A_143 : vector<784x1xi32>
      %lt3A_145 = arith.constant 0 : i32
      %lt3A_146 = vector.broadcast %lt3A_145 : i32 to vector<784x1xi32>
      %lt3A_147 = arith.cmpi slt, %rem3A_141, %lt3A_146 : vector<784x1xi32>
      %lt3A_148 = arith.constant 0 : i32
      %lt3A_149 = arith.cmpi slt, %select_n3A_139, %lt3A_148 : i32
      %ne3A_150 = vector.broadcast %lt3A_149 : i1 to vector<784x1xi1>
      %ne3A_151 = vector.broadcast %ne3A_150 : vector<784x1xi1> to vector<784x1xi1>
      %ne3A_152 = arith.xori %lt3A_147, %ne3A_151 : vector<784x1xi1>
      %and3A_153 = arith.andi %ne3A_152, %ne3A_144 : vector<784x1xi1>
      %add3A_154 = vector.broadcast %select_n3A_139 : i32 to vector<784x1xi32>
      %add3A_155 = arith.addi %rem3A_141, %add3A_154 : vector<784x1xi32>
      %select_n3A_156 = arith.select %and3A_153, %add3A_155, %rem3A_141 : vector<784x1xi1>, vector<784x1xi32>
      %add3A_157 = arith.constant 3125 : i32
      %add3A_158 = vector.broadcast %add3A_157 : i32 to vector<784x1xi32>
      %add3A_159 = arith.addi %add3A_158, %select_n3A_156 : vector<784x1xi32>
      %select_n3A_160 = arith.select %lt3A_36, %select_n3A_134, %add3A_159 : vector<784x1xi1>, vector<784x1xi32>
      %broadcast_in_dim3A_161 = arith.constant 1.000000e+00 : f32
      %broadcast_in_dim3A_162 = vector.broadcast %broadcast_in_dim3A_161 : f32 to vector<784x16xf32>
      %concatenate3A = tpu.concatenate %select_n3A, %get3A_87, %broadcast_in_dim3A_162 in 1 : vector<784x64xf32>, vector<784x16xf32>, vector<784x16xf32> -> vector<784x96xf32>
      %swap3A = arith.constant 0 : index
      %swap3A_163 = arith.constant 0 : index
      %swap3A_164 = vector.load %arg12[%swap3A, %swap3A_163] : memref<784x96xf32, #tpu.memory_space<vmem>>, vector<784x96xf32>
      tpu.vector_store %arg12[%swap3A, %swap3A_163], %concatenate3A {strides = array<i32>} : memref<784x96xf32, #tpu.memory_space<vmem>>, vector<784x96xf32>,
      %swap3A_165 = arith.constant 0 : index
      %swap3A_166 = arith.constant 0 : index
      %swap3A_167 = vector.load %arg13[%swap3A_165, %swap3A_166] : memref<784x1xi32, #tpu.memory_space<vmem>>, vector<784x1xi32>
      tpu.vector_store %arg13[%swap3A_165, %swap3A_166], %select_n3A_160 {strides = array<i32>} : memref<784x1xi32, #tpu.memory_space<vmem>>, vector<784x1xi32>,
    } else {
    }
    return
  }
  func.func @transform_0(%arg0: i32, %arg1: i32) -> (i32, i32) {
    %c0_i32 = arith.constant 0 : i32
    %c0_i32_0 = arith.constant 0 : i32
    return %arg1, %c0_i32 : i32, i32
  }
  func.func @transform_1(%arg0: i32, %arg1: i32) -> (i32, i32) {
    %c0_i32 = arith.constant 0 : i32
    %c0_i32_0 = arith.constant 0 : i32
    return %arg1, %c0_i32 : i32, i32
  }
  func.func @transform_2(%arg0: i32, %arg1: i32) -> (i32, i32) {
    %c0_i32 = arith.constant 0 : i32
    %c0_i32_0 = arith.constant 0 : i32
    return %arg1, %c0_i32 : i32, i32
  }
  func.func @transform_3(%arg0: i32, %arg1: i32) -> (i32, i32) {
    %c0_i32 = arith.constant 0 : i32
    %c0_i32_0 = arith.constant 0 : i32
    return %arg1, %c0_i32 : i32, i32
  }
  func.func @transform_4(%arg0: i32, %arg1: i32) -> (i32, i32) {
    %c0_i32 = arith.constant 0 : i32
    %c0_i32_0 = arith.constant 0 : i32
    return %arg1, %c0_i32 : i32, i32
  }
  func.func @transform_5(%arg0: i32, %arg1: i32) -> (i32, i32) {
    %c0_i32 = arith.constant 0 : i32
    %c0_i32_0 = arith.constant 0 : i32
    return %arg1, %c0_i32 : i32, i32
  }
  func.func @transform_6(%arg0: i32, %arg1: i32) -> (i32, i32) {
    %c0_i32 = arith.constant 0 : i32
    %c0_i32_0 = arith.constant 0 : i32
    %c0_i32_1 = arith.constant 0 : i32
    return %c0_i32, %c0_i32_0 : i32, i32
  }
  func.func @transform_7(%arg0: i32, %arg1: i32) -> (i32, i32) {
    %c0_i32 = arith.constant 0 : i32
    %c0_i32_0 = arith.constant 0 : i32
    %c0_i32_1 = arith.constant 0 : i32
    return %c0_i32, %c0_i32_0 : i32, i32
  }
  func.func @transform_8(%arg0: i32, %arg1: i32) -> (i32, i32) {
    %c0_i32 = arith.constant 0 : i32
    %c0_i32_0 = arith.constant 0 : i32
    %c0_i32_1 = arith.constant 0 : i32
    return %c0_i32, %c0_i32_0 : i32, i32
  }
  func.func @transform_9(%arg0: i32, %arg1: i32) -> (i32, i32) {
    %c0_i32 = arith.constant 0 : i32
    %c0_i32_0 = arith.constant 0 : i32
    %c0_i32_1 = arith.constant 0 : i32
    return %c0_i32, %c0_i32_0 : i32, i32
  }
  func.func @transform_10(%arg0: i32, %arg1: i32) -> (i32, i32) {
    %c0_i32 = arith.constant 0 : i32
    %c0_i32_0 = arith.constant 0 : i32
    return %arg1, %c0_i32 : i32, i32
  }
  func.func @transform_11(%arg0: i32, %arg1: i32) -> (i32, i32) {
    %c0_i32 = arith.constant 0 : i32
    %c0_i32_0 = arith.constant 0 : i32
    return %arg1, %c0_i32 : i32, i32
  }
}

module attributes {stable_mosaic.version = 14 : i64} {
  func.func @tc_diva_1(%arg0: i32, %arg1: memref<208x96xf32, #tpu.memory_space<vmem>>, %arg2: memref<208x96xf32, #tpu.memory_space<vmem>>, %arg3: memref<64x128xf32, #tpu.memory_space<vmem>>, %arg4: memref<1x128xf32, #tpu.memory_space<vmem>>, %arg5: memref<208x128xf32, #tpu.memory_space<vmem>>, %arg6: memref<208x16xf32, #tpu.memory_space<vmem>>) attributes {dimension_semantics = [#tpu.dimension_semantics<arbitrary>], iteration_bounds = array<i64: 16>, scalar_prefetch = 0 : i64, scratch_operands = 0 : i64, tpu.core_type = #tpu.core_type<tc>, window_params = [{transform_indices = @transform_0, window_bounds = array<i64: 208, 96>}, {transform_indices = @transform_1, window_bounds = array<i64: 208, 96>}, {pipeline_mode = #tpu.pipeline_mode<synchronous>, transform_indices = @transform_2, window_bounds = array<i64: 64, 128>}, {pipeline_mode = #tpu.pipeline_mode<synchronous>, transform_indices = @transform_3, window_bounds = array<i64: 1, 128>}, {transform_indices = @transform_4, window_bounds = array<i64: 208, 128>}, {transform_indices = @transform_5, window_bounds = array<i64: 208, 16>}]} {
    %get3A = arith.constant 0 : index
    %get3A_0 = arith.constant 0 : index
    %get3A_1 = vector.load %arg1[%get3A, %get3A_0] : memref<208x96xf32, #tpu.memory_space<vmem>>, vector<208x96xf32>
    %get3A_2 = arith.constant 0 : index
    %get3A_3 = arith.constant 0 : index
    %get3A_4 = vector.load %arg2[%get3A_2, %get3A_3] : memref<208x96xf32, #tpu.memory_space<vmem>>, vector<208x96xf32>
    %add3A = arith.addf %get3A_1, %get3A_4 : vector<208x96xf32>
    %slice3A = vector.extract_strided_slice %add3A {offsets = [0, 80], sizes = [208, 1], strides = [1, 1]} : vector<208x96xf32> to vector<208x1xf32>
    %max3A = arith.constant 1.000000e+00 : f32
    %max3A_5 = vector.broadcast %max3A : f32 to vector<208x1xf32>
    %max3A_6 = arith.maximumf %slice3A, %max3A_5 : vector<208x1xf32>
    %slice3A_7 = vector.extract_strided_slice %add3A {offsets = [0, 0], sizes = [208, 64], strides = [1, 1]} : vector<208x96xf32> to vector<208x64xf32>
    %div3A = vector.broadcast %max3A_6 : vector<208x1xf32> to vector<208x64xf32>
    %div3A_8 = arith.divf %slice3A_7, %div3A : vector<208x64xf32>
    %slice3A_9 = vector.extract_strided_slice %add3A {offsets = [0, 64], sizes = [208, 16], strides = [1, 1]} : vector<208x96xf32> to vector<208x16xf32>
    %div3A_10 = vector.broadcast %max3A_6 : vector<208x1xf32> to vector<208x16xf32>
    %div3A_11 = arith.divf %slice3A_9, %div3A_10 : vector<208x16xf32>
    %swap3A = arith.constant 0 : index
    %swap3A_12 = arith.constant 0 : index
    %swap3A_13 = vector.load %arg6[%swap3A, %swap3A_12] : memref<208x16xf32, #tpu.memory_space<vmem>>, vector<208x16xf32>
    tpu.vector_store %arg6[%swap3A, %swap3A_12], %div3A_11 {strides = array<i32>} : memref<208x16xf32, #tpu.memory_space<vmem>>, vector<208x16xf32>,
    %get3A_14 = arith.constant 0 : index
    %get3A_15 = arith.constant 0 : index
    %get3A_16 = vector.load %arg3[%get3A_14, %get3A_15] : memref<64x128xf32, #tpu.memory_space<vmem>>, vector<64x128xf32>
    %dot_general3A = arith.constant dense<0.000000e+00> : vector<208x128xf32>
    %dot_general3A_17 = tpu.matmul %div3A_8, %get3A_16, %dot_general3A {dimension_numbers = #tpu.dot_dimension_numbers<[1], [0], [0], [1], [0, 0, 1, 1], [], []>, transpose_lhs_hint = false} : vector<208x64xf32>, vector<64x128xf32>, vector<208x128xf32> -> vector<208x128xf32>
    %get3A_18 = arith.constant 0 : index
    %get3A_19 = arith.constant 0 : index
    %get3A_20 = vector.load %arg4[%get3A_18, %get3A_19] : memref<1x128xf32, #tpu.memory_space<vmem>>, vector<1x128xf32>
    %add3A_21 = vector.broadcast %get3A_20 : vector<1x128xf32> to vector<208x128xf32>
    %add3A_22 = arith.addf %dot_general3A_17, %add3A_21 : vector<208x128xf32>
    %swap3A_23 = arith.constant 0 : index
    %swap3A_24 = arith.constant 0 : index
    %swap3A_25 = vector.load %arg5[%swap3A_23, %swap3A_24] : memref<208x128xf32, #tpu.memory_space<vmem>>, vector<208x128xf32>
    tpu.vector_store %arg5[%swap3A_23, %swap3A_24], %add3A_22 {strides = array<i32>} : memref<208x128xf32, #tpu.memory_space<vmem>>, vector<208x128xf32>,
    return
  }
  func.func @transform_0(%arg0: i32) -> (i32, i32) {
    %c0_i32 = arith.constant 0 : i32
    %c0_i32_0 = arith.constant 0 : i32
    return %arg0, %c0_i32 : i32, i32
  }
  func.func @transform_1(%arg0: i32) -> (i32, i32) {
    %c0_i32 = arith.constant 0 : i32
    %c0_i32_0 = arith.constant 0 : i32
    return %arg0, %c0_i32 : i32, i32
  }
  func.func @transform_2(%arg0: i32) -> (i32, i32) {
    %c0_i32 = arith.constant 0 : i32
    %c0_i32_0 = arith.constant 0 : i32
    %c0_i32_1 = arith.constant 0 : i32
    return %c0_i32, %c0_i32_0 : i32, i32
  }
  func.func @transform_3(%arg0: i32) -> (i32, i32) {
    %c0_i32 = arith.constant 0 : i32
    %c0_i32_0 = arith.constant 0 : i32
    %c0_i32_1 = arith.constant 0 : i32
    return %c0_i32, %c0_i32_0 : i32, i32
  }
  func.func @transform_4(%arg0: i32) -> (i32, i32) {
    %c0_i32 = arith.constant 0 : i32
    %c0_i32_0 = arith.constant 0 : i32
    return %arg0, %c0_i32 : i32, i32
  }
  func.func @transform_5(%arg0: i32) -> (i32, i32) {
    %c0_i32 = arith.constant 0 : i32
    %c0_i32_0 = arith.constant 0 : i32
    return %arg0, %c0_i32 : i32, i32
  }
}

module attributes {stable_mosaic.version = 14 : i64} {
  func.func @tc_b_2(%arg0: i32, %arg1: i32, %arg2: memref<208x128xf32, #tpu.memory_space<vmem>>, %arg3: memref<208x128xf32, #tpu.memory_space<vmem>>, %arg4: memref<208x128xf32, #tpu.memory_space<vmem>>, %arg5: memref<208x16xf32, #tpu.memory_space<vmem>>, %arg6: memref<208x16xf32, #tpu.memory_space<vmem>>, %arg7: memref<208x16xf32, #tpu.memory_space<vmem>>, %arg8: memref<128x128xf32, #tpu.memory_space<vmem>>, %arg9: memref<1x128xf32, #tpu.memory_space<vmem>>, %arg10: memref<1x128xf32, #tpu.memory_space<vmem>>, %arg11: memref<1x128xf32, #tpu.memory_space<vmem>>, %arg12: memref<208x160xf32, #tpu.memory_space<vmem>>, %arg13: memref<208x1xi32, #tpu.memory_space<vmem>>, %arg14: memref<8x128xf32, #tpu.memory_space<vmem>>) attributes {dimension_semantics = [#tpu.dimension_semantics<arbitrary>, #tpu.dimension_semantics<arbitrary>], iteration_bounds = array<i64: 3, 16>, scalar_prefetch = 0 : i64, scratch_operands = 1 : i64, tpu.core_type = #tpu.core_type<tc>, window_params = [{transform_indices = @transform_0, window_bounds = array<i64: 208, 128>}, {transform_indices = @transform_1, window_bounds = array<i64: 208, 128>}, {transform_indices = @transform_2, window_bounds = array<i64: 208, 128>}, {transform_indices = @transform_3, window_bounds = array<i64: 208, 16>}, {transform_indices = @transform_4, window_bounds = array<i64: 208, 16>}, {transform_indices = @transform_5, window_bounds = array<i64: 208, 16>}, {pipeline_mode = #tpu.pipeline_mode<synchronous>, transform_indices = @transform_6, window_bounds = array<i64: 128, 128>}, {pipeline_mode = #tpu.pipeline_mode<synchronous>, transform_indices = @transform_7, window_bounds = array<i64: 1, 128>}, {pipeline_mode = #tpu.pipeline_mode<synchronous>, transform_indices = @transform_8, window_bounds = array<i64: 1, 128>}, {pipeline_mode = #tpu.pipeline_mode<synchronous>, transform_indices = @transform_9, window_bounds = array<i64: 1, 128>}, {transform_indices = @transform_10, window_bounds = array<i64: 208, 160>}, {transform_indices = @transform_11, window_bounds = array<i64: 208, 1>}]} {
    %eq3A = arith.constant 0 : i32
    %eq3A_0 = arith.cmpi eq, %arg0, %eq3A : i32
    %eq3A_1 = arith.constant 0 : i32
    %eq3A_2 = arith.cmpi eq, %arg1, %eq3A_1 : i32
    %and3A = arith.andi %eq3A_0, %eq3A_2 : i1
    %convert_element_type3A = arith.extui %and3A : i1 to i32
    %cond3A = arith.constant 0 : i32
    %cond3A_3 = arith.cmpi ne, %convert_element_type3A, %cond3A : i32
    scf.if %cond3A_3 {
      %broadcast_in_dim3A = arith.constant 0.000000e+00 : f32
      %broadcast_in_dim3A_52 = vector.broadcast %broadcast_in_dim3A : f32 to vector<8x128xf32>
      %swap3A = arith.constant 0 : index
      %swap3A_53 = arith.constant 0 : index
      %swap3A_54 = vector.load %arg14[%swap3A, %swap3A_53] : memref<8x128xf32, #tpu.memory_space<vmem>>, vector<8x128xf32>
      tpu.vector_store %arg14[%swap3A, %swap3A_53], %broadcast_in_dim3A_52 {strides = array<i32>} : memref<8x128xf32, #tpu.memory_space<vmem>>, vector<8x128xf32>,
    } else {
    }
    %get3A = arith.constant 0 : index
    %get3A_4 = arith.constant 0 : index
    %get3A_5 = vector.load %arg3[%get3A, %get3A_4] : memref<208x128xf32, #tpu.memory_space<vmem>>, vector<208x128xf32>
    %get3A_6 = arith.constant 0 : index
    %get3A_7 = arith.constant 0 : index
    %get3A_8 = vector.load %arg4[%get3A_6, %get3A_7] : memref<208x128xf32, #tpu.memory_space<vmem>>, vector<208x128xf32>
    %add3A = arith.addf %get3A_5, %get3A_8 : vector<208x128xf32>
    %get3A_9 = arith.constant 0 : index
    %get3A_10 = arith.constant 0 : index
    %get3A_11 = vector.load %arg5[%get3A_9, %get3A_10] : memref<208x16xf32, #tpu.memory_space<vmem>>, vector<208x16xf32>
    %get3A_12 = arith.constant 0 : index
    %get3A_13 = arith.constant 0 : index
    %get3A_14 = vector.load %arg6[%get3A_12, %get3A_13] : memref<208x16xf32, #tpu.memory_space<vmem>>, vector<208x16xf32>
    %add3A_15 = arith.addf %get3A_11, %get3A_14 : vector<208x16xf32>
    %slice3A = vector.extract_strided_slice %add3A_15 {offsets = [0, 0], sizes = [208, 1], strides = [1, 1]} : vector<208x16xf32> to vector<208x1xf32>
    %max3A = arith.constant 1.000000e+00 : f32
    %max3A_16 = vector.broadcast %max3A : f32 to vector<208x1xf32>
    %max3A_17 = arith.maximumf %slice3A, %max3A_16 : vector<208x1xf32>
    %get3A_18 = arith.constant 0 : index
    %get3A_19 = arith.constant 0 : index
    %get3A_20 = vector.load %arg2[%get3A_18, %get3A_19] : memref<208x128xf32, #tpu.memory_space<vmem>>, vector<208x128xf32>
    %div3A = vector.broadcast %max3A_17 : vector<208x1xf32> to vector<208x128xf32>
    %div3A_21 = arith.divf %add3A, %div3A : vector<208x128xf32>
    %add3A_22 = arith.addf %get3A_20, %div3A_21 : vector<208x128xf32>
    %get3A_23 = arith.constant 0 : index
    %get3A_24 = arith.constant 0 : index
    %get3A_25 = vector.load %arg8[%get3A_23, %get3A_24] : memref<128x128xf32, #tpu.memory_space<vmem>>, vector<128x128xf32>
    %dot_general3A = arith.constant dense<0.000000e+00> : vector<208x128xf32>
    %dot_general3A_26 = tpu.matmul %add3A_22, %get3A_25, %dot_general3A {dimension_numbers = #tpu.dot_dimension_numbers<[1], [0], [0], [1], [0, 0, 1, 1], [], []>, transpose_lhs_hint = false} : vector<208x128xf32>, vector<128x128xf32>, vector<208x128xf32> -> vector<208x128xf32>
    %get3A_27 = arith.constant 0 : index
    %get3A_28 = arith.constant 0 : index
    %get3A_29 = vector.load %arg9[%get3A_27, %get3A_28] : memref<1x128xf32, #tpu.memory_space<vmem>>, vector<1x128xf32>
    %add3A_30 = vector.broadcast %get3A_29 : vector<1x128xf32> to vector<208x128xf32>
    %add3A_31 = arith.addf %dot_general3A_26, %add3A_30 : vector<208x128xf32>
    %mul3A = arith.constant 208 : i32
    %mul3A_32 = arith.muli %arg1, %mul3A : i32
    %iota3A = tpu.iota {dimensions = array<i32: 0>} : vector<208x1xi32>
    %add3A_33 = vector.broadcast %mul3A_32 : i32 to vector<208x1xi32>
    %add3A_34 = arith.addi %add3A_33, %iota3A : vector<208x1xi32>
    %lt3A = arith.constant 3125 : i32
    %lt3A_35 = vector.broadcast %lt3A : i32 to vector<208x1xi32>
    %lt3A_36 = arith.cmpi slt, %add3A_34, %lt3A_35 : vector<208x1xi32>
    %eq3A_37 = arith.constant 0 : i32
    %eq3A_38 = arith.cmpi eq, %arg0, %eq3A_37 : i32
    %convert_element_type3A_39 = arith.extui %eq3A_38 : i1 to i32
    %cond3A_40 = arith.constant 0 : i32
    %cond3A_41 = arith.cmpi ne, %convert_element_type3A_39, %cond3A_40 : i32
    scf.if %cond3A_41 {
      %jit3A = arith.constant 0.000000e+00 : f32
      %broadcast_in_dim3A = vector.shape_cast %lt3A_36 : vector<208x1xi1> to vector<208x1xi1>
      %broadcast_in_dim3A_52 = vector.broadcast %broadcast_in_dim3A : vector<208x1xi1> to vector<208x128xi1>
      %broadcast_in_dim3A_53 = vector.broadcast %jit3A : f32 to vector<208x128xf32>
      %select_n3A = arith.select %broadcast_in_dim3A_52, %add3A_31, %broadcast_in_dim3A_53 : vector<208x128xi1>, vector<208x128xf32>
      %get3A_54 = arith.constant 0 : index
      %get3A_55 = arith.constant 0 : index
      %get3A_56 = vector.load %arg14[%get3A_54, %get3A_55] : memref<8x128xf32, #tpu.memory_space<vmem>>, vector<1x128xf32>
      %reduce_sum3A = arith.constant dense<0.000000e+00> : vector<128xf32>
      %reduce_sum3A_57 = vector.multi_reduction <add>, %select_n3A, %reduce_sum3A [0] : vector<208x128xf32> to vector<128xf32>
      %broadcast_in_dim3A_58 = vector.shape_cast %reduce_sum3A_57 : vector<128xf32> to vector<1x128xf32>
      %add3A_59 = arith.addf %get3A_56, %broadcast_in_dim3A_58 : vector<1x128xf32>
      %swap3A = arith.constant 0 : index
      %swap3A_60 = arith.constant 0 : index
      %swap3A_61 = vector.load %arg14[%swap3A, %swap3A_60] : memref<8x128xf32, #tpu.memory_space<vmem>>, vector<1x128xf32>
      tpu.vector_store %arg14[%swap3A, %swap3A_60], %add3A_59 {strides = array<i32>} : memref<8x128xf32, #tpu.memory_space<vmem>>, vector<1x128xf32>,
    } else {
    }
    %eq3A_42 = arith.constant 1 : i32
    %eq3A_43 = arith.cmpi eq, %arg0, %eq3A_42 : i32
    %convert_element_type3A_44 = arith.extui %eq3A_43 : i1 to i32
    %cond3A_45 = arith.constant 0 : i32
    %cond3A_46 = arith.cmpi ne, %convert_element_type3A_44, %cond3A_45 : i32
    scf.if %cond3A_46 {
      %get3A_52 = arith.constant 0 : index
      %get3A_53 = arith.constant 0 : index
      %get3A_54 = vector.load %arg14[%get3A_52, %get3A_53] : memref<8x128xf32, #tpu.memory_space<vmem>>, vector<1x128xf32>
      %div3A_55 = arith.constant 3.125000e+03 : f32
      %div3A_56 = vector.broadcast %div3A_55 : f32 to vector<1x128xf32>
      %div3A_57 = arith.divf %get3A_54, %div3A_56 : vector<1x128xf32>
      %sub3A = vector.broadcast %div3A_57 : vector<1x128xf32> to vector<208x128xf32>
      %sub3A_58 = arith.subf %add3A_31, %sub3A : vector<208x128xf32>
      %jit3A = arith.constant 0.000000e+00 : f32
      %broadcast_in_dim3A = vector.shape_cast %lt3A_36 : vector<208x1xi1> to vector<208x1xi1>
      %broadcast_in_dim3A_59 = vector.broadcast %broadcast_in_dim3A : vector<208x1xi1> to vector<208x128xi1>
      %broadcast_in_dim3A_60 = vector.broadcast %jit3A : f32 to vector<208x128xf32>
      %select_n3A = arith.select %broadcast_in_dim3A_59, %sub3A_58, %broadcast_in_dim3A_60 : vector<208x128xi1>, vector<208x128xf32>
      %get3A_61 = arith.constant 1 : index
      %get3A_62 = arith.constant 0 : index
      %get3A_63 = vector.load %arg14[%get3A_61, %get3A_62] : memref<8x128xf32, #tpu.memory_space<vmem>>, vector<1x128xf32>
      %mul3A_64 = arith.mulf %select_n3A, %select_n3A : vector<208x128xf32>
      %reduce_sum3A = arith.constant dense<0.000000e+00> : vector<128xf32>
      %reduce_sum3A_65 = vector.multi_reduction <add>, %mul3A_64, %reduce_sum3A [0] : vector<208x128xf32> to vector<128xf32>
      %broadcast_in_dim3A_66 = vector.shape_cast %reduce_sum3A_65 : vector<128xf32> to vector<1x128xf32>
      %add3A_67 = arith.addf %get3A_63, %broadcast_in_dim3A_66 : vector<1x128xf32>
      %swap3A = arith.constant 1 : index
      %swap3A_68 = arith.constant 0 : index
      %swap3A_69 = vector.load %arg14[%swap3A, %swap3A_68] : memref<8x128xf32, #tpu.memory_space<vmem>>, vector<1x128xf32>
      tpu.vector_store %arg14[%swap3A, %swap3A_68], %add3A_67 {strides = array<i32>} : memref<8x128xf32, #tpu.memory_space<vmem>>, vector<1x128xf32>,
    } else {
    }
    %eq3A_47 = arith.constant 2 : i32
    %eq3A_48 = arith.cmpi eq, %arg0, %eq3A_47 : i32
    %convert_element_type3A_49 = arith.extui %eq3A_48 : i1 to i32
    %cond3A_50 = arith.constant 0 : i32
    %cond3A_51 = arith.cmpi ne, %convert_element_type3A_49, %cond3A_50 : i32
    scf.if %cond3A_51 {
      %get3A_52 = arith.constant 0 : index
      %get3A_53 = arith.constant 0 : index
      %get3A_54 = vector.load %arg14[%get3A_52, %get3A_53] : memref<8x128xf32, #tpu.memory_space<vmem>>, vector<1x128xf32>
      %div3A_55 = arith.constant 3.125000e+03 : f32
      %div3A_56 = vector.broadcast %div3A_55 : f32 to vector<1x128xf32>
      %div3A_57 = arith.divf %get3A_54, %div3A_56 : vector<1x128xf32>
      %get3A_58 = arith.constant 1 : index
      %get3A_59 = arith.constant 0 : index
      %get3A_60 = vector.load %arg14[%get3A_58, %get3A_59] : memref<8x128xf32, #tpu.memory_space<vmem>>, vector<1x128xf32>
      %div3A_61 = arith.constant 3.125000e+03 : f32
      %div3A_62 = vector.broadcast %div3A_61 : f32 to vector<1x128xf32>
      %div3A_63 = arith.divf %get3A_60, %div3A_62 : vector<1x128xf32>
      %get3A_64 = arith.constant 0 : index
      %get3A_65 = arith.constant 0 : index
      %get3A_66 = vector.load %arg10[%get3A_64, %get3A_65] : memref<1x128xf32, #tpu.memory_space<vmem>>, vector<1x128xf32>
      %sub3A = vector.broadcast %div3A_57 : vector<1x128xf32> to vector<208x128xf32>
      %sub3A_67 = arith.subf %add3A_31, %sub3A : vector<208x128xf32>
      %mul3A_68 = vector.broadcast %get3A_66 : vector<1x128xf32> to vector<208x128xf32>
      %mul3A_69 = arith.mulf %mul3A_68, %sub3A_67 : vector<208x128xf32>
      %add3A_70 = arith.constant 9.99999974E-6 : f32
      %add3A_71 = vector.broadcast %add3A_70 : f32 to vector<1x128xf32>
      %add3A_72 = arith.addf %div3A_63, %add3A_71 : vector<1x128xf32>
      %sqrt3A = math.sqrt %add3A_72 : vector<1x128xf32>
      %div3A_73 = vector.broadcast %sqrt3A : vector<1x128xf32> to vector<208x128xf32>
      %div3A_74 = arith.divf %mul3A_69, %div3A_73 : vector<208x128xf32>
      %get3A_75 = arith.constant 0 : index
      %get3A_76 = arith.constant 0 : index
      %get3A_77 = vector.load %arg11[%get3A_75, %get3A_76] : memref<1x128xf32, #tpu.memory_space<vmem>>, vector<1x128xf32>
      %add3A_78 = vector.broadcast %get3A_77 : vector<1x128xf32> to vector<208x128xf32>
      %add3A_79 = arith.addf %div3A_74, %add3A_78 : vector<208x128xf32>
      %max3A_80 = arith.constant 0.000000e+00 : f32
      %max3A_81 = vector.broadcast %max3A_80 : f32 to vector<208x128xf32>
      %max3A_82 = arith.maximumf %add3A_79, %max3A_81 : vector<208x128xf32>
      %jit3A = arith.constant 0.000000e+00 : f32
      %broadcast_in_dim3A = vector.shape_cast %lt3A_36 : vector<208x1xi1> to vector<208x1xi1>
      %broadcast_in_dim3A_83 = vector.broadcast %broadcast_in_dim3A : vector<208x1xi1> to vector<208x128xi1>
      %broadcast_in_dim3A_84 = vector.broadcast %jit3A : f32 to vector<208x128xf32>
      %select_n3A = arith.select %broadcast_in_dim3A_83, %max3A_82, %broadcast_in_dim3A_84 : vector<208x128xi1>, vector<208x128xf32>
      %get3A_85 = arith.constant 0 : index
      %get3A_86 = arith.constant 0 : index
      %get3A_87 = vector.load %arg7[%get3A_85, %get3A_86] : memref<208x16xf32, #tpu.memory_space<vmem>>, vector<208x16xf32>
      %slice3A_88 = vector.extract_strided_slice %get3A_87 {offsets = [0, 0], sizes = [208, 1], strides = [1, 1]} : vector<208x16xf32> to vector<208x1xf32>
      %div3A_89 = arith.constant 2.000000e+00 : f32
      %div3A_90 = vector.broadcast %div3A_89 : f32 to vector<208x1xf32>
      %div3A_91 = arith.divf %slice3A_88, %div3A_90 : vector<208x1xf32>
      %floor3A = math.floor %div3A_91 : vector<208x1xf32>
      %convert_element_type3A_92 = arith.fptosi %floor3A : vector<208x1xf32> to vector<208x1xi32>
      %slice3A_93 = vector.extract_strided_slice %get3A_87 {offsets = [0, 1], sizes = [208, 1], strides = [1, 1]} : vector<208x16xf32> to vector<208x1xf32>
      %div3A_94 = arith.constant 2.000000e+00 : f32
      %div3A_95 = vector.broadcast %div3A_94 : f32 to vector<208x1xf32>
      %div3A_96 = arith.divf %slice3A_93, %div3A_95 : vector<208x1xf32>
      %floor3A_97 = math.floor %div3A_96 : vector<208x1xf32>
      %convert_element_type3A_98 = arith.fptosi %floor3A_97 : vector<208x1xf32> to vector<208x1xi32>
      %slice3A_99 = vector.extract_strided_slice %get3A_87 {offsets = [0, 2], sizes = [208, 1], strides = [1, 1]} : vector<208x16xf32> to vector<208x1xf32>
      %div3A_100 = arith.constant 1.000000e+00 : f32
      %div3A_101 = vector.broadcast %div3A_100 : f32 to vector<208x1xf32>
      %div3A_102 = arith.divf %slice3A_99, %div3A_101 : vector<208x1xf32>
      %floor3A_103 = math.floor %div3A_102 : vector<208x1xf32>
      %convert_element_type3A_104 = arith.fptosi %floor3A_103 : vector<208x1xf32> to vector<208x1xi32>
      %mul3A_105 = arith.constant 73856093 : i32
      %mul3A_106 = vector.broadcast %mul3A_105 : i32 to vector<208x1xi32>
      %mul3A_107 = arith.muli %convert_element_type3A_92, %mul3A_106 : vector<208x1xi32>
      %mul3A_108 = arith.constant 19349663 : i32
      %mul3A_109 = vector.broadcast %mul3A_108 : i32 to vector<208x1xi32>
      %mul3A_110 = arith.muli %convert_element_type3A_98, %mul3A_109 : vector<208x1xi32>
      %xor3A = arith.xori %mul3A_107, %mul3A_110 : vector<208x1xi32>
      %mul3A_111 = arith.constant 83492791 : i32
      %mul3A_112 = vector.broadcast %mul3A_111 : i32 to vector<208x1xi32>
      %mul3A_113 = arith.muli %convert_element_type3A_104, %mul3A_112 : vector<208x1xi32>
      %xor3A_114 = arith.xori %xor3A, %mul3A_113 : vector<208x1xi32>
      %jit3A_115 = arith.constant 781 : i32
      %eq3A_116 = arith.constant 0 : i32
      %eq3A_117 = arith.cmpi eq, %jit3A_115, %eq3A_116 : i32
      %jit3A_118 = arith.constant 1 : i32
      %select_n3A_119 = arith.select %eq3A_117, %jit3A_118, %jit3A_115 : i32
      %rem3A = vector.broadcast %select_n3A_119 : i32 to vector<208x1xi32>
      %rem3A_120 = arith.remsi %xor3A_114, %rem3A : vector<208x1xi32>
      %ne3A = arith.constant 0 : i32
      %ne3A_121 = vector.broadcast %ne3A : i32 to vector<208x1xi32>
      %ne3A_122 = arith.cmpi ne, %rem3A_120, %ne3A_121 : vector<208x1xi32>
      %lt3A_123 = arith.constant 0 : i32
      %lt3A_124 = vector.broadcast %lt3A_123 : i32 to vector<208x1xi32>
      %lt3A_125 = arith.cmpi slt, %rem3A_120, %lt3A_124 : vector<208x1xi32>
      %lt3A_126 = arith.constant 0 : i32
      %lt3A_127 = arith.cmpi slt, %select_n3A_119, %lt3A_126 : i32
      %ne3A_128 = vector.broadcast %lt3A_127 : i1 to vector<208x1xi1>
      %ne3A_129 = vector.broadcast %ne3A_128 : vector<208x1xi1> to vector<208x1xi1>
      %ne3A_130 = arith.xori %lt3A_125, %ne3A_129 : vector<208x1xi1>
      %and3A_131 = arith.andi %ne3A_130, %ne3A_122 : vector<208x1xi1>
      %add3A_132 = vector.broadcast %select_n3A_119 : i32 to vector<208x1xi32>
      %add3A_133 = arith.addi %rem3A_120, %add3A_132 : vector<208x1xi32>
      %select_n3A_134 = arith.select %and3A_131, %add3A_133, %rem3A_120 : vector<208x1xi1>, vector<208x1xi32>
      %jit3A_135 = arith.constant 243 : i32
      %eq3A_136 = arith.constant 0 : i32
      %eq3A_137 = arith.cmpi eq, %jit3A_135, %eq3A_136 : i32
      %jit3A_138 = arith.constant 1 : i32
      %select_n3A_139 = arith.select %eq3A_137, %jit3A_138, %jit3A_135 : i32
      %rem3A_140 = vector.broadcast %select_n3A_139 : i32 to vector<208x1xi32>
      %rem3A_141 = arith.remsi %add3A_34, %rem3A_140 : vector<208x1xi32>
      %ne3A_142 = arith.constant 0 : i32
      %ne3A_143 = vector.broadcast %ne3A_142 : i32 to vector<208x1xi32>
      %ne3A_144 = arith.cmpi ne, %rem3A_141, %ne3A_143 : vector<208x1xi32>
      %lt3A_145 = arith.constant 0 : i32
      %lt3A_146 = vector.broadcast %lt3A_145 : i32 to vector<208x1xi32>
      %lt3A_147 = arith.cmpi slt, %rem3A_141, %lt3A_146 : vector<208x1xi32>
      %lt3A_148 = arith.constant 0 : i32
      %lt3A_149 = arith.cmpi slt, %select_n3A_139, %lt3A_148 : i32
      %ne3A_150 = vector.broadcast %lt3A_149 : i1 to vector<208x1xi1>
      %ne3A_151 = vector.broadcast %ne3A_150 : vector<208x1xi1> to vector<208x1xi1>
      %ne3A_152 = arith.xori %lt3A_147, %ne3A_151 : vector<208x1xi1>
      %and3A_153 = arith.andi %ne3A_152, %ne3A_144 : vector<208x1xi1>
      %add3A_154 = vector.broadcast %select_n3A_139 : i32 to vector<208x1xi32>
      %add3A_155 = arith.addi %rem3A_141, %add3A_154 : vector<208x1xi32>
      %select_n3A_156 = arith.select %and3A_153, %add3A_155, %rem3A_141 : vector<208x1xi1>, vector<208x1xi32>
      %add3A_157 = arith.constant 781 : i32
      %add3A_158 = vector.broadcast %add3A_157 : i32 to vector<208x1xi32>
      %add3A_159 = arith.addi %add3A_158, %select_n3A_156 : vector<208x1xi32>
      %select_n3A_160 = arith.select %lt3A_36, %select_n3A_134, %add3A_159 : vector<208x1xi1>, vector<208x1xi32>
      %broadcast_in_dim3A_161 = arith.constant 1.000000e+00 : f32
      %broadcast_in_dim3A_162 = vector.broadcast %broadcast_in_dim3A_161 : f32 to vector<208x16xf32>
      %concatenate3A = tpu.concatenate %select_n3A, %get3A_87, %broadcast_in_dim3A_162 in 1 : vector<208x128xf32>, vector<208x16xf32>, vector<208x16xf32> -> vector<208x160xf32>
      %swap3A = arith.constant 0 : index
      %swap3A_163 = arith.constant 0 : index
      %swap3A_164 = vector.load %arg12[%swap3A, %swap3A_163] : memref<208x160xf32, #tpu.memory_space<vmem>>, vector<208x160xf32>
      tpu.vector_store %arg12[%swap3A, %swap3A_163], %concatenate3A {strides = array<i32>} : memref<208x160xf32, #tpu.memory_space<vmem>>, vector<208x160xf32>,
      %swap3A_165 = arith.constant 0 : index
      %swap3A_166 = arith.constant 0 : index
      %swap3A_167 = vector.load %arg13[%swap3A_165, %swap3A_166] : memref<208x1xi32, #tpu.memory_space<vmem>>, vector<208x1xi32>
      tpu.vector_store %arg13[%swap3A_165, %swap3A_166], %select_n3A_160 {strides = array<i32>} : memref<208x1xi32, #tpu.memory_space<vmem>>, vector<208x1xi32>,
    } else {
    }
    return
  }
  func.func @transform_0(%arg0: i32, %arg1: i32) -> (i32, i32) {
    %c0_i32 = arith.constant 0 : i32
    %c0_i32_0 = arith.constant 0 : i32
    return %arg1, %c0_i32 : i32, i32
  }
  func.func @transform_1(%arg0: i32, %arg1: i32) -> (i32, i32) {
    %c0_i32 = arith.constant 0 : i32
    %c0_i32_0 = arith.constant 0 : i32
    return %arg1, %c0_i32 : i32, i32
  }
  func.func @transform_2(%arg0: i32, %arg1: i32) -> (i32, i32) {
    %c0_i32 = arith.constant 0 : i32
    %c0_i32_0 = arith.constant 0 : i32
    return %arg1, %c0_i32 : i32, i32
  }
  func.func @transform_3(%arg0: i32, %arg1: i32) -> (i32, i32) {
    %c0_i32 = arith.constant 0 : i32
    %c0_i32_0 = arith.constant 0 : i32
    return %arg1, %c0_i32 : i32, i32
  }
  func.func @transform_4(%arg0: i32, %arg1: i32) -> (i32, i32) {
    %c0_i32 = arith.constant 0 : i32
    %c0_i32_0 = arith.constant 0 : i32
    return %arg1, %c0_i32 : i32, i32
  }
  func.func @transform_5(%arg0: i32, %arg1: i32) -> (i32, i32) {
    %c0_i32 = arith.constant 0 : i32
    %c0_i32_0 = arith.constant 0 : i32
    return %arg1, %c0_i32 : i32, i32
  }
  func.func @transform_6(%arg0: i32, %arg1: i32) -> (i32, i32) {
    %c0_i32 = arith.constant 0 : i32
    %c0_i32_0 = arith.constant 0 : i32
    %c0_i32_1 = arith.constant 0 : i32
    return %c0_i32, %c0_i32_0 : i32, i32
  }
  func.func @transform_7(%arg0: i32, %arg1: i32) -> (i32, i32) {
    %c0_i32 = arith.constant 0 : i32
    %c0_i32_0 = arith.constant 0 : i32
    %c0_i32_1 = arith.constant 0 : i32
    return %c0_i32, %c0_i32_0 : i32, i32
  }
  func.func @transform_8(%arg0: i32, %arg1: i32) -> (i32, i32) {
    %c0_i32 = arith.constant 0 : i32
    %c0_i32_0 = arith.constant 0 : i32
    %c0_i32_1 = arith.constant 0 : i32
    return %c0_i32, %c0_i32_0 : i32, i32
  }
  func.func @transform_9(%arg0: i32, %arg1: i32) -> (i32, i32) {
    %c0_i32 = arith.constant 0 : i32
    %c0_i32_0 = arith.constant 0 : i32
    %c0_i32_1 = arith.constant 0 : i32
    return %c0_i32, %c0_i32_0 : i32, i32
  }
  func.func @transform_10(%arg0: i32, %arg1: i32) -> (i32, i32) {
    %c0_i32 = arith.constant 0 : i32
    %c0_i32_0 = arith.constant 0 : i32
    return %arg1, %c0_i32 : i32, i32
  }
  func.func @transform_11(%arg0: i32, %arg1: i32) -> (i32, i32) {
    %c0_i32 = arith.constant 0 : i32
    %c0_i32_0 = arith.constant 0 : i32
    return %arg1, %c0_i32 : i32, i32
  }
}

module attributes {stable_mosaic.version = 14 : i64} {
  func.func @tc_diva_2(%arg0: i32, %arg1: memref<64x160xf32, #tpu.memory_space<vmem>>, %arg2: memref<64x160xf32, #tpu.memory_space<vmem>>, %arg3: memref<128x256xf32, #tpu.memory_space<vmem>>, %arg4: memref<1x256xf32, #tpu.memory_space<vmem>>, %arg5: memref<64x256xf32, #tpu.memory_space<vmem>>, %arg6: memref<64x16xf32, #tpu.memory_space<vmem>>) attributes {dimension_semantics = [#tpu.dimension_semantics<arbitrary>], iteration_bounds = array<i64: 16>, scalar_prefetch = 0 : i64, scratch_operands = 0 : i64, tpu.core_type = #tpu.core_type<tc>, window_params = [{transform_indices = @transform_0, window_bounds = array<i64: 64, 160>}, {transform_indices = @transform_1, window_bounds = array<i64: 64, 160>}, {pipeline_mode = #tpu.pipeline_mode<synchronous>, transform_indices = @transform_2, window_bounds = array<i64: 128, 256>}, {pipeline_mode = #tpu.pipeline_mode<synchronous>, transform_indices = @transform_3, window_bounds = array<i64: 1, 256>}, {transform_indices = @transform_4, window_bounds = array<i64: 64, 256>}, {transform_indices = @transform_5, window_bounds = array<i64: 64, 16>}]} {
    %get3A = arith.constant 0 : index
    %get3A_0 = arith.constant 0 : index
    %get3A_1 = vector.load %arg1[%get3A, %get3A_0] : memref<64x160xf32, #tpu.memory_space<vmem>>, vector<64x160xf32>
    %get3A_2 = arith.constant 0 : index
    %get3A_3 = arith.constant 0 : index
    %get3A_4 = vector.load %arg2[%get3A_2, %get3A_3] : memref<64x160xf32, #tpu.memory_space<vmem>>, vector<64x160xf32>
    %add3A = arith.addf %get3A_1, %get3A_4 : vector<64x160xf32>
    %slice3A = vector.extract_strided_slice %add3A {offsets = [0, 144], sizes = [64, 1], strides = [1, 1]} : vector<64x160xf32> to vector<64x1xf32>
    %max3A = arith.constant 1.000000e+00 : f32
    %max3A_5 = vector.broadcast %max3A : f32 to vector<64x1xf32>
    %max3A_6 = arith.maximumf %slice3A, %max3A_5 : vector<64x1xf32>
    %slice3A_7 = vector.extract_strided_slice %add3A {offsets = [0, 0], sizes = [64, 128], strides = [1, 1]} : vector<64x160xf32> to vector<64x128xf32>
    %div3A = vector.broadcast %max3A_6 : vector<64x1xf32> to vector<64x128xf32>
    %div3A_8 = arith.divf %slice3A_7, %div3A : vector<64x128xf32>
    %slice3A_9 = vector.extract_strided_slice %add3A {offsets = [0, 128], sizes = [64, 16], strides = [1, 1]} : vector<64x160xf32> to vector<64x16xf32>
    %div3A_10 = vector.broadcast %max3A_6 : vector<64x1xf32> to vector<64x16xf32>
    %div3A_11 = arith.divf %slice3A_9, %div3A_10 : vector<64x16xf32>
    %swap3A = arith.constant 0 : index
    %swap3A_12 = arith.constant 0 : index
    %swap3A_13 = vector.load %arg6[%swap3A, %swap3A_12] : memref<64x16xf32, #tpu.memory_space<vmem>>, vector<64x16xf32>
    tpu.vector_store %arg6[%swap3A, %swap3A_12], %div3A_11 {strides = array<i32>} : memref<64x16xf32, #tpu.memory_space<vmem>>, vector<64x16xf32>,
    %get3A_14 = arith.constant 0 : index
    %get3A_15 = arith.constant 0 : index
    %get3A_16 = vector.load %arg3[%get3A_14, %get3A_15] : memref<128x256xf32, #tpu.memory_space<vmem>>, vector<128x256xf32>
    %dot_general3A = arith.constant dense<0.000000e+00> : vector<64x256xf32>
    %dot_general3A_17 = tpu.matmul %div3A_8, %get3A_16, %dot_general3A {dimension_numbers = #tpu.dot_dimension_numbers<[1], [0], [0], [1], [0, 0, 1, 1], [], []>, transpose_lhs_hint = false} : vector<64x128xf32>, vector<128x256xf32>, vector<64x256xf32> -> vector<64x256xf32>
    %get3A_18 = arith.constant 0 : index
    %get3A_19 = arith.constant 0 : index
    %get3A_20 = vector.load %arg4[%get3A_18, %get3A_19] : memref<1x256xf32, #tpu.memory_space<vmem>>, vector<1x256xf32>
    %add3A_21 = vector.broadcast %get3A_20 : vector<1x256xf32> to vector<64x256xf32>
    %add3A_22 = arith.addf %dot_general3A_17, %add3A_21 : vector<64x256xf32>
    %swap3A_23 = arith.constant 0 : index
    %swap3A_24 = arith.constant 0 : index
    %swap3A_25 = vector.load %arg5[%swap3A_23, %swap3A_24] : memref<64x256xf32, #tpu.memory_space<vmem>>, vector<64x256xf32>
    tpu.vector_store %arg5[%swap3A_23, %swap3A_24], %add3A_22 {strides = array<i32>} : memref<64x256xf32, #tpu.memory_space<vmem>>, vector<64x256xf32>,
    return
  }
  func.func @transform_0(%arg0: i32) -> (i32, i32) {
    %c0_i32 = arith.constant 0 : i32
    %c0_i32_0 = arith.constant 0 : i32
    return %arg0, %c0_i32 : i32, i32
  }
  func.func @transform_1(%arg0: i32) -> (i32, i32) {
    %c0_i32 = arith.constant 0 : i32
    %c0_i32_0 = arith.constant 0 : i32
    return %arg0, %c0_i32 : i32, i32
  }
  func.func @transform_2(%arg0: i32) -> (i32, i32) {
    %c0_i32 = arith.constant 0 : i32
    %c0_i32_0 = arith.constant 0 : i32
    %c0_i32_1 = arith.constant 0 : i32
    return %c0_i32, %c0_i32_0 : i32, i32
  }
  func.func @transform_3(%arg0: i32) -> (i32, i32) {
    %c0_i32 = arith.constant 0 : i32
    %c0_i32_0 = arith.constant 0 : i32
    %c0_i32_1 = arith.constant 0 : i32
    return %c0_i32, %c0_i32_0 : i32, i32
  }
  func.func @transform_4(%arg0: i32) -> (i32, i32) {
    %c0_i32 = arith.constant 0 : i32
    %c0_i32_0 = arith.constant 0 : i32
    return %arg0, %c0_i32 : i32, i32
  }
  func.func @transform_5(%arg0: i32) -> (i32, i32) {
    %c0_i32 = arith.constant 0 : i32
    %c0_i32_0 = arith.constant 0 : i32
    return %arg0, %c0_i32 : i32, i32
  }
}

module attributes {stable_mosaic.version = 14 : i64} {
  func.func @tc_b_3(%arg0: i32, %arg1: i32, %arg2: memref<64x256xf32, #tpu.memory_space<vmem>>, %arg3: memref<64x256xf32, #tpu.memory_space<vmem>>, %arg4: memref<64x256xf32, #tpu.memory_space<vmem>>, %arg5: memref<64x16xf32, #tpu.memory_space<vmem>>, %arg6: memref<64x16xf32, #tpu.memory_space<vmem>>, %arg7: memref<64x16xf32, #tpu.memory_space<vmem>>, %arg8: memref<256x256xf32, #tpu.memory_space<vmem>>, %arg9: memref<1x256xf32, #tpu.memory_space<vmem>>, %arg10: memref<1x256xf32, #tpu.memory_space<vmem>>, %arg11: memref<1x256xf32, #tpu.memory_space<vmem>>, %arg12: memref<64x288xf32, #tpu.memory_space<vmem>>, %arg13: memref<64x1xi32, #tpu.memory_space<vmem>>, %arg14: memref<8x256xf32, #tpu.memory_space<vmem>>) attributes {dimension_semantics = [#tpu.dimension_semantics<arbitrary>, #tpu.dimension_semantics<arbitrary>], iteration_bounds = array<i64: 3, 16>, scalar_prefetch = 0 : i64, scratch_operands = 1 : i64, tpu.core_type = #tpu.core_type<tc>, window_params = [{transform_indices = @transform_0, window_bounds = array<i64: 64, 256>}, {transform_indices = @transform_1, window_bounds = array<i64: 64, 256>}, {transform_indices = @transform_2, window_bounds = array<i64: 64, 256>}, {transform_indices = @transform_3, window_bounds = array<i64: 64, 16>}, {transform_indices = @transform_4, window_bounds = array<i64: 64, 16>}, {transform_indices = @transform_5, window_bounds = array<i64: 64, 16>}, {pipeline_mode = #tpu.pipeline_mode<synchronous>, transform_indices = @transform_6, window_bounds = array<i64: 256, 256>}, {pipeline_mode = #tpu.pipeline_mode<synchronous>, transform_indices = @transform_7, window_bounds = array<i64: 1, 256>}, {pipeline_mode = #tpu.pipeline_mode<synchronous>, transform_indices = @transform_8, window_bounds = array<i64: 1, 256>}, {pipeline_mode = #tpu.pipeline_mode<synchronous>, transform_indices = @transform_9, window_bounds = array<i64: 1, 256>}, {transform_indices = @transform_10, window_bounds = array<i64: 64, 288>}, {transform_indices = @transform_11, window_bounds = array<i64: 64, 1>}]} {
    %eq3A = arith.constant 0 : i32
    %eq3A_0 = arith.cmpi eq, %arg0, %eq3A : i32
    %eq3A_1 = arith.constant 0 : i32
    %eq3A_2 = arith.cmpi eq, %arg1, %eq3A_1 : i32
    %and3A = arith.andi %eq3A_0, %eq3A_2 : i1
    %convert_element_type3A = arith.extui %and3A : i1 to i32
    %cond3A = arith.constant 0 : i32
    %cond3A_3 = arith.cmpi ne, %convert_element_type3A, %cond3A : i32
    scf.if %cond3A_3 {
      %broadcast_in_dim3A = arith.constant 0.000000e+00 : f32
      %broadcast_in_dim3A_52 = vector.broadcast %broadcast_in_dim3A : f32 to vector<8x256xf32>
      %swap3A = arith.constant 0 : index
      %swap3A_53 = arith.constant 0 : index
      %swap3A_54 = vector.load %arg14[%swap3A, %swap3A_53] : memref<8x256xf32, #tpu.memory_space<vmem>>, vector<8x256xf32>
      tpu.vector_store %arg14[%swap3A, %swap3A_53], %broadcast_in_dim3A_52 {strides = array<i32>} : memref<8x256xf32, #tpu.memory_space<vmem>>, vector<8x256xf32>,
    } else {
    }
    %get3A = arith.constant 0 : index
    %get3A_4 = arith.constant 0 : index
    %get3A_5 = vector.load %arg3[%get3A, %get3A_4] : memref<64x256xf32, #tpu.memory_space<vmem>>, vector<64x256xf32>
    %get3A_6 = arith.constant 0 : index
    %get3A_7 = arith.constant 0 : index
    %get3A_8 = vector.load %arg4[%get3A_6, %get3A_7] : memref<64x256xf32, #tpu.memory_space<vmem>>, vector<64x256xf32>
    %add3A = arith.addf %get3A_5, %get3A_8 : vector<64x256xf32>
    %get3A_9 = arith.constant 0 : index
    %get3A_10 = arith.constant 0 : index
    %get3A_11 = vector.load %arg5[%get3A_9, %get3A_10] : memref<64x16xf32, #tpu.memory_space<vmem>>, vector<64x16xf32>
    %get3A_12 = arith.constant 0 : index
    %get3A_13 = arith.constant 0 : index
    %get3A_14 = vector.load %arg6[%get3A_12, %get3A_13] : memref<64x16xf32, #tpu.memory_space<vmem>>, vector<64x16xf32>
    %add3A_15 = arith.addf %get3A_11, %get3A_14 : vector<64x16xf32>
    %slice3A = vector.extract_strided_slice %add3A_15 {offsets = [0, 0], sizes = [64, 1], strides = [1, 1]} : vector<64x16xf32> to vector<64x1xf32>
    %max3A = arith.constant 1.000000e+00 : f32
    %max3A_16 = vector.broadcast %max3A : f32 to vector<64x1xf32>
    %max3A_17 = arith.maximumf %slice3A, %max3A_16 : vector<64x1xf32>
    %get3A_18 = arith.constant 0 : index
    %get3A_19 = arith.constant 0 : index
    %get3A_20 = vector.load %arg2[%get3A_18, %get3A_19] : memref<64x256xf32, #tpu.memory_space<vmem>>, vector<64x256xf32>
    %div3A = vector.broadcast %max3A_17 : vector<64x1xf32> to vector<64x256xf32>
    %div3A_21 = arith.divf %add3A, %div3A : vector<64x256xf32>
    %add3A_22 = arith.addf %get3A_20, %div3A_21 : vector<64x256xf32>
    %get3A_23 = arith.constant 0 : index
    %get3A_24 = arith.constant 0 : index
    %get3A_25 = vector.load %arg8[%get3A_23, %get3A_24] : memref<256x256xf32, #tpu.memory_space<vmem>>, vector<256x256xf32>
    %dot_general3A = arith.constant dense<0.000000e+00> : vector<64x256xf32>
    %dot_general3A_26 = tpu.matmul %add3A_22, %get3A_25, %dot_general3A {dimension_numbers = #tpu.dot_dimension_numbers<[1], [0], [0], [1], [0, 0, 1, 1], [], []>, transpose_lhs_hint = false} : vector<64x256xf32>, vector<256x256xf32>, vector<64x256xf32> -> vector<64x256xf32>
    %get3A_27 = arith.constant 0 : index
    %get3A_28 = arith.constant 0 : index
    %get3A_29 = vector.load %arg9[%get3A_27, %get3A_28] : memref<1x256xf32, #tpu.memory_space<vmem>>, vector<1x256xf32>
    %add3A_30 = vector.broadcast %get3A_29 : vector<1x256xf32> to vector<64x256xf32>
    %add3A_31 = arith.addf %dot_general3A_26, %add3A_30 : vector<64x256xf32>
    %mul3A = arith.constant 64 : i32
    %mul3A_32 = arith.muli %arg1, %mul3A : i32
    %iota3A = tpu.iota {dimensions = array<i32: 0>} : vector<64x1xi32>
    %add3A_33 = vector.broadcast %mul3A_32 : i32 to vector<64x1xi32>
    %add3A_34 = arith.addi %add3A_33, %iota3A : vector<64x1xi32>
    %lt3A = arith.constant 781 : i32
    %lt3A_35 = vector.broadcast %lt3A : i32 to vector<64x1xi32>
    %lt3A_36 = arith.cmpi slt, %add3A_34, %lt3A_35 : vector<64x1xi32>
    %eq3A_37 = arith.constant 0 : i32
    %eq3A_38 = arith.cmpi eq, %arg0, %eq3A_37 : i32
    %convert_element_type3A_39 = arith.extui %eq3A_38 : i1 to i32
    %cond3A_40 = arith.constant 0 : i32
    %cond3A_41 = arith.cmpi ne, %convert_element_type3A_39, %cond3A_40 : i32
    scf.if %cond3A_41 {
      %jit3A = arith.constant 0.000000e+00 : f32
      %broadcast_in_dim3A = vector.shape_cast %lt3A_36 : vector<64x1xi1> to vector<64x1xi1>
      %broadcast_in_dim3A_52 = vector.broadcast %broadcast_in_dim3A : vector<64x1xi1> to vector<64x256xi1>
      %broadcast_in_dim3A_53 = vector.broadcast %jit3A : f32 to vector<64x256xf32>
      %select_n3A = arith.select %broadcast_in_dim3A_52, %add3A_31, %broadcast_in_dim3A_53 : vector<64x256xi1>, vector<64x256xf32>
      %get3A_54 = arith.constant 0 : index
      %get3A_55 = arith.constant 0 : index
      %get3A_56 = vector.load %arg14[%get3A_54, %get3A_55] : memref<8x256xf32, #tpu.memory_space<vmem>>, vector<1x256xf32>
      %reduce_sum3A = arith.constant dense<0.000000e+00> : vector<256xf32>
      %reduce_sum3A_57 = vector.multi_reduction <add>, %select_n3A, %reduce_sum3A [0] : vector<64x256xf32> to vector<256xf32>
      %broadcast_in_dim3A_58 = vector.shape_cast %reduce_sum3A_57 : vector<256xf32> to vector<1x256xf32>
      %add3A_59 = arith.addf %get3A_56, %broadcast_in_dim3A_58 : vector<1x256xf32>
      %swap3A = arith.constant 0 : index
      %swap3A_60 = arith.constant 0 : index
      %swap3A_61 = vector.load %arg14[%swap3A, %swap3A_60] : memref<8x256xf32, #tpu.memory_space<vmem>>, vector<1x256xf32>
      tpu.vector_store %arg14[%swap3A, %swap3A_60], %add3A_59 {strides = array<i32>} : memref<8x256xf32, #tpu.memory_space<vmem>>, vector<1x256xf32>,
    } else {
    }
    %eq3A_42 = arith.constant 1 : i32
    %eq3A_43 = arith.cmpi eq, %arg0, %eq3A_42 : i32
    %convert_element_type3A_44 = arith.extui %eq3A_43 : i1 to i32
    %cond3A_45 = arith.constant 0 : i32
    %cond3A_46 = arith.cmpi ne, %convert_element_type3A_44, %cond3A_45 : i32
    scf.if %cond3A_46 {
      %get3A_52 = arith.constant 0 : index
      %get3A_53 = arith.constant 0 : index
      %get3A_54 = vector.load %arg14[%get3A_52, %get3A_53] : memref<8x256xf32, #tpu.memory_space<vmem>>, vector<1x256xf32>
      %div3A_55 = arith.constant 7.810000e+02 : f32
      %div3A_56 = vector.broadcast %div3A_55 : f32 to vector<1x256xf32>
      %div3A_57 = arith.divf %get3A_54, %div3A_56 : vector<1x256xf32>
      %sub3A = vector.broadcast %div3A_57 : vector<1x256xf32> to vector<64x256xf32>
      %sub3A_58 = arith.subf %add3A_31, %sub3A : vector<64x256xf32>
      %jit3A = arith.constant 0.000000e+00 : f32
      %broadcast_in_dim3A = vector.shape_cast %lt3A_36 : vector<64x1xi1> to vector<64x1xi1>
      %broadcast_in_dim3A_59 = vector.broadcast %broadcast_in_dim3A : vector<64x1xi1> to vector<64x256xi1>
      %broadcast_in_dim3A_60 = vector.broadcast %jit3A : f32 to vector<64x256xf32>
      %select_n3A = arith.select %broadcast_in_dim3A_59, %sub3A_58, %broadcast_in_dim3A_60 : vector<64x256xi1>, vector<64x256xf32>
      %get3A_61 = arith.constant 1 : index
      %get3A_62 = arith.constant 0 : index
      %get3A_63 = vector.load %arg14[%get3A_61, %get3A_62] : memref<8x256xf32, #tpu.memory_space<vmem>>, vector<1x256xf32>
      %mul3A_64 = arith.mulf %select_n3A, %select_n3A : vector<64x256xf32>
      %reduce_sum3A = arith.constant dense<0.000000e+00> : vector<256xf32>
      %reduce_sum3A_65 = vector.multi_reduction <add>, %mul3A_64, %reduce_sum3A [0] : vector<64x256xf32> to vector<256xf32>
      %broadcast_in_dim3A_66 = vector.shape_cast %reduce_sum3A_65 : vector<256xf32> to vector<1x256xf32>
      %add3A_67 = arith.addf %get3A_63, %broadcast_in_dim3A_66 : vector<1x256xf32>
      %swap3A = arith.constant 1 : index
      %swap3A_68 = arith.constant 0 : index
      %swap3A_69 = vector.load %arg14[%swap3A, %swap3A_68] : memref<8x256xf32, #tpu.memory_space<vmem>>, vector<1x256xf32>
      tpu.vector_store %arg14[%swap3A, %swap3A_68], %add3A_67 {strides = array<i32>} : memref<8x256xf32, #tpu.memory_space<vmem>>, vector<1x256xf32>,
    } else {
    }
    %eq3A_47 = arith.constant 2 : i32
    %eq3A_48 = arith.cmpi eq, %arg0, %eq3A_47 : i32
    %convert_element_type3A_49 = arith.extui %eq3A_48 : i1 to i32
    %cond3A_50 = arith.constant 0 : i32
    %cond3A_51 = arith.cmpi ne, %convert_element_type3A_49, %cond3A_50 : i32
    scf.if %cond3A_51 {
      %get3A_52 = arith.constant 0 : index
      %get3A_53 = arith.constant 0 : index
      %get3A_54 = vector.load %arg14[%get3A_52, %get3A_53] : memref<8x256xf32, #tpu.memory_space<vmem>>, vector<1x256xf32>
      %div3A_55 = arith.constant 7.810000e+02 : f32
      %div3A_56 = vector.broadcast %div3A_55 : f32 to vector<1x256xf32>
      %div3A_57 = arith.divf %get3A_54, %div3A_56 : vector<1x256xf32>
      %get3A_58 = arith.constant 1 : index
      %get3A_59 = arith.constant 0 : index
      %get3A_60 = vector.load %arg14[%get3A_58, %get3A_59] : memref<8x256xf32, #tpu.memory_space<vmem>>, vector<1x256xf32>
      %div3A_61 = arith.constant 7.810000e+02 : f32
      %div3A_62 = vector.broadcast %div3A_61 : f32 to vector<1x256xf32>
      %div3A_63 = arith.divf %get3A_60, %div3A_62 : vector<1x256xf32>
      %get3A_64 = arith.constant 0 : index
      %get3A_65 = arith.constant 0 : index
      %get3A_66 = vector.load %arg10[%get3A_64, %get3A_65] : memref<1x256xf32, #tpu.memory_space<vmem>>, vector<1x256xf32>
      %sub3A = vector.broadcast %div3A_57 : vector<1x256xf32> to vector<64x256xf32>
      %sub3A_67 = arith.subf %add3A_31, %sub3A : vector<64x256xf32>
      %mul3A_68 = vector.broadcast %get3A_66 : vector<1x256xf32> to vector<64x256xf32>
      %mul3A_69 = arith.mulf %mul3A_68, %sub3A_67 : vector<64x256xf32>
      %add3A_70 = arith.constant 9.99999974E-6 : f32
      %add3A_71 = vector.broadcast %add3A_70 : f32 to vector<1x256xf32>
      %add3A_72 = arith.addf %div3A_63, %add3A_71 : vector<1x256xf32>
      %sqrt3A = math.sqrt %add3A_72 : vector<1x256xf32>
      %div3A_73 = vector.broadcast %sqrt3A : vector<1x256xf32> to vector<64x256xf32>
      %div3A_74 = arith.divf %mul3A_69, %div3A_73 : vector<64x256xf32>
      %get3A_75 = arith.constant 0 : index
      %get3A_76 = arith.constant 0 : index
      %get3A_77 = vector.load %arg11[%get3A_75, %get3A_76] : memref<1x256xf32, #tpu.memory_space<vmem>>, vector<1x256xf32>
      %add3A_78 = vector.broadcast %get3A_77 : vector<1x256xf32> to vector<64x256xf32>
      %add3A_79 = arith.addf %div3A_74, %add3A_78 : vector<64x256xf32>
      %max3A_80 = arith.constant 0.000000e+00 : f32
      %max3A_81 = vector.broadcast %max3A_80 : f32 to vector<64x256xf32>
      %max3A_82 = arith.maximumf %add3A_79, %max3A_81 : vector<64x256xf32>
      %jit3A = arith.constant 0.000000e+00 : f32
      %broadcast_in_dim3A = vector.shape_cast %lt3A_36 : vector<64x1xi1> to vector<64x1xi1>
      %broadcast_in_dim3A_83 = vector.broadcast %broadcast_in_dim3A : vector<64x1xi1> to vector<64x256xi1>
      %broadcast_in_dim3A_84 = vector.broadcast %jit3A : f32 to vector<64x256xf32>
      %select_n3A = arith.select %broadcast_in_dim3A_83, %max3A_82, %broadcast_in_dim3A_84 : vector<64x256xi1>, vector<64x256xf32>
      %get3A_85 = arith.constant 0 : index
      %get3A_86 = arith.constant 0 : index
      %get3A_87 = vector.load %arg7[%get3A_85, %get3A_86] : memref<64x16xf32, #tpu.memory_space<vmem>>, vector<64x16xf32>
      %slice3A_88 = vector.extract_strided_slice %get3A_87 {offsets = [0, 0], sizes = [64, 1], strides = [1, 1]} : vector<64x16xf32> to vector<64x1xf32>
      %div3A_89 = arith.constant 1.000000e+00 : f32
      %div3A_90 = vector.broadcast %div3A_89 : f32 to vector<64x1xf32>
      %div3A_91 = arith.divf %slice3A_88, %div3A_90 : vector<64x1xf32>
      %floor3A = math.floor %div3A_91 : vector<64x1xf32>
      %convert_element_type3A_92 = arith.fptosi %floor3A : vector<64x1xf32> to vector<64x1xi32>
      %slice3A_93 = vector.extract_strided_slice %get3A_87 {offsets = [0, 1], sizes = [64, 1], strides = [1, 1]} : vector<64x16xf32> to vector<64x1xf32>
      %div3A_94 = arith.constant 1.000000e+00 : f32
      %div3A_95 = vector.broadcast %div3A_94 : f32 to vector<64x1xf32>
      %div3A_96 = arith.divf %slice3A_93, %div3A_95 : vector<64x1xf32>
      %floor3A_97 = math.floor %div3A_96 : vector<64x1xf32>
      %convert_element_type3A_98 = arith.fptosi %floor3A_97 : vector<64x1xf32> to vector<64x1xi32>
      %slice3A_99 = vector.extract_strided_slice %get3A_87 {offsets = [0, 2], sizes = [64, 1], strides = [1, 1]} : vector<64x16xf32> to vector<64x1xf32>
      %div3A_100 = arith.constant 1.000000e+00 : f32
      %div3A_101 = vector.broadcast %div3A_100 : f32 to vector<64x1xf32>
      %div3A_102 = arith.divf %slice3A_99, %div3A_101 : vector<64x1xf32>
      %floor3A_103 = math.floor %div3A_102 : vector<64x1xf32>
      %convert_element_type3A_104 = arith.fptosi %floor3A_103 : vector<64x1xf32> to vector<64x1xi32>
      %mul3A_105 = arith.constant 73856093 : i32
      %mul3A_106 = vector.broadcast %mul3A_105 : i32 to vector<64x1xi32>
      %mul3A_107 = arith.muli %convert_element_type3A_92, %mul3A_106 : vector<64x1xi32>
      %mul3A_108 = arith.constant 19349663 : i32
      %mul3A_109 = vector.broadcast %mul3A_108 : i32 to vector<64x1xi32>
      %mul3A_110 = arith.muli %convert_element_type3A_98, %mul3A_109 : vector<64x1xi32>
      %xor3A = arith.xori %mul3A_107, %mul3A_110 : vector<64x1xi32>
      %mul3A_111 = arith.constant 83492791 : i32
      %mul3A_112 = vector.broadcast %mul3A_111 : i32 to vector<64x1xi32>
      %mul3A_113 = arith.muli %convert_element_type3A_104, %mul3A_112 : vector<64x1xi32>
      %xor3A_114 = arith.xori %xor3A, %mul3A_113 : vector<64x1xi32>
      %jit3A_115 = arith.constant 195 : i32
      %eq3A_116 = arith.constant 0 : i32
      %eq3A_117 = arith.cmpi eq, %jit3A_115, %eq3A_116 : i32
      %jit3A_118 = arith.constant 1 : i32
      %select_n3A_119 = arith.select %eq3A_117, %jit3A_118, %jit3A_115 : i32
      %rem3A = vector.broadcast %select_n3A_119 : i32 to vector<64x1xi32>
      %rem3A_120 = arith.remsi %xor3A_114, %rem3A : vector<64x1xi32>
      %ne3A = arith.constant 0 : i32
      %ne3A_121 = vector.broadcast %ne3A : i32 to vector<64x1xi32>
      %ne3A_122 = arith.cmpi ne, %rem3A_120, %ne3A_121 : vector<64x1xi32>
      %lt3A_123 = arith.constant 0 : i32
      %lt3A_124 = vector.broadcast %lt3A_123 : i32 to vector<64x1xi32>
      %lt3A_125 = arith.cmpi slt, %rem3A_120, %lt3A_124 : vector<64x1xi32>
      %lt3A_126 = arith.constant 0 : i32
      %lt3A_127 = arith.cmpi slt, %select_n3A_119, %lt3A_126 : i32
      %ne3A_128 = vector.broadcast %lt3A_127 : i1 to vector<64x1xi1>
      %ne3A_129 = vector.broadcast %ne3A_128 : vector<64x1xi1> to vector<64x1xi1>
      %ne3A_130 = arith.xori %lt3A_125, %ne3A_129 : vector<64x1xi1>
      %and3A_131 = arith.andi %ne3A_130, %ne3A_122 : vector<64x1xi1>
      %add3A_132 = vector.broadcast %select_n3A_119 : i32 to vector<64x1xi32>
      %add3A_133 = arith.addi %rem3A_120, %add3A_132 : vector<64x1xi32>
      %select_n3A_134 = arith.select %and3A_131, %add3A_133, %rem3A_120 : vector<64x1xi1>, vector<64x1xi32>
      %jit3A_135 = arith.constant 61 : i32
      %eq3A_136 = arith.constant 0 : i32
      %eq3A_137 = arith.cmpi eq, %jit3A_135, %eq3A_136 : i32
      %jit3A_138 = arith.constant 1 : i32
      %select_n3A_139 = arith.select %eq3A_137, %jit3A_138, %jit3A_135 : i32
      %rem3A_140 = vector.broadcast %select_n3A_139 : i32 to vector<64x1xi32>
      %rem3A_141 = arith.remsi %add3A_34, %rem3A_140 : vector<64x1xi32>
      %ne3A_142 = arith.constant 0 : i32
      %ne3A_143 = vector.broadcast %ne3A_142 : i32 to vector<64x1xi32>
      %ne3A_144 = arith.cmpi ne, %rem3A_141, %ne3A_143 : vector<64x1xi32>
      %lt3A_145 = arith.constant 0 : i32
      %lt3A_146 = vector.broadcast %lt3A_145 : i32 to vector<64x1xi32>
      %lt3A_147 = arith.cmpi slt, %rem3A_141, %lt3A_146 : vector<64x1xi32>
      %lt3A_148 = arith.constant 0 : i32
      %lt3A_149 = arith.cmpi slt, %select_n3A_139, %lt3A_148 : i32
      %ne3A_150 = vector.broadcast %lt3A_149 : i1 to vector<64x1xi1>
      %ne3A_151 = vector.broadcast %ne3A_150 : vector<64x1xi1> to vector<64x1xi1>
      %ne3A_152 = arith.xori %lt3A_147, %ne3A_151 : vector<64x1xi1>
      %and3A_153 = arith.andi %ne3A_152, %ne3A_144 : vector<64x1xi1>
      %add3A_154 = vector.broadcast %select_n3A_139 : i32 to vector<64x1xi32>
      %add3A_155 = arith.addi %rem3A_141, %add3A_154 : vector<64x1xi32>
      %select_n3A_156 = arith.select %and3A_153, %add3A_155, %rem3A_141 : vector<64x1xi1>, vector<64x1xi32>
      %add3A_157 = arith.constant 195 : i32
      %add3A_158 = vector.broadcast %add3A_157 : i32 to vector<64x1xi32>
      %add3A_159 = arith.addi %add3A_158, %select_n3A_156 : vector<64x1xi32>
      %select_n3A_160 = arith.select %lt3A_36, %select_n3A_134, %add3A_159 : vector<64x1xi1>, vector<64x1xi32>
      %broadcast_in_dim3A_161 = arith.constant 1.000000e+00 : f32
      %broadcast_in_dim3A_162 = vector.broadcast %broadcast_in_dim3A_161 : f32 to vector<64x16xf32>
      %concatenate3A = tpu.concatenate %select_n3A, %get3A_87, %broadcast_in_dim3A_162 in 1 : vector<64x256xf32>, vector<64x16xf32>, vector<64x16xf32> -> vector<64x288xf32>
      %swap3A = arith.constant 0 : index
      %swap3A_163 = arith.constant 0 : index
      %swap3A_164 = vector.load %arg12[%swap3A, %swap3A_163] : memref<64x288xf32, #tpu.memory_space<vmem>>, vector<64x288xf32>
      tpu.vector_store %arg12[%swap3A, %swap3A_163], %concatenate3A {strides = array<i32>} : memref<64x288xf32, #tpu.memory_space<vmem>>, vector<64x288xf32>,
      %swap3A_165 = arith.constant 0 : index
      %swap3A_166 = arith.constant 0 : index
      %swap3A_167 = vector.load %arg13[%swap3A_165, %swap3A_166] : memref<64x1xi32, #tpu.memory_space<vmem>>, vector<64x1xi32>
      tpu.vector_store %arg13[%swap3A_165, %swap3A_166], %select_n3A_160 {strides = array<i32>} : memref<64x1xi32, #tpu.memory_space<vmem>>, vector<64x1xi32>,
    } else {
    }
    return
  }
  func.func @transform_0(%arg0: i32, %arg1: i32) -> (i32, i32) {
    %c0_i32 = arith.constant 0 : i32
    %c0_i32_0 = arith.constant 0 : i32
    return %arg1, %c0_i32 : i32, i32
  }
  func.func @transform_1(%arg0: i32, %arg1: i32) -> (i32, i32) {
    %c0_i32 = arith.constant 0 : i32
    %c0_i32_0 = arith.constant 0 : i32
    return %arg1, %c0_i32 : i32, i32
  }
  func.func @transform_2(%arg0: i32, %arg1: i32) -> (i32, i32) {
    %c0_i32 = arith.constant 0 : i32
    %c0_i32_0 = arith.constant 0 : i32
    return %arg1, %c0_i32 : i32, i32
  }
  func.func @transform_3(%arg0: i32, %arg1: i32) -> (i32, i32) {
    %c0_i32 = arith.constant 0 : i32
    %c0_i32_0 = arith.constant 0 : i32
    return %arg1, %c0_i32 : i32, i32
  }
  func.func @transform_4(%arg0: i32, %arg1: i32) -> (i32, i32) {
    %c0_i32 = arith.constant 0 : i32
    %c0_i32_0 = arith.constant 0 : i32
    return %arg1, %c0_i32 : i32, i32
  }
  func.func @transform_5(%arg0: i32, %arg1: i32) -> (i32, i32) {
    %c0_i32 = arith.constant 0 : i32
    %c0_i32_0 = arith.constant 0 : i32
    return %arg1, %c0_i32 : i32, i32
  }
  func.func @transform_6(%arg0: i32, %arg1: i32) -> (i32, i32) {
    %c0_i32 = arith.constant 0 : i32
    %c0_i32_0 = arith.constant 0 : i32
    %c0_i32_1 = arith.constant 0 : i32
    return %c0_i32, %c0_i32_0 : i32, i32
  }
  func.func @transform_7(%arg0: i32, %arg1: i32) -> (i32, i32) {
    %c0_i32 = arith.constant 0 : i32
    %c0_i32_0 = arith.constant 0 : i32
    %c0_i32_1 = arith.constant 0 : i32
    return %c0_i32, %c0_i32_0 : i32, i32
  }
  func.func @transform_8(%arg0: i32, %arg1: i32) -> (i32, i32) {
    %c0_i32 = arith.constant 0 : i32
    %c0_i32_0 = arith.constant 0 : i32
    %c0_i32_1 = arith.constant 0 : i32
    return %c0_i32, %c0_i32_0 : i32, i32
  }
  func.func @transform_9(%arg0: i32, %arg1: i32) -> (i32, i32) {
    %c0_i32 = arith.constant 0 : i32
    %c0_i32_0 = arith.constant 0 : i32
    %c0_i32_1 = arith.constant 0 : i32
    return %c0_i32, %c0_i32_0 : i32, i32
  }
  func.func @transform_10(%arg0: i32, %arg1: i32) -> (i32, i32) {
    %c0_i32 = arith.constant 0 : i32
    %c0_i32_0 = arith.constant 0 : i32
    return %arg1, %c0_i32 : i32, i32
  }
  func.func @transform_11(%arg0: i32, %arg1: i32) -> (i32, i32) {
    %c0_i32 = arith.constant 0 : i32
    %c0_i32_0 = arith.constant 0 : i32
    return %arg1, %c0_i32 : i32, i32
  }
}

module attributes {stable_mosaic.version = 14 : i64} {
  func.func @tc_diva_3(%arg0: i32, %arg1: memref<16x288xf32, #tpu.memory_space<vmem>>, %arg2: memref<16x288xf32, #tpu.memory_space<vmem>>, %arg3: memref<256x256xf32, #tpu.memory_space<vmem>>, %arg4: memref<1x256xf32, #tpu.memory_space<vmem>>, %arg5: memref<16x256xf32, #tpu.memory_space<vmem>>, %arg6: memref<16x16xf32, #tpu.memory_space<vmem>>) attributes {dimension_semantics = [#tpu.dimension_semantics<arbitrary>], iteration_bounds = array<i64: 16>, scalar_prefetch = 0 : i64, scratch_operands = 0 : i64, tpu.core_type = #tpu.core_type<tc>, window_params = [{transform_indices = @transform_0, window_bounds = array<i64: 16, 288>}, {transform_indices = @transform_1, window_bounds = array<i64: 16, 288>}, {pipeline_mode = #tpu.pipeline_mode<synchronous>, transform_indices = @transform_2, window_bounds = array<i64: 256, 256>}, {pipeline_mode = #tpu.pipeline_mode<synchronous>, transform_indices = @transform_3, window_bounds = array<i64: 1, 256>}, {transform_indices = @transform_4, window_bounds = array<i64: 16, 256>}, {transform_indices = @transform_5, window_bounds = array<i64: 16, 16>}]} {
    %get3A = arith.constant 0 : index
    %get3A_0 = arith.constant 0 : index
    %get3A_1 = vector.load %arg1[%get3A, %get3A_0] : memref<16x288xf32, #tpu.memory_space<vmem>>, vector<16x288xf32>
    %get3A_2 = arith.constant 0 : index
    %get3A_3 = arith.constant 0 : index
    %get3A_4 = vector.load %arg2[%get3A_2, %get3A_3] : memref<16x288xf32, #tpu.memory_space<vmem>>, vector<16x288xf32>
    %add3A = arith.addf %get3A_1, %get3A_4 : vector<16x288xf32>
    %slice3A = vector.extract_strided_slice %add3A {offsets = [0, 272], sizes = [16, 1], strides = [1, 1]} : vector<16x288xf32> to vector<16x1xf32>
    %max3A = arith.constant 1.000000e+00 : f32
    %max3A_5 = vector.broadcast %max3A : f32 to vector<16x1xf32>
    %max3A_6 = arith.maximumf %slice3A, %max3A_5 : vector<16x1xf32>
    %slice3A_7 = vector.extract_strided_slice %add3A {offsets = [0, 0], sizes = [16, 256], strides = [1, 1]} : vector<16x288xf32> to vector<16x256xf32>
    %div3A = vector.broadcast %max3A_6 : vector<16x1xf32> to vector<16x256xf32>
    %div3A_8 = arith.divf %slice3A_7, %div3A : vector<16x256xf32>
    %slice3A_9 = vector.extract_strided_slice %add3A {offsets = [0, 256], sizes = [16, 16], strides = [1, 1]} : vector<16x288xf32> to vector<16x16xf32>
    %div3A_10 = vector.broadcast %max3A_6 : vector<16x1xf32> to vector<16x16xf32>
    %div3A_11 = arith.divf %slice3A_9, %div3A_10 : vector<16x16xf32>
    %swap3A = arith.constant 0 : index
    %swap3A_12 = arith.constant 0 : index
    %swap3A_13 = vector.load %arg6[%swap3A, %swap3A_12] : memref<16x16xf32, #tpu.memory_space<vmem>>, vector<16x16xf32>
    tpu.vector_store %arg6[%swap3A, %swap3A_12], %div3A_11 {strides = array<i32>} : memref<16x16xf32, #tpu.memory_space<vmem>>, vector<16x16xf32>,
    %get3A_14 = arith.constant 0 : index
    %get3A_15 = arith.constant 0 : index
    %get3A_16 = vector.load %arg3[%get3A_14, %get3A_15] : memref<256x256xf32, #tpu.memory_space<vmem>>, vector<256x256xf32>
    %dot_general3A = arith.constant dense<0.000000e+00> : vector<16x256xf32>
    %dot_general3A_17 = tpu.matmul %div3A_8, %get3A_16, %dot_general3A {dimension_numbers = #tpu.dot_dimension_numbers<[1], [0], [0], [1], [0, 0, 1, 1], [], []>, transpose_lhs_hint = false} : vector<16x256xf32>, vector<256x256xf32>, vector<16x256xf32> -> vector<16x256xf32>
    %get3A_18 = arith.constant 0 : index
    %get3A_19 = arith.constant 0 : index
    %get3A_20 = vector.load %arg4[%get3A_18, %get3A_19] : memref<1x256xf32, #tpu.memory_space<vmem>>, vector<1x256xf32>
    %add3A_21 = vector.broadcast %get3A_20 : vector<1x256xf32> to vector<16x256xf32>
    %add3A_22 = arith.addf %dot_general3A_17, %add3A_21 : vector<16x256xf32>
    %swap3A_23 = arith.constant 0 : index
    %swap3A_24 = arith.constant 0 : index
    %swap3A_25 = vector.load %arg5[%swap3A_23, %swap3A_24] : memref<16x256xf32, #tpu.memory_space<vmem>>, vector<16x256xf32>
    tpu.vector_store %arg5[%swap3A_23, %swap3A_24], %add3A_22 {strides = array<i32>} : memref<16x256xf32, #tpu.memory_space<vmem>>, vector<16x256xf32>,
    return
  }
  func.func @transform_0(%arg0: i32) -> (i32, i32) {
    %c0_i32 = arith.constant 0 : i32
    %c0_i32_0 = arith.constant 0 : i32
    return %arg0, %c0_i32 : i32, i32
  }
  func.func @transform_1(%arg0: i32) -> (i32, i32) {
    %c0_i32 = arith.constant 0 : i32
    %c0_i32_0 = arith.constant 0 : i32
    return %arg0, %c0_i32 : i32, i32
  }
  func.func @transform_2(%arg0: i32) -> (i32, i32) {
    %c0_i32 = arith.constant 0 : i32
    %c0_i32_0 = arith.constant 0 : i32
    %c0_i32_1 = arith.constant 0 : i32
    return %c0_i32, %c0_i32_0 : i32, i32
  }
  func.func @transform_3(%arg0: i32) -> (i32, i32) {
    %c0_i32 = arith.constant 0 : i32
    %c0_i32_0 = arith.constant 0 : i32
    %c0_i32_1 = arith.constant 0 : i32
    return %c0_i32, %c0_i32_0 : i32, i32
  }
  func.func @transform_4(%arg0: i32) -> (i32, i32) {
    %c0_i32 = arith.constant 0 : i32
    %c0_i32_0 = arith.constant 0 : i32
    return %arg0, %c0_i32 : i32, i32
  }
  func.func @transform_5(%arg0: i32) -> (i32, i32) {
    %c0_i32 = arith.constant 0 : i32
    %c0_i32_0 = arith.constant 0 : i32
    return %arg0, %c0_i32 : i32, i32
  }
}

module attributes {stable_mosaic.version = 14 : i64} {
  func.func @tc_b_4(%arg0: i32, %arg1: i32, %arg2: memref<16x256xf32, #tpu.memory_space<vmem>>, %arg3: memref<16x256xf32, #tpu.memory_space<vmem>>, %arg4: memref<16x256xf32, #tpu.memory_space<vmem>>, %arg5: memref<16x16xf32, #tpu.memory_space<vmem>>, %arg6: memref<16x16xf32, #tpu.memory_space<vmem>>, %arg7: memref<16x16xf32, #tpu.memory_space<vmem>>, %arg8: memref<256x256xf32, #tpu.memory_space<vmem>>, %arg9: memref<1x256xf32, #tpu.memory_space<vmem>>, %arg10: memref<1x256xf32, #tpu.memory_space<vmem>>, %arg11: memref<1x256xf32, #tpu.memory_space<vmem>>, %arg12: memref<16x256xf32, #tpu.memory_space<vmem>>, %arg13: memref<8x256xf32, #tpu.memory_space<vmem>>) attributes {dimension_semantics = [#tpu.dimension_semantics<arbitrary>, #tpu.dimension_semantics<arbitrary>], iteration_bounds = array<i64: 3, 16>, scalar_prefetch = 0 : i64, scratch_operands = 1 : i64, tpu.core_type = #tpu.core_type<tc>, window_params = [{transform_indices = @transform_0, window_bounds = array<i64: 16, 256>}, {transform_indices = @transform_1, window_bounds = array<i64: 16, 256>}, {transform_indices = @transform_2, window_bounds = array<i64: 16, 256>}, {transform_indices = @transform_3, window_bounds = array<i64: 16, 16>}, {transform_indices = @transform_4, window_bounds = array<i64: 16, 16>}, {transform_indices = @transform_5, window_bounds = array<i64: 16, 16>}, {pipeline_mode = #tpu.pipeline_mode<synchronous>, transform_indices = @transform_6, window_bounds = array<i64: 256, 256>}, {pipeline_mode = #tpu.pipeline_mode<synchronous>, transform_indices = @transform_7, window_bounds = array<i64: 1, 256>}, {pipeline_mode = #tpu.pipeline_mode<synchronous>, transform_indices = @transform_8, window_bounds = array<i64: 1, 256>}, {pipeline_mode = #tpu.pipeline_mode<synchronous>, transform_indices = @transform_9, window_bounds = array<i64: 1, 256>}, {transform_indices = @transform_10, window_bounds = array<i64: 16, 256>}]} {
    %eq3A = arith.constant 0 : i32
    %eq3A_0 = arith.cmpi eq, %arg0, %eq3A : i32
    %eq3A_1 = arith.constant 0 : i32
    %eq3A_2 = arith.cmpi eq, %arg1, %eq3A_1 : i32
    %and3A = arith.andi %eq3A_0, %eq3A_2 : i1
    %convert_element_type3A = arith.extui %and3A : i1 to i32
    %cond3A = arith.constant 0 : i32
    %cond3A_3 = arith.cmpi ne, %convert_element_type3A, %cond3A : i32
    scf.if %cond3A_3 {
      %broadcast_in_dim3A = arith.constant 0.000000e+00 : f32
      %broadcast_in_dim3A_52 = vector.broadcast %broadcast_in_dim3A : f32 to vector<8x256xf32>
      %swap3A = arith.constant 0 : index
      %swap3A_53 = arith.constant 0 : index
      %swap3A_54 = vector.load %arg13[%swap3A, %swap3A_53] : memref<8x256xf32, #tpu.memory_space<vmem>>, vector<8x256xf32>
      tpu.vector_store %arg13[%swap3A, %swap3A_53], %broadcast_in_dim3A_52 {strides = array<i32>} : memref<8x256xf32, #tpu.memory_space<vmem>>, vector<8x256xf32>,
    } else {
    }
    %get3A = arith.constant 0 : index
    %get3A_4 = arith.constant 0 : index
    %get3A_5 = vector.load %arg3[%get3A, %get3A_4] : memref<16x256xf32, #tpu.memory_space<vmem>>, vector<16x256xf32>
    %get3A_6 = arith.constant 0 : index
    %get3A_7 = arith.constant 0 : index
    %get3A_8 = vector.load %arg4[%get3A_6, %get3A_7] : memref<16x256xf32, #tpu.memory_space<vmem>>, vector<16x256xf32>
    %add3A = arith.addf %get3A_5, %get3A_8 : vector<16x256xf32>
    %get3A_9 = arith.constant 0 : index
    %get3A_10 = arith.constant 0 : index
    %get3A_11 = vector.load %arg5[%get3A_9, %get3A_10] : memref<16x16xf32, #tpu.memory_space<vmem>>, vector<16x16xf32>
    %get3A_12 = arith.constant 0 : index
    %get3A_13 = arith.constant 0 : index
    %get3A_14 = vector.load %arg6[%get3A_12, %get3A_13] : memref<16x16xf32, #tpu.memory_space<vmem>>, vector<16x16xf32>
    %add3A_15 = arith.addf %get3A_11, %get3A_14 : vector<16x16xf32>
    %slice3A = vector.extract_strided_slice %add3A_15 {offsets = [0, 0], sizes = [16, 1], strides = [1, 1]} : vector<16x16xf32> to vector<16x1xf32>
    %max3A = arith.constant 1.000000e+00 : f32
    %max3A_16 = vector.broadcast %max3A : f32 to vector<16x1xf32>
    %max3A_17 = arith.maximumf %slice3A, %max3A_16 : vector<16x1xf32>
    %get3A_18 = arith.constant 0 : index
    %get3A_19 = arith.constant 0 : index
    %get3A_20 = vector.load %arg2[%get3A_18, %get3A_19] : memref<16x256xf32, #tpu.memory_space<vmem>>, vector<16x256xf32>
    %div3A = vector.broadcast %max3A_17 : vector<16x1xf32> to vector<16x256xf32>
    %div3A_21 = arith.divf %add3A, %div3A : vector<16x256xf32>
    %add3A_22 = arith.addf %get3A_20, %div3A_21 : vector<16x256xf32>
    %get3A_23 = arith.constant 0 : index
    %get3A_24 = arith.constant 0 : index
    %get3A_25 = vector.load %arg8[%get3A_23, %get3A_24] : memref<256x256xf32, #tpu.memory_space<vmem>>, vector<256x256xf32>
    %dot_general3A = arith.constant dense<0.000000e+00> : vector<16x256xf32>
    %dot_general3A_26 = tpu.matmul %add3A_22, %get3A_25, %dot_general3A {dimension_numbers = #tpu.dot_dimension_numbers<[1], [0], [0], [1], [0, 0, 1, 1], [], []>, transpose_lhs_hint = false} : vector<16x256xf32>, vector<256x256xf32>, vector<16x256xf32> -> vector<16x256xf32>
    %get3A_27 = arith.constant 0 : index
    %get3A_28 = arith.constant 0 : index
    %get3A_29 = vector.load %arg9[%get3A_27, %get3A_28] : memref<1x256xf32, #tpu.memory_space<vmem>>, vector<1x256xf32>
    %add3A_30 = vector.broadcast %get3A_29 : vector<1x256xf32> to vector<16x256xf32>
    %add3A_31 = arith.addf %dot_general3A_26, %add3A_30 : vector<16x256xf32>
    %mul3A = arith.constant 16 : i32
    %mul3A_32 = arith.muli %arg1, %mul3A : i32
    %iota3A = tpu.iota {dimensions = array<i32: 0>} : vector<16x1xi32>
    %add3A_33 = vector.broadcast %mul3A_32 : i32 to vector<16x1xi32>
    %add3A_34 = arith.addi %add3A_33, %iota3A : vector<16x1xi32>
    %lt3A = arith.constant 195 : i32
    %lt3A_35 = vector.broadcast %lt3A : i32 to vector<16x1xi32>
    %lt3A_36 = arith.cmpi slt, %add3A_34, %lt3A_35 : vector<16x1xi32>
    %eq3A_37 = arith.constant 0 : i32
    %eq3A_38 = arith.cmpi eq, %arg0, %eq3A_37 : i32
    %convert_element_type3A_39 = arith.extui %eq3A_38 : i1 to i32
    %cond3A_40 = arith.constant 0 : i32
    %cond3A_41 = arith.cmpi ne, %convert_element_type3A_39, %cond3A_40 : i32
    scf.if %cond3A_41 {
      %jit3A = arith.constant 0.000000e+00 : f32
      %broadcast_in_dim3A = vector.shape_cast %lt3A_36 : vector<16x1xi1> to vector<16x1xi1>
      %broadcast_in_dim3A_52 = vector.broadcast %broadcast_in_dim3A : vector<16x1xi1> to vector<16x256xi1>
      %broadcast_in_dim3A_53 = vector.broadcast %jit3A : f32 to vector<16x256xf32>
      %select_n3A = arith.select %broadcast_in_dim3A_52, %add3A_31, %broadcast_in_dim3A_53 : vector<16x256xi1>, vector<16x256xf32>
      %get3A_54 = arith.constant 0 : index
      %get3A_55 = arith.constant 0 : index
      %get3A_56 = vector.load %arg13[%get3A_54, %get3A_55] : memref<8x256xf32, #tpu.memory_space<vmem>>, vector<1x256xf32>
      %reduce_sum3A = arith.constant dense<0.000000e+00> : vector<256xf32>
      %reduce_sum3A_57 = vector.multi_reduction <add>, %select_n3A, %reduce_sum3A [0] : vector<16x256xf32> to vector<256xf32>
      %broadcast_in_dim3A_58 = vector.shape_cast %reduce_sum3A_57 : vector<256xf32> to vector<1x256xf32>
      %add3A_59 = arith.addf %get3A_56, %broadcast_in_dim3A_58 : vector<1x256xf32>
      %swap3A = arith.constant 0 : index
      %swap3A_60 = arith.constant 0 : index
      %swap3A_61 = vector.load %arg13[%swap3A, %swap3A_60] : memref<8x256xf32, #tpu.memory_space<vmem>>, vector<1x256xf32>
      tpu.vector_store %arg13[%swap3A, %swap3A_60], %add3A_59 {strides = array<i32>} : memref<8x256xf32, #tpu.memory_space<vmem>>, vector<1x256xf32>,
    } else {
    }
    %eq3A_42 = arith.constant 1 : i32
    %eq3A_43 = arith.cmpi eq, %arg0, %eq3A_42 : i32
    %convert_element_type3A_44 = arith.extui %eq3A_43 : i1 to i32
    %cond3A_45 = arith.constant 0 : i32
    %cond3A_46 = arith.cmpi ne, %convert_element_type3A_44, %cond3A_45 : i32
    scf.if %cond3A_46 {
      %get3A_52 = arith.constant 0 : index
      %get3A_53 = arith.constant 0 : index
      %get3A_54 = vector.load %arg13[%get3A_52, %get3A_53] : memref<8x256xf32, #tpu.memory_space<vmem>>, vector<1x256xf32>
      %div3A_55 = arith.constant 1.950000e+02 : f32
      %div3A_56 = vector.broadcast %div3A_55 : f32 to vector<1x256xf32>
      %div3A_57 = arith.divf %get3A_54, %div3A_56 : vector<1x256xf32>
      %sub3A = vector.broadcast %div3A_57 : vector<1x256xf32> to vector<16x256xf32>
      %sub3A_58 = arith.subf %add3A_31, %sub3A : vector<16x256xf32>
      %jit3A = arith.constant 0.000000e+00 : f32
      %broadcast_in_dim3A = vector.shape_cast %lt3A_36 : vector<16x1xi1> to vector<16x1xi1>
      %broadcast_in_dim3A_59 = vector.broadcast %broadcast_in_dim3A : vector<16x1xi1> to vector<16x256xi1>
      %broadcast_in_dim3A_60 = vector.broadcast %jit3A : f32 to vector<16x256xf32>
      %select_n3A = arith.select %broadcast_in_dim3A_59, %sub3A_58, %broadcast_in_dim3A_60 : vector<16x256xi1>, vector<16x256xf32>
      %get3A_61 = arith.constant 1 : index
      %get3A_62 = arith.constant 0 : index
      %get3A_63 = vector.load %arg13[%get3A_61, %get3A_62] : memref<8x256xf32, #tpu.memory_space<vmem>>, vector<1x256xf32>
      %mul3A_64 = arith.mulf %select_n3A, %select_n3A : vector<16x256xf32>
      %reduce_sum3A = arith.constant dense<0.000000e+00> : vector<256xf32>
      %reduce_sum3A_65 = vector.multi_reduction <add>, %mul3A_64, %reduce_sum3A [0] : vector<16x256xf32> to vector<256xf32>
      %broadcast_in_dim3A_66 = vector.shape_cast %reduce_sum3A_65 : vector<256xf32> to vector<1x256xf32>
      %add3A_67 = arith.addf %get3A_63, %broadcast_in_dim3A_66 : vector<1x256xf32>
      %swap3A = arith.constant 1 : index
      %swap3A_68 = arith.constant 0 : index
      %swap3A_69 = vector.load %arg13[%swap3A, %swap3A_68] : memref<8x256xf32, #tpu.memory_space<vmem>>, vector<1x256xf32>
      tpu.vector_store %arg13[%swap3A, %swap3A_68], %add3A_67 {strides = array<i32>} : memref<8x256xf32, #tpu.memory_space<vmem>>, vector<1x256xf32>,
    } else {
    }
    %eq3A_47 = arith.constant 2 : i32
    %eq3A_48 = arith.cmpi eq, %arg0, %eq3A_47 : i32
    %convert_element_type3A_49 = arith.extui %eq3A_48 : i1 to i32
    %cond3A_50 = arith.constant 0 : i32
    %cond3A_51 = arith.cmpi ne, %convert_element_type3A_49, %cond3A_50 : i32
    scf.if %cond3A_51 {
      %get3A_52 = arith.constant 0 : index
      %get3A_53 = arith.constant 0 : index
      %get3A_54 = vector.load %arg13[%get3A_52, %get3A_53] : memref<8x256xf32, #tpu.memory_space<vmem>>, vector<1x256xf32>
      %div3A_55 = arith.constant 1.950000e+02 : f32
      %div3A_56 = vector.broadcast %div3A_55 : f32 to vector<1x256xf32>
      %div3A_57 = arith.divf %get3A_54, %div3A_56 : vector<1x256xf32>
      %get3A_58 = arith.constant 1 : index
      %get3A_59 = arith.constant 0 : index
      %get3A_60 = vector.load %arg13[%get3A_58, %get3A_59] : memref<8x256xf32, #tpu.memory_space<vmem>>, vector<1x256xf32>
      %div3A_61 = arith.constant 1.950000e+02 : f32
      %div3A_62 = vector.broadcast %div3A_61 : f32 to vector<1x256xf32>
      %div3A_63 = arith.divf %get3A_60, %div3A_62 : vector<1x256xf32>
      %get3A_64 = arith.constant 0 : index
      %get3A_65 = arith.constant 0 : index
      %get3A_66 = vector.load %arg10[%get3A_64, %get3A_65] : memref<1x256xf32, #tpu.memory_space<vmem>>, vector<1x256xf32>
      %sub3A = vector.broadcast %div3A_57 : vector<1x256xf32> to vector<16x256xf32>
      %sub3A_67 = arith.subf %add3A_31, %sub3A : vector<16x256xf32>
      %mul3A_68 = vector.broadcast %get3A_66 : vector<1x256xf32> to vector<16x256xf32>
      %mul3A_69 = arith.mulf %mul3A_68, %sub3A_67 : vector<16x256xf32>
      %add3A_70 = arith.constant 9.99999974E-6 : f32
      %add3A_71 = vector.broadcast %add3A_70 : f32 to vector<1x256xf32>
      %add3A_72 = arith.addf %div3A_63, %add3A_71 : vector<1x256xf32>
      %sqrt3A = math.sqrt %add3A_72 : vector<1x256xf32>
      %div3A_73 = vector.broadcast %sqrt3A : vector<1x256xf32> to vector<16x256xf32>
      %div3A_74 = arith.divf %mul3A_69, %div3A_73 : vector<16x256xf32>
      %get3A_75 = arith.constant 0 : index
      %get3A_76 = arith.constant 0 : index
      %get3A_77 = vector.load %arg11[%get3A_75, %get3A_76] : memref<1x256xf32, #tpu.memory_space<vmem>>, vector<1x256xf32>
      %add3A_78 = vector.broadcast %get3A_77 : vector<1x256xf32> to vector<16x256xf32>
      %add3A_79 = arith.addf %div3A_74, %add3A_78 : vector<16x256xf32>
      %max3A_80 = arith.constant 0.000000e+00 : f32
      %max3A_81 = vector.broadcast %max3A_80 : f32 to vector<16x256xf32>
      %max3A_82 = arith.maximumf %add3A_79, %max3A_81 : vector<16x256xf32>
      %jit3A = arith.constant 0.000000e+00 : f32
      %broadcast_in_dim3A = vector.shape_cast %lt3A_36 : vector<16x1xi1> to vector<16x1xi1>
      %broadcast_in_dim3A_83 = vector.broadcast %broadcast_in_dim3A : vector<16x1xi1> to vector<16x256xi1>
      %broadcast_in_dim3A_84 = vector.broadcast %jit3A : f32 to vector<16x256xf32>
      %select_n3A = arith.select %broadcast_in_dim3A_83, %max3A_82, %broadcast_in_dim3A_84 : vector<16x256xi1>, vector<16x256xf32>
      %swap3A = arith.constant 0 : index
      %swap3A_85 = arith.constant 0 : index
      %swap3A_86 = vector.load %arg12[%swap3A, %swap3A_85] : memref<16x256xf32, #tpu.memory_space<vmem>>, vector<16x256xf32>
      tpu.vector_store %arg12[%swap3A, %swap3A_85], %select_n3A {strides = array<i32>} : memref<16x256xf32, #tpu.memory_space<vmem>>, vector<16x256xf32>,
    } else {
    }
    return
  }
  func.func @transform_0(%arg0: i32, %arg1: i32) -> (i32, i32) {
    %c0_i32 = arith.constant 0 : i32
    %c0_i32_0 = arith.constant 0 : i32
    return %arg1, %c0_i32 : i32, i32
  }
  func.func @transform_1(%arg0: i32, %arg1: i32) -> (i32, i32) {
    %c0_i32 = arith.constant 0 : i32
    %c0_i32_0 = arith.constant 0 : i32
    return %arg1, %c0_i32 : i32, i32
  }
  func.func @transform_2(%arg0: i32, %arg1: i32) -> (i32, i32) {
    %c0_i32 = arith.constant 0 : i32
    %c0_i32_0 = arith.constant 0 : i32
    return %arg1, %c0_i32 : i32, i32
  }
  func.func @transform_3(%arg0: i32, %arg1: i32) -> (i32, i32) {
    %c0_i32 = arith.constant 0 : i32
    %c0_i32_0 = arith.constant 0 : i32
    return %arg1, %c0_i32 : i32, i32
  }
  func.func @transform_4(%arg0: i32, %arg1: i32) -> (i32, i32) {
    %c0_i32 = arith.constant 0 : i32
    %c0_i32_0 = arith.constant 0 : i32
    return %arg1, %c0_i32 : i32, i32
  }
  func.func @transform_5(%arg0: i32, %arg1: i32) -> (i32, i32) {
    %c0_i32 = arith.constant 0 : i32
    %c0_i32_0 = arith.constant 0 : i32
    return %arg1, %c0_i32 : i32, i32
  }
  func.func @transform_6(%arg0: i32, %arg1: i32) -> (i32, i32) {
    %c0_i32 = arith.constant 0 : i32
    %c0_i32_0 = arith.constant 0 : i32
    %c0_i32_1 = arith.constant 0 : i32
    return %c0_i32, %c0_i32_0 : i32, i32
  }
  func.func @transform_7(%arg0: i32, %arg1: i32) -> (i32, i32) {
    %c0_i32 = arith.constant 0 : i32
    %c0_i32_0 = arith.constant 0 : i32
    %c0_i32_1 = arith.constant 0 : i32
    return %c0_i32, %c0_i32_0 : i32, i32
  }
  func.func @transform_8(%arg0: i32, %arg1: i32) -> (i32, i32) {
    %c0_i32 = arith.constant 0 : i32
    %c0_i32_0 = arith.constant 0 : i32
    %c0_i32_1 = arith.constant 0 : i32
    return %c0_i32, %c0_i32_0 : i32, i32
  }
  func.func @transform_9(%arg0: i32, %arg1: i32) -> (i32, i32) {
    %c0_i32 = arith.constant 0 : i32
    %c0_i32_0 = arith.constant 0 : i32
    %c0_i32_1 = arith.constant 0 : i32
    return %c0_i32, %c0_i32_0 : i32, i32
  }
  func.func @transform_10(%arg0: i32, %arg1: i32) -> (i32, i32) {
    %c0_i32 = arith.constant 0 : i32
    %c0_i32_0 = arith.constant 0 : i32
    return %arg1, %c0_i32 : i32, i32
  }
}

</mosaic_0001>

<sc_bundles>
// kernel: sc_mp_l0.3.cloned.1.call-start
scs
__scs_entry_jumppad:
0x0: {  	(pc) =	sbr.rel $0x88, $3  }
0x1: {  	(tag) =	ssettag $0x0;
	lr =	simm.s32 $0x1  }
0x2: {  	[smem:$0x3F80] =	sst lr;
	_ =	strace $0xD0000000  }
0x3: {  	_ = 	snop  }
0x4: {  	_ = 	snop  }
0x5: {  	_ = 	snop  }
0x6: {  	_ = 	snop  }
0x7: {  	_ = 	snop  }
__scs_overlays_trampoline_lowered:
0x8: {  	[smem:$0x3F8F] =	sst s0  }
0x9: {  	[smem:$0x3F90] =	sst s1  }
0xa: {  	[smem:$0x3F91] =	sst s2  }
0xb: {  	[smem:$0x3F92] =	sst s3  }
0xc: {  	[smem:$0x3F93] =	sst s4  }
0xd: {  	[smem:$0x3F94] =	sst s5  }
0xe: {  	[smem:$0x3F95] =	sst s6  }
0xf: {  	[smem:$0x3F96] =	sst s7  }
0x10: {  	[smem:$0x3F97] =	sst s8  }
0x11: {  	[smem:$0x3F98] =	sst s9;
	s0 =	simm.s32 @!p0 $0x0  }
0x12: {  	s1 =	sld [smem:$0x3F7E];
	s0 =	simm.s32 @p0 $0x1  }
0x13: {  	[smem:$0x3F99] =	sst s0;
	s0 =	simm.s32 @!p1 $0x0  }
0x14: {  	s2 =	sld [smem:$0x3F7D];
	s0 =	simm.s32 @p1 $0x1  }
0x15: {  	[smem:$0x3F9A] =	sst s0;
	s0 =	simm.s32 @!p2 $0x0  }
0x16: {  	s3 =	sld [smem:$0x3FDB];
	s0 =	simm.s32 @p2 $0x1  }
0x17: {  	s4 =	simm.s32 $0x1BF5;
	[smem:$0x3F9C] =	sst s0  }
0x18: {  	s0 =	sld [smem:$0x3F7F];
	_ =	swait.ge [sflag:s4], $0x0  }
0x19: {  	s7 =	sld [smem:$0x3F80]  }
0x1a: {  	s8 =	sadd.s32 $0xFFFFE003, lr  }
0x1b: {  	s9 =	sadd.s32 $0xFFFFFEF7, lr;
	s5 =	simm.s32 $0xFFFFFFFF;
	p2 =	slt.u32 s8, $0xFFFFF086  }
0x1c: {  	p1 =	slt.u32 s9, $0xF7A;
	s5 =	simm.s32 @!p2 $0x0  }
0x1d: {  	s5 =	simm.s32 @p1 $0x1;
	p0 =	seq.s32 s7, s2  }
0x1e: {  	s7 =	smul.u32 @!p0 $0xF7A, s2;
	p2 =	seq.s32 @!p0 s5, $0x0  }
0x1f: {  	s9 =	smul.u32 $0xF7A, s1;
	s8 =	simm.s32 @!p0 $0x1BF5;
	p2 =	por !p2, p0  }
0x20: {  	[sflag:s8] =	ssyncset.s32 @!p0 $0xFFFFF086;
	s6 =	sadd.s32 @!p0 s3, s7;
	s7 =	simm.s32 @!p0 $0x108  }
0x21: {  	s3 =	sadd.s32 s3, s9;
	s6 =	sadd.s32 @!p0 $0x88, s6;
	s7 =	simm.s32 @p2 $0x1082  }
0x22: {  	[simem:s7], [sflag:s8] =	dma.local @!p0 [hbm:s6], $0xF7A  }
0x23: {  	s9 =	sor.u32 $0xD0000000, s2;
	s6 =	simm.s32 $0x108;
	_ =	swait.ge @!p0 [sflag:s8], $0x0  }
0x24: {  	s3 =	sadd.s32 $0x88, s3;
	s6 =	simm.s32 @!p1 $0x1082;
	[sflag:s4] =	ssyncset.s32 $0xFFFFF086  }
0x25: {  	[simem:s6], [sflag:s4] =	dma.local [hbm:s3], $0xF7A  }
0x26: {  	[smem:$0x3F80] =	sst s1;
	(tag) =	ssettag s2;
	_ =	strace s9  }
0x27: {  	s1 =	sld [smem:$0x3F90]  }
0x28: {  	s2 =	sld [smem:$0x3F91]  }
0x29: {  	s4 =	sld [smem:$0x3F93]  }
0x2a: {  	p0 =	seq.s32 s5, $0x0;
	s5 =	sld [smem:$0x3F94]  }
0x2b: {  	s6 =	sld [smem:$0x3F95]  }
0x2c: {  	s7 =	sld [smem:$0x3F96]  }
0x2d: {  	s3 =	simm.s32 $0x108;
	s8 =	sld [smem:$0x3F97]  }
0x2e: {  	s3 =	simm.s32 @!p0 $0x1082;
	s9 =	sld [smem:$0x3F98]  }
0x2f: {  	lr =	sadd.s32 s0, s3;
	s0 =	sld [smem:$0x3F8F]  }
0x30: {  	s3 =	sld [smem:$0x3F92]  }
0x31: {  	[smem:$0x3F9B] =	sst s10  }
0x32: {  	s10 =	sld [smem:$0x3F99];
	_ =	sdelay $0x3  }
0x33: {  	p0 =	seq.s32 s10, $0x1;
	s10 =	sld [smem:$0x3F9B];
	_ =	sdelay $0x3  }
0x34: {  	[smem:$0x3F9B] =	sst s10  }
0x35: {  	s10 =	sld [smem:$0x3F9A];
	_ =	sdelay $0x3  }
0x36: {  	p1 =	seq.s32 s10, $0x1;
	s10 =	sld [smem:$0x3F9B];
	_ =	sdelay $0x3  }
0x37: {  	[smem:$0x3F9B] =	sst s10  }
0x38: {  	s10 =	sld [smem:$0x3F9C]  }
0x39: {  	_ = 	snop;
	(pc) =	sbr.ind lr, $3  }
0x3a: {  	_ = 	snop  }
0x3b: {  	_ = 	snop  }
0x3c: {  	p2 =	seq.s32 s10, $0x1;
	s10 =	sld [smem:$0x3F9B]  }
0x3d: {  	_ =	shalt  }
0x3e: {  	_ =	shalt  }
0x3f: {  	_ =	shalt  }
0x40: {  	_ =	shalt  }
0x41: {  	_ =	shalt  }
0x42: {  	_ =	shalt  }
0x43: {  	_ =	shalt  }
0x44: {  	_ =	shalt  }
0x45: {  	_ =	shalt  }
0x46: {  	_ =	shalt  }
0x47: {  	_ =	shalt  }
0x48: {  	_ =	shalt  }
0x49: {  	_ =	shalt  }
0x4a: {  	_ =	shalt  }
0x4b: {  	_ =	shalt  }
0x4c: {  	_ =	shalt  }
0x4d: {  	_ =	shalt  }
0x4e: {  	_ =	shalt  }
0x4f: {  	_ =	shalt  }
0x50: {  	_ =	shalt  }
0x51: {  	_ =	shalt  }
0x52: {  	_ =	shalt  }
0x53: {  	_ =	shalt  }
0x54: {  	_ =	shalt  }
0x55: {  	_ =	shalt  }
0x56: {  	_ =	shalt  }
0x57: {  	_ =	shalt  }
0x58: {  	_ =	shalt  }
0x59: {  	_ =	shalt  }
0x5a: {  	_ =	shalt  }
0x5b: {  	_ =	shalt  }
0x5c: {  	_ =	shalt  }
0x5d: {  	_ =	shalt  }
0x5e: {  	_ =	shalt  }
0x5f: {  	_ =	shalt  }
0x60: {  	_ =	shalt  }
0x61: {  	_ =	shalt  }
0x62: {  	_ =	shalt  }
0x63: {  	_ =	shalt  }
0x64: {  	_ =	shalt  }
0x65: {  	_ =	shalt  }
0x66: {  	_ =	shalt  }
0x67: {  	_ =	shalt  }
0x68: {  	_ =	shalt  }
0x69: {  	_ =	shalt  }
0x6a: {  	_ =	shalt  }
0x6b: {  	_ =	shalt  }
0x6c: {  	_ =	shalt  }
0x6d: {  	_ =	shalt  }
0x6e: {  	_ =	shalt  }
0x6f: {  	_ =	shalt  }
0x70: {  	_ =	shalt  }
0x71: {  	_ =	shalt  }
0x72: {  	_ =	shalt  }
0x73: {  	_ =	shalt  }
0x74: {  	_ =	shalt  }
0x75: {  	_ =	shalt  }
0x76: {  	_ =	shalt  }
0x77: {  	_ =	shalt  }
0x78: {  	_ =	shalt  }
0x79: {  	_ =	shalt  }
0x7a: {  	_ =	shalt  }
0x7b: {  	_ =	shalt  }
0x7c: {  	_ =	shalt  }
0x7d: {  	_ =	shalt  }
0x7e: {  	_ =	shalt  }
0x7f: {  	_ =	shalt  }
0x80: {  	_ =	shalt  }
0x81: {  	_ =	shalt  }
0x82: {  	_ =	shalt  }
0x83: {  	_ =	shalt  }
0x84: {  	_ =	shalt  }
0x85: {  	_ =	shalt  }
0x86: {  	_ =	shalt  }
0x87: {  	_ =	shalt  }
.Lfunc_end0:
.L_simem_size_0:
called_computation_lowered:
.L_overlay_start_0:
0x88: {  	s2 =	sld [smem:$0x3FD9]  }
0x89: {  	s3 =	sld [smem:$0x3FFE];
	_ =	sdelay $0x1  }
0x8a: {  	s1 =	srdreg.scid  }
0x8b: {  	s0 =	sand.u32 $0x1, s1  }
0x8c: {  	s16 =	sshll.u32 s0, $0xA;
	s2 =	sadd.s32 s3, s2  }
0x8d: {  	s2 =	sadd.s32 s2, s16  }
0x8e: {  	[smem:$0x3FA7] =	sst s2  }
0x8f: {  	_ = 	snop  }
0x90: {  	(tm) =	ssettm $0x1  }
0x91: {  	s17 =	sld [smem:$0x3FFB];
	_ =	sdelay $0x3  }
0x92: {  	_ =	strace s17  }
0x93: {  	s2 =	sld [smem:$0x3FFC];
	_ =	sdelay $0x3  }
0x94: {  	_ =	strace s2  }
0x95: {  	s2 =	sld [smem:$0x3FFD];
	_ =	sdelay $0x3  }
0x96: {  	_ =	strace s2  }
0x97: {  	_ =	strace $0x8FFFFFFF  }
0x98: {  	s18 =	sld [smem:$0x3FDB];
	_ =	sdelay $0x1  }
0x99: {  	s19 =	simm.s32 $_scs_section_size  }
0x9a: {  	s4 =	simm.s32 $_size__tile_overlayer_lowered;
	s5 =	simm.s32 $_tile_overlayer_lowered  }
0x9b: {  	s22 =	simm.s32 $0x1BFF;
	s21 =	sshll.u32 s5, $0x1;
	s2 =	sadd.s32 s19, s18  }
0x9c: {  	s6 =	simm.s32 $0x0;
	s20 =	sshll.u32 s4, $0x1;
	s4 =	sadd.s32 s21, s2  }
0x9d: {  	[timem:s6], [sflag:s22] =	dma.local [hbm:s4], s20  }
0x9e: {  	_ =	swait.ge [sflag:s22], s20  }
0x9f: {  	s3 =	ssub.s32 $0x0, s20;
	[sflag:s22] =	ssyncset.done $0x0  }
0xa0: {  	[sflag:s22] =	ssyncadd.s32 s3;
	_ =	sdelay $0x1  }
0xa1: {  	s23 =	simm.s32 $0x1B8B  }
0xa2: {  	_ =	swait.ge [sflag:s23], $0x1  }
0xa3: {  	[sflag:s23] =	ssyncset.done $0x0  }
0xa4: {  	s25 =	simm.s32 $0x1B8E;
	s24 =	sld [smem:$0x3FFE];
	[sflag:s23] =	ssyncadd.s32 $0xFFFFFFFF  }
0xa5: {  	s26 =	simm.s32 $execute0_lowered;
	[smem:$0x3FD2] =	sst s25  }
0xa6: {  	s4 =	sshll.u32 s26, $0x1;
	_ =	strace $0x80000046;
	[dreg:$0x1] =	wrdreg $0xFFFFFFFF  }
0xa7: {  	s28 =	simm.s32 $_size_execute0_lowered;
	s2 =	sadd.s32 s2, s4;
	[dreg:$0x0] =	wrdreg $0x0  }
0xa8: {  	s4 =	sshll.u32 s28, $0x1;
	[dreg:$0x2] =	wrdreg s2  }
0xa9: {  	[dreg:$0x3] =	wrdreg s4  }
0xaa: {  	[dreg:$0x4] =	wrdreg $0xC0  }
0xab: {  	_ =	task [dreg:s6], $0x5FFFF  }
0xac: {  	[dreg:$0x1] =	wrdreg $0xFFFFFFFF  }
0xad: {  	[dreg:$0x0] =	wrdreg $0x60  }
0xae: {  	[dreg:$0x2] =	wrdreg s24  }
0xaf: {  	[dreg:$0x3] =	wrdreg $0x11000  }
0xb0: {  	[dreg:$0x4] =	wrdreg $0xD5000  }
0xb1: {  	[dreg:$0x5] =	wrdreg $0x9  }
0xb2: {  	_ =	task.clear_ibuf [dreg:s6], $0x6FFFF;
	_ =	strace $0x90000046  }
0xb3: {  	s29 =	simm.s32 $0x9;
	_ =	strace $0x80000048  }
0xb4: {  	_ =	swait.ge [sflag:s29], $0x1  }
0xb5: {  	[sflag:s29] =	ssyncadd.s32 $0xFFFFFFFF  }
0xb6: {  	_ =	strace $0x90000048  }
0xb7: {  	_ =	sfence  }
0xb8: {  	s30 =	sld [smem:$0x0];
	_ =	sdelay $0x2  }
0xb9: {  	s31 =	sshll.u32 s1, $0xD;
	s1 =	sshrl.u32 s1, $0x2  }
0xba: {  	s3 =	sand.u32 $0x4000, s31;
	s1 =	sadd.s32 s1, s30  }
0xbb: {  	s0 =	sor.u32 s3, s0;
	s1 =	sshll.u32 s1, $0x11  }
0xbc: {  	s0 =	sor.u32 s1, s0  }
0xbd: {  	s0 =	sadd.s32 $0x8F2B, s0  }
0xbe: {  	[sflag:s0] =	ssyncadd.remote.s32 $0x1  }
0xbf: {  	_ =	sfence.sel $0xFFFF  }
0xc0: {  	[dreg:$0x0] =	wrdreg $0xFFFFFFFF;
	(pc) =	sbr.abs _section_cstart, $3  }
0xc1: {  	[dreg:$0x1] =	wrdreg $0xFFFFFFFF  }
0xc2: {  	_ =	task.clear_ibuf [dreg:s6], $0x2FFFF;
	_ =	strace $0x9FFFFFFF  }
0xc3: {  	(tm) =	ssettm $0x7FFFFFFF  }
tec
execute0_lowered:
.L_overlay_start_1:
0x0: {  	(tag) =	ssettag $0x1  }
0x1: {  	s7 =	rddreg [dreg:$0x0]  }
0x2: {  	s1 =	srdreg.scid;
	s2 =	rddreg [dreg:$0x1]  }
0x3: {  	s0 =	stileid.u32;
	s3 =	rddreg [dreg:$0x2]  }
0x4: {  	s4 =	simm.s32 $0x0;
	s15 =	simm.s32 $0x2;
	s17 =	simm.s32 $0x900  }
0x5: {  	s18 =	simm.s32 $0x80;
	s19 =	simm.s32 $0x100;
	s20 =	simm.s32 $0x1  }
0x6: {  	s8 =	sand.u32 $0x1, s1;
	s9 =	smul.u32 $0xC400, s0;
	s1 =	rddreg [dreg:$0x3]  }
0x7: {  	s21 =	simm.s32 $0x0;
	[smem:$0x7FF] =	sst s4;
	s5 =	smul.u32 $0x6200, s8  }
0x8: {  	s31 =	sshll.u32 s0, $0x6;
	s10 =	smul.u32 $0xC4000, s8;
	s8 =	ssub.s32 $0x2, s8  }
0x9: {  	_ =	strace $0x80000047;
	s11 =	sshrl.u32 s9, $0x3;
	s12 =	sshrl.u32 s8, $0x1  }
0xa: {  	s14 =	sadd.s32 s9, s2;
	s16 =	sadd.s32 s9, s3;
	s5 =	sadd.s32 s5, s9  }
0xb: {  	s10 =	sadd.s32 s9, s10;
	s11 =	sadd.s32 s11, s7;
	s12 =	ssub.s32 s8, s12  }
0xc: {  	s8 =	sor.u32 $0x1C02, s31;
	s14 =	sshrl.u32 s14, $0x3;
	s16 =	sshrl.u32 s16, $0x3  }
0xd: {  	s6 =	sshrl.u32 s5, $0x3;
	s5 =	sadd.s32 $0x9A00, s7;
	s10 =	sshrl.u32 s10, $0x3  }
0xe: {  	s13 =	sadd.s32 s6, s7;
	s6 =	sadd.s32 $0x53200, s7;
	s10 =	sadd.s32 s10, s7  }
0xf: {  	s7 =	sadd.s32 $0x53400, s11;
	s11 =	smax.u32 s12, $0x1;
	s9 =	sadd.s32 $0x191A00, s10  }
0x10: {  	s10 =	sadd.s32 $0x6BC00, s10;
	s12 =	sadd.s32 $0x3AA00, s13;
	s13 =	sadd.s32 $0x22200, s13  }
.LBB2_1:
0x11: {  	[spmem:s14], [sflag:s8] =	dma.local [hbm:s7], $0x1880  }
0x12: {  	_ =	swait.ge [sflag:s15], $0x1880  }
0x13: {  	[sflag:s15] =	ssyncset.done $0x0  }
0x14: {  	[sflag:s15] =	ssyncadd.s32 $0xFFFFE780  }
0x15: {  	[spmem:s16], [sflag:s8] =	dma.local [hbm:s7], $0x1880  }
0x16: {  	_ =	swait.ge [sflag:s15], $0x1880  }
0x17: {  	[sflag:s15] =	ssyncset.done $0x0  }
0x18: {  	[sflag:s15] =	ssyncadd.s32 $0xFFFFE780  }
0x19: {  	[tilespmem:s17], [sflag:$0x2] =	stream.linear.gather [hbm4b:s6+s4], $0x800, $0x38;
	[tilespmem:$0x19900] =	vst v63  }
0x1a: {  	_ =	swait.ge [sflag:s15], $0x800  }
0x1b: {  	[sflag:s15] =	ssyncset.done $0x0  }
0x1c: {  	[sflag:s15] =	ssyncadd.s32 $0xFFFFF800  }
0x1d: {  	s22 =	sadd.s32 $0x0, s13;
	[bflag:$0x0] =	sbarrier.arrive $0xFFFF  }
0x1e: {  	[tilespmem:s4], [sflag:$0x2] =	stream.linear.gather [hbm4b:s22+s4], $0x80, $0x38;
	[tilespmem:$0x19900] =	vst v63  }
0x1f: {  	_ =	swait.ge [sflag:s15], $0x80  }
0x20: {  	[sflag:s15] =	ssyncset.done $0x0  }
0x21: {  	s31 =	sadd.s32 $0x0, s12;
	[sflag:s15] =	ssyncadd.s32 $0xFFFFFF80  }
0x22: {  	[tilespmem:s18], [sflag:$0x2] =	stream.linear.gather [hbm4b:s31+s4], $0x80, $0x38;
	[tilespmem:$0x19900] =	vst v63  }
0x23: {  	_ =	swait.ge [sflag:s15], $0x80  }
0x24: {  	[sflag:s15] =	ssyncset.done $0x0  }
0x25: {  	[sflag:s15] =	ssyncadd.s32 $0xFFFFFF80  }
0x26: {  	[tilespmem:s19], [sflag:$0x1] =	stream.indirect.gather [hbm4b:s5+s18], $0x10, s4, s18, $0xb8;
	[tilespmem:$0x19900] =	vst v63  }
0x27: {  	_ =	swait.ge [sflag:s20], $0x800  }
0x28: {  	[sflag:s20] =	ssyncset.done $0x0  }
0x29: {  	[sflag:s20] =	ssyncadd.s32 $0xFFFFF800  }
0x2a: {  	[spmem:s2] =	stream.indirect.scatter.add.f32 [tilespmem:s19], [sflag:$0x2], $0x10, s18, s18, $0xb8;
	[tilespmem:$0x19900] =	vst v63  }
0x2b: {  	_ =	swait.ge [sflag:s15], $0x800  }
0x2c: {  	[sflag:s15] =	ssyncset.done $0x0  }
0x2d: {  	[sflag:s15] =	ssyncadd.s32 $0xFFFFF800  }
0x2e: {  	[spmem:s3] =	stream.indirect.scatter.add.f32 [tilespmem:s17], [sflag:$0x2], $0x10, s18, s18, $0xb8;
	[tilespmem:$0x19900] =	vst v63  }
0x2f: {  	_ =	swait.ge [sflag:s15], $0x800  }
0x30: {  	s23 =	simm.s32 $0x20;
	s22 =	simm.s32 $0x10;
	[sflag:s15] =	ssyncset.done $0x0  }
.LBB2_2:
0x31: {  	s24 =	sadd.s32 s22, s13  }
0x32: {  	[sflag:s15] =	ssyncadd.s32 $0xFFFFF800;
	s25 =	smov.u32 s23;
	s26 =	sadd.s32 $0x10, s23  }
0x33: {  	[tilespmem:s4], [sflag:$0x2] =	stream.linear.gather [hbm4b:s24+s4], $0x80, $0x38;
	[tilespmem:$0x19900] =	vst v63  }
0x34: {  	p0 =	sne.s32 s23, $0xC30;
	_ =	swait.ge [sflag:s15], $0x80  }
0x35: {  	[sflag:s15] =	ssyncset.done $0x0  }
0x36: {  	s23 =	sadd.s32 s22, s12;
	s22 =	smov.u32 s25;
	[sflag:s15] =	ssyncadd.s32 $0xFFFFFF80  }
0x37: {  	[tilespmem:s18], [sflag:$0x2] =	stream.linear.gather [hbm4b:s23+s4], $0x80, $0x38;
	[tilespmem:$0x19900] =	vst v63  }
0x38: {  	_ =	swait.ge [sflag:s15], $0x80  }
0x39: {  	[sflag:s15] =	ssyncset.done $0x0  }
0x3a: {  	[sflag:s15] =	ssyncadd.s32 $0xFFFFFF80  }
0x3b: {  	[tilespmem:s19], [sflag:$0x1] =	stream.indirect.gather [hbm4b:s5+s18], $0x10, s4, s18, $0xb8;
	[tilespmem:$0x19900] =	vst v63  }
0x3c: {  	_ =	swait.ge [sflag:s20], $0x800  }
0x3d: {  	[sflag:s20] =	ssyncset.done $0x0  }
0x3e: {  	[sflag:s20] =	ssyncadd.s32 $0xFFFFF800  }
0x3f: {  	[spmem:s2] =	stream.indirect.scatter.add.f32 [tilespmem:s19], [sflag:$0x2], $0x10, s18, s18, $0xb8;
	[tilespmem:$0x19900] =	vst v63  }
0x40: {  	_ =	swait.ge [sflag:s15], $0x800  }
.Ltmp0:
0x41: {  	[sflag:s15] =	ssyncset.done $0x0;
	(pc) =	sbr.rel @p0 .LBB2_2-.Ltmp0, $4  }
0x42: {  	[sflag:s15] =	ssyncadd.s32 $0xFFFFF800  }
0x43: {  	[spmem:s3] =	stream.indirect.scatter.add.f32 [tilespmem:s17], [sflag:$0x2], $0x10, s18, s18, $0xb8;
	[tilespmem:$0x19900] =	vst v63  }
0x44: {  	_ =	swait.ge [sflag:s15], $0x800  }
0x45: {  	s23 =	smov.u32 s26;
	[sflag:s15] =	ssyncset.done $0x0  }
0x46: {  	s23 =	sadd.s32 s22, s13;
	[sflag:s15] =	ssyncadd.s32 $0xFFFFF800  }
0x47: {  	[tilespmem:s4], [sflag:$0x2] =	stream.linear.gather [hbm4b:s23+s4], $0x80, $0x38;
	[tilespmem:$0x19900] =	vst v63  }
0x48: {  	_ =	swait.ge [sflag:s15], $0x80  }
0x49: {  	[sflag:s15] =	ssyncset.done $0x0  }
0x4a: {  	s31 =	sadd.s32 s22, s12;
	[sflag:s15] =	ssyncadd.s32 $0xFFFFFF80  }
0x4b: {  	[tilespmem:s18], [sflag:$0x2] =	stream.linear.gather [hbm4b:s31+s4], $0x80, $0x38;
	[tilespmem:$0x19900] =	vst v63  }
0x4c: {  	_ =	swait.ge [sflag:s15], $0x80  }
0x4d: {  	[sflag:s15] =	ssyncset.done $0x0  }
0x4e: {  	[sflag:s15] =	ssyncadd.s32 $0xFFFFFF80  }
0x4f: {  	[tilespmem:s19], [sflag:$0x1] =	stream.indirect.gather [hbm4b:s5+s18], $0x10, s4, s18, $0xb8;
	[tilespmem:$0x19900] =	vst v63  }
0x50: {  	_ =	swait.ge [sflag:s20], $0x800  }
0x51: {  	[sflag:s20] =	ssyncset.done $0x0  }
0x52: {  	[sflag:s20] =	ssyncadd.s32 $0xFFFFF800  }
0x53: {  	[spmem:s2] =	stream.indirect.scatter.add.f32 [tilespmem:s19], [sflag:$0x2], $0x10, s18, s18, $0xb8;
	[tilespmem:$0x19900] =	vst v63  }
0x54: {  	_ =	swait.ge [sflag:s15], $0x800  }
0x55: {  	[sflag:s15] =	ssyncset.done $0x0  }
0x56: {  	[sflag:s15] =	ssyncadd.s32 $0xFFFFF800  }
0x57: {  	[spmem:s3] =	stream.indirect.scatter.add.f32 [tilespmem:s17], [sflag:$0x2], $0x10, s18, s18, $0xb8;
	[tilespmem:$0x19900] =	vst v63  }
0x58: {  	_ =	swait.ge [sflag:s15], $0x800  }
0x59: {  	[sflag:s15] =	ssyncset.done $0x0  }
0x5a: {  	[sflag:s15] =	ssyncadd.s32 $0xFFFFF800  }
0x5b: {  	[bflag:$0x0] =	sbarrier.arrive $0xFFFF  }
0x5c: {  	[hbm:s9], [sflag:s8] =	dma.local [spmem:s14], $0x1880  }
0x5d: {  	s21 =	sadd.s32 $0x1, s21;
	_ =	swait.ge [sflag:s15], $0x1880  }
0x5e: {  	p0 =	sne.s32 s21, s11;
	[sflag:s15] =	ssyncset.done $0x0  }
.Ltmp1:
0x5f: {  	[sflag:s15] =	ssyncadd.s32 $0xFFFFE780;
	(pc) =	sbr.rel @p0 .LBB2_1-.Ltmp1, $4  }
0x60: {  	[hbm:s10], [sflag:s8] =	dma.local [spmem:s16], $0x1880  }
0x61: {  	_ =	swait.ge [sflag:s15], $0x1880  }
0x62: {  	[sflag:s15] =	ssyncset.done $0x0  }
0x63: {  	[sflag:s15] =	ssyncadd.s32 $0xFFFFE780  }
0x64: {  	_ =	sfence.sel $0x180000  }
0x65: {  	[bflag:$0x0] =	sbarrier.arrive $0xFFFF  }
0x66: {  	p0 =	sne.s32 s0, $0x0;
	_ =	strace $0x90000047  }
0x67: {  	s0 =	sadd.s32 @!p0 $0x100000, s1;
	[bflag:$0x2] =	sbarrier.arrive $0xFFFF  }
0x68: {  	[sflag:s0] =	ssyncadd.tile.s32 @!p0 $0x1;
	_ =	shalt  }
.Lfunc_end2:
_tile_overlayer_lowered:
.L_overlay_start_2:
0x69: {  	(tag) =	ssettag $0x2  }
0x6a: {  	s0 =	rddreg [dreg:$0x0];
	s2 =	stileid.u32  }
0x6b: {  	s1 =	rddreg [dreg:$0x1];
	p0 =	sne.s32 s2, $0x0  }
0x6c: {  	s3 =	rddreg [dreg:$0x2];
	[bflag:$0x3] =	sbarrier.arrive $0xFFFF;
	s2 =	simm.s32 @!p0 $0x1C02  }
0x6d: {  	[timem:s3], [sflag:s2] =	dma.local @!p0 [hbm:s0], s1  }
0x6e: {  	s0 =	simm.s32 @!p0 $0x2  }
0x6f: {  	_ =	swait.ge @!p0 [sflag:s0], s1  }
0x70: {  	s1 =	ssub.s32 @!p0 $0x0, s1;
	[sflag:s0] =	ssyncset.done @!p0 $0x0  }
0x71: {  	[sflag:s0] =	ssyncadd.s32 @!p0 s1  }
0x72: {  	[bflag:$0x3] =	sbarrier.arrive $0xFFFF  }
0x73: {  	_ =	shalt  }

// kernel: sc_mp_l1.3.cloned.1.call-start
scs
__scs_entry_jumppad:
0x0: {  	(pc) =	sbr.rel $0x88, $3  }
0x1: {  	(tag) =	ssettag $0x0;
	lr =	simm.s32 $0x1  }
0x2: {  	[smem:$0x3F80] =	sst lr;
	_ =	strace $0xD0000000  }
0x3: {  	_ = 	snop  }
0x4: {  	_ = 	snop  }
0x5: {  	_ = 	snop  }
0x6: {  	_ = 	snop  }
0x7: {  	_ = 	snop  }
__scs_overlays_trampoline_lowered:
0x8: {  	[smem:$0x3F8F] =	sst s0  }
0x9: {  	[smem:$0x3F90] =	sst s1  }
0xa: {  	[smem:$0x3F91] =	sst s2  }
0xb: {  	[smem:$0x3F92] =	sst s3  }
0xc: {  	[smem:$0x3F93] =	sst s4  }
0xd: {  	[smem:$0x3F94] =	sst s5  }
0xe: {  	[smem:$0x3F95] =	sst s6  }
0xf: {  	[smem:$0x3F96] =	sst s7  }
0x10: {  	[smem:$0x3F97] =	sst s8  }
0x11: {  	[smem:$0x3F98] =	sst s9;
	s0 =	simm.s32 @!p0 $0x0  }
0x12: {  	s1 =	sld [smem:$0x3F7E];
	s0 =	simm.s32 @p0 $0x1  }
0x13: {  	[smem:$0x3F99] =	sst s0;
	s0 =	simm.s32 @!p1 $0x0  }
0x14: {  	s2 =	sld [smem:$0x3F7D];
	s0 =	simm.s32 @p1 $0x1  }
0x15: {  	[smem:$0x3F9A] =	sst s0;
	s0 =	simm.s32 @!p2 $0x0  }
0x16: {  	s3 =	sld [smem:$0x3FDB];
	s0 =	simm.s32 @p2 $0x1  }
0x17: {  	s4 =	simm.s32 $0x1BF5;
	[smem:$0x3F9C] =	sst s0  }
0x18: {  	s0 =	sld [smem:$0x3F7F];
	_ =	swait.ge [sflag:s4], $0x0  }
0x19: {  	s7 =	sld [smem:$0x3F80]  }
0x1a: {  	s8 =	sadd.s32 $0xFFFFE003, lr  }
0x1b: {  	s9 =	sadd.s32 $0xFFFFFEF7, lr;
	s5 =	simm.s32 $0xFFFFFFFF;
	p2 =	slt.u32 s8, $0xFFFFF086  }
0x1c: {  	p1 =	slt.u32 s9, $0xF7A;
	s5 =	simm.s32 @!p2 $0x0  }
0x1d: {  	s5 =	simm.s32 @p1 $0x1;
	p0 =	seq.s32 s7, s2  }
0x1e: {  	s7 =	smul.u32 @!p0 $0xF7A, s2;
	p2 =	seq.s32 @!p0 s5, $0x0  }
0x1f: {  	s9 =	smul.u32 $0xF7A, s1;
	s8 =	simm.s32 @!p0 $0x1BF5;
	p2 =	por !p2, p0  }
0x20: {  	[sflag:s8] =	ssyncset.s32 @!p0 $0xFFFFF086;
	s6 =	sadd.s32 @!p0 s3, s7;
	s7 =	simm.s32 @!p0 $0x108  }
0x21: {  	s3 =	sadd.s32 s3, s9;
	s6 =	sadd.s32 @!p0 $0x88, s6;
	s7 =	simm.s32 @p2 $0x1082  }
0x22: {  	[simem:s7], [sflag:s8] =	dma.local @!p0 [hbm:s6], $0xF7A  }
0x23: {  	s9 =	sor.u32 $0xD0000000, s2;
	s6 =	simm.s32 $0x108;
	_ =	swait.ge @!p0 [sflag:s8], $0x0  }
0x24: {  	s3 =	sadd.s32 $0x88, s3;
	s6 =	simm.s32 @!p1 $0x1082;
	[sflag:s4] =	ssyncset.s32 $0xFFFFF086  }
0x25: {  	[simem:s6], [sflag:s4] =	dma.local [hbm:s3], $0xF7A  }
0x26: {  	[smem:$0x3F80] =	sst s1;
	(tag) =	ssettag s2;
	_ =	strace s9  }
0x27: {  	s1 =	sld [smem:$0x3F90]  }
0x28: {  	s2 =	sld [smem:$0x3F91]  }
0x29: {  	s4 =	sld [smem:$0x3F93]  }
0x2a: {  	p0 =	seq.s32 s5, $0x0;
	s5 =	sld [smem:$0x3F94]  }
0x2b: {  	s6 =	sld [smem:$0x3F95]  }
0x2c: {  	s7 =	sld [smem:$0x3F96]  }
0x2d: {  	s3 =	simm.s32 $0x108;
	s8 =	sld [smem:$0x3F97]  }
0x2e: {  	s3 =	simm.s32 @!p0 $0x1082;
	s9 =	sld [smem:$0x3F98]  }
0x2f: {  	lr =	sadd.s32 s0, s3;
	s0 =	sld [smem:$0x3F8F]  }
0x30: {  	s3 =	sld [smem:$0x3F92]  }
0x31: {  	[smem:$0x3F9B] =	sst s10  }
0x32: {  	s10 =	sld [smem:$0x3F99];
	_ =	sdelay $0x3  }
0x33: {  	p0 =	seq.s32 s10, $0x1;
	s10 =	sld [smem:$0x3F9B];
	_ =	sdelay $0x3  }
0x34: {  	[smem:$0x3F9B] =	sst s10  }
0x35: {  	s10 =	sld [smem:$0x3F9A];
	_ =	sdelay $0x3  }
0x36: {  	p1 =	seq.s32 s10, $0x1;
	s10 =	sld [smem:$0x3F9B];
	_ =	sdelay $0x3  }
0x37: {  	[smem:$0x3F9B] =	sst s10  }
0x38: {  	s10 =	sld [smem:$0x3F9C]  }
0x39: {  	_ = 	snop;
	(pc) =	sbr.ind lr, $3  }
0x3a: {  	_ = 	snop  }
0x3b: {  	_ = 	snop  }
0x3c: {  	p2 =	seq.s32 s10, $0x1;
	s10 =	sld [smem:$0x3F9B]  }
0x3d: {  	_ =	shalt  }
0x3e: {  	_ =	shalt  }
0x3f: {  	_ =	shalt  }
0x40: {  	_ =	shalt  }
0x41: {  	_ =	shalt  }
0x42: {  	_ =	shalt  }
0x43: {  	_ =	shalt  }
0x44: {  	_ =	shalt  }
0x45: {  	_ =	shalt  }
0x46: {  	_ =	shalt  }
0x47: {  	_ =	shalt  }
0x48: {  	_ =	shalt  }
0x49: {  	_ =	shalt  }
0x4a: {  	_ =	shalt  }
0x4b: {  	_ =	shalt  }
0x4c: {  	_ =	shalt  }
0x4d: {  	_ =	shalt  }
0x4e: {  	_ =	shalt  }
0x4f: {  	_ =	shalt  }
0x50: {  	_ =	shalt  }
0x51: {  	_ =	shalt  }
0x52: {  	_ =	shalt  }
0x53: {  	_ =	shalt  }
0x54: {  	_ =	shalt  }
0x55: {  	_ =	shalt  }
0x56: {  	_ =	shalt  }
0x57: {  	_ =	shalt  }
0x58: {  	_ =	shalt  }
0x59: {  	_ =	shalt  }
0x5a: {  	_ =	shalt  }
0x5b: {  	_ =	shalt  }
0x5c: {  	_ =	shalt  }
0x5d: {  	_ =	shalt  }
0x5e: {  	_ =	shalt  }
0x5f: {  	_ =	shalt  }
0x60: {  	_ =	shalt  }
0x61: {  	_ =	shalt  }
0x62: {  	_ =	shalt  }
0x63: {  	_ =	shalt  }
0x64: {  	_ =	shalt  }
0x65: {  	_ =	shalt  }
0x66: {  	_ =	shalt  }
0x67: {  	_ =	shalt  }
0x68: {  	_ =	shalt  }
0x69: {  	_ =	shalt  }
0x6a: {  	_ =	shalt  }
0x6b: {  	_ =	shalt  }
0x6c: {  	_ =	shalt  }
0x6d: {  	_ =	shalt  }
0x6e: {  	_ =	shalt  }
0x6f: {  	_ =	shalt  }
0x70: {  	_ =	shalt  }
0x71: {  	_ =	shalt  }
0x72: {  	_ =	shalt  }
0x73: {  	_ =	shalt  }
0x74: {  	_ =	shalt  }
0x75: {  	_ =	shalt  }
0x76: {  	_ =	shalt  }
0x77: {  	_ =	shalt  }
0x78: {  	_ =	shalt  }
0x79: {  	_ =	shalt  }
0x7a: {  	_ =	shalt  }
0x7b: {  	_ =	shalt  }
0x7c: {  	_ =	shalt  }
0x7d: {  	_ =	shalt  }
0x7e: {  	_ =	shalt  }
0x7f: {  	_ =	shalt  }
0x80: {  	_ =	shalt  }
0x81: {  	_ =	shalt  }
0x82: {  	_ =	shalt  }
0x83: {  	_ =	shalt  }
0x84: {  	_ =	shalt  }
0x85: {  	_ =	shalt  }
0x86: {  	_ =	shalt  }
0x87: {  	_ =	shalt  }
.Lfunc_end0:
.L_simem_size_0:
called_computation.2_lowered:
.L_overlay_start_0:
0x88: {  	s2 =	sld [smem:$0x3FD9]  }
0x89: {  	s3 =	sld [smem:$0x3FFE];
	_ =	sdelay $0x1  }
0x8a: {  	s1 =	srdreg.scid  }
0x8b: {  	s0 =	sand.u32 $0x1, s1  }
0x8c: {  	s16 =	sshll.u32 s0, $0xA;
	s2 =	sadd.s32 s3, s2  }
0x8d: {  	s2 =	sadd.s32 s2, s16  }
0x8e: {  	[smem:$0x3FA7] =	sst s2  }
0x8f: {  	_ = 	snop  }
0x90: {  	(tm) =	ssettm $0x1  }
0x91: {  	s17 =	sld [smem:$0x3FFB];
	_ =	sdelay $0x3  }
0x92: {  	_ =	strace s17  }
0x93: {  	s2 =	sld [smem:$0x3FFC];
	_ =	sdelay $0x3  }
0x94: {  	_ =	strace s2  }
0x95: {  	s2 =	sld [smem:$0x3FFD];
	_ =	sdelay $0x3  }
0x96: {  	_ =	strace s2  }
0x97: {  	_ =	strace $0x8FFFFFFF  }
0x98: {  	s18 =	sld [smem:$0x3FDB];
	_ =	sdelay $0x1  }
0x99: {  	s19 =	simm.s32 $_scs_section_size  }
0x9a: {  	s4 =	simm.s32 $_size__tile_overlayer_lowered;
	s5 =	simm.s32 $_tile_overlayer_lowered  }
0x9b: {  	s22 =	simm.s32 $0x1BFF;
	s21 =	sshll.u32 s5, $0x1;
	s2 =	sadd.s32 s19, s18  }
0x9c: {  	s6 =	simm.s32 $0x0;
	s20 =	sshll.u32 s4, $0x1;
	s4 =	sadd.s32 s21, s2  }
0x9d: {  	[timem:s6], [sflag:s22] =	dma.local [hbm:s4], s20  }
0x9e: {  	_ =	swait.ge [sflag:s22], s20  }
0x9f: {  	s3 =	ssub.s32 $0x0, s20;
	[sflag:s22] =	ssyncset.done $0x0  }
0xa0: {  	[sflag:s22] =	ssyncadd.s32 s3;
	_ =	sdelay $0x1  }
0xa1: {  	s23 =	simm.s32 $0x1B8B  }
0xa2: {  	_ =	swait.ge [sflag:s23], $0x1  }
0xa3: {  	[sflag:s23] =	ssyncset.done $0x0  }
0xa4: {  	s25 =	simm.s32 $0x1B8E;
	s24 =	sld [smem:$0x3FFE];
	[sflag:s23] =	ssyncadd.s32 $0xFFFFFFFF  }
0xa5: {  	s26 =	simm.s32 $execute0_lowered;
	[smem:$0x3FD2] =	sst s25  }
0xa6: {  	s4 =	sshll.u32 s26, $0x1;
	_ =	strace $0x8000004C;
	[dreg:$0x1] =	wrdreg $0xFFFFFFFF  }
0xa7: {  	s28 =	simm.s32 $_size_execute0_lowered;
	s2 =	sadd.s32 s2, s4;
	[dreg:$0x0] =	wrdreg $0x0  }
0xa8: {  	s4 =	sshll.u32 s28, $0x1;
	[dreg:$0x2] =	wrdreg s2  }
0xa9: {  	[dreg:$0x3] =	wrdreg s4  }
0xaa: {  	[dreg:$0x4] =	wrdreg $0xC0  }
0xab: {  	_ =	task [dreg:s6], $0x5FFFF  }
0xac: {  	[dreg:$0x1] =	wrdreg $0xFFFFFFFF  }
0xad: {  	[dreg:$0x0] =	wrdreg $0x60  }
0xae: {  	[dreg:$0x2] =	wrdreg s24  }
0xaf: {  	[dreg:$0x3] =	wrdreg $0x29000  }
0xb0: {  	[dreg:$0x4] =	wrdreg $0xED000  }
0xb1: {  	[dreg:$0x5] =	wrdreg $0x9  }
0xb2: {  	_ =	task.clear_ibuf [dreg:s6], $0x6FFFF;
	_ =	strace $0x9000004C  }
0xb3: {  	s29 =	simm.s32 $0x9;
	_ =	strace $0x8000004E  }
0xb4: {  	_ =	swait.ge [sflag:s29], $0x1  }
0xb5: {  	[sflag:s29] =	ssyncadd.s32 $0xFFFFFFFF  }
0xb6: {  	_ =	strace $0x9000004E  }
0xb7: {  	_ =	sfence  }
0xb8: {  	s30 =	sld [smem:$0x0];
	_ =	sdelay $0x2  }
0xb9: {  	s31 =	sshll.u32 s1, $0xD;
	s1 =	sshrl.u32 s1, $0x2  }
0xba: {  	s3 =	sand.u32 $0x4000, s31;
	s1 =	sadd.s32 s1, s30  }
0xbb: {  	s0 =	sor.u32 s3, s0;
	s1 =	sshll.u32 s1, $0x11  }
0xbc: {  	s0 =	sor.u32 s1, s0  }
0xbd: {  	s0 =	sadd.s32 $0x8F2B, s0  }
0xbe: {  	[sflag:s0] =	ssyncadd.remote.s32 $0x1  }
0xbf: {  	_ =	sfence.sel $0xFFFF  }
0xc0: {  	[dreg:$0x0] =	wrdreg $0xFFFFFFFF;
	(pc) =	sbr.abs _section_cstart, $3  }
0xc1: {  	[dreg:$0x1] =	wrdreg $0xFFFFFFFF  }
0xc2: {  	_ =	task.clear_ibuf [dreg:s6], $0x2FFFF;
	_ =	strace $0x9FFFFFFF  }
0xc3: {  	(tm) =	ssettm $0x7FFFFFFF  }
tec
execute0_lowered:
.L_overlay_start_1:
0x0: {  	(tag) =	ssettag $0x1  }
0x1: {  	s7 =	rddreg [dreg:$0x0]  }
0x2: {  	s2 =	rddreg [dreg:$0x1]  }
0x3: {  	s1 =	srdreg.scid;
	s0 =	stileid.u32  }
0x4: {  	s3 =	rddreg [dreg:$0x2];
	s4 =	simm.s32 $0x0;
	s19 =	simm.s32 $0x80  }
0x5: {  	s20 =	simm.s32 $0x100;
	s21 =	simm.s32 $0x1;
	s9 =	smul.u32 $0x3100, s0  }
0x6: {  	s8 =	sand.u32 $0x1, s1;
	s1 =	rddreg [dreg:$0x3];
	s10 =	smul.u32 $0xC400, s0  }
0x7: {  	s22 =	simm.s32 $0x0;
	[smem:$0x7FF] =	sst s4;
	s5 =	smul.u32 $0x1880, s8  }
0x8: {  	s31 =	sshll.u32 s0, $0x6;
	_ =	strace $0x8000004D;
	s11 =	smul.u32 $0xC4000, s8  }
0x9: {  	s15 =	smul.u32 $0x31000, s8;
	s8 =	ssub.s32 $0x2, s8;
	s12 =	sshrl.u32 s10, $0x3  }
0xa: {  	s13 =	sshrl.u32 s9, $0x3;
	s16 =	sshrl.u32 s8, $0x1;
	s17 =	sadd.s32 s10, s2  }
0xb: {  	s18 =	sadd.s32 s9, s3;
	s6 =	sadd.s32 s5, s9;
	s5 =	sadd.s32 $0x3AA00, s7  }
0xc: {  	s12 =	sadd.s32 s12, s7;
	s13 =	sadd.s32 s13, s7;
	s11 =	sadd.s32 s10, s11  }
0xd: {  	s15 =	sadd.s32 s9, s15;
	s16 =	ssub.s32 s8, s16;
	s8 =	sor.u32 $0x1C02, s31  }
0xe: {  	s6 =	sshrl.u32 s6, $0x3;
	s11 =	sshrl.u32 s11, $0x3;
	s15 =	sshrl.u32 s15, $0x3  }
0xf: {  	s9 =	sadd.s32 $0x78000, s13;
	s14 =	sadd.s32 s6, s7;
	s6 =	sadd.s32 $0x53200, s7  }
0x10: {  	s11 =	sadd.s32 s11, s7;
	s15 =	sadd.s32 s15, s7;
	s7 =	sadd.s32 $0x53400, s12  }
0x11: {  	s12 =	smax.u32 s16, $0x1;
	s16 =	simm.s32 $0x2;
	s10 =	sadd.s32 $0x8A600, s11  }
0x12: {  	s11 =	sadd.s32 $0x7E200, s15;
	s13 =	sadd.s32 $0x6BC00, s14;
	s14 =	sadd.s32 $0x71E00, s14  }
0x13: {  	s15 =	sshrl.u32 s17, $0x3;
	s17 =	sshrl.u32 s18, $0x3;
	s18 =	simm.s32 $0x2100  }
.LBB2_1:
0x14: {  	[spmem:s15], [sflag:s8] =	dma.local [hbm:s7], $0x1880  }
0x15: {  	_ =	swait.ge [sflag:s16], $0x1880  }
0x16: {  	[sflag:s16] =	ssyncset.done $0x0  }
0x17: {  	[sflag:s16] =	ssyncadd.s32 $0xFFFFE780  }
0x18: {  	[spmem:s17], [sflag:s8] =	dma.local [hbm:s9], $0x620  }
0x19: {  	_ =	swait.ge [sflag:s16], $0x620  }
0x1a: {  	[sflag:s16] =	ssyncset.done $0x0  }
0x1b: {  	[sflag:s16] =	ssyncadd.s32 $0xFFFFF9E0  }
0x1c: {  	[tilespmem:s18], [sflag:$0x2] =	stream.linear.gather [hbm4b:s6+s4], $0x800, $0x38;
	[tilespmem:$0x11E00] =	vst v63  }
0x1d: {  	_ =	swait.ge [sflag:s16], $0x800  }
0x1e: {  	[sflag:s16] =	ssyncset.done $0x0  }
0x1f: {  	[sflag:s16] =	ssyncadd.s32 $0xFFFFF800  }
0x20: {  	s23 =	sadd.s32 $0x0, s14;
	[bflag:$0x0] =	sbarrier.arrive $0xFFFF  }
0x21: {  	[tilespmem:s4], [sflag:$0x2] =	stream.linear.gather [hbm4b:s23+s4], $0x80, $0x38;
	[tilespmem:$0x11E00] =	vst v63  }
0x22: {  	_ =	swait.ge [sflag:s16], $0x80  }
0x23: {  	[sflag:s16] =	ssyncset.done $0x0  }
0x24: {  	s31 =	sadd.s32 $0x0, s13;
	[sflag:s16] =	ssyncadd.s32 $0xFFFFFF80  }
0x25: {  	[tilespmem:s19], [sflag:$0x2] =	stream.linear.gather [hbm4b:s31+s4], $0x80, $0x38;
	[tilespmem:$0x11E00] =	vst v63  }
0x26: {  	_ =	swait.ge [sflag:s16], $0x80  }
0x27: {  	[sflag:s16] =	ssyncset.done $0x0  }
0x28: {  	[sflag:s16] =	ssyncadd.s32 $0xFFFFFF80  }
0x29: {  	[tilespmem:s20], [sflag:$0x1] =	stream.indirect.gather [hbm4b:s5+s19], $0x40, s4, s19, $0xb8;
	[tilespmem:$0x11E00] =	vst v63  }
0x2a: {  	_ =	swait.ge [sflag:s21], $0x2000  }
0x2b: {  	[sflag:s21] =	ssyncset.done $0x0  }
0x2c: {  	[sflag:s21] =	ssyncadd.s32 $0xFFFFE000  }
0x2d: {  	[spmem:s2] =	stream.indirect.scatter.add.f32 [tilespmem:s20], [sflag:$0x2], $0x40, s19, s19, $0xb8;
	[tilespmem:$0x11E00] =	vst v63  }
0x2e: {  	_ =	swait.ge [sflag:s16], $0x2000  }
0x2f: {  	[sflag:s16] =	ssyncset.done $0x0  }
0x30: {  	[sflag:s16] =	ssyncadd.s32 $0xFFFFE000  }
0x31: {  	[spmem:s3] =	stream.indirect.scatter.add.f32 [tilespmem:s18], [sflag:$0x2], $0x10, s19, s19, $0xb8;
	[tilespmem:$0x11E00] =	vst v63  }
0x32: {  	_ =	swait.ge [sflag:s16], $0x800  }
0x33: {  	s24 =	simm.s32 $0x20;
	s23 =	simm.s32 $0x10;
	[sflag:s16] =	ssyncset.done $0x0  }
.LBB2_2:
0x34: {  	s25 =	sadd.s32 s23, s14  }
0x35: {  	[sflag:s16] =	ssyncadd.s32 $0xFFFFF800;
	s26 =	smov.u32 s24;
	s28 =	sadd.s32 $0x10, s24  }
0x36: {  	[tilespmem:s4], [sflag:$0x2] =	stream.linear.gather [hbm4b:s25+s4], $0x80, $0x38;
	[tilespmem:$0x11E00] =	vst v63  }
0x37: {  	p0 =	sne.s32 s24, $0x300;
	_ =	swait.ge [sflag:s16], $0x80  }
0x38: {  	[sflag:s16] =	ssyncset.done $0x0  }
0x39: {  	s24 =	sadd.s32 s23, s13;
	s23 =	smov.u32 s26;
	[sflag:s16] =	ssyncadd.s32 $0xFFFFFF80  }
0x3a: {  	[tilespmem:s19], [sflag:$0x2] =	stream.linear.gather [hbm4b:s24+s4], $0x80, $0x38;
	[tilespmem:$0x11E00] =	vst v63  }
0x3b: {  	_ =	swait.ge [sflag:s16], $0x80  }
0x3c: {  	[sflag:s16] =	ssyncset.done $0x0  }
0x3d: {  	[sflag:s16] =	ssyncadd.s32 $0xFFFFFF80  }
0x3e: {  	[tilespmem:s20], [sflag:$0x1] =	stream.indirect.gather [hbm4b:s5+s19], $0x40, s4, s19, $0xb8;
	[tilespmem:$0x11E00] =	vst v63  }
0x3f: {  	_ =	swait.ge [sflag:s21], $0x2000  }
0x40: {  	[sflag:s21] =	ssyncset.done $0x0  }
0x41: {  	[sflag:s21] =	ssyncadd.s32 $0xFFFFE000  }
0x42: {  	[spmem:s2] =	stream.indirect.scatter.add.f32 [tilespmem:s20], [sflag:$0x2], $0x40, s19, s19, $0xb8;
	[tilespmem:$0x11E00] =	vst v63  }
0x43: {  	_ =	swait.ge [sflag:s16], $0x2000  }
.Ltmp0:
0x44: {  	[sflag:s16] =	ssyncset.done $0x0;
	(pc) =	sbr.rel @p0 .LBB2_2-.Ltmp0, $4  }
0x45: {  	[sflag:s16] =	ssyncadd.s32 $0xFFFFE000  }
0x46: {  	[spmem:s3] =	stream.indirect.scatter.add.f32 [tilespmem:s18], [sflag:$0x2], $0x10, s19, s19, $0xb8;
	[tilespmem:$0x11E00] =	vst v63  }
0x47: {  	_ =	swait.ge [sflag:s16], $0x800  }
0x48: {  	s24 =	smov.u32 s28;
	[sflag:s16] =	ssyncset.done $0x0  }
0x49: {  	s24 =	sadd.s32 s23, s14;
	[sflag:s16] =	ssyncadd.s32 $0xFFFFF800  }
0x4a: {  	[tilespmem:s4], [sflag:$0x2] =	stream.linear.gather [hbm4b:s24+s4], $0x80, $0x38;
	[tilespmem:$0x11E00] =	vst v63  }
0x4b: {  	_ =	swait.ge [sflag:s16], $0x80  }
0x4c: {  	[sflag:s16] =	ssyncset.done $0x0  }
0x4d: {  	s31 =	sadd.s32 s23, s13;
	[sflag:s16] =	ssyncadd.s32 $0xFFFFFF80  }
0x4e: {  	[tilespmem:s19], [sflag:$0x2] =	stream.linear.gather [hbm4b:s31+s4], $0x80, $0x38;
	[tilespmem:$0x11E00] =	vst v63  }
0x4f: {  	_ =	swait.ge [sflag:s16], $0x80  }
0x50: {  	[sflag:s16] =	ssyncset.done $0x0  }
0x51: {  	[sflag:s16] =	ssyncadd.s32 $0xFFFFFF80  }
0x52: {  	[tilespmem:s20], [sflag:$0x1] =	stream.indirect.gather [hbm4b:s5+s19], $0x40, s4, s19, $0xb8;
	[tilespmem:$0x11E00] =	vst v63  }
0x53: {  	_ =	swait.ge [sflag:s21], $0x2000  }
0x54: {  	[sflag:s21] =	ssyncset.done $0x0  }
0x55: {  	[sflag:s21] =	ssyncadd.s32 $0xFFFFE000  }
0x56: {  	[spmem:s2] =	stream.indirect.scatter.add.f32 [tilespmem:s20], [sflag:$0x2], $0x40, s19, s19, $0xb8;
	[tilespmem:$0x11E00] =	vst v63  }
0x57: {  	_ =	swait.ge [sflag:s16], $0x2000  }
0x58: {  	[sflag:s16] =	ssyncset.done $0x0  }
0x59: {  	[sflag:s16] =	ssyncadd.s32 $0xFFFFE000  }
0x5a: {  	[spmem:s3] =	stream.indirect.scatter.add.f32 [tilespmem:s18], [sflag:$0x2], $0x10, s19, s19, $0xb8;
	[tilespmem:$0x11E00] =	vst v63  }
0x5b: {  	_ =	swait.ge [sflag:s16], $0x800  }
0x5c: {  	[sflag:s16] =	ssyncset.done $0x0  }
0x5d: {  	[sflag:s16] =	ssyncadd.s32 $0xFFFFF800  }
0x5e: {  	[bflag:$0x0] =	sbarrier.arrive $0xFFFF  }
0x5f: {  	[hbm:s10], [sflag:s8] =	dma.local [spmem:s15], $0x1880  }
0x60: {  	s22 =	sadd.s32 $0x1, s22;
	_ =	swait.ge [sflag:s16], $0x1880  }
0x61: {  	p0 =	sne.s32 s22, s12;
	[sflag:s16] =	ssyncset.done $0x0  }
.Ltmp1:
0x62: {  	[sflag:s16] =	ssyncadd.s32 $0xFFFFE780;
	(pc) =	sbr.rel @p0 .LBB2_1-.Ltmp1, $4  }
0x63: {  	[hbm:s11], [sflag:s8] =	dma.local [spmem:s17], $0x620  }
0x64: {  	_ =	swait.ge [sflag:s16], $0x620  }
0x65: {  	[sflag:s16] =	ssyncset.done $0x0  }
0x66: {  	[sflag:s16] =	ssyncadd.s32 $0xFFFFF9E0  }
0x67: {  	_ =	sfence.sel $0x180000  }
0x68: {  	[bflag:$0x0] =	sbarrier.arrive $0xFFFF  }
0x69: {  	p0 =	sne.s32 s0, $0x0;
	_ =	strace $0x9000004D  }
0x6a: {  	s0 =	sadd.s32 @!p0 $0x100000, s1;
	[bflag:$0x2] =	sbarrier.arrive $0xFFFF  }
0x6b: {  	[sflag:s0] =	ssyncadd.tile.s32 @!p0 $0x1;
	_ =	shalt  }
.Lfunc_end2:
_tile_overlayer_lowered:
.L_overlay_start_2:
0x6c: {  	(tag) =	ssettag $0x2  }
0x6d: {  	s0 =	rddreg [dreg:$0x0];
	s2 =	stileid.u32  }
0x6e: {  	s1 =	rddreg [dreg:$0x1];
	p0 =	sne.s32 s2, $0x0  }
0x6f: {  	s3 =	rddreg [dreg:$0x2];
	[bflag:$0x3] =	sbarrier.arrive $0xFFFF;
	s2 =	simm.s32 @!p0 $0x1C02  }
0x70: {  	[timem:s3], [sflag:s2] =	dma.local @!p0 [hbm:s0], s1  }
0x71: {  	s0 =	simm.s32 @!p0 $0x2  }
0x72: {  	_ =	swait.ge @!p0 [sflag:s0], s1  }
0x73: {  	s1 =	ssub.s32 @!p0 $0x0, s1;
	[sflag:s0] =	ssyncset.done @!p0 $0x0  }
0x74: {  	[sflag:s0] =	ssyncadd.s32 @!p0 s1  }
0x75: {  	[bflag:$0x3] =	sbarrier.arrive $0xFFFF  }
0x76: {  	_ =	shalt  }

// kernel: sc_mp_l2.3.cloned.1.call-start
scs
__scs_entry_jumppad:
0x0: {  	(pc) =	sbr.rel $0x88, $3  }
0x1: {  	(tag) =	ssettag $0x0;
	lr =	simm.s32 $0x1  }
0x2: {  	[smem:$0x3F80] =	sst lr;
	_ =	strace $0xD0000000  }
0x3: {  	_ = 	snop  }
0x4: {  	_ = 	snop  }
0x5: {  	_ = 	snop  }
0x6: {  	_ = 	snop  }
0x7: {  	_ = 	snop  }
__scs_overlays_trampoline_lowered:
0x8: {  	[smem:$0x3F8F] =	sst s0  }
0x9: {  	[smem:$0x3F90] =	sst s1  }
0xa: {  	[smem:$0x3F91] =	sst s2  }
0xb: {  	[smem:$0x3F92] =	sst s3  }
0xc: {  	[smem:$0x3F93] =	sst s4  }
0xd: {  	[smem:$0x3F94] =	sst s5  }
0xe: {  	[smem:$0x3F95] =	sst s6  }
0xf: {  	[smem:$0x3F96] =	sst s7  }
0x10: {  	[smem:$0x3F97] =	sst s8  }
0x11: {  	[smem:$0x3F98] =	sst s9;
	s0 =	simm.s32 @!p0 $0x0  }
0x12: {  	s1 =	sld [smem:$0x3F7E];
	s0 =	simm.s32 @p0 $0x1  }
0x13: {  	[smem:$0x3F99] =	sst s0;
	s0 =	simm.s32 @!p1 $0x0  }
0x14: {  	s2 =	sld [smem:$0x3F7D];
	s0 =	simm.s32 @p1 $0x1  }
0x15: {  	[smem:$0x3F9A] =	sst s0;
	s0 =	simm.s32 @!p2 $0x0  }
0x16: {  	s3 =	sld [smem:$0x3FDB];
	s0 =	simm.s32 @p2 $0x1  }
0x17: {  	s4 =	simm.s32 $0x1BF5;
	[smem:$0x3F9C] =	sst s0  }
0x18: {  	s0 =	sld [smem:$0x3F7F];
	_ =	swait.ge [sflag:s4], $0x0  }
0x19: {  	s7 =	sld [smem:$0x3F80]  }
0x1a: {  	s8 =	sadd.s32 $0xFFFFE003, lr  }
0x1b: {  	s9 =	sadd.s32 $0xFFFFFEF7, lr;
	s5 =	simm.s32 $0xFFFFFFFF;
	p2 =	slt.u32 s8, $0xFFFFF086  }
0x1c: {  	p1 =	slt.u32 s9, $0xF7A;
	s5 =	simm.s32 @!p2 $0x0  }
0x1d: {  	s5 =	simm.s32 @p1 $0x1;
	p0 =	seq.s32 s7, s2  }
0x1e: {  	s7 =	smul.u32 @!p0 $0xF7A, s2;
	p2 =	seq.s32 @!p0 s5, $0x0  }
0x1f: {  	s9 =	smul.u32 $0xF7A, s1;
	s8 =	simm.s32 @!p0 $0x1BF5;
	p2 =	por !p2, p0  }
0x20: {  	[sflag:s8] =	ssyncset.s32 @!p0 $0xFFFFF086;
	s6 =	sadd.s32 @!p0 s3, s7;
	s7 =	simm.s32 @!p0 $0x108  }
0x21: {  	s3 =	sadd.s32 s3, s9;
	s6 =	sadd.s32 @!p0 $0x88, s6;
	s7 =	simm.s32 @p2 $0x1082  }
0x22: {  	[simem:s7], [sflag:s8] =	dma.local @!p0 [hbm:s6], $0xF7A  }
0x23: {  	s9 =	sor.u32 $0xD0000000, s2;
	s6 =	simm.s32 $0x108;
	_ =	swait.ge @!p0 [sflag:s8], $0x0  }
0x24: {  	s3 =	sadd.s32 $0x88, s3;
	s6 =	simm.s32 @!p1 $0x1082;
	[sflag:s4] =	ssyncset.s32 $0xFFFFF086  }
0x25: {  	[simem:s6], [sflag:s4] =	dma.local [hbm:s3], $0xF7A  }
0x26: {  	[smem:$0x3F80] =	sst s1;
	(tag) =	ssettag s2;
	_ =	strace s9  }
0x27: {  	s1 =	sld [smem:$0x3F90]  }
0x28: {  	s2 =	sld [smem:$0x3F91]  }
0x29: {  	s4 =	sld [smem:$0x3F93]  }
0x2a: {  	p0 =	seq.s32 s5, $0x0;
	s5 =	sld [smem:$0x3F94]  }
0x2b: {  	s6 =	sld [smem:$0x3F95]  }
0x2c: {  	s7 =	sld [smem:$0x3F96]  }
0x2d: {  	s3 =	simm.s32 $0x108;
	s8 =	sld [smem:$0x3F97]  }
0x2e: {  	s3 =	simm.s32 @!p0 $0x1082;
	s9 =	sld [smem:$0x3F98]  }
0x2f: {  	lr =	sadd.s32 s0, s3;
	s0 =	sld [smem:$0x3F8F]  }
0x30: {  	s3 =	sld [smem:$0x3F92]  }
0x31: {  	[smem:$0x3F9B] =	sst s10  }
0x32: {  	s10 =	sld [smem:$0x3F99];
	_ =	sdelay $0x3  }
0x33: {  	p0 =	seq.s32 s10, $0x1;
	s10 =	sld [smem:$0x3F9B];
	_ =	sdelay $0x3  }
0x34: {  	[smem:$0x3F9B] =	sst s10  }
0x35: {  	s10 =	sld [smem:$0x3F9A];
	_ =	sdelay $0x3  }
0x36: {  	p1 =	seq.s32 s10, $0x1;
	s10 =	sld [smem:$0x3F9B];
	_ =	sdelay $0x3  }
0x37: {  	[smem:$0x3F9B] =	sst s10  }
0x38: {  	s10 =	sld [smem:$0x3F9C]  }
0x39: {  	_ = 	snop;
	(pc) =	sbr.ind lr, $3  }
0x3a: {  	_ = 	snop  }
0x3b: {  	_ = 	snop  }
0x3c: {  	p2 =	seq.s32 s10, $0x1;
	s10 =	sld [smem:$0x3F9B]  }
0x3d: {  	_ =	shalt  }
0x3e: {  	_ =	shalt  }
0x3f: {  	_ =	shalt  }
0x40: {  	_ =	shalt  }
0x41: {  	_ =	shalt  }
0x42: {  	_ =	shalt  }
0x43: {  	_ =	shalt  }
0x44: {  	_ =	shalt  }
0x45: {  	_ =	shalt  }
0x46: {  	_ =	shalt  }
0x47: {  	_ =	shalt  }
0x48: {  	_ =	shalt  }
0x49: {  	_ =	shalt  }
0x4a: {  	_ =	shalt  }
0x4b: {  	_ =	shalt  }
0x4c: {  	_ =	shalt  }
0x4d: {  	_ =	shalt  }
0x4e: {  	_ =	shalt  }
0x4f: {  	_ =	shalt  }
0x50: {  	_ =	shalt  }
0x51: {  	_ =	shalt  }
0x52: {  	_ =	shalt  }
0x53: {  	_ =	shalt  }
0x54: {  	_ =	shalt  }
0x55: {  	_ =	shalt  }
0x56: {  	_ =	shalt  }
0x57: {  	_ =	shalt  }
0x58: {  	_ =	shalt  }
0x59: {  	_ =	shalt  }
0x5a: {  	_ =	shalt  }
0x5b: {  	_ =	shalt  }
0x5c: {  	_ =	shalt  }
0x5d: {  	_ =	shalt  }
0x5e: {  	_ =	shalt  }
0x5f: {  	_ =	shalt  }
0x60: {  	_ =	shalt  }
0x61: {  	_ =	shalt  }
0x62: {  	_ =	shalt  }
0x63: {  	_ =	shalt  }
0x64: {  	_ =	shalt  }
0x65: {  	_ =	shalt  }
0x66: {  	_ =	shalt  }
0x67: {  	_ =	shalt  }
0x68: {  	_ =	shalt  }
0x69: {  	_ =	shalt  }
0x6a: {  	_ =	shalt  }
0x6b: {  	_ =	shalt  }
0x6c: {  	_ =	shalt  }
0x6d: {  	_ =	shalt  }
0x6e: {  	_ =	shalt  }
0x6f: {  	_ =	shalt  }
0x70: {  	_ =	shalt  }
0x71: {  	_ =	shalt  }
0x72: {  	_ =	shalt  }
0x73: {  	_ =	shalt  }
0x74: {  	_ =	shalt  }
0x75: {  	_ =	shalt  }
0x76: {  	_ =	shalt  }
0x77: {  	_ =	shalt  }
0x78: {  	_ =	shalt  }
0x79: {  	_ =	shalt  }
0x7a: {  	_ =	shalt  }
0x7b: {  	_ =	shalt  }
0x7c: {  	_ =	shalt  }
0x7d: {  	_ =	shalt  }
0x7e: {  	_ =	shalt  }
0x7f: {  	_ =	shalt  }
0x80: {  	_ =	shalt  }
0x81: {  	_ =	shalt  }
0x82: {  	_ =	shalt  }
0x83: {  	_ =	shalt  }
0x84: {  	_ =	shalt  }
0x85: {  	_ =	shalt  }
0x86: {  	_ =	shalt  }
0x87: {  	_ =	shalt  }
.Lfunc_end0:
.L_simem_size_0:
called_computation.4_lowered:
.L_overlay_start_0:
0x88: {  	s2 =	sld [smem:$0x3FD9]  }
0x89: {  	s3 =	sld [smem:$0x3FFE];
	_ =	sdelay $0x1  }
0x8a: {  	s1 =	srdreg.scid  }
0x8b: {  	s0 =	sand.u32 $0x1, s1  }
0x8c: {  	s16 =	sshll.u32 s0, $0xA;
	s2 =	sadd.s32 s3, s2  }
0x8d: {  	s2 =	sadd.s32 s2, s16  }
0x8e: {  	[smem:$0x3FA7] =	sst s2  }
0x8f: {  	_ = 	snop  }
0x90: {  	(tm) =	ssettm $0x1  }
0x91: {  	s17 =	sld [smem:$0x3FFB];
	_ =	sdelay $0x3  }
0x92: {  	_ =	strace s17  }
0x93: {  	s2 =	sld [smem:$0x3FFC];
	_ =	sdelay $0x3  }
0x94: {  	_ =	strace s2  }
0x95: {  	s2 =	sld [smem:$0x3FFD];
	_ =	sdelay $0x3  }
0x96: {  	_ =	strace s2  }
0x97: {  	_ =	strace $0x8FFFFFFF  }
0x98: {  	s18 =	sld [smem:$0x3FDB];
	_ =	sdelay $0x1  }
0x99: {  	s19 =	simm.s32 $_scs_section_size  }
0x9a: {  	s4 =	simm.s32 $_size__tile_overlayer_lowered;
	s5 =	simm.s32 $_tile_overlayer_lowered  }
0x9b: {  	s22 =	simm.s32 $0x1BFF;
	s21 =	sshll.u32 s5, $0x1;
	s2 =	sadd.s32 s19, s18  }
0x9c: {  	s6 =	simm.s32 $0x0;
	s20 =	sshll.u32 s4, $0x1;
	s4 =	sadd.s32 s21, s2  }
0x9d: {  	[timem:s6], [sflag:s22] =	dma.local [hbm:s4], s20  }
0x9e: {  	_ =	swait.ge [sflag:s22], s20  }
0x9f: {  	s3 =	ssub.s32 $0x0, s20;
	[sflag:s22] =	ssyncset.done $0x0  }
0xa0: {  	[sflag:s22] =	ssyncadd.s32 s3;
	_ =	sdelay $0x1  }
0xa1: {  	s23 =	simm.s32 $0x1B8B  }
0xa2: {  	_ =	swait.ge [sflag:s23], $0x1  }
0xa3: {  	[sflag:s23] =	ssyncset.done $0x0  }
0xa4: {  	s25 =	simm.s32 $0x1B8E;
	s24 =	sld [smem:$0x3FFE];
	[sflag:s23] =	ssyncadd.s32 $0xFFFFFFFF  }
0xa5: {  	s26 =	simm.s32 $execute0_lowered;
	[smem:$0x3FD2] =	sst s25  }
0xa6: {  	s4 =	sshll.u32 s26, $0x1;
	_ =	strace $0x80000052;
	[dreg:$0x1] =	wrdreg $0xFFFFFFFF  }
0xa7: {  	s28 =	simm.s32 $_size_execute0_lowered;
	s2 =	sadd.s32 s2, s4;
	[dreg:$0x0] =	wrdreg $0x0  }
0xa8: {  	s4 =	sshll.u32 s28, $0x1;
	[dreg:$0x2] =	wrdreg s2  }
0xa9: {  	[dreg:$0x3] =	wrdreg s4  }
0xaa: {  	[dreg:$0x4] =	wrdreg $0xC0  }
0xab: {  	_ =	task [dreg:s6], $0x5FFFF  }
0xac: {  	[dreg:$0x1] =	wrdreg $0xFFFFFFFF  }
0xad: {  	[dreg:$0x0] =	wrdreg $0x60  }
0xae: {  	[dreg:$0x2] =	wrdreg s24  }
0xaf: {  	[dreg:$0x3] =	wrdreg $0x49000  }
0xb0: {  	[dreg:$0x4] =	wrdreg $0xB1000  }
0xb1: {  	[dreg:$0x5] =	wrdreg $0x9  }
0xb2: {  	_ =	task.clear_ibuf [dreg:s6], $0x6FFFF;
	_ =	strace $0x90000052  }
0xb3: {  	s29 =	simm.s32 $0x9;
	_ =	strace $0x80000054  }
0xb4: {  	_ =	swait.ge [sflag:s29], $0x1  }
0xb5: {  	[sflag:s29] =	ssyncadd.s32 $0xFFFFFFFF  }
0xb6: {  	_ =	strace $0x90000054  }
0xb7: {  	_ =	sfence  }
0xb8: {  	s30 =	sld [smem:$0x0];
	_ =	sdelay $0x2  }
0xb9: {  	s31 =	sshll.u32 s1, $0xD;
	s1 =	sshrl.u32 s1, $0x2  }
0xba: {  	s3 =	sand.u32 $0x4000, s31;
	s1 =	sadd.s32 s1, s30  }
0xbb: {  	s0 =	sor.u32 s3, s0;
	s1 =	sshll.u32 s1, $0x11  }
0xbc: {  	s0 =	sor.u32 s1, s0  }
0xbd: {  	s0 =	sadd.s32 $0x8F2B, s0  }
0xbe: {  	[sflag:s0] =	ssyncadd.remote.s32 $0x1  }
0xbf: {  	_ =	sfence.sel $0xFFFF  }
0xc0: {  	[dreg:$0x0] =	wrdreg $0xFFFFFFFF;
	(pc) =	sbr.abs _section_cstart, $3  }
0xc1: {  	[dreg:$0x1] =	wrdreg $0xFFFFFFFF  }
0xc2: {  	_ =	task.clear_ibuf [dreg:s6], $0x2FFFF;
	_ =	strace $0x9FFFFFFF  }
0xc3: {  	(tm) =	ssettm $0x7FFFFFFF  }
tec
execute0_lowered:
.L_overlay_start_1:
0x0: {  	(tag) =	ssettag $0x1  }
0x1: {  	s7 =	rddreg [dreg:$0x0]  }
0x2: {  	s2 =	rddreg [dreg:$0x1]  }
0x3: {  	s1 =	srdreg.scid;
	s0 =	stileid.u32  }
0x4: {  	s3 =	rddreg [dreg:$0x2];
	s4 =	simm.s32 $0x0;
	s19 =	simm.s32 $0x80  }
0x5: {  	s20 =	simm.s32 $0x100;
	s21 =	simm.s32 $0x1;
	s9 =	smul.u32 $0xD00, s0  }
0x6: {  	s8 =	sand.u32 $0x1, s1;
	s1 =	rddreg [dreg:$0x3];
	s10 =	smul.u32 $0x6800, s0  }
0x7: {  	s22 =	simm.s32 $0x0;
	[smem:$0x7FF] =	sst s4;
	s5 =	smul.u32 $0x680, s8  }
0x8: {  	s31 =	sshll.u32 s0, $0x6;
	_ =	strace $0x80000053;
	s11 =	smul.u32 $0x68000, s8  }
0x9: {  	s15 =	smul.u32 $0xD000, s8;
	s8 =	ssub.s32 $0x2, s8;
	s12 =	sshrl.u32 s10, $0x3  }
0xa: {  	s13 =	sshrl.u32 s9, $0x3;
	s16 =	sshrl.u32 s8, $0x1;
	s17 =	sadd.s32 s10, s2  }
0xb: {  	s18 =	sadd.s32 s9, s3;
	s6 =	sadd.s32 s5, s9;
	s5 =	sadd.s32 $0xCE00, s7  }
0xc: {  	s12 =	sadd.s32 s12, s7;
	s13 =	sadd.s32 s13, s7;
	s11 =	sadd.s32 s10, s11  }
0xd: {  	s15 =	sadd.s32 s9, s15;
	s16 =	ssub.s32 s8, s16;
	s8 =	sor.u32 $0x1C02, s31  }
0xe: {  	s6 =	sshrl.u32 s6, $0x3;
	s11 =	sshrl.u32 s11, $0x3;
	s15 =	sshrl.u32 s15, $0x3  }
0xf: {  	s9 =	sadd.s32 $0x26E00, s13;
	s14 =	sadd.s32 s6, s7;
	s6 =	sadd.s32 $0x53200, s7  }
0x10: {  	s11 =	sadd.s32 s11, s7;
	s15 =	sadd.s32 s15, s7;
	s7 =	sadd.s32 $0x19E00, s12  }
0x11: {  	s12 =	smax.u32 s16, $0x1;
	s16 =	simm.s32 $0x2;
	s10 =	sadd.s32 $0x2BC00, s11  }
0x12: {  	s11 =	sadd.s32 $0x28800, s15;
	s13 =	sadd.s32 $0x9A00, s14;
	s14 =	sadd.s32 $0xB400, s14  }
0x13: {  	s15 =	sshrl.u32 s17, $0x3;
	s17 =	sshrl.u32 s18, $0x3;
	s18 =	simm.s32 $0x4100  }
.LBB2_1:
0x14: {  	[spmem:s15], [sflag:s8] =	dma.local [hbm:s7], $0xD00  }
0x15: {  	_ =	swait.ge [sflag:s16], $0xD00  }
0x16: {  	[sflag:s16] =	ssyncset.done $0x0  }
0x17: {  	[sflag:s16] =	ssyncadd.s32 $0xFFFFF300  }
0x18: {  	[spmem:s17], [sflag:s8] =	dma.local [hbm:s9], $0x1A0  }
0x19: {  	_ =	swait.ge [sflag:s16], $0x1A0  }
0x1a: {  	[sflag:s16] =	ssyncset.done $0x0  }
0x1b: {  	[sflag:s16] =	ssyncadd.s32 $0xFFFFFE60  }
0x1c: {  	[tilespmem:s18], [sflag:$0x2] =	stream.linear.gather [hbm4b:s6+s4], $0x800, $0x38;
	[tilespmem:$0xBE00] =	vst v63  }
0x1d: {  	_ =	swait.ge [sflag:s16], $0x800  }
0x1e: {  	[sflag:s16] =	ssyncset.done $0x0  }
0x1f: {  	[sflag:s16] =	ssyncadd.s32 $0xFFFFF800  }
0x20: {  	s23 =	sadd.s32 $0x0, s14;
	[bflag:$0x0] =	sbarrier.arrive $0xFFFF  }
0x21: {  	[tilespmem:s4], [sflag:$0x2] =	stream.linear.gather [hbm4b:s23+s4], $0x80, $0x38;
	[tilespmem:$0xBE00] =	vst v63  }
0x22: {  	_ =	swait.ge [sflag:s16], $0x80  }
0x23: {  	[sflag:s16] =	ssyncset.done $0x0  }
0x24: {  	s31 =	sadd.s32 $0x0, s13;
	[sflag:s16] =	ssyncadd.s32 $0xFFFFFF80  }
0x25: {  	[tilespmem:s19], [sflag:$0x2] =	stream.linear.gather [hbm4b:s31+s4], $0x80, $0x38;
	[tilespmem:$0xBE00] =	vst v63  }
0x26: {  	_ =	swait.ge [sflag:s16], $0x80  }
0x27: {  	[sflag:s16] =	ssyncset.done $0x0  }
0x28: {  	[sflag:s16] =	ssyncadd.s32 $0xFFFFFF80  }
0x29: {  	[tilespmem:s20], [sflag:$0x1] =	stream.indirect.gather [hbm4b:s5+s19], $0x80, s4, s19, $0xb8;
	[tilespmem:$0xBE00] =	vst v63  }
0x2a: {  	_ =	swait.ge [sflag:s21], $0x4000  }
0x2b: {  	[sflag:s21] =	ssyncset.done $0x0  }
0x2c: {  	[sflag:s21] =	ssyncadd.s32 $0xFFFFC000  }
0x2d: {  	[spmem:s2] =	stream.indirect.scatter.add.f32 [tilespmem:s20], [sflag:$0x2], $0x80, s19, s19, $0xb8;
	[tilespmem:$0xBE00] =	vst v63  }
0x2e: {  	_ =	swait.ge [sflag:s16], $0x4000  }
0x2f: {  	[sflag:s16] =	ssyncset.done $0x0  }
0x30: {  	[sflag:s16] =	ssyncadd.s32 $0xFFFFC000  }
0x31: {  	[spmem:s3] =	stream.indirect.scatter.add.f32 [tilespmem:s18], [sflag:$0x2], $0x10, s19, s19, $0xb8;
	[tilespmem:$0xBE00] =	vst v63  }
0x32: {  	_ =	swait.ge [sflag:s16], $0x800  }
0x33: {  	s24 =	simm.s32 $0x20;
	s23 =	simm.s32 $0x10;
	[sflag:s16] =	ssyncset.done $0x0  }
.LBB2_2:
0x34: {  	s25 =	sadd.s32 s23, s14  }
0x35: {  	[sflag:s16] =	ssyncadd.s32 $0xFFFFF800;
	s26 =	smov.u32 s24;
	s28 =	sadd.s32 $0x10, s24  }
0x36: {  	[tilespmem:s4], [sflag:$0x2] =	stream.linear.gather [hbm4b:s25+s4], $0x80, $0x38;
	[tilespmem:$0xBE00] =	vst v63  }
0x37: {  	p0 =	sne.s32 s24, $0xC0;
	_ =	swait.ge [sflag:s16], $0x80  }
0x38: {  	[sflag:s16] =	ssyncset.done $0x0  }
0x39: {  	s24 =	sadd.s32 s23, s13;
	s23 =	smov.u32 s26;
	[sflag:s16] =	ssyncadd.s32 $0xFFFFFF80  }
0x3a: {  	[tilespmem:s19], [sflag:$0x2] =	stream.linear.gather [hbm4b:s24+s4], $0x80, $0x38;
	[tilespmem:$0xBE00] =	vst v63  }
0x3b: {  	_ =	swait.ge [sflag:s16], $0x80  }
0x3c: {  	[sflag:s16] =	ssyncset.done $0x0  }
0x3d: {  	[sflag:s16] =	ssyncadd.s32 $0xFFFFFF80  }
0x3e: {  	[tilespmem:s20], [sflag:$0x1] =	stream.indirect.gather [hbm4b:s5+s19], $0x80, s4, s19, $0xb8;
	[tilespmem:$0xBE00] =	vst v63  }
0x3f: {  	_ =	swait.ge [sflag:s21], $0x4000  }
0x40: {  	[sflag:s21] =	ssyncset.done $0x0  }
0x41: {  	[sflag:s21] =	ssyncadd.s32 $0xFFFFC000  }
0x42: {  	[spmem:s2] =	stream.indirect.scatter.add.f32 [tilespmem:s20], [sflag:$0x2], $0x80, s19, s19, $0xb8;
	[tilespmem:$0xBE00] =	vst v63  }
0x43: {  	_ =	swait.ge [sflag:s16], $0x4000  }
.Ltmp0:
0x44: {  	[sflag:s16] =	ssyncset.done $0x0;
	(pc) =	sbr.rel @p0 .LBB2_2-.Ltmp0, $4  }
0x45: {  	[sflag:s16] =	ssyncadd.s32 $0xFFFFC000  }
0x46: {  	[spmem:s3] =	stream.indirect.scatter.add.f32 [tilespmem:s18], [sflag:$0x2], $0x10, s19, s19, $0xb8;
	[tilespmem:$0xBE00] =	vst v63  }
0x47: {  	_ =	swait.ge [sflag:s16], $0x800  }
0x48: {  	s24 =	smov.u32 s28;
	[sflag:s16] =	ssyncset.done $0x0  }
0x49: {  	s24 =	sadd.s32 s23, s14;
	[sflag:s16] =	ssyncadd.s32 $0xFFFFF800  }
0x4a: {  	[tilespmem:s4], [sflag:$0x2] =	stream.linear.gather [hbm4b:s24+s4], $0x80, $0x38;
	[tilespmem:$0xBE00] =	vst v63  }
0x4b: {  	_ =	swait.ge [sflag:s16], $0x80  }
0x4c: {  	[sflag:s16] =	ssyncset.done $0x0  }
0x4d: {  	s31 =	sadd.s32 s23, s13;
	[sflag:s16] =	ssyncadd.s32 $0xFFFFFF80  }
0x4e: {  	[tilespmem:s19], [sflag:$0x2] =	stream.linear.gather [hbm4b:s31+s4], $0x80, $0x38;
	[tilespmem:$0xBE00] =	vst v63  }
0x4f: {  	_ =	swait.ge [sflag:s16], $0x80  }
0x50: {  	[sflag:s16] =	ssyncset.done $0x0  }
0x51: {  	[sflag:s16] =	ssyncadd.s32 $0xFFFFFF80  }
0x52: {  	[tilespmem:s20], [sflag:$0x1] =	stream.indirect.gather [hbm4b:s5+s19], $0x80, s4, s19, $0xb8;
	[tilespmem:$0xBE00] =	vst v63  }
0x53: {  	_ =	swait.ge [sflag:s21], $0x4000  }
0x54: {  	[sflag:s21] =	ssyncset.done $0x0  }
0x55: {  	[sflag:s21] =	ssyncadd.s32 $0xFFFFC000  }
0x56: {  	[spmem:s2] =	stream.indirect.scatter.add.f32 [tilespmem:s20], [sflag:$0x2], $0x80, s19, s19, $0xb8;
	[tilespmem:$0xBE00] =	vst v63  }
0x57: {  	_ =	swait.ge [sflag:s16], $0x4000  }
0x58: {  	[sflag:s16] =	ssyncset.done $0x0  }
0x59: {  	[sflag:s16] =	ssyncadd.s32 $0xFFFFC000  }
0x5a: {  	[spmem:s3] =	stream.indirect.scatter.add.f32 [tilespmem:s18], [sflag:$0x2], $0x10, s19, s19, $0xb8;
	[tilespmem:$0xBE00] =	vst v63  }
0x5b: {  	_ =	swait.ge [sflag:s16], $0x800  }
0x5c: {  	[sflag:s16] =	ssyncset.done $0x0  }
0x5d: {  	[sflag:s16] =	ssyncadd.s32 $0xFFFFF800  }
0x5e: {  	[bflag:$0x0] =	sbarrier.arrive $0xFFFF  }
0x5f: {  	[hbm:s10], [sflag:s8] =	dma.local [spmem:s15], $0xD00  }
0x60: {  	s22 =	sadd.s32 $0x1, s22;
	_ =	swait.ge [sflag:s16], $0xD00  }
0x61: {  	p0 =	sne.s32 s22, s12;
	[sflag:s16] =	ssyncset.done $0x0  }
.Ltmp1:
0x62: {  	[sflag:s16] =	ssyncadd.s32 $0xFFFFF300;
	(pc) =	sbr.rel @p0 .LBB2_1-.Ltmp1, $4  }
0x63: {  	[hbm:s11], [sflag:s8] =	dma.local [spmem:s17], $0x1A0  }
0x64: {  	_ =	swait.ge [sflag:s16], $0x1A0  }
0x65: {  	[sflag:s16] =	ssyncset.done $0x0  }
0x66: {  	[sflag:s16] =	ssyncadd.s32 $0xFFFFFE60  }
0x67: {  	_ =	sfence.sel $0x180000  }
0x68: {  	[bflag:$0x0] =	sbarrier.arrive $0xFFFF  }
0x69: {  	p0 =	sne.s32 s0, $0x0;
	_ =	strace $0x90000053  }
0x6a: {  	s0 =	sadd.s32 @!p0 $0x100000, s1;
	[bflag:$0x2] =	sbarrier.arrive $0xFFFF  }
0x6b: {  	[sflag:s0] =	ssyncadd.tile.s32 @!p0 $0x1;
	_ =	shalt  }
.Lfunc_end2:
_tile_overlayer_lowered:
.L_overlay_start_2:
0x6c: {  	(tag) =	ssettag $0x2  }
0x6d: {  	s0 =	rddreg [dreg:$0x0];
	s2 =	stileid.u32  }
0x6e: {  	s1 =	rddreg [dreg:$0x1];
	p0 =	sne.s32 s2, $0x0  }
0x6f: {  	s3 =	rddreg [dreg:$0x2];
	[bflag:$0x3] =	sbarrier.arrive $0xFFFF;
	s2 =	simm.s32 @!p0 $0x1C02  }
0x70: {  	[timem:s3], [sflag:s2] =	dma.local @!p0 [hbm:s0], s1  }
0x71: {  	s0 =	simm.s32 @!p0 $0x2  }
0x72: {  	_ =	swait.ge @!p0 [sflag:s0], s1  }
0x73: {  	s1 =	ssub.s32 @!p0 $0x0, s1;
	[sflag:s0] =	ssyncset.done @!p0 $0x0  }
0x74: {  	[sflag:s0] =	ssyncadd.s32 @!p0 s1  }
0x75: {  	[bflag:$0x3] =	sbarrier.arrive $0xFFFF  }
0x76: {  	_ =	shalt  }

// kernel: sc_mp_l3.3.cloned.1.call-start
scs
__scs_entry_jumppad:
0x0: {  	(pc) =	sbr.rel $0x88, $3  }
0x1: {  	(tag) =	ssettag $0x0;
	lr =	simm.s32 $0x1  }
0x2: {  	[smem:$0x3F80] =	sst lr;
	_ =	strace $0xD0000000  }
0x3: {  	_ = 	snop  }
0x4: {  	_ = 	snop  }
0x5: {  	_ = 	snop  }
0x6: {  	_ = 	snop  }
0x7: {  	_ = 	snop  }
__scs_overlays_trampoline_lowered:
0x8: {  	[smem:$0x3F8F] =	sst s0  }
0x9: {  	[smem:$0x3F90] =	sst s1  }
0xa: {  	[smem:$0x3F91] =	sst s2  }
0xb: {  	[smem:$0x3F92] =	sst s3  }
0xc: {  	[smem:$0x3F93] =	sst s4  }
0xd: {  	[smem:$0x3F94] =	sst s5  }
0xe: {  	[smem:$0x3F95] =	sst s6  }
0xf: {  	[smem:$0x3F96] =	sst s7  }
0x10: {  	[smem:$0x3F97] =	sst s8  }
0x11: {  	[smem:$0x3F98] =	sst s9;
	s0 =	simm.s32 @!p0 $0x0  }
0x12: {  	s1 =	sld [smem:$0x3F7E];
	s0 =	simm.s32 @p0 $0x1  }
0x13: {  	[smem:$0x3F99] =	sst s0;
	s0 =	simm.s32 @!p1 $0x0  }
0x14: {  	s2 =	sld [smem:$0x3F7D];
	s0 =	simm.s32 @p1 $0x1  }
0x15: {  	[smem:$0x3F9A] =	sst s0;
	s0 =	simm.s32 @!p2 $0x0  }
0x16: {  	s3 =	sld [smem:$0x3FDB];
	s0 =	simm.s32 @p2 $0x1  }
0x17: {  	s4 =	simm.s32 $0x1BF5;
	[smem:$0x3F9C] =	sst s0  }
0x18: {  	s0 =	sld [smem:$0x3F7F];
	_ =	swait.ge [sflag:s4], $0x0  }
0x19: {  	s7 =	sld [smem:$0x3F80]  }
0x1a: {  	s8 =	sadd.s32 $0xFFFFE003, lr  }
0x1b: {  	s9 =	sadd.s32 $0xFFFFFEF7, lr;
	s5 =	simm.s32 $0xFFFFFFFF;
	p2 =	slt.u32 s8, $0xFFFFF086  }
0x1c: {  	p1 =	slt.u32 s9, $0xF7A;
	s5 =	simm.s32 @!p2 $0x0  }
0x1d: {  	s5 =	simm.s32 @p1 $0x1;
	p0 =	seq.s32 s7, s2  }
0x1e: {  	s7 =	smul.u32 @!p0 $0xF7A, s2;
	p2 =	seq.s32 @!p0 s5, $0x0  }
0x1f: {  	s9 =	smul.u32 $0xF7A, s1;
	s8 =	simm.s32 @!p0 $0x1BF5;
	p2 =	por !p2, p0  }
0x20: {  	[sflag:s8] =	ssyncset.s32 @!p0 $0xFFFFF086;
	s6 =	sadd.s32 @!p0 s3, s7;
	s7 =	simm.s32 @!p0 $0x108  }
0x21: {  	s3 =	sadd.s32 s3, s9;
	s6 =	sadd.s32 @!p0 $0x88, s6;
	s7 =	simm.s32 @p2 $0x1082  }
0x22: {  	[simem:s7], [sflag:s8] =	dma.local @!p0 [hbm:s6], $0xF7A  }
0x23: {  	s9 =	sor.u32 $0xD0000000, s2;
	s6 =	simm.s32 $0x108;
	_ =	swait.ge @!p0 [sflag:s8], $0x0  }
0x24: {  	s3 =	sadd.s32 $0x88, s3;
	s6 =	simm.s32 @!p1 $0x1082;
	[sflag:s4] =	ssyncset.s32 $0xFFFFF086  }
0x25: {  	[simem:s6], [sflag:s4] =	dma.local [hbm:s3], $0xF7A  }
0x26: {  	[smem:$0x3F80] =	sst s1;
	(tag) =	ssettag s2;
	_ =	strace s9  }
0x27: {  	s1 =	sld [smem:$0x3F90]  }
0x28: {  	s2 =	sld [smem:$0x3F91]  }
0x29: {  	s4 =	sld [smem:$0x3F93]  }
0x2a: {  	p0 =	seq.s32 s5, $0x0;
	s5 =	sld [smem:$0x3F94]  }
0x2b: {  	s6 =	sld [smem:$0x3F95]  }
0x2c: {  	s7 =	sld [smem:$0x3F96]  }
0x2d: {  	s3 =	simm.s32 $0x108;
	s8 =	sld [smem:$0x3F97]  }
0x2e: {  	s3 =	simm.s32 @!p0 $0x1082;
	s9 =	sld [smem:$0x3F98]  }
0x2f: {  	lr =	sadd.s32 s0, s3;
	s0 =	sld [smem:$0x3F8F]  }
0x30: {  	s3 =	sld [smem:$0x3F92]  }
0x31: {  	[smem:$0x3F9B] =	sst s10  }
0x32: {  	s10 =	sld [smem:$0x3F99];
	_ =	sdelay $0x3  }
0x33: {  	p0 =	seq.s32 s10, $0x1;
	s10 =	sld [smem:$0x3F9B];
	_ =	sdelay $0x3  }
0x34: {  	[smem:$0x3F9B] =	sst s10  }
0x35: {  	s10 =	sld [smem:$0x3F9A];
	_ =	sdelay $0x3  }
0x36: {  	p1 =	seq.s32 s10, $0x1;
	s10 =	sld [smem:$0x3F9B];
	_ =	sdelay $0x3  }
0x37: {  	[smem:$0x3F9B] =	sst s10  }
0x38: {  	s10 =	sld [smem:$0x3F9C]  }
0x39: {  	_ = 	snop;
	(pc) =	sbr.ind lr, $3  }
0x3a: {  	_ = 	snop  }
0x3b: {  	_ = 	snop  }
0x3c: {  	p2 =	seq.s32 s10, $0x1;
	s10 =	sld [smem:$0x3F9B]  }
0x3d: {  	_ =	shalt  }
0x3e: {  	_ =	shalt  }
0x3f: {  	_ =	shalt  }
0x40: {  	_ =	shalt  }
0x41: {  	_ =	shalt  }
0x42: {  	_ =	shalt  }
0x43: {  	_ =	shalt  }
0x44: {  	_ =	shalt  }
0x45: {  	_ =	shalt  }
0x46: {  	_ =	shalt  }
0x47: {  	_ =	shalt  }
0x48: {  	_ =	shalt  }
0x49: {  	_ =	shalt  }
0x4a: {  	_ =	shalt  }
0x4b: {  	_ =	shalt  }
0x4c: {  	_ =	shalt  }
0x4d: {  	_ =	shalt  }
0x4e: {  	_ =	shalt  }
0x4f: {  	_ =	shalt  }
0x50: {  	_ =	shalt  }
0x51: {  	_ =	shalt  }
0x52: {  	_ =	shalt  }
0x53: {  	_ =	shalt  }
0x54: {  	_ =	shalt  }
0x55: {  	_ =	shalt  }
0x56: {  	_ =	shalt  }
0x57: {  	_ =	shalt  }
0x58: {  	_ =	shalt  }
0x59: {  	_ =	shalt  }
0x5a: {  	_ =	shalt  }
0x5b: {  	_ =	shalt  }
0x5c: {  	_ =	shalt  }
0x5d: {  	_ =	shalt  }
0x5e: {  	_ =	shalt  }
0x5f: {  	_ =	shalt  }
0x60: {  	_ =	shalt  }
0x61: {  	_ =	shalt  }
0x62: {  	_ =	shalt  }
0x63: {  	_ =	shalt  }
0x64: {  	_ =	shalt  }
0x65: {  	_ =	shalt  }
0x66: {  	_ =	shalt  }
0x67: {  	_ =	shalt  }
0x68: {  	_ =	shalt  }
0x69: {  	_ =	shalt  }
0x6a: {  	_ =	shalt  }
0x6b: {  	_ =	shalt  }
0x6c: {  	_ =	shalt  }
0x6d: {  	_ =	shalt  }
0x6e: {  	_ =	shalt  }
0x6f: {  	_ =	shalt  }
0x70: {  	_ =	shalt  }
0x71: {  	_ =	shalt  }
0x72: {  	_ =	shalt  }
0x73: {  	_ =	shalt  }
0x74: {  	_ =	shalt  }
0x75: {  	_ =	shalt  }
0x76: {  	_ =	shalt  }
0x77: {  	_ =	shalt  }
0x78: {  	_ =	shalt  }
0x79: {  	_ =	shalt  }
0x7a: {  	_ =	shalt  }
0x7b: {  	_ =	shalt  }
0x7c: {  	_ =	shalt  }
0x7d: {  	_ =	shalt  }
0x7e: {  	_ =	shalt  }
0x7f: {  	_ =	shalt  }
0x80: {  	_ =	shalt  }
0x81: {  	_ =	shalt  }
0x82: {  	_ =	shalt  }
0x83: {  	_ =	shalt  }
0x84: {  	_ =	shalt  }
0x85: {  	_ =	shalt  }
0x86: {  	_ =	shalt  }
0x87: {  	_ =	shalt  }
.Lfunc_end0:
.L_simem_size_0:
called_computation.6_lowered:
.L_overlay_start_0:
0x88: {  	s2 =	sld [smem:$0x3FD9]  }
0x89: {  	s3 =	sld [smem:$0x3FFE];
	_ =	sdelay $0x1  }
0x8a: {  	s1 =	srdreg.scid  }
0x8b: {  	s0 =	sand.u32 $0x1, s1  }
0x8c: {  	s17 =	sshll.u32 s0, $0xA;
	s2 =	sadd.s32 s3, s2  }
0x8d: {  	s2 =	sadd.s32 s2, s17  }
0x8e: {  	[smem:$0x3FA7] =	sst s2  }
0x8f: {  	_ = 	snop  }
0x90: {  	s2 =	sld [smem:$0x3FD0];
	(tm) =	ssettm $0x1  }
0x91: {  	s18 =	sld [smem:$0x3FFB];
	_ =	sdelay $0x3  }
0x92: {  	_ =	strace s18  }
0x93: {  	s3 =	sld [smem:$0x3FFC];
	_ =	sdelay $0x3  }
0x94: {  	_ =	strace s3  }
0x95: {  	s3 =	sld [smem:$0x3FFD];
	_ =	sdelay $0x3  }
0x96: {  	_ =	strace s3  }
0x97: {  	_ =	strace $0x8FFFFFFF  }
0x98: {  	s19 =	sld [smem:$0x3FDB];
	_ =	sdelay $0x1  }
0x99: {  	s4 =	simm.s32 $_scs_section_size  }
0x9a: {  	s5 =	simm.s32 $_size__tile_overlayer_lowered;
	s6 =	simm.s32 $_tile_overlayer_lowered  }
0x9b: {  	s22 =	simm.s32 $0x1BFF;
	s21 =	sshll.u32 s6, $0x1;
	s3 =	sadd.s32 s4, s19  }
0x9c: {  	s7 =	simm.s32 $0x0;
	s20 =	sshll.u32 s5, $0x1;
	s5 =	sadd.s32 s21, s3  }
0x9d: {  	[timem:s7], [sflag:s22] =	dma.local [hbm:s5], s20  }
0x9e: {  	_ =	swait.ge [sflag:s22], s20  }
0x9f: {  	s4 =	ssub.s32 $0x0, s20;
	[sflag:s22] =	ssyncset.done $0x0  }
0xa0: {  	[sflag:s22] =	ssyncadd.s32 s4;
	_ =	sdelay $0x1  }
0xa1: {  	s23 =	simm.s32 $0x1B8B  }
0xa2: {  	_ =	swait.ge [sflag:s23], $0x1  }
0xa3: {  	[sflag:s23] =	ssyncset.done $0x0  }
0xa4: {  	s25 =	simm.s32 $0x1B8E;
	s24 =	sld [smem:$0x3FFE];
	[sflag:s23] =	ssyncadd.s32 $0xFFFFFFFF  }
0xa5: {  	s26 =	simm.s32 $execute0_lowered;
	[smem:$0x3FD2] =	sst s25  }
0xa6: {  	s5 =	sshll.u32 s26, $0x1;
	_ =	strace $0x80000058;
	[dreg:$0x1] =	wrdreg $0xFFFFFFFF  }
0xa7: {  	s28 =	simm.s32 $_size_execute0_lowered;
	s3 =	sadd.s32 s3, s5;
	[dreg:$0x0] =	wrdreg $0x0  }
0xa8: {  	s5 =	sshll.u32 s28, $0x1;
	[dreg:$0x2] =	wrdreg s3  }
0xa9: {  	[dreg:$0x3] =	wrdreg s5  }
0xaa: {  	[dreg:$0x4] =	wrdreg $0xC0  }
0xab: {  	_ =	task [dreg:s7], $0x5FFFF  }
0xac: {  	[dreg:$0x1] =	wrdreg $0xFFFFFFFF  }
0xad: {  	[dreg:$0x0] =	wrdreg $0x60  }
0xae: {  	[dreg:$0x2] =	wrdreg s24  }
0xaf: {  	[dreg:$0x3] =	wrdreg s2  }
0xb0: {  	[dreg:$0x4] =	wrdreg $0x89000  }
0xb1: {  	[dreg:$0x5] =	wrdreg $0xC9000  }
0xb2: {  	[dreg:$0x6] =	wrdreg $0x9  }
0xb3: {  	_ =	task.clear_ibuf [dreg:s7], $0x7FFFF;
	_ =	strace $0x90000058  }
0xb4: {  	s29 =	simm.s32 $0x9;
	_ =	strace $0x8000005A  }
0xb5: {  	_ =	swait.ge [sflag:s29], $0x1  }
0xb6: {  	[sflag:s29] =	ssyncadd.s32 $0xFFFFFFFF  }
0xb7: {  	_ =	strace $0x9000005A  }
0xb8: {  	_ =	sfence  }
0xb9: {  	s30 =	sld [smem:$0x0];
	_ =	sdelay $0x2  }
0xba: {  	s31 =	sshll.u32 s1, $0xD;
	s1 =	sshrl.u32 s1, $0x2  }
0xbb: {  	s3 =	sand.u32 $0x4000, s31;
	s1 =	sadd.s32 s1, s30  }
0xbc: {  	s0 =	sor.u32 s3, s0;
	s1 =	sshll.u32 s1, $0x11  }
0xbd: {  	s0 =	sor.u32 s1, s0  }
0xbe: {  	s0 =	sadd.s32 $0x8F2B, s0  }
0xbf: {  	[sflag:s0] =	ssyncadd.remote.s32 $0x1  }
0xc0: {  	_ =	sfence.sel $0xFFFF  }
0xc1: {  	[dreg:$0x0] =	wrdreg $0xFFFFFFFF;
	(pc) =	sbr.abs _section_cstart, $3  }
0xc2: {  	[dreg:$0x1] =	wrdreg $0xFFFFFFFF  }
0xc3: {  	_ =	task.clear_ibuf [dreg:s7], $0x2FFFF;
	_ =	strace $0x9FFFFFFF  }
0xc4: {  	(tm) =	ssettm $0x7FFFFFFF  }
0xc5: {  	_ =	shalt  }
tec
execute0_lowered:
.L_overlay_start_1:
0x0: {  	(tag) =	ssettag $0x1  }
0x1: {  	s25 =	rddreg [dreg:$0x0]  }
0x2: {  	s26 =	rddreg [dreg:$0x1]  }
0x3: {  	s2 =	rddreg [dreg:$0x2]  }
0x4: {  	s3 =	rddreg [dreg:$0x3]  }
0x5: {  	s0 =	rddreg [dreg:$0x4];
	s4 =	simm.s32 $0x0;
	s1 =	stileid.u32  }
0x6: {  	[smem:$0x7FF] =	sst s4;
	s5 =	sshll.u32 s1, $0xB  }
0x7: {  	s29 =	sshll.u32 s1, $0xE;
	s6 =	sshll.u32 s1, $0x6;
	_ =	strace $0x80000059  }
0x8: {  	s5 =	sadd.s32 s5, s25;
	s7 =	sadd.s32 s29, s2;
	s6 =	sor.u32 $0x1C02, s6  }
0x9: {  	s5 =	sadd.s32 $0x12A00, s5;
	s8 =	sshrl.u32 s7, $0x3;
	s7 =	simm.s32 $0x2  }
0xa: {  	[spmem:s8], [sflag:s6] =	dma.local [hbm:s5], $0x800  }
0xb: {  	s13 =	sshll.u32 s1, $0x7;
	s28 =	sshll.u32 s1, $0xA;
	_ =	swait.ge [sflag:s7], $0x800  }
0xc: {  	s9 =	sadd.s32 s13, s25;
	s10 =	sadd.s32 s28, s3;
	[sflag:s7] =	ssyncset.done $0x0  }
0xd: {  	s9 =	sadd.s32 $0x1AA00, s9;
	s10 =	sshrl.u32 s10, $0x3;
	[sflag:s7] =	ssyncadd.s32 $0xFFFFF800  }
0xe: {  	[spmem:s10], [sflag:s6] =	dma.local [hbm:s9], $0x80  }
0xf: {  	_ =	swait.ge [sflag:s7], $0x80  }
0x10: {  	s14 =	srdreg.scid;
	[sflag:s7] =	ssyncset.done $0x0  }
0x11: {  	s12 =	simm.s32 $0x8100;
	s11 =	sadd.s32 $0x53200, s25;
	[sflag:s7] =	ssyncadd.s32 $0xFFFFFF80  }
0x12: {  	[tilespmem:s12], [sflag:$0x2] =	stream.linear.gather [hbm4b:s11+s4], $0x800, $0x38;
	[tilespmem:$0xCD00] =	vst v63  }
0x13: {  	s30 =	sand.u32 $0x1, s14;
	_ =	swait.ge [sflag:s7], $0x800  }
0x14: {  	s14 =	sshll.u32 s30, $0x6;
	[sflag:s7] =	ssyncset.done $0x0  }
0x15: {  	s23 =	sadd.s32 $0x12200, s25;
	s31 =	sor.u32 s13, s14;
	[sflag:s7] =	ssyncadd.s32 $0xFFFFF800  }
0x16: {  	s13 =	sadd.s32 s23, s31;
	[bflag:$0x0] =	sbarrier.arrive $0xFFFF  }
0x17: {  	[tilespmem:s4], [sflag:$0x2] =	stream.linear.gather [hbm4b:s13+s4], $0x80, $0x38;
	[tilespmem:$0xCD00] =	vst v63  }
0x18: {  	_ =	swait.ge [sflag:s7], $0x80  }
0x19: {  	s24 =	sadd.s32 $0x11A00, s25;
	[sflag:s7] =	ssyncset.done $0x0  }
0x1a: {  	s15 =	simm.s32 $0x80;
	s14 =	sadd.s32 s24, s31;
	[sflag:s7] =	ssyncadd.s32 $0xFFFFFF80  }
0x1b: {  	[tilespmem:s15], [sflag:$0x2] =	stream.linear.gather [hbm4b:s14+s4], $0x80, $0x38;
	[tilespmem:$0xCD00] =	vst v63  }
0x1c: {  	_ =	swait.ge [sflag:s7], $0x80  }
0x1d: {  	s17 =	simm.s32 $0x100;
	[sflag:s7] =	ssyncset.done $0x0  }
0x1e: {  	s18 =	simm.s32 $0x1;
	s16 =	sadd.s32 $0x9A00, s25;
	[sflag:s7] =	ssyncadd.s32 $0xFFFFFF80  }
0x1f: {  	[tilespmem:s17], [sflag:$0x1] =	stream.indirect.gather [hbm4b:s16+s15], $0x100, s4, s15, $0xb8;
	[tilespmem:$0xCD00] =	vst v63  }
0x20: {  	_ =	swait.ge [sflag:s18], $0x8000  }
0x21: {  	[sflag:s18] =	ssyncset.done $0x0  }
0x22: {  	[sflag:s18] =	ssyncadd.s32 $0xFFFF8000  }
0x23: {  	[spmem:s2] =	stream.indirect.scatter.add.f32 [tilespmem:s17], [sflag:$0x2], $0x100, s15, s15, $0xb8;
	[tilespmem:$0xCD00] =	vst v63  }
0x24: {  	_ =	swait.ge [sflag:s7], $0x8000  }
0x25: {  	[sflag:s7] =	ssyncset.done $0x0  }
0x26: {  	[sflag:s7] =	ssyncadd.s32 $0xFFFF8000  }
0x27: {  	[spmem:s3] =	stream.indirect.scatter.add.f32 [tilespmem:s12], [sflag:$0x2], $0x10, s15, s15, $0xb8;
	[tilespmem:$0xCD00] =	vst v63  }
0x28: {  	_ =	swait.ge [sflag:s7], $0x800  }
0x29: {  	s20 =	sor.u32 $0x10, s31;
	[sflag:s7] =	ssyncset.done $0x0  }
0x2a: {  	s19 =	sadd.s32 s23, s20;
	[sflag:s7] =	ssyncadd.s32 $0xFFFFF800  }
0x2b: {  	[tilespmem:s4], [sflag:$0x2] =	stream.linear.gather [hbm4b:s19+s4], $0x80, $0x38;
	[tilespmem:$0xCD00] =	vst v63  }
0x2c: {  	_ =	swait.ge [sflag:s7], $0x80  }
0x2d: {  	[sflag:s7] =	ssyncset.done $0x0  }
0x2e: {  	s20 =	sadd.s32 s24, s20;
	[sflag:s7] =	ssyncadd.s32 $0xFFFFFF80  }
0x2f: {  	[tilespmem:s15], [sflag:$0x2] =	stream.linear.gather [hbm4b:s20+s4], $0x80, $0x38;
	[tilespmem:$0xCD00] =	vst v63  }
0x30: {  	_ =	swait.ge [sflag:s7], $0x80  }
0x31: {  	[sflag:s7] =	ssyncset.done $0x0  }
0x32: {  	[sflag:s7] =	ssyncadd.s32 $0xFFFFFF80  }
0x33: {  	[tilespmem:s17], [sflag:$0x1] =	stream.indirect.gather [hbm4b:s16+s15], $0x100, s4, s15, $0xb8;
	[tilespmem:$0xCD00] =	vst v63  }
0x34: {  	_ =	swait.ge [sflag:s18], $0x8000  }
0x35: {  	[sflag:s18] =	ssyncset.done $0x0  }
0x36: {  	[sflag:s18] =	ssyncadd.s32 $0xFFFF8000  }
0x37: {  	[spmem:s2] =	stream.indirect.scatter.add.f32 [tilespmem:s17], [sflag:$0x2], $0x100, s15, s15, $0xb8;
	[tilespmem:$0xCD00] =	vst v63  }
0x38: {  	_ =	swait.ge [sflag:s7], $0x8000  }
0x39: {  	[sflag:s7] =	ssyncset.done $0x0  }
0x3a: {  	[sflag:s7] =	ssyncadd.s32 $0xFFFF8000  }
0x3b: {  	[spmem:s3] =	stream.indirect.scatter.add.f32 [tilespmem:s12], [sflag:$0x2], $0x10, s15, s15, $0xb8;
	[tilespmem:$0xCD00] =	vst v63  }
0x3c: {  	_ =	swait.ge [sflag:s7], $0x800  }
0x3d: {  	s22 =	sor.u32 $0x20, s31;
	[sflag:s7] =	ssyncset.done $0x0  }
0x3e: {  	s21 =	sadd.s32 s23, s22;
	[sflag:s7] =	ssyncadd.s32 $0xFFFFF800  }
0x3f: {  	[tilespmem:s4], [sflag:$0x2] =	stream.linear.gather [hbm4b:s21+s4], $0x80, $0x38;
	[tilespmem:$0xCD00] =	vst v63  }
0x40: {  	_ =	swait.ge [sflag:s7], $0x80  }
0x41: {  	[sflag:s7] =	ssyncset.done $0x0  }
0x42: {  	s22 =	sadd.s32 s24, s22;
	[sflag:s7] =	ssyncadd.s32 $0xFFFFFF80  }
0x43: {  	[tilespmem:s15], [sflag:$0x2] =	stream.linear.gather [hbm4b:s22+s4], $0x80, $0x38;
	[tilespmem:$0xCD00] =	vst v63  }
0x44: {  	_ =	swait.ge [sflag:s7], $0x80  }
0x45: {  	[sflag:s7] =	ssyncset.done $0x0  }
0x46: {  	[sflag:s7] =	ssyncadd.s32 $0xFFFFFF80  }
0x47: {  	[tilespmem:s17], [sflag:$0x1] =	stream.indirect.gather [hbm4b:s16+s15], $0x100, s4, s15, $0xb8;
	[tilespmem:$0xCD00] =	vst v63  }
0x48: {  	_ =	swait.ge [sflag:s18], $0x8000  }
0x49: {  	[sflag:s18] =	ssyncset.done $0x0  }
0x4a: {  	[sflag:s18] =	ssyncadd.s32 $0xFFFF8000  }
0x4b: {  	[spmem:s2] =	stream.indirect.scatter.add.f32 [tilespmem:s17], [sflag:$0x2], $0x100, s15, s15, $0xb8;
	[tilespmem:$0xCD00] =	vst v63  }
0x4c: {  	_ =	swait.ge [sflag:s7], $0x8000  }
0x4d: {  	[sflag:s7] =	ssyncset.done $0x0  }
0x4e: {  	[sflag:s7] =	ssyncadd.s32 $0xFFFF8000  }
0x4f: {  	[spmem:s3] =	stream.indirect.scatter.add.f32 [tilespmem:s12], [sflag:$0x2], $0x10, s15, s15, $0xb8;
	[tilespmem:$0xCD00] =	vst v63  }
0x50: {  	_ =	swait.ge [sflag:s7], $0x800  }
0x51: {  	s31 =	sor.u32 $0x30, s31;
	[sflag:s7] =	ssyncset.done $0x0  }
0x52: {  	s23 =	sadd.s32 s23, s31;
	[sflag:s7] =	ssyncadd.s32 $0xFFFFF800  }
0x53: {  	[tilespmem:s4], [sflag:$0x2] =	stream.linear.gather [hbm4b:s23+s4], $0x80, $0x38;
	[tilespmem:$0xCD00] =	vst v63  }
0x54: {  	_ =	swait.ge [sflag:s7], $0x80  }
0x55: {  	[sflag:s7] =	ssyncset.done $0x0  }
0x56: {  	s24 =	sadd.s32 s24, s31;
	[sflag:s7] =	ssyncadd.s32 $0xFFFFFF80  }
0x57: {  	[tilespmem:s15], [sflag:$0x2] =	stream.linear.gather [hbm4b:s24+s4], $0x80, $0x38;
	[tilespmem:$0xCD00] =	vst v63  }
0x58: {  	_ =	swait.ge [sflag:s7], $0x80  }
0x59: {  	[sflag:s7] =	ssyncset.done $0x0  }
0x5a: {  	[sflag:s7] =	ssyncadd.s32 $0xFFFFFF80  }
0x5b: {  	[tilespmem:s17], [sflag:$0x1] =	stream.indirect.gather [hbm4b:s16+s15], $0x100, s4, s15, $0xb8;
	[tilespmem:$0xCD00] =	vst v63  }
0x5c: {  	_ =	swait.ge [sflag:s18], $0x8000  }
0x5d: {  	[sflag:s18] =	ssyncset.done $0x0  }
0x5e: {  	s31 =	sshll.u32 s30, $0x12;
	[sflag:s18] =	ssyncadd.s32 $0xFFFF8000  }
0x5f: {  	[spmem:s2] =	stream.indirect.scatter.add.f32 [tilespmem:s17], [sflag:$0x2], $0x100, s15, s15, $0xb8;
	[tilespmem:$0xCD00] =	vst v63  }
0x60: {  	s29 =	sor.u32 s29, s31;
	_ =	swait.ge [sflag:s7], $0x8000  }
0x61: {  	s29 =	sshrl.u32 s29, $0x3;
	[sflag:s7] =	ssyncset.done $0x0  }
0x62: {  	s25 =	sadd.s32 s29, s25;
	s29 =	ssub.s32 $0x2, s30;
	[sflag:s7] =	ssyncadd.s32 $0xFFFF8000  }
0x63: {  	[spmem:s3] =	stream.indirect.scatter.add.f32 [tilespmem:s12], [sflag:$0x2], $0x10, s15, s15, $0xb8;
	[tilespmem:$0xCD00] =	vst v63  }
0x64: {  	s30 =	sshll.u32 s30, $0xE;
	s25 =	sadd.s32 $0x1B200, s25;
	_ =	swait.ge [sflag:s7], $0x800  }
0x65: {  	s28 =	sor.u32 s28, s30;
	s31 =	sshrl.u32 s29, $0x1;
	[sflag:s7] =	ssyncset.done $0x0  }
0x66: {  	s29 =	ssub.s32 s29, s31;
	s28 =	sshrl.u32 s28, $0x3;
	[sflag:s7] =	ssyncadd.s32 $0xFFFFF800  }
0x67: {  	s26 =	sadd.s32 s26, s28;
	s28 =	smax.u32 s29, $0x1;
	[bflag:$0x0] =	sbarrier.arrive $0xFFFF  }
0x68: {  	[hbm:s25], [sflag:s6] =	dma.local [spmem:s8], $0x800  }
0x69: {  	p0 =	sne.s32 s28, $0x1;
	_ =	swait.ge [sflag:s7], $0x800  }
.Ltmp0:
0x6a: {  	[sflag:s7] =	ssyncset.done $0x0;
	(pc) =	sbr.rel @!p0 .LBB2_2-.Ltmp0, $4  }
0x6b: {  	[sflag:s7] =	ssyncadd.s32 $0xFFFFF800  }
0x6c: {  	[hbm:s26], [sflag:s6] =	dma.local [spmem:s10], $0x80  }
0x6d: {  	_ =	swait.ge [sflag:s7], $0x80  }
0x6e: {  	s28 =	sadd.s32 $0xFFFFFFFF, s28;
	[sflag:s7] =	ssyncset.done $0x0  }
.LBB2_1:
0x6f: {  	p0 =	sne.s32 s28, $0x1;
	s28 =	sadd.s32 $0xFFFFFFFF, s28;
	[sflag:s7] =	ssyncadd.s32 $0xFFFFFF80  }
0x70: {  	[spmem:s8], [sflag:s6] =	dma.local [hbm:s5], $0x800  }
0x71: {  	_ =	swait.ge [sflag:s7], $0x800  }
0x72: {  	[sflag:s7] =	ssyncset.done $0x0  }
0x73: {  	[sflag:s7] =	ssyncadd.s32 $0xFFFFF800  }
0x74: {  	[spmem:s10], [sflag:s6] =	dma.local [hbm:s9], $0x80  }
0x75: {  	_ =	swait.ge [sflag:s7], $0x80  }
0x76: {  	[sflag:s7] =	ssyncset.done $0x0  }
0x77: {  	[sflag:s7] =	ssyncadd.s32 $0xFFFFFF80  }
0x78: {  	[tilespmem:s12], [sflag:$0x2] =	stream.linear.gather [hbm4b:s11+s4], $0x800, $0x38;
	[tilespmem:$0xCD00] =	vst v63  }
0x79: {  	_ =	swait.ge [sflag:s7], $0x800  }
0x7a: {  	[sflag:s7] =	ssyncset.done $0x0  }
0x7b: {  	[sflag:s7] =	ssyncadd.s32 $0xFFFFF800  }
0x7c: {  	[bflag:$0x0] =	sbarrier.arrive $0xFFFF  }
0x7d: {  	[tilespmem:s4], [sflag:$0x2] =	stream.linear.gather [hbm4b:s13+s4], $0x80, $0x38;
	[tilespmem:$0xCD00] =	vst v63  }
0x7e: {  	_ =	swait.ge [sflag:s7], $0x80  }
0x7f: {  	[sflag:s7] =	ssyncset.done $0x0  }
0x80: {  	[sflag:s7] =	ssyncadd.s32 $0xFFFFFF80  }
0x81: {  	[tilespmem:s15], [sflag:$0x2] =	stream.linear.gather [hbm4b:s14+s4], $0x80, $0x38;
	[tilespmem:$0xCD00] =	vst v63  }
0x82: {  	_ =	swait.ge [sflag:s7], $0x80  }
0x83: {  	[sflag:s7] =	ssyncset.done $0x0  }
0x84: {  	[sflag:s7] =	ssyncadd.s32 $0xFFFFFF80  }
0x85: {  	[tilespmem:s17], [sflag:$0x1] =	stream.indirect.gather [hbm4b:s16+s15], $0x100, s4, s15, $0xb8;
	[tilespmem:$0xCD00] =	vst v63  }
0x86: {  	_ =	swait.ge [sflag:s18], $0x8000  }
0x87: {  	[sflag:s18] =	ssyncset.done $0x0  }
0x88: {  	[sflag:s18] =	ssyncadd.s32 $0xFFFF8000  }
0x89: {  	[spmem:s2] =	stream.indirect.scatter.add.f32 [tilespmem:s17], [sflag:$0x2], $0x100, s15, s15, $0xb8;
	[tilespmem:$0xCD00] =	vst v63  }
0x8a: {  	_ =	swait.ge [sflag:s7], $0x8000  }
0x8b: {  	[sflag:s7] =	ssyncset.done $0x0  }
0x8c: {  	[sflag:s7] =	ssyncadd.s32 $0xFFFF8000  }
0x8d: {  	[spmem:s3] =	stream.indirect.scatter.add.f32 [tilespmem:s12], [sflag:$0x2], $0x10, s15, s15, $0xb8;
	[tilespmem:$0xCD00] =	vst v63  }
0x8e: {  	_ =	swait.ge [sflag:s7], $0x800  }
0x8f: {  	[sflag:s7] =	ssyncset.done $0x0  }
0x90: {  	[sflag:s7] =	ssyncadd.s32 $0xFFFFF800  }
0x91: {  	[tilespmem:s4], [sflag:$0x2] =	stream.linear.gather [hbm4b:s19+s4], $0x80, $0x38;
	[tilespmem:$0xCD00] =	vst v63  }
0x92: {  	_ =	swait.ge [sflag:s7], $0x80  }
0x93: {  	[sflag:s7] =	ssyncset.done $0x0  }
0x94: {  	[sflag:s7] =	ssyncadd.s32 $0xFFFFFF80  }
0x95: {  	[tilespmem:s15], [sflag:$0x2] =	stream.linear.gather [hbm4b:s20+s4], $0x80, $0x38;
	[tilespmem:$0xCD00] =	vst v63  }
0x96: {  	_ =	swait.ge [sflag:s7], $0x80  }
0x97: {  	[sflag:s7] =	ssyncset.done $0x0  }
0x98: {  	[sflag:s7] =	ssyncadd.s32 $0xFFFFFF80  }
0x99: {  	[tilespmem:s17], [sflag:$0x1] =	stream.indirect.gather [hbm4b:s16+s15], $0x100, s4, s15, $0xb8;
	[tilespmem:$0xCD00] =	vst v63  }
0x9a: {  	_ =	swait.ge [sflag:s18], $0x8000  }
0x9b: {  	[sflag:s18] =	ssyncset.done $0x0  }
0x9c: {  	[sflag:s18] =	ssyncadd.s32 $0xFFFF8000  }
0x9d: {  	[spmem:s2] =	stream.indirect.scatter.add.f32 [tilespmem:s17], [sflag:$0x2], $0x100, s15, s15, $0xb8;
	[tilespmem:$0xCD00] =	vst v63  }
0x9e: {  	_ =	swait.ge [sflag:s7], $0x8000  }
0x9f: {  	[sflag:s7] =	ssyncset.done $0x0  }
0xa0: {  	[sflag:s7] =	ssyncadd.s32 $0xFFFF8000  }
0xa1: {  	[spmem:s3] =	stream.indirect.scatter.add.f32 [tilespmem:s12], [sflag:$0x2], $0x10, s15, s15, $0xb8;
	[tilespmem:$0xCD00] =	vst v63  }
0xa2: {  	_ =	swait.ge [sflag:s7], $0x800  }
0xa3: {  	[sflag:s7] =	ssyncset.done $0x0  }
0xa4: {  	[sflag:s7] =	ssyncadd.s32 $0xFFFFF800  }
0xa5: {  	[tilespmem:s4], [sflag:$0x2] =	stream.linear.gather [hbm4b:s21+s4], $0x80, $0x38;
	[tilespmem:$0xCD00] =	vst v63  }
0xa6: {  	_ =	swait.ge [sflag:s7], $0x80  }
0xa7: {  	[sflag:s7] =	ssyncset.done $0x0  }
0xa8: {  	[sflag:s7] =	ssyncadd.s32 $0xFFFFFF80  }
0xa9: {  	[tilespmem:s15], [sflag:$0x2] =	stream.linear.gather [hbm4b:s22+s4], $0x80, $0x38;
	[tilespmem:$0xCD00] =	vst v63  }
0xaa: {  	_ =	swait.ge [sflag:s7], $0x80  }
0xab: {  	[sflag:s7] =	ssyncset.done $0x0  }
0xac: {  	[sflag:s7] =	ssyncadd.s32 $0xFFFFFF80  }
0xad: {  	[tilespmem:s17], [sflag:$0x1] =	stream.indirect.gather [hbm4b:s16+s15], $0x100, s4, s15, $0xb8;
	[tilespmem:$0xCD00] =	vst v63  }
0xae: {  	_ =	swait.ge [sflag:s18], $0x8000  }
0xaf: {  	[sflag:s18] =	ssyncset.done $0x0  }
0xb0: {  	[sflag:s18] =	ssyncadd.s32 $0xFFFF8000  }
0xb1: {  	[spmem:s2] =	stream.indirect.scatter.add.f32 [tilespmem:s17], [sflag:$0x2], $0x100, s15, s15, $0xb8;
	[tilespmem:$0xCD00] =	vst v63  }
0xb2: {  	_ =	swait.ge [sflag:s7], $0x8000  }
0xb3: {  	[sflag:s7] =	ssyncset.done $0x0  }
0xb4: {  	[sflag:s7] =	ssyncadd.s32 $0xFFFF8000  }
0xb5: {  	[spmem:s3] =	stream.indirect.scatter.add.f32 [tilespmem:s12], [sflag:$0x2], $0x10, s15, s15, $0xb8;
	[tilespmem:$0xCD00] =	vst v63  }
0xb6: {  	_ =	swait.ge [sflag:s7], $0x800  }
0xb7: {  	[sflag:s7] =	ssyncset.done $0x0  }
0xb8: {  	[sflag:s7] =	ssyncadd.s32 $0xFFFFF800  }
0xb9: {  	[tilespmem:s4], [sflag:$0x2] =	stream.linear.gather [hbm4b:s23+s4], $0x80, $0x38;
	[tilespmem:$0xCD00] =	vst v63  }
0xba: {  	_ =	swait.ge [sflag:s7], $0x80  }
0xbb: {  	[sflag:s7] =	ssyncset.done $0x0  }
0xbc: {  	[sflag:s7] =	ssyncadd.s32 $0xFFFFFF80  }
0xbd: {  	[tilespmem:s15], [sflag:$0x2] =	stream.linear.gather [hbm4b:s24+s4], $0x80, $0x38;
	[tilespmem:$0xCD00] =	vst v63  }
0xbe: {  	_ =	swait.ge [sflag:s7], $0x80  }
0xbf: {  	[sflag:s7] =	ssyncset.done $0x0  }
0xc0: {  	[sflag:s7] =	ssyncadd.s32 $0xFFFFFF80  }
0xc1: {  	[tilespmem:s17], [sflag:$0x1] =	stream.indirect.gather [hbm4b:s16+s15], $0x100, s4, s15, $0xb8;
	[tilespmem:$0xCD00] =	vst v63  }
0xc2: {  	_ =	swait.ge [sflag:s18], $0x8000  }
0xc3: {  	[sflag:s18] =	ssyncset.done $0x0  }
0xc4: {  	[sflag:s18] =	ssyncadd.s32 $0xFFFF8000  }
0xc5: {  	[spmem:s2] =	stream.indirect.scatter.add.f32 [tilespmem:s17], [sflag:$0x2], $0x100, s15, s15, $0xb8;
	[tilespmem:$0xCD00] =	vst v63  }
0xc6: {  	_ =	swait.ge [sflag:s7], $0x8000  }
0xc7: {  	[sflag:s7] =	ssyncset.done $0x0  }
0xc8: {  	[sflag:s7] =	ssyncadd.s32 $0xFFFF8000  }
0xc9: {  	[spmem:s3] =	stream.indirect.scatter.add.f32 [tilespmem:s12], [sflag:$0x2], $0x10, s15, s15, $0xb8;
	[tilespmem:$0xCD00] =	vst v63  }
0xca: {  	_ =	swait.ge [sflag:s7], $0x800  }
0xcb: {  	[sflag:s7] =	ssyncset.done $0x0  }
0xcc: {  	[sflag:s7] =	ssyncadd.s32 $0xFFFFF800  }
0xcd: {  	[bflag:$0x0] =	sbarrier.arrive $0xFFFF  }
0xce: {  	[hbm:s25], [sflag:s6] =	dma.local [spmem:s8], $0x800  }
0xcf: {  	_ =	swait.ge [sflag:s7], $0x800  }
.Ltmp1:
0xd0: {  	[sflag:s7] =	ssyncset.done $0x0;
	(pc) =	sbr.rel @p0 .LBB2_1-.Ltmp1, $4  }
0xd1: {  	[sflag:s7] =	ssyncadd.s32 $0xFFFFF800  }
0xd2: {  	[hbm:s26], [sflag:s6] =	dma.local [spmem:s10], $0x80  }
0xd3: {  	_ =	swait.ge [sflag:s7], $0x80  }
0xd4: {  	[sflag:s7] =	ssyncset.done $0x0  }
.LBB2_2:
0xd5: {  	[sflag:s7] =	ssyncadd.s32 $0xFFFFFF80  }
0xd6: {  	_ =	sfence.sel $0x180000  }
0xd7: {  	[bflag:$0x0] =	sbarrier.arrive $0xFFFF  }
0xd8: {  	p0 =	sne.s32 s1, $0x0;
	_ =	strace $0x90000059  }
0xd9: {  	s0 =	sadd.s32 @!p0 $0x100000, s0;
	[bflag:$0x2] =	sbarrier.arrive $0xFFFF  }
0xda: {  	[sflag:s0] =	ssyncadd.tile.s32 @!p0 $0x1;
	_ =	shalt  }
.Lfunc_end2:
_tile_overlayer_lowered:
.L_overlay_start_2:
0xdb: {  	(tag) =	ssettag $0x2  }
0xdc: {  	s0 =	rddreg [dreg:$0x0];
	s2 =	stileid.u32  }
0xdd: {  	s1 =	rddreg [dreg:$0x1];
	p0 =	sne.s32 s2, $0x0  }
0xde: {  	s3 =	rddreg [dreg:$0x2];
	[bflag:$0x3] =	sbarrier.arrive $0xFFFF;
	s2 =	simm.s32 @!p0 $0x1C02  }
0xdf: {  	[timem:s3], [sflag:s2] =	dma.local @!p0 [hbm:s0], s1  }
0xe0: {  	s0 =	simm.s32 @!p0 $0x2  }
0xe1: {  	_ =	swait.ge @!p0 [sflag:s0], s1  }
0xe2: {  	s1 =	ssub.s32 @!p0 $0x0, s1;
	[sflag:s0] =	ssyncset.done @!p0 $0x0  }
0xe3: {  	[sflag:s0] =	ssyncadd.s32 @!p0 s1  }
0xe4: {  	[bflag:$0x3] =	sbarrier.arrive $0xFFFF  }
0xe5: {  	_ =	shalt  }

// kernel: sc_mp_l4.3.cloned.1.call-start
scs
__scs_entry_jumppad:
0x0: {  	(pc) =	sbr.rel $0x88, $3  }
0x1: {  	(tag) =	ssettag $0x0;
	lr =	simm.s32 $0x1  }
0x2: {  	[smem:$0x3F80] =	sst lr;
	_ =	strace $0xD0000000  }
0x3: {  	_ = 	snop  }
0x4: {  	_ = 	snop  }
0x5: {  	_ = 	snop  }
0x6: {  	_ = 	snop  }
0x7: {  	_ = 	snop  }
__scs_overlays_trampoline_lowered:
0x8: {  	[smem:$0x3F8F] =	sst s0  }
0x9: {  	[smem:$0x3F90] =	sst s1  }
0xa: {  	[smem:$0x3F91] =	sst s2  }
0xb: {  	[smem:$0x3F92] =	sst s3  }
0xc: {  	[smem:$0x3F93] =	sst s4  }
0xd: {  	[smem:$0x3F94] =	sst s5  }
0xe: {  	[smem:$0x3F95] =	sst s6  }
0xf: {  	[smem:$0x3F96] =	sst s7  }
0x10: {  	[smem:$0x3F97] =	sst s8  }
0x11: {  	[smem:$0x3F98] =	sst s9;
	s0 =	simm.s32 @!p0 $0x0  }
0x12: {  	s1 =	sld [smem:$0x3F7E];
	s0 =	simm.s32 @p0 $0x1  }
0x13: {  	[smem:$0x3F99] =	sst s0;
	s0 =	simm.s32 @!p1 $0x0  }
0x14: {  	s2 =	sld [smem:$0x3F7D];
	s0 =	simm.s32 @p1 $0x1  }
0x15: {  	[smem:$0x3F9A] =	sst s0;
	s0 =	simm.s32 @!p2 $0x0  }
0x16: {  	s3 =	sld [smem:$0x3FDB];
	s0 =	simm.s32 @p2 $0x1  }
0x17: {  	s4 =	simm.s32 $0x1BF5;
	[smem:$0x3F9C] =	sst s0  }
0x18: {  	s0 =	sld [smem:$0x3F7F];
	_ =	swait.ge [sflag:s4], $0x0  }
0x19: {  	s7 =	sld [smem:$0x3F80]  }
0x1a: {  	s8 =	sadd.s32 $0xFFFFE003, lr  }
0x1b: {  	s9 =	sadd.s32 $0xFFFFFEF7, lr;
	s5 =	simm.s32 $0xFFFFFFFF;
	p2 =	slt.u32 s8, $0xFFFFF086  }
0x1c: {  	p1 =	slt.u32 s9, $0xF7A;
	s5 =	simm.s32 @!p2 $0x0  }
0x1d: {  	s5 =	simm.s32 @p1 $0x1;
	p0 =	seq.s32 s7, s2  }
0x1e: {  	s7 =	smul.u32 @!p0 $0xF7A, s2;
	p2 =	seq.s32 @!p0 s5, $0x0  }
0x1f: {  	s9 =	smul.u32 $0xF7A, s1;
	s8 =	simm.s32 @!p0 $0x1BF5;
	p2 =	por !p2, p0  }
0x20: {  	[sflag:s8] =	ssyncset.s32 @!p0 $0xFFFFF086;
	s6 =	sadd.s32 @!p0 s3, s7;
	s7 =	simm.s32 @!p0 $0x108  }
0x21: {  	s3 =	sadd.s32 s3, s9;
	s6 =	sadd.s32 @!p0 $0x88, s6;
	s7 =	simm.s32 @p2 $0x1082  }
0x22: {  	[simem:s7], [sflag:s8] =	dma.local @!p0 [hbm:s6], $0xF7A  }
0x23: {  	s9 =	sor.u32 $0xD0000000, s2;
	s6 =	simm.s32 $0x108;
	_ =	swait.ge @!p0 [sflag:s8], $0x0  }
0x24: {  	s3 =	sadd.s32 $0x88, s3;
	s6 =	simm.s32 @!p1 $0x1082;
	[sflag:s4] =	ssyncset.s32 $0xFFFFF086  }
0x25: {  	[simem:s6], [sflag:s4] =	dma.local [hbm:s3], $0xF7A  }
0x26: {  	[smem:$0x3F80] =	sst s1;
	(tag) =	ssettag s2;
	_ =	strace s9  }
0x27: {  	s1 =	sld [smem:$0x3F90]  }
0x28: {  	s2 =	sld [smem:$0x3F91]  }
0x29: {  	s4 =	sld [smem:$0x3F93]  }
0x2a: {  	p0 =	seq.s32 s5, $0x0;
	s5 =	sld [smem:$0x3F94]  }
0x2b: {  	s6 =	sld [smem:$0x3F95]  }
0x2c: {  	s7 =	sld [smem:$0x3F96]  }
0x2d: {  	s3 =	simm.s32 $0x108;
	s8 =	sld [smem:$0x3F97]  }
0x2e: {  	s3 =	simm.s32 @!p0 $0x1082;
	s9 =	sld [smem:$0x3F98]  }
0x2f: {  	lr =	sadd.s32 s0, s3;
	s0 =	sld [smem:$0x3F8F]  }
0x30: {  	s3 =	sld [smem:$0x3F92]  }
0x31: {  	[smem:$0x3F9B] =	sst s10  }
0x32: {  	s10 =	sld [smem:$0x3F99];
	_ =	sdelay $0x3  }
0x33: {  	p0 =	seq.s32 s10, $0x1;
	s10 =	sld [smem:$0x3F9B];
	_ =	sdelay $0x3  }
0x34: {  	[smem:$0x3F9B] =	sst s10  }
0x35: {  	s10 =	sld [smem:$0x3F9A];
	_ =	sdelay $0x3  }
0x36: {  	p1 =	seq.s32 s10, $0x1;
	s10 =	sld [smem:$0x3F9B];
	_ =	sdelay $0x3  }
0x37: {  	[smem:$0x3F9B] =	sst s10  }
0x38: {  	s10 =	sld [smem:$0x3F9C]  }
0x39: {  	_ = 	snop;
	(pc) =	sbr.ind lr, $3  }
0x3a: {  	_ = 	snop  }
0x3b: {  	_ = 	snop  }
0x3c: {  	p2 =	seq.s32 s10, $0x1;
	s10 =	sld [smem:$0x3F9B]  }
0x3d: {  	_ =	shalt  }
0x3e: {  	_ =	shalt  }
0x3f: {  	_ =	shalt  }
0x40: {  	_ =	shalt  }
0x41: {  	_ =	shalt  }
0x42: {  	_ =	shalt  }
0x43: {  	_ =	shalt  }
0x44: {  	_ =	shalt  }
0x45: {  	_ =	shalt  }
0x46: {  	_ =	shalt  }
0x47: {  	_ =	shalt  }
0x48: {  	_ =	shalt  }
0x49: {  	_ =	shalt  }
0x4a: {  	_ =	shalt  }
0x4b: {  	_ =	shalt  }
0x4c: {  	_ =	shalt  }
0x4d: {  	_ =	shalt  }
0x4e: {  	_ =	shalt  }
0x4f: {  	_ =	shalt  }
0x50: {  	_ =	shalt  }
0x51: {  	_ =	shalt  }
0x52: {  	_ =	shalt  }
0x53: {  	_ =	shalt  }
0x54: {  	_ =	shalt  }
0x55: {  	_ =	shalt  }
0x56: {  	_ =	shalt  }
0x57: {  	_ =	shalt  }
0x58: {  	_ =	shalt  }
0x59: {  	_ =	shalt  }
0x5a: {  	_ =	shalt  }
0x5b: {  	_ =	shalt  }
0x5c: {  	_ =	shalt  }
0x5d: {  	_ =	shalt  }
0x5e: {  	_ =	shalt  }
0x5f: {  	_ =	shalt  }
0x60: {  	_ =	shalt  }
0x61: {  	_ =	shalt  }
0x62: {  	_ =	shalt  }
0x63: {  	_ =	shalt  }
0x64: {  	_ =	shalt  }
0x65: {  	_ =	shalt  }
0x66: {  	_ =	shalt  }
0x67: {  	_ =	shalt  }
0x68: {  	_ =	shalt  }
0x69: {  	_ =	shalt  }
0x6a: {  	_ =	shalt  }
0x6b: {  	_ =	shalt  }
0x6c: {  	_ =	shalt  }
0x6d: {  	_ =	shalt  }
0x6e: {  	_ =	shalt  }
0x6f: {  	_ =	shalt  }
0x70: {  	_ =	shalt  }
0x71: {  	_ =	shalt  }
0x72: {  	_ =	shalt  }
0x73: {  	_ =	shalt  }
0x74: {  	_ =	shalt  }
0x75: {  	_ =	shalt  }
0x76: {  	_ =	shalt  }
0x77: {  	_ =	shalt  }
0x78: {  	_ =	shalt  }
0x79: {  	_ =	shalt  }
0x7a: {  	_ =	shalt  }
0x7b: {  	_ =	shalt  }
0x7c: {  	_ =	shalt  }
0x7d: {  	_ =	shalt  }
0x7e: {  	_ =	shalt  }
0x7f: {  	_ =	shalt  }
0x80: {  	_ =	shalt  }
0x81: {  	_ =	shalt  }
0x82: {  	_ =	shalt  }
0x83: {  	_ =	shalt  }
0x84: {  	_ =	shalt  }
0x85: {  	_ =	shalt  }
0x86: {  	_ =	shalt  }
0x87: {  	_ =	shalt  }
.Lfunc_end0:
.L_simem_size_0:
called_computation.8_lowered:
.L_overlay_start_0:
0x88: {  	s2 =	sld [smem:$0x3FD9]  }
0x89: {  	s3 =	sld [smem:$0x3FFE];
	_ =	sdelay $0x1  }
0x8a: {  	s1 =	srdreg.scid  }
0x8b: {  	s0 =	sand.u32 $0x1, s1  }
0x8c: {  	s17 =	sshll.u32 s0, $0xA;
	s2 =	sadd.s32 s3, s2  }
0x8d: {  	s2 =	sadd.s32 s2, s17  }
0x8e: {  	[smem:$0x3FA7] =	sst s2  }
0x8f: {  	_ = 	snop  }
0x90: {  	s2 =	sld [smem:$0x3FD0];
	(tm) =	ssettm $0x1  }
0x91: {  	s18 =	sld [smem:$0x3FFB];
	_ =	sdelay $0x3  }
0x92: {  	_ =	strace s18  }
0x93: {  	s3 =	sld [smem:$0x3FFC];
	_ =	sdelay $0x3  }
0x94: {  	_ =	strace s3  }
0x95: {  	s3 =	sld [smem:$0x3FFD];
	_ =	sdelay $0x3  }
0x96: {  	_ =	strace s3  }
0x97: {  	_ =	strace $0x8FFFFFFF  }
0x98: {  	s19 =	sld [smem:$0x3FDB];
	_ =	sdelay $0x1  }
0x99: {  	s4 =	simm.s32 $_scs_section_size  }
0x9a: {  	s5 =	simm.s32 $_size__tile_overlayer_lowered;
	s6 =	simm.s32 $_tile_overlayer_lowered  }
0x9b: {  	s22 =	simm.s32 $0x1BFF;
	s21 =	sshll.u32 s6, $0x1;
	s3 =	sadd.s32 s4, s19  }
0x9c: {  	s7 =	simm.s32 $0x0;
	s20 =	sshll.u32 s5, $0x1;
	s5 =	sadd.s32 s21, s3  }
0x9d: {  	[timem:s7], [sflag:s22] =	dma.local [hbm:s5], s20  }
0x9e: {  	_ =	swait.ge [sflag:s22], s20  }
0x9f: {  	s4 =	ssub.s32 $0x0, s20;
	[sflag:s22] =	ssyncset.done $0x0  }
0xa0: {  	[sflag:s22] =	ssyncadd.s32 s4;
	_ =	sdelay $0x1  }
0xa1: {  	s23 =	simm.s32 $0x1B8B  }
0xa2: {  	_ =	swait.ge [sflag:s23], $0x1  }
0xa3: {  	[sflag:s23] =	ssyncset.done $0x0  }
0xa4: {  	s25 =	simm.s32 $0x1B8E;
	s24 =	sld [smem:$0x3FFE];
	[sflag:s23] =	ssyncadd.s32 $0xFFFFFFFF  }
0xa5: {  	s26 =	simm.s32 $execute0_lowered;
	[smem:$0x3FD2] =	sst s25  }
0xa6: {  	s5 =	sshll.u32 s26, $0x1;
	_ =	strace $0x8000005E;
	[dreg:$0x1] =	wrdreg $0xFFFFFFFF  }
0xa7: {  	s28 =	simm.s32 $_size_execute0_lowered;
	s3 =	sadd.s32 s3, s5;
	[dreg:$0x0] =	wrdreg $0x0  }
0xa8: {  	s5 =	sshll.u32 s28, $0x1;
	[dreg:$0x2] =	wrdreg s3  }
0xa9: {  	[dreg:$0x3] =	wrdreg s5  }
0xaa: {  	[dreg:$0x4] =	wrdreg $0xC0  }
0xab: {  	_ =	task [dreg:s7], $0x5FFFF  }
0xac: {  	[dreg:$0x1] =	wrdreg $0xFFFFFFFF  }
0xad: {  	[dreg:$0x0] =	wrdreg $0x60  }
0xae: {  	[dreg:$0x2] =	wrdreg s24  }
0xaf: {  	[dreg:$0x3] =	wrdreg s2  }
0xb0: {  	[dreg:$0x4] =	wrdreg $0x89000  }
0xb1: {  	[dreg:$0x5] =	wrdreg $0x99000  }
0xb2: {  	[dreg:$0x6] =	wrdreg $0x9  }
0xb3: {  	_ =	task.clear_ibuf [dreg:s7], $0x7FFFF;
	_ =	strace $0x9000005E  }
0xb4: {  	s29 =	simm.s32 $0x9;
	_ =	strace $0x80000060  }
0xb5: {  	_ =	swait.ge [sflag:s29], $0x1  }
0xb6: {  	[sflag:s29] =	ssyncadd.s32 $0xFFFFFFFF  }
0xb7: {  	_ =	strace $0x90000060  }
0xb8: {  	_ =	sfence  }
0xb9: {  	s30 =	sld [smem:$0x0];
	_ =	sdelay $0x2  }
0xba: {  	s31 =	sshll.u32 s1, $0xD;
	s1 =	sshrl.u32 s1, $0x2  }
0xbb: {  	s3 =	sand.u32 $0x4000, s31;
	s1 =	sadd.s32 s1, s30  }
0xbc: {  	s0 =	sor.u32 s3, s0;
	s1 =	sshll.u32 s1, $0x11  }
0xbd: {  	s0 =	sor.u32 s1, s0  }
0xbe: {  	s0 =	sadd.s32 $0x8F2B, s0  }
0xbf: {  	[sflag:s0] =	ssyncadd.remote.s32 $0x1  }
0xc0: {  	_ =	sfence.sel $0xFFFF  }
0xc1: {  	[dreg:$0x0] =	wrdreg $0xFFFFFFFF;
	(pc) =	sbr.abs _section_cstart, $3  }
0xc2: {  	[dreg:$0x1] =	wrdreg $0xFFFFFFFF  }
0xc3: {  	_ =	task.clear_ibuf [dreg:s7], $0x2FFFF;
	_ =	strace $0x9FFFFFFF  }
0xc4: {  	(tm) =	ssettm $0x7FFFFFFF  }
0xc5: {  	_ =	shalt  }
tec
execute0_lowered:
.L_overlay_start_1:
0x0: {  	(tag) =	ssettag $0x1  }
0x1: {  	s19 =	rddreg [dreg:$0x0]  }
0x2: {  	s20 =	rddreg [dreg:$0x1]  }
0x3: {  	s2 =	rddreg [dreg:$0x2]  }
0x4: {  	s3 =	rddreg [dreg:$0x3]  }
0x5: {  	s0 =	rddreg [dreg:$0x4];
	s4 =	simm.s32 $0x0;
	s1 =	stileid.u32  }
0x6: {  	[smem:$0x7FF] =	sst s4;
	s5 =	sshll.u32 s1, $0x9  }
0x7: {  	s21 =	sshll.u32 s1, $0xC;
	s6 =	sshll.u32 s1, $0x6;
	_ =	strace $0x8000005F  }
0x8: {  	s5 =	sadd.s32 s5, s19;
	s7 =	sadd.s32 s21, s2;
	s6 =	sor.u32 $0x1C02, s6  }
0x9: {  	s5 =	sadd.s32 $0xBE00, s5;
	s8 =	sshrl.u32 s7, $0x3;
	s7 =	simm.s32 $0x2  }
0xa: {  	[spmem:s8], [sflag:s6] =	dma.local [hbm:s5], $0x200  }
0xb: {  	s22 =	sshll.u32 s1, $0x8;
	s9 =	sshll.u32 s1, $0x5;
	_ =	swait.ge [sflag:s7], $0x200  }
0xc: {  	s9 =	sadd.s32 s9, s19;
	s10 =	sadd.s32 s22, s3;
	[sflag:s7] =	ssyncset.done $0x0  }
0xd: {  	s9 =	sadd.s32 $0xDE00, s9;
	s10 =	sshrl.u32 s10, $0x3;
	[sflag:s7] =	ssyncadd.s32 $0xFFFFFE00  }
0xe: {  	[spmem:s10], [sflag:s6] =	dma.local [hbm:s9], $0x20  }
0xf: {  	s11 =	srdreg.scid;
	_ =	swait.ge [sflag:s7], $0x20  }
0x10: {  	s12 =	simm.s32 $0x8100;
	s23 =	sand.u32 $0x1, s11;
	[sflag:s7] =	ssyncset.done $0x0  }
0x11: {  	s11 =	sadd.s32 $0x53200, s19;
	s13 =	sshll.u32 s23, $0x7;
	[sflag:s7] =	ssyncadd.s32 $0xFFFFFFE0  }
0x12: {  	[tilespmem:s12], [sflag:$0x2] =	stream.linear.gather [hbm4b:s11+s4], $0x800, $0x38;
	[tilespmem:$0x9A00] =	vst v63  }
0x13: {  	s13 =	sor.u32 s13, s22;
	_ =	swait.ge [sflag:s7], $0x800  }
0x14: {  	s13 =	sshrl.u32 s13, $0x3;
	[sflag:s7] =	ssyncset.done $0x0  }
0x15: {  	s14 =	sadd.s32 s13, s19;
	[sflag:s7] =	ssyncadd.s32 $0xFFFFF800  }
0x16: {  	s13 =	sadd.s32 $0xBC00, s14;
	[bflag:$0x0] =	sbarrier.arrive $0xFFFF  }
0x17: {  	[tilespmem:s4], [sflag:$0x2] =	stream.linear.gather [hbm4b:s13+s4], $0x80, $0x38;
	[tilespmem:$0x9A00] =	vst v63  }
0x18: {  	_ =	swait.ge [sflag:s7], $0x80  }
0x19: {  	[sflag:s7] =	ssyncset.done $0x0  }
0x1a: {  	s15 =	simm.s32 $0x80;
	s14 =	sadd.s32 $0xBA00, s14;
	[sflag:s7] =	ssyncadd.s32 $0xFFFFFF80  }
0x1b: {  	[tilespmem:s15], [sflag:$0x2] =	stream.linear.gather [hbm4b:s14+s4], $0x80, $0x38;
	[tilespmem:$0x9A00] =	vst v63  }
0x1c: {  	_ =	swait.ge [sflag:s7], $0x80  }
0x1d: {  	s17 =	simm.s32 $0x100;
	[sflag:s7] =	ssyncset.done $0x0  }
0x1e: {  	s18 =	simm.s32 $0x1;
	s16 =	sadd.s32 $0x9A00, s19;
	[sflag:s7] =	ssyncadd.s32 $0xFFFFFF80  }
0x1f: {  	[tilespmem:s17], [sflag:$0x1] =	stream.indirect.gather [hbm4b:s16+s15], $0x100, s4, s15, $0xb8;
	[tilespmem:$0x9A00] =	vst v63  }
0x20: {  	_ =	swait.ge [sflag:s18], $0x8000  }
0x21: {  	[sflag:s18] =	ssyncset.done $0x0  }
0x22: {  	[sflag:s18] =	ssyncadd.s32 $0xFFFF8000  }
0x23: {  	[spmem:s2] =	stream.indirect.scatter.add.f32 [tilespmem:s17], [sflag:$0x2], $0x100, s15, s15, $0xb8;
	[tilespmem:$0x9A00] =	vst v63  }
0x24: {  	_ =	swait.ge [sflag:s7], $0x8000  }
0x25: {  	[sflag:s7] =	ssyncset.done $0x0  }
0x26: {  	s24 =	sshll.u32 s23, $0x10;
	s30 =	ssub.s32 $0x2, s23;
	[sflag:s7] =	ssyncadd.s32 $0xFFFF8000  }
0x27: {  	[spmem:s3] =	stream.indirect.scatter.add.f32 [tilespmem:s12], [sflag:$0x2], $0x10, s15, s15, $0xb8;
	[tilespmem:$0x9A00] =	vst v63  }
0x28: {  	s23 =	sshll.u32 s23, $0xC;
	s21 =	sor.u32 s21, s24;
	_ =	swait.ge [sflag:s7], $0x800  }
0x29: {  	s31 =	sshrl.u32 s30, $0x1;
	s21 =	sshrl.u32 s21, $0x3;
	[sflag:s7] =	ssyncset.done $0x0  }
0x2a: {  	s19 =	sadd.s32 s21, s19;
	s21 =	ssub.s32 s30, s31;
	[sflag:s7] =	ssyncadd.s32 $0xFFFFF800  }
0x2b: {  	s19 =	sadd.s32 $0xE000, s19;
	s21 =	smax.u32 s21, $0x1;
	[bflag:$0x0] =	sbarrier.arrive $0xFFFF  }
0x2c: {  	[hbm:s19], [sflag:s6] =	dma.local [spmem:s8], $0x200  }
0x2d: {  	s22 =	sor.u32 s22, s23;
	p0 =	sne.s32 s21, $0x1;
	_ =	swait.ge [sflag:s7], $0x200  }
.Ltmp0:
0x2e: {  	s22 =	sshrl.u32 s22, $0x3;
	[sflag:s7] =	ssyncset.done $0x0;
	(pc) =	sbr.rel @!p0 .LBB2_2-.Ltmp0, $4  }
0x2f: {  	s20 =	sadd.s32 s20, s22;
	[sflag:s7] =	ssyncadd.s32 $0xFFFFFE00  }
0x30: {  	[hbm:s20], [sflag:s6] =	dma.local [spmem:s10], $0x20  }
0x31: {  	_ =	swait.ge [sflag:s7], $0x20  }
0x32: {  	s21 =	sadd.s32 $0xFFFFFFFF, s21;
	[sflag:s7] =	ssyncset.done $0x0  }
.LBB2_1:
0x33: {  	p0 =	sne.s32 s21, $0x1;
	s21 =	sadd.s32 $0xFFFFFFFF, s21;
	[sflag:s7] =	ssyncadd.s32 $0xFFFFFFE0  }
0x34: {  	[spmem:s8], [sflag:s6] =	dma.local [hbm:s5], $0x200  }
0x35: {  	_ =	swait.ge [sflag:s7], $0x200  }
0x36: {  	[sflag:s7] =	ssyncset.done $0x0  }
0x37: {  	[sflag:s7] =	ssyncadd.s32 $0xFFFFFE00  }
0x38: {  	[spmem:s10], [sflag:s6] =	dma.local [hbm:s9], $0x20  }
0x39: {  	_ =	swait.ge [sflag:s7], $0x20  }
0x3a: {  	[sflag:s7] =	ssyncset.done $0x0  }
0x3b: {  	[sflag:s7] =	ssyncadd.s32 $0xFFFFFFE0  }
0x3c: {  	[tilespmem:s12], [sflag:$0x2] =	stream.linear.gather [hbm4b:s11+s4], $0x800, $0x38;
	[tilespmem:$0x9A00] =	vst v63  }
0x3d: {  	_ =	swait.ge [sflag:s7], $0x800  }
0x3e: {  	[sflag:s7] =	ssyncset.done $0x0  }
0x3f: {  	[sflag:s7] =	ssyncadd.s32 $0xFFFFF800  }
0x40: {  	[bflag:$0x0] =	sbarrier.arrive $0xFFFF  }
0x41: {  	[tilespmem:s4], [sflag:$0x2] =	stream.linear.gather [hbm4b:s13+s4], $0x80, $0x38;
	[tilespmem:$0x9A00] =	vst v63  }
0x42: {  	_ =	swait.ge [sflag:s7], $0x80  }
0x43: {  	[sflag:s7] =	ssyncset.done $0x0  }
0x44: {  	[sflag:s7] =	ssyncadd.s32 $0xFFFFFF80  }
0x45: {  	[tilespmem:s15], [sflag:$0x2] =	stream.linear.gather [hbm4b:s14+s4], $0x80, $0x38;
	[tilespmem:$0x9A00] =	vst v63  }
0x46: {  	_ =	swait.ge [sflag:s7], $0x80  }
0x47: {  	[sflag:s7] =	ssyncset.done $0x0  }
0x48: {  	[sflag:s7] =	ssyncadd.s32 $0xFFFFFF80  }
0x49: {  	[tilespmem:s17], [sflag:$0x1] =	stream.indirect.gather [hbm4b:s16+s15], $0x100, s4, s15, $0xb8;
	[tilespmem:$0x9A00] =	vst v63  }
0x4a: {  	_ =	swait.ge [sflag:s18], $0x8000  }
0x4b: {  	[sflag:s18] =	ssyncset.done $0x0  }
0x4c: {  	[sflag:s18] =	ssyncadd.s32 $0xFFFF8000  }
0x4d: {  	[spmem:s2] =	stream.indirect.scatter.add.f32 [tilespmem:s17], [sflag:$0x2], $0x100, s15, s15, $0xb8;
	[tilespmem:$0x9A00] =	vst v63  }
0x4e: {  	_ =	swait.ge [sflag:s7], $0x8000  }
0x4f: {  	[sflag:s7] =	ssyncset.done $0x0  }
0x50: {  	[sflag:s7] =	ssyncadd.s32 $0xFFFF8000  }
0x51: {  	[spmem:s3] =	stream.indirect.scatter.add.f32 [tilespmem:s12], [sflag:$0x2], $0x10, s15, s15, $0xb8;
	[tilespmem:$0x9A00] =	vst v63  }
0x52: {  	_ =	swait.ge [sflag:s7], $0x800  }
0x53: {  	[sflag:s7] =	ssyncset.done $0x0  }
0x54: {  	[sflag:s7] =	ssyncadd.s32 $0xFFFFF800  }
0x55: {  	[bflag:$0x0] =	sbarrier.arrive $0xFFFF  }
0x56: {  	[hbm:s19], [sflag:s6] =	dma.local [spmem:s8], $0x200  }
0x57: {  	_ =	swait.ge [sflag:s7], $0x200  }
.Ltmp1:
0x58: {  	[sflag:s7] =	ssyncset.done $0x0;
	(pc) =	sbr.rel @p0 .LBB2_1-.Ltmp1, $4  }
0x59: {  	[sflag:s7] =	ssyncadd.s32 $0xFFFFFE00  }
0x5a: {  	[hbm:s20], [sflag:s6] =	dma.local [spmem:s10], $0x20  }
0x5b: {  	_ =	swait.ge [sflag:s7], $0x20  }
0x5c: {  	[sflag:s7] =	ssyncset.done $0x0  }
.LBB2_2:
0x5d: {  	[sflag:s7] =	ssyncadd.s32 $0xFFFFFFE0  }
0x5e: {  	_ =	sfence.sel $0x180000  }
0x5f: {  	[bflag:$0x0] =	sbarrier.arrive $0xFFFF  }
0x60: {  	p0 =	sne.s32 s1, $0x0;
	_ =	strace $0x9000005F  }
0x61: {  	s0 =	sadd.s32 @!p0 $0x100000, s0;
	[bflag:$0x2] =	sbarrier.arrive $0xFFFF  }
0x62: {  	[sflag:s0] =	ssyncadd.tile.s32 @!p0 $0x1;
	_ =	shalt  }
.Lfunc_end2:
_tile_overlayer_lowered:
.L_overlay_start_2:
0x63: {  	(tag) =	ssettag $0x2  }
0x64: {  	s0 =	rddreg [dreg:$0x0];
	s2 =	stileid.u32  }
0x65: {  	s1 =	rddreg [dreg:$0x1];
	p0 =	sne.s32 s2, $0x0  }
0x66: {  	s3 =	rddreg [dreg:$0x2];
	[bflag:$0x3] =	sbarrier.arrive $0xFFFF;
	s2 =	simm.s32 @!p0 $0x1C02  }
0x67: {  	[timem:s3], [sflag:s2] =	dma.local @!p0 [hbm:s0], s1  }
0x68: {  	s0 =	simm.s32 @!p0 $0x2  }
0x69: {  	_ =	swait.ge @!p0 [sflag:s0], s1  }
0x6a: {  	s1 =	ssub.s32 @!p0 $0x0, s1;
	[sflag:s0] =	ssyncset.done @!p0 $0x0  }
0x6b: {  	[sflag:s0] =	ssyncadd.s32 @!p0 s1  }
0x6c: {  	[bflag:$0x3] =	sbarrier.arrive $0xFFFF  }
0x6d: {  	_ =	shalt  }

// kernel: sc_pool_0.3.cloned.1.call-start
scs
__scs_entry_jumppad:
0x0: {  	(pc) =	sbr.rel $0x88, $3  }
0x1: {  	(tag) =	ssettag $0x0;
	lr =	simm.s32 $0x1  }
0x2: {  	[smem:$0x3F80] =	sst lr;
	_ =	strace $0xD0000000  }
0x3: {  	_ = 	snop  }
0x4: {  	_ = 	snop  }
0x5: {  	_ = 	snop  }
0x6: {  	_ = 	snop  }
0x7: {  	_ = 	snop  }
__scs_overlays_trampoline_lowered:
0x8: {  	[smem:$0x3F8F] =	sst s0  }
0x9: {  	[smem:$0x3F90] =	sst s1  }
0xa: {  	[smem:$0x3F91] =	sst s2  }
0xb: {  	[smem:$0x3F92] =	sst s3  }
0xc: {  	[smem:$0x3F93] =	sst s4  }
0xd: {  	[smem:$0x3F94] =	sst s5  }
0xe: {  	[smem:$0x3F95] =	sst s6  }
0xf: {  	[smem:$0x3F96] =	sst s7  }
0x10: {  	[smem:$0x3F97] =	sst s8  }
0x11: {  	[smem:$0x3F98] =	sst s9;
	s0 =	simm.s32 @!p0 $0x0  }
0x12: {  	s1 =	sld [smem:$0x3F7E];
	s0 =	simm.s32 @p0 $0x1  }
0x13: {  	[smem:$0x3F99] =	sst s0;
	s0 =	simm.s32 @!p1 $0x0  }
0x14: {  	s2 =	sld [smem:$0x3F7D];
	s0 =	simm.s32 @p1 $0x1  }
0x15: {  	[smem:$0x3F9A] =	sst s0;
	s0 =	simm.s32 @!p2 $0x0  }
0x16: {  	s3 =	sld [smem:$0x3FDB];
	s0 =	simm.s32 @p2 $0x1  }
0x17: {  	s4 =	simm.s32 $0x1BF5;
	[smem:$0x3F9C] =	sst s0  }
0x18: {  	s0 =	sld [smem:$0x3F7F];
	_ =	swait.ge [sflag:s4], $0x0  }
0x19: {  	s7 =	sld [smem:$0x3F80]  }
0x1a: {  	s8 =	sadd.s32 $0xFFFFE003, lr  }
0x1b: {  	s9 =	sadd.s32 $0xFFFFFEF7, lr;
	s5 =	simm.s32 $0xFFFFFFFF;
	p2 =	slt.u32 s8, $0xFFFFF086  }
0x1c: {  	p1 =	slt.u32 s9, $0xF7A;
	s5 =	simm.s32 @!p2 $0x0  }
0x1d: {  	s5 =	simm.s32 @p1 $0x1;
	p0 =	seq.s32 s7, s2  }
0x1e: {  	s7 =	smul.u32 @!p0 $0xF7A, s2;
	p2 =	seq.s32 @!p0 s5, $0x0  }
0x1f: {  	s9 =	smul.u32 $0xF7A, s1;
	s8 =	simm.s32 @!p0 $0x1BF5;
	p2 =	por !p2, p0  }
0x20: {  	[sflag:s8] =	ssyncset.s32 @!p0 $0xFFFFF086;
	s6 =	sadd.s32 @!p0 s3, s7;
	s7 =	simm.s32 @!p0 $0x108  }
0x21: {  	s3 =	sadd.s32 s3, s9;
	s6 =	sadd.s32 @!p0 $0x88, s6;
	s7 =	simm.s32 @p2 $0x1082  }
0x22: {  	[simem:s7], [sflag:s8] =	dma.local @!p0 [hbm:s6], $0xF7A  }
0x23: {  	s9 =	sor.u32 $0xD0000000, s2;
	s6 =	simm.s32 $0x108;
	_ =	swait.ge @!p0 [sflag:s8], $0x0  }
0x24: {  	s3 =	sadd.s32 $0x88, s3;
	s6 =	simm.s32 @!p1 $0x1082;
	[sflag:s4] =	ssyncset.s32 $0xFFFFF086  }
0x25: {  	[simem:s6], [sflag:s4] =	dma.local [hbm:s3], $0xF7A  }
0x26: {  	[smem:$0x3F80] =	sst s1;
	(tag) =	ssettag s2;
	_ =	strace s9  }
0x27: {  	s1 =	sld [smem:$0x3F90]  }
0x28: {  	s2 =	sld [smem:$0x3F91]  }
0x29: {  	s4 =	sld [smem:$0x3F93]  }
0x2a: {  	p0 =	seq.s32 s5, $0x0;
	s5 =	sld [smem:$0x3F94]  }
0x2b: {  	s6 =	sld [smem:$0x3F95]  }
0x2c: {  	s7 =	sld [smem:$0x3F96]  }
0x2d: {  	s3 =	simm.s32 $0x108;
	s8 =	sld [smem:$0x3F97]  }
0x2e: {  	s3 =	simm.s32 @!p0 $0x1082;
	s9 =	sld [smem:$0x3F98]  }
0x2f: {  	lr =	sadd.s32 s0, s3;
	s0 =	sld [smem:$0x3F8F]  }
0x30: {  	s3 =	sld [smem:$0x3F92]  }
0x31: {  	[smem:$0x3F9B] =	sst s10  }
0x32: {  	s10 =	sld [smem:$0x3F99];
	_ =	sdelay $0x3  }
0x33: {  	p0 =	seq.s32 s10, $0x1;
	s10 =	sld [smem:$0x3F9B];
	_ =	sdelay $0x3  }
0x34: {  	[smem:$0x3F9B] =	sst s10  }
0x35: {  	s10 =	sld [smem:$0x3F9A];
	_ =	sdelay $0x3  }
0x36: {  	p1 =	seq.s32 s10, $0x1;
	s10 =	sld [smem:$0x3F9B];
	_ =	sdelay $0x3  }
0x37: {  	[smem:$0x3F9B] =	sst s10  }
0x38: {  	s10 =	sld [smem:$0x3F9C]  }
0x39: {  	_ = 	snop;
	(pc) =	sbr.ind lr, $3  }
0x3a: {  	_ = 	snop  }
0x3b: {  	_ = 	snop  }
0x3c: {  	p2 =	seq.s32 s10, $0x1;
	s10 =	sld [smem:$0x3F9B]  }
0x3d: {  	_ =	shalt  }
0x3e: {  	_ =	shalt  }
0x3f: {  	_ =	shalt  }
0x40: {  	_ =	shalt  }
0x41: {  	_ =	shalt  }
0x42: {  	_ =	shalt  }
0x43: {  	_ =	shalt  }
0x44: {  	_ =	shalt  }
0x45: {  	_ =	shalt  }
0x46: {  	_ =	shalt  }
0x47: {  	_ =	shalt  }
0x48: {  	_ =	shalt  }
0x49: {  	_ =	shalt  }
0x4a: {  	_ =	shalt  }
0x4b: {  	_ =	shalt  }
0x4c: {  	_ =	shalt  }
0x4d: {  	_ =	shalt  }
0x4e: {  	_ =	shalt  }
0x4f: {  	_ =	shalt  }
0x50: {  	_ =	shalt  }
0x51: {  	_ =	shalt  }
0x52: {  	_ =	shalt  }
0x53: {  	_ =	shalt  }
0x54: {  	_ =	shalt  }
0x55: {  	_ =	shalt  }
0x56: {  	_ =	shalt  }
0x57: {  	_ =	shalt  }
0x58: {  	_ =	shalt  }
0x59: {  	_ =	shalt  }
0x5a: {  	_ =	shalt  }
0x5b: {  	_ =	shalt  }
0x5c: {  	_ =	shalt  }
0x5d: {  	_ =	shalt  }
0x5e: {  	_ =	shalt  }
0x5f: {  	_ =	shalt  }
0x60: {  	_ =	shalt  }
0x61: {  	_ =	shalt  }
0x62: {  	_ =	shalt  }
0x63: {  	_ =	shalt  }
0x64: {  	_ =	shalt  }
0x65: {  	_ =	shalt  }
0x66: {  	_ =	shalt  }
0x67: {  	_ =	shalt  }
0x68: {  	_ =	shalt  }
0x69: {  	_ =	shalt  }
0x6a: {  	_ =	shalt  }
0x6b: {  	_ =	shalt  }
0x6c: {  	_ =	shalt  }
0x6d: {  	_ =	shalt  }
0x6e: {  	_ =	shalt  }
0x6f: {  	_ =	shalt  }
0x70: {  	_ =	shalt  }
0x71: {  	_ =	shalt  }
0x72: {  	_ =	shalt  }
0x73: {  	_ =	shalt  }
0x74: {  	_ =	shalt  }
0x75: {  	_ =	shalt  }
0x76: {  	_ =	shalt  }
0x77: {  	_ =	shalt  }
0x78: {  	_ =	shalt  }
0x79: {  	_ =	shalt  }
0x7a: {  	_ =	shalt  }
0x7b: {  	_ =	shalt  }
0x7c: {  	_ =	shalt  }
0x7d: {  	_ =	shalt  }
0x7e: {  	_ =	shalt  }
0x7f: {  	_ =	shalt  }
0x80: {  	_ =	shalt  }
0x81: {  	_ =	shalt  }
0x82: {  	_ =	shalt  }
0x83: {  	_ =	shalt  }
0x84: {  	_ =	shalt  }
0x85: {  	_ =	shalt  }
0x86: {  	_ =	shalt  }
0x87: {  	_ =	shalt  }
.Lfunc_end0:
.L_simem_size_0:
called_computation.1_lowered:
.L_overlay_start_0:
0x88: {  	s2 =	sld [smem:$0x3FD9]  }
0x89: {  	s3 =	sld [smem:$0x3FFE];
	_ =	sdelay $0x1  }
0x8a: {  	s1 =	srdreg.scid  }
0x8b: {  	s0 =	sand.u32 $0x1, s1  }
0x8c: {  	s17 =	sshll.u32 s0, $0xA;
	s2 =	sadd.s32 s3, s2  }
0x8d: {  	s2 =	sadd.s32 s2, s17  }
0x8e: {  	[smem:$0x3FA7] =	sst s2  }
0x8f: {  	_ = 	snop  }
0x90: {  	s2 =	sld [smem:$0x3FD0];
	(tm) =	ssettm $0x1  }
0x91: {  	s18 =	sld [smem:$0x3FFB];
	_ =	sdelay $0x3  }
0x92: {  	_ =	strace s18  }
0x93: {  	s3 =	sld [smem:$0x3FFC];
	_ =	sdelay $0x3  }
0x94: {  	_ =	strace s3  }
0x95: {  	s3 =	sld [smem:$0x3FFD];
	_ =	sdelay $0x3  }
0x96: {  	_ =	strace s3  }
0x97: {  	_ =	strace $0x8FFFFFFF  }
0x98: {  	s19 =	sld [smem:$0x3FDB];
	_ =	sdelay $0x1  }
0x99: {  	s4 =	simm.s32 $_scs_section_size  }
0x9a: {  	s5 =	simm.s32 $_size__tile_overlayer_lowered;
	s6 =	simm.s32 $_tile_overlayer_lowered  }
0x9b: {  	s22 =	simm.s32 $0x1BFF;
	s21 =	sshll.u32 s6, $0x1;
	s3 =	sadd.s32 s4, s19  }
0x9c: {  	s7 =	simm.s32 $0x0;
	s20 =	sshll.u32 s5, $0x1;
	s5 =	sadd.s32 s21, s3  }
0x9d: {  	[timem:s7], [sflag:s22] =	dma.local [hbm:s5], s20  }
0x9e: {  	_ =	swait.ge [sflag:s22], s20  }
0x9f: {  	s4 =	ssub.s32 $0x0, s20;
	[sflag:s22] =	ssyncset.done $0x0  }
0xa0: {  	[sflag:s22] =	ssyncadd.s32 s4;
	_ =	sdelay $0x1  }
0xa1: {  	s23 =	simm.s32 $0x1B8B  }
0xa2: {  	_ =	swait.ge [sflag:s23], $0x1  }
0xa3: {  	[sflag:s23] =	ssyncset.done $0x0  }
0xa4: {  	s25 =	simm.s32 $0x1B8E;
	s24 =	sld [smem:$0x3FFE];
	[sflag:s23] =	ssyncadd.s32 $0xFFFFFFFF  }
0xa5: {  	s26 =	simm.s32 $execute0_lowered;
	[smem:$0x3FD2] =	sst s25  }
0xa6: {  	s5 =	sshll.u32 s26, $0x1;
	_ =	strace $0x80000049;
	[dreg:$0x1] =	wrdreg $0xFFFFFFFF  }
0xa7: {  	s28 =	simm.s32 $_size_execute0_lowered;
	s3 =	sadd.s32 s3, s5;
	[dreg:$0x0] =	wrdreg $0x0  }
0xa8: {  	s5 =	sshll.u32 s28, $0x1;
	[dreg:$0x2] =	wrdreg s3  }
0xa9: {  	[dreg:$0x3] =	wrdreg s5  }
0xaa: {  	[dreg:$0x4] =	wrdreg $0xC0  }
0xab: {  	_ =	task [dreg:s7], $0x5FFFF  }
0xac: {  	[dreg:$0x1] =	wrdreg $0xFFFFFFFF  }
0xad: {  	[dreg:$0x0] =	wrdreg $0x60  }
0xae: {  	[dreg:$0x2] =	wrdreg s24  }
0xaf: {  	[dreg:$0x3] =	wrdreg s2  }
0xb0: {  	[dreg:$0x4] =	wrdreg $0x13B300  }
0xb1: {  	[dreg:$0x5] =	wrdreg $0x9  }
0xb2: {  	_ =	task.clear_ibuf [dreg:s7], $0x6FFFF;
	_ =	strace $0x90000049  }
0xb3: {  	s29 =	simm.s32 $0x9;
	_ =	strace $0x8000004B  }
0xb4: {  	_ =	swait.ge [sflag:s29], $0x1  }
0xb5: {  	[sflag:s29] =	ssyncadd.s32 $0xFFFFFFFF  }
0xb6: {  	_ =	strace $0x9000004B  }
0xb7: {  	_ =	sfence  }
0xb8: {  	s30 =	sld [smem:$0x0];
	_ =	sdelay $0x2  }
0xb9: {  	s31 =	sshll.u32 s1, $0xD;
	s1 =	sshrl.u32 s1, $0x2  }
0xba: {  	s3 =	sand.u32 $0x4000, s31;
	s1 =	sadd.s32 s1, s30  }
0xbb: {  	s0 =	sor.u32 s3, s0;
	s1 =	sshll.u32 s1, $0x11  }
0xbc: {  	s0 =	sor.u32 s1, s0  }
0xbd: {  	s0 =	sadd.s32 $0x8F2B, s0  }
0xbe: {  	[sflag:s0] =	ssyncadd.remote.s32 $0x1  }
0xbf: {  	_ =	sfence.sel $0xFFFF  }
0xc0: {  	[dreg:$0x0] =	wrdreg $0xFFFFFFFF;
	(pc) =	sbr.abs _section_cstart, $3  }
0xc1: {  	[dreg:$0x1] =	wrdreg $0xFFFFFFFF  }
0xc2: {  	_ =	task.clear_ibuf [dreg:s7], $0x2FFFF;
	_ =	strace $0x9FFFFFFF  }
0xc3: {  	(tm) =	ssettm $0x7FFFFFFF  }
tec
execute0_lowered:
.L_overlay_start_1:
0x0: {  	(tag) =	ssettag $0x1  }
0x1: {  	s5 =	rddreg [dreg:$0x0]  }
0x2: {  	s2 =	rddreg [dreg:$0x1]  }
0x3: {  	s3 =	rddreg [dreg:$0x2]  }
0x4: {  	s0 =	rddreg [dreg:$0x3];
	s1 =	stileid.u32  }
0x5: {  	s7 =	srdreg.scid;
	s6 =	smul.u32 $0x4980, s1  }
0x6: {  	s4 =	simm.s32 $0x0;
	s18 =	simm.s32 $0x10A50;
	s8 =	smul.u32 $0x9300, s1  }
0x7: {  	s19 =	simm.s32 $0x0;
	s9 =	sand.u32 $0x1, s7;
	s16 =	smul.u32 $0xC40, s1  }
0x8: {  	[smem:$0x7FF] =	sst s4;
	s10 =	sshll.u32 s1, $0x1;
	s7 =	smul.u32 $0x93000, s9  }
0x9: {  	s28 =	sshll.u32 s1, $0x6;
	_ =	strace $0x8000004A;
	s29 =	smul.u32 $0x620, s9  }
0xa: {  	s24 =	sor.u32 s9, s10;
	s12 =	ssub.s32 $0x2, s9;
	s17 =	smul.u32 $0x24C0, s9  }
0xb: {  	s11 =	sadd.s32 s6, s5;
	s25 =	sshrl.u32 s8, $0x3;
	s6 =	smul.u32 $0x61C, s24  }
0xc: {  	s26 =	sshrl.u32 s12, $0x1;
	s15 =	sadd.s32 s8, s3;
	s7 =	sadd.s32 s8, s7  }
0xd: {  	s10 =	sadd.s32 s25, s5;
	s12 =	ssub.s32 s12, s26;
	s30 =	sadd.s32 s29, s16  }
0xe: {  	s11 =	sadd.s32 s17, s11;
	s16 =	simm.s32 $0x1570;
	s17 =	simm.s32 $0xD970  }
0xf: {  	s7 =	sshrl.u32 s7, $0x3;
	s14 =	sadd.s32 s6, s5;
	s6 =	sor.u32 $0x1C01, s28  }
0x10: {  	s31 =	sshrl.u32 s30, $0x3;
	s11 =	sadd.s32 $0x9A00, s11;
	s13 =	sadd.s32 s7, s5  }
0x11: {  	s5 =	sadd.s32 $0x6BC00, s10;
	s7 =	sadd.s32 $0x9CC00, s14;
	s8 =	sadd.s32 $0x7E200, s14  }
0x12: {  	s10 =	smax.u32 s12, $0x1;
	s12 =	sadd.s32 s31, s2;
	s14 =	simm.s32 $0x1  }
0x13: {  	s9 =	sadd.s32 $0xA9000, s13;
	s13 =	sshrl.u32 s15, $0x3;
	s15 =	simm.s32 $0x70  }
.LBB2_1:
0x14: {  	[spmem:s13], [sflag:s6] =	dma.local [hbm:s5], $0x1260  }
0x15: {  	_ =	swait.ge [sflag:s14], $0x1260  }
0x16: {  	[sflag:s14] =	ssyncset.done $0x0  }
0x17: {  	[sflag:s14] =	ssyncadd.s32 $0xFFFFEDA0  }
0x18: {  	s20 =	sadd.s32 $0x0, s12;
	[bflag:$0x0] =	sbarrier.arrive $0xFFFF  }
0x19: {  	[tilespmem:s4], [sflag:$0x1] =	stream.linear.gather [hbm4b:s20+s4], $0x70, $0x38;
	[tilespmem:$0x1CE30] =	vst v63  }
0x1a: {  	_ =	swait.ge [sflag:s14], $0x70  }
0x1b: {  	[sflag:s14] =	ssyncset.done $0x0  }
0x1c: {  	[sflag:s14] =	ssyncadd.s32 $0xFFFFFF90  }
0x1d: {  	[tilespmem:s15], [sflag:$0x1] =	stream.linear.gather [hbm4b:s11+s4], $0x1500, $0x38;
	[tilespmem:$0x1CE30] =	vst v63  }
0x1e: {  	_ =	swait.ge [sflag:s14], $0x1500  }
0x1f: {  	[sflag:s14] =	ssyncset.done $0x0  }
0x20: {  	[sflag:s14] =	ssyncadd.s32 $0xFFFFEB00  }
0x21: {  	[spmem:s3] =	stream.indirect.scatter.add.f32 [tilespmem:s15], [sflag:$0x1], $0x30, s4, s15, $0xb8;
	[tilespmem:$0x1CE30] =	vst v63  }
0x22: {  	s21 =	simm.s32 $0xE;
	_ =	swait.ge [sflag:s14], $0x1500  }
0x23: {  	s22 =	simm.s32 $0x1C;
	s20 =	sadd.s32 $0x2A0, s11;
	[sflag:s14] =	ssyncset.done $0x0  }
.LBB2_2:
0x24: {  	s23 =	sadd.s32 s21, s12  }
0x25: {  	[sflag:s14] =	ssyncadd.s32 $0xFFFFEB00;
	s21 =	smov.u32 s22;
	s24 =	sadd.s32 $0xE, s22  }
0x26: {  	[tilespmem:s4], [sflag:$0x1] =	stream.linear.gather [hbm4b:s23+s4], $0x70, $0x38;
	[tilespmem:$0x1CE30] =	vst v63  }
0x27: {  	p0 =	sne.s32 s22, $0xB6;
	_ =	swait.ge [sflag:s14], $0x70  }
0x28: {  	[sflag:s14] =	ssyncset.done $0x0  }
0x29: {  	[sflag:s14] =	ssyncadd.s32 $0xFFFFFF90  }
0x2a: {  	[tilespmem:s15], [sflag:$0x1] =	stream.linear.gather [hbm4b:s20+s4], $0x1500, $0x38;
	[tilespmem:$0x1CE30] =	vst v63  }
0x2b: {  	_ =	swait.ge [sflag:s14], $0x1500  }
.Ltmp0:
0x2c: {  	[sflag:s14] =	ssyncset.done $0x0;
	(pc) =	sbr.rel @p0 .LBB2_2-.Ltmp0, $4  }
0x2d: {  	[sflag:s14] =	ssyncadd.s32 $0xFFFFEB00  }
0x2e: {  	[spmem:s3] =	stream.indirect.scatter.add.f32 [tilespmem:s15], [sflag:$0x1], $0x30, s4, s15, $0xb8;
	[tilespmem:$0x1CE30] =	vst v63  }
0x2f: {  	_ =	swait.ge [sflag:s14], $0x1500  }
0x30: {  	s22 =	smov.u32 s24;
	s20 =	sadd.s32 $0x2A0, s20;
	[sflag:s14] =	ssyncset.done $0x0  }
0x31: {  	s21 =	sadd.s32 s21, s12;
	[sflag:s14] =	ssyncadd.s32 $0xFFFFEB00  }
0x32: {  	[tilespmem:s4], [sflag:$0x1] =	stream.linear.gather [hbm4b:s21+s4], $0x70, $0x38;
	[tilespmem:$0x1CE30] =	vst v63  }
0x33: {  	_ =	swait.ge [sflag:s14], $0x70  }
0x34: {  	[sflag:s14] =	ssyncset.done $0x0  }
0x35: {  	[sflag:s14] =	ssyncadd.s32 $0xFFFFFF90  }
0x36: {  	[tilespmem:s15], [sflag:$0x1] =	stream.linear.gather [hbm4b:s20+s4], $0x1500, $0x38;
	[tilespmem:$0x1CE30] =	vst v63  }
0x37: {  	_ =	swait.ge [sflag:s14], $0x1500  }
0x38: {  	[sflag:s14] =	ssyncset.done $0x0  }
0x39: {  	[sflag:s14] =	ssyncadd.s32 $0xFFFFEB00  }
0x3a: {  	[spmem:s3] =	stream.indirect.scatter.add.f32 [tilespmem:s15], [sflag:$0x1], $0x30, s4, s15, $0xb8;
	[tilespmem:$0x1CE30] =	vst v63  }
0x3b: {  	_ =	swait.ge [sflag:s14], $0x1500  }
0x3c: {  	[sflag:s14] =	ssyncset.done $0x0  }
0x3d: {  	s31 =	simm.s32 $0x0;
	[sflag:s14] =	ssyncadd.s32 $0xFFFFEB00  }
0x3e: {  	[tilespmem:s16], [sflag:$0x1] =	stream.linear.gather [hbm4b:s2+s31], $0xC400, $0x38;
	[tilespmem:$0x1CE30] =	vst v63  }
0x3f: {  	_ =	swait.ge [sflag:s14], $0xC400  }
0x40: {  	[sflag:s14] =	ssyncset.done $0x0  }
0x41: {  	[sflag:s14] =	ssyncadd.s32 $0xFFFF3C00  }
0x42: {  	[tilespmem:s17], [sflag:$0x1] =	stream.linear.gather [hbm4b:s7+s31], $0x30E0, $0x38;
	[tilespmem:$0x1CE30] =	vst v63  }
0x43: {  	_ =	swait.ge [sflag:s14], $0x30E0  }
0x44: {  	[sflag:s14] =	ssyncset.done $0x0  }
0x45: {  	s20 =	simm.s32 $0x0;
	[sflag:s14] =	ssyncadd.s32 $0xFFFFCF20  }
0x46: {  	v0 =	vld [tilespmem:s20+$0xD970];
	_ =	sdelay $0x7  }
0x47: {  	s22 =	simm.s32 $0x80;
	s21 =	simm.s32 $0x10;
	v0 =	vld.idx.msk [tilespmem:v0+s16+$0x0], $0xffff  }
.LBB2_4:
0x48: {  	p0 =	sne.s32 s22, $0xC340;
	v1 =	vld [tilespmem:s21+$0xD970];
	_ =	sdelay $0x3  }
.Ltmp1:
0x49: {  	(pc) =	sbr.rel @p0 .LBB2_4-.Ltmp1, $2  }
0x4a: {  	[tilespmem:s20+$0x10A50] =	vst v0;
	s20 =	smov.u32 s21;
	_ =	sdelay $0x2  }
0x4b: {  	s21 =	sshra.s32 s22, $0x2;
	s22 =	sadd.s32 $0x40, s22;
	v0 =	vld.idx.msk [tilespmem:v1+s16+$0x0], $0xffff  }
0x4c: {  	v1 =	vld [tilespmem:s21+$0xD970];
	_ =	sdelay $0x6  }
0x4d: {  	[tilespmem:s20+$0x10A50] =	vst v0  }
0x4e: {  	v0 =	vld.idx.msk [tilespmem:v1+s16+$0x0], $0xffff;
	_ =	sdelay $0x4  }
0x4f: {  	[tilespmem:s21+$0x10A50] =	vst v0  }
0x50: {  	[hbm4b:s8+s4] =	stream.linear.scatter [tilespmem:s18], [sflag:$0x1], $0x30E0, $0x38;
	[tilespmem:$0x1CE30] =	vst v63  }
0x51: {  	_ =	swait.ge [sflag:s14], $0x30E0  }
0x52: {  	s19 =	sadd.s32 $0x1, s19;
	[sflag:s14] =	ssyncset.done $0x0  }
0x53: {  	p0 =	sne.s32 s19, s10;
	[sflag:s14] =	ssyncadd.s32 $0xFFFFCF20  }
.Ltmp2:
0x54: {  	[bflag:$0x0] =	sbarrier.arrive $0xFFFF;
	(pc) =	sbr.rel @p0 .LBB2_1-.Ltmp2, $4  }
0x55: {  	[hbm:s9], [sflag:s6] =	dma.local [spmem:s13], $0x1260  }
0x56: {  	_ =	swait.ge [sflag:s14], $0x1260  }
0x57: {  	[sflag:s14] =	ssyncset.done $0x0  }
0x58: {  	[sflag:s14] =	ssyncadd.s32 $0xFFFFEDA0  }
0x59: {  	_ =	sfence.sel $0x180000  }
0x5a: {  	[bflag:$0x0] =	sbarrier.arrive $0xFFFF  }
0x5b: {  	p0 =	sne.s32 s1, $0x0;
	_ =	strace $0x9000004A  }
0x5c: {  	s0 =	sadd.s32 @!p0 $0x100000, s0;
	[bflag:$0x2] =	sbarrier.arrive $0xFFFF  }
0x5d: {  	[sflag:s0] =	ssyncadd.tile.s32 @!p0 $0x1;
	_ =	shalt  }
.Lfunc_end2:
_tile_overlayer_lowered:
.L_overlay_start_2:
0x5e: {  	(tag) =	ssettag $0x2  }
0x5f: {  	s0 =	rddreg [dreg:$0x0];
	s2 =	stileid.u32  }
0x60: {  	s1 =	rddreg [dreg:$0x1];
	p0 =	sne.s32 s2, $0x0  }
0x61: {  	s3 =	rddreg [dreg:$0x2];
	[bflag:$0x3] =	sbarrier.arrive $0xFFFF;
	s2 =	simm.s32 @!p0 $0x1C01  }
0x62: {  	[timem:s3], [sflag:s2] =	dma.local @!p0 [hbm:s0], s1  }
0x63: {  	s0 =	simm.s32 @!p0 $0x1  }
0x64: {  	_ =	swait.ge @!p0 [sflag:s0], s1  }
0x65: {  	s1 =	ssub.s32 @!p0 $0x0, s1;
	[sflag:s0] =	ssyncset.done @!p0 $0x0  }
0x66: {  	[sflag:s0] =	ssyncadd.s32 @!p0 s1  }
0x67: {  	[bflag:$0x3] =	sbarrier.arrive $0xFFFF  }
0x68: {  	_ =	shalt  }

// kernel: sc_pool_1.3.cloned.1.call-start
scs
__scs_entry_jumppad:
0x0: {  	(pc) =	sbr.rel $0x88, $3  }
0x1: {  	(tag) =	ssettag $0x0;
	lr =	simm.s32 $0x1  }
0x2: {  	[smem:$0x3F80] =	sst lr;
	_ =	strace $0xD0000000  }
0x3: {  	_ = 	snop  }
0x4: {  	_ = 	snop  }
0x5: {  	_ = 	snop  }
0x6: {  	_ = 	snop  }
0x7: {  	_ = 	snop  }
__scs_overlays_trampoline_lowered:
0x8: {  	[smem:$0x3F8F] =	sst s0  }
0x9: {  	[smem:$0x3F90] =	sst s1  }
0xa: {  	[smem:$0x3F91] =	sst s2  }
0xb: {  	[smem:$0x3F92] =	sst s3  }
0xc: {  	[smem:$0x3F93] =	sst s4  }
0xd: {  	[smem:$0x3F94] =	sst s5  }
0xe: {  	[smem:$0x3F95] =	sst s6  }
0xf: {  	[smem:$0x3F96] =	sst s7  }
0x10: {  	[smem:$0x3F97] =	sst s8  }
0x11: {  	[smem:$0x3F98] =	sst s9;
	s0 =	simm.s32 @!p0 $0x0  }
0x12: {  	s1 =	sld [smem:$0x3F7E];
	s0 =	simm.s32 @p0 $0x1  }
0x13: {  	[smem:$0x3F99] =	sst s0;
	s0 =	simm.s32 @!p1 $0x0  }
0x14: {  	s2 =	sld [smem:$0x3F7D];
	s0 =	simm.s32 @p1 $0x1  }
0x15: {  	[smem:$0x3F9A] =	sst s0;
	s0 =	simm.s32 @!p2 $0x0  }
0x16: {  	s3 =	sld [smem:$0x3FDB];
	s0 =	simm.s32 @p2 $0x1  }
0x17: {  	s4 =	simm.s32 $0x1BF5;
	[smem:$0x3F9C] =	sst s0  }
0x18: {  	s0 =	sld [smem:$0x3F7F];
	_ =	swait.ge [sflag:s4], $0x0  }
0x19: {  	s7 =	sld [smem:$0x3F80]  }
0x1a: {  	s8 =	sadd.s32 $0xFFFFE003, lr  }
0x1b: {  	s9 =	sadd.s32 $0xFFFFFEF7, lr;
	s5 =	simm.s32 $0xFFFFFFFF;
	p2 =	slt.u32 s8, $0xFFFFF086  }
0x1c: {  	p1 =	slt.u32 s9, $0xF7A;
	s5 =	simm.s32 @!p2 $0x0  }
0x1d: {  	s5 =	simm.s32 @p1 $0x1;
	p0 =	seq.s32 s7, s2  }
0x1e: {  	s7 =	smul.u32 @!p0 $0xF7A, s2;
	p2 =	seq.s32 @!p0 s5, $0x0  }
0x1f: {  	s9 =	smul.u32 $0xF7A, s1;
	s8 =	simm.s32 @!p0 $0x1BF5;
	p2 =	por !p2, p0  }
0x20: {  	[sflag:s8] =	ssyncset.s32 @!p0 $0xFFFFF086;
	s6 =	sadd.s32 @!p0 s3, s7;
	s7 =	simm.s32 @!p0 $0x108  }
0x21: {  	s3 =	sadd.s32 s3, s9;
	s6 =	sadd.s32 @!p0 $0x88, s6;
	s7 =	simm.s32 @p2 $0x1082  }
0x22: {  	[simem:s7], [sflag:s8] =	dma.local @!p0 [hbm:s6], $0xF7A  }
0x23: {  	s9 =	sor.u32 $0xD0000000, s2;
	s6 =	simm.s32 $0x108;
	_ =	swait.ge @!p0 [sflag:s8], $0x0  }
0x24: {  	s3 =	sadd.s32 $0x88, s3;
	s6 =	simm.s32 @!p1 $0x1082;
	[sflag:s4] =	ssyncset.s32 $0xFFFFF086  }
0x25: {  	[simem:s6], [sflag:s4] =	dma.local [hbm:s3], $0xF7A  }
0x26: {  	[smem:$0x3F80] =	sst s1;
	(tag) =	ssettag s2;
	_ =	strace s9  }
0x27: {  	s1 =	sld [smem:$0x3F90]  }
0x28: {  	s2 =	sld [smem:$0x3F91]  }
0x29: {  	s4 =	sld [smem:$0x3F93]  }
0x2a: {  	p0 =	seq.s32 s5, $0x0;
	s5 =	sld [smem:$0x3F94]  }
0x2b: {  	s6 =	sld [smem:$0x3F95]  }
0x2c: {  	s7 =	sld [smem:$0x3F96]  }
0x2d: {  	s3 =	simm.s32 $0x108;
	s8 =	sld [smem:$0x3F97]  }
0x2e: {  	s3 =	simm.s32 @!p0 $0x1082;
	s9 =	sld [smem:$0x3F98]  }
0x2f: {  	lr =	sadd.s32 s0, s3;
	s0 =	sld [smem:$0x3F8F]  }
0x30: {  	s3 =	sld [smem:$0x3F92]  }
0x31: {  	[smem:$0x3F9B] =	sst s10  }
0x32: {  	s10 =	sld [smem:$0x3F99];
	_ =	sdelay $0x3  }
0x33: {  	p0 =	seq.s32 s10, $0x1;
	s10 =	sld [smem:$0x3F9B];
	_ =	sdelay $0x3  }
0x34: {  	[smem:$0x3F9B] =	sst s10  }
0x35: {  	s10 =	sld [smem:$0x3F9A];
	_ =	sdelay $0x3  }
0x36: {  	p1 =	seq.s32 s10, $0x1;
	s10 =	sld [smem:$0x3F9B];
	_ =	sdelay $0x3  }
0x37: {  	[smem:$0x3F9B] =	sst s10  }
0x38: {  	s10 =	sld [smem:$0x3F9C]  }
0x39: {  	_ = 	snop;
	(pc) =	sbr.ind lr, $3  }
0x3a: {  	_ = 	snop  }
0x3b: {  	_ = 	snop  }
0x3c: {  	p2 =	seq.s32 s10, $0x1;
	s10 =	sld [smem:$0x3F9B]  }
0x3d: {  	_ =	shalt  }
0x3e: {  	_ =	shalt  }
0x3f: {  	_ =	shalt  }
0x40: {  	_ =	shalt  }
0x41: {  	_ =	shalt  }
0x42: {  	_ =	shalt  }
0x43: {  	_ =	shalt  }
0x44: {  	_ =	shalt  }
0x45: {  	_ =	shalt  }
0x46: {  	_ =	shalt  }
0x47: {  	_ =	shalt  }
0x48: {  	_ =	shalt  }
0x49: {  	_ =	shalt  }
0x4a: {  	_ =	shalt  }
0x4b: {  	_ =	shalt  }
0x4c: {  	_ =	shalt  }
0x4d: {  	_ =	shalt  }
0x4e: {  	_ =	shalt  }
0x4f: {  	_ =	shalt  }
0x50: {  	_ =	shalt  }
0x51: {  	_ =	shalt  }
0x52: {  	_ =	shalt  }
0x53: {  	_ =	shalt  }
0x54: {  	_ =	shalt  }
0x55: {  	_ =	shalt  }
0x56: {  	_ =	shalt  }
0x57: {  	_ =	shalt  }
0x58: {  	_ =	shalt  }
0x59: {  	_ =	shalt  }
0x5a: {  	_ =	shalt  }
0x5b: {  	_ =	shalt  }
0x5c: {  	_ =	shalt  }
0x5d: {  	_ =	shalt  }
0x5e: {  	_ =	shalt  }
0x5f: {  	_ =	shalt  }
0x60: {  	_ =	shalt  }
0x61: {  	_ =	shalt  }
0x62: {  	_ =	shalt  }
0x63: {  	_ =	shalt  }
0x64: {  	_ =	shalt  }
0x65: {  	_ =	shalt  }
0x66: {  	_ =	shalt  }
0x67: {  	_ =	shalt  }
0x68: {  	_ =	shalt  }
0x69: {  	_ =	shalt  }
0x6a: {  	_ =	shalt  }
0x6b: {  	_ =	shalt  }
0x6c: {  	_ =	shalt  }
0x6d: {  	_ =	shalt  }
0x6e: {  	_ =	shalt  }
0x6f: {  	_ =	shalt  }
0x70: {  	_ =	shalt  }
0x71: {  	_ =	shalt  }
0x72: {  	_ =	shalt  }
0x73: {  	_ =	shalt  }
0x74: {  	_ =	shalt  }
0x75: {  	_ =	shalt  }
0x76: {  	_ =	shalt  }
0x77: {  	_ =	shalt  }
0x78: {  	_ =	shalt  }
0x79: {  	_ =	shalt  }
0x7a: {  	_ =	shalt  }
0x7b: {  	_ =	shalt  }
0x7c: {  	_ =	shalt  }
0x7d: {  	_ =	shalt  }
0x7e: {  	_ =	shalt  }
0x7f: {  	_ =	shalt  }
0x80: {  	_ =	shalt  }
0x81: {  	_ =	shalt  }
0x82: {  	_ =	shalt  }
0x83: {  	_ =	shalt  }
0x84: {  	_ =	shalt  }
0x85: {  	_ =	shalt  }
0x86: {  	_ =	shalt  }
0x87: {  	_ =	shalt  }
.Lfunc_end0:
.L_simem_size_0:
called_computation.3_lowered:
.L_overlay_start_0:
0x88: {  	s2 =	sld [smem:$0x3FD9]  }
0x89: {  	s3 =	sld [smem:$0x3FFE];
	_ =	sdelay $0x1  }
0x8a: {  	s1 =	srdreg.scid  }
0x8b: {  	s0 =	sand.u32 $0x1, s1  }
0x8c: {  	s17 =	sshll.u32 s0, $0xA;
	s2 =	sadd.s32 s3, s2  }
0x8d: {  	s2 =	sadd.s32 s2, s17  }
0x8e: {  	[smem:$0x3FA7] =	sst s2  }
0x8f: {  	_ = 	snop  }
0x90: {  	s2 =	sld [smem:$0x3FD0];
	(tm) =	ssettm $0x1  }
0x91: {  	s18 =	sld [smem:$0x3FFB];
	_ =	sdelay $0x3  }
0x92: {  	_ =	strace s18  }
0x93: {  	s3 =	sld [smem:$0x3FFC];
	_ =	sdelay $0x3  }
0x94: {  	_ =	strace s3  }
0x95: {  	s3 =	sld [smem:$0x3FFD];
	_ =	sdelay $0x3  }
0x96: {  	_ =	strace s3  }
0x97: {  	_ =	strace $0x8FFFFFFF  }
0x98: {  	s19 =	sld [smem:$0x3FDB];
	_ =	sdelay $0x1  }
0x99: {  	s4 =	simm.s32 $_scs_section_size  }
0x9a: {  	s5 =	simm.s32 $_size__tile_overlayer_lowered;
	s6 =	simm.s32 $_tile_overlayer_lowered  }
0x9b: {  	s22 =	simm.s32 $0x1BFF;
	s21 =	sshll.u32 s6, $0x1;
	s3 =	sadd.s32 s4, s19  }
0x9c: {  	s7 =	simm.s32 $0x0;
	s20 =	sshll.u32 s5, $0x1;
	s5 =	sadd.s32 s21, s3  }
0x9d: {  	[timem:s7], [sflag:s22] =	dma.local [hbm:s5], s20  }
0x9e: {  	_ =	swait.ge [sflag:s22], s20  }
0x9f: {  	s4 =	ssub.s32 $0x0, s20;
	[sflag:s22] =	ssyncset.done $0x0  }
0xa0: {  	[sflag:s22] =	ssyncadd.s32 s4;
	_ =	sdelay $0x1  }
0xa1: {  	s23 =	simm.s32 $0x1B8B  }
0xa2: {  	_ =	swait.ge [sflag:s23], $0x1  }
0xa3: {  	[sflag:s23] =	ssyncset.done $0x0  }
0xa4: {  	s25 =	simm.s32 $0x1B8E;
	s24 =	sld [smem:$0x3FFE];
	[sflag:s23] =	ssyncadd.s32 $0xFFFFFFFF  }
0xa5: {  	s26 =	simm.s32 $execute0_lowered;
	[smem:$0x3FD2] =	sst s25  }
0xa6: {  	s5 =	sshll.u32 s26, $0x1;
	_ =	strace $0x8000004F;
	[dreg:$0x1] =	wrdreg $0xFFFFFFFF  }
0xa7: {  	s28 =	simm.s32 $_size_execute0_lowered;
	s3 =	sadd.s32 s3, s5;
	[dreg:$0x0] =	wrdreg $0x0  }
0xa8: {  	s5 =	sshll.u32 s28, $0x1;
	[dreg:$0x2] =	wrdreg s3  }
0xa9: {  	[dreg:$0x3] =	wrdreg s5  }
0xaa: {  	[dreg:$0x4] =	wrdreg $0xC0  }
0xab: {  	_ =	task [dreg:s7], $0x5FFFF  }
0xac: {  	[dreg:$0x1] =	wrdreg $0xFFFFFFFF  }
0xad: {  	[dreg:$0x0] =	wrdreg $0x60  }
0xae: {  	[dreg:$0x2] =	wrdreg s24  }
0xaf: {  	[dreg:$0x3] =	wrdreg s2  }
0xb0: {  	[dreg:$0x4] =	wrdreg $0x5EB80  }
0xb1: {  	[dreg:$0x5] =	wrdreg $0x9  }
0xb2: {  	_ =	task.clear_ibuf [dreg:s7], $0x6FFFF;
	_ =	strace $0x9000004F  }
0xb3: {  	s29 =	simm.s32 $0x9;
	_ =	strace $0x80000051  }
0xb4: {  	_ =	swait.ge [sflag:s29], $0x1  }
0xb5: {  	[sflag:s29] =	ssyncadd.s32 $0xFFFFFFFF  }
0xb6: {  	_ =	strace $0x90000051  }
0xb7: {  	_ =	sfence  }
0xb8: {  	s30 =	sld [smem:$0x0];
	_ =	sdelay $0x2  }
0xb9: {  	s31 =	sshll.u32 s1, $0xD;
	s1 =	sshrl.u32 s1, $0x2  }
0xba: {  	s3 =	sand.u32 $0x4000, s31;
	s1 =	sadd.s32 s1, s30  }
0xbb: {  	s0 =	sor.u32 s3, s0;
	s1 =	sshll.u32 s1, $0x11  }
0xbc: {  	s0 =	sor.u32 s1, s0  }
0xbd: {  	s0 =	sadd.s32 $0x8F2B, s0  }
0xbe: {  	[sflag:s0] =	ssyncadd.remote.s32 $0x1  }
0xbf: {  	_ =	sfence.sel $0xFFFF  }
0xc0: {  	[dreg:$0x0] =	wrdreg $0xFFFFFFFF;
	(pc) =	sbr.abs _section_cstart, $3  }
0xc1: {  	[dreg:$0x1] =	wrdreg $0xFFFFFFFF  }
0xc2: {  	_ =	task.clear_ibuf [dreg:s7], $0x2FFFF;
	_ =	strace $0x9FFFFFFF  }
0xc3: {  	(tm) =	ssettm $0x7FFFFFFF  }
tec
execute0_lowered:
.L_overlay_start_1:
0x0: {  	(tag) =	ssettag $0x1  }
0x1: {  	s0 =	rddreg [dreg:$0x0]  }
0x2: {  	s22 =	rddreg [dreg:$0x1]  }
0x3: {  	s3 =	rddreg [dreg:$0x2]  }
0x4: {  	s8 =	stileid.u32;
	s1 =	srdreg.scid  }
0x5: {  	s4 =	simm.s32 $0x0;
	s28 =	simm.s32 $0x38;
	s29 =	simm.s32 $0x1538  }
0x6: {  	s2 =	smul.u32 $0x4E00, s8;
	s1 =	sand.u32 $0x1, s1;
	[smem:$0x7FF] =	sst s4  }
0x7: {  	s15 =	sadd.s32 $0x9A00, s0;
	s6 =	sshll.u32 s8, $0x1;
	s21 =	sshll.u32 s8, $0x6  }
0x8: {  	s5 =	smul.u32 $0x4E000, s1;
	_ =	strace $0x80000050;
	s12 =	sor.u32 s1, s6  }
0x9: {  	s1 =	ssub.s32 $0x2, s1;
	s7 =	sshrl.u32 s2, $0x3;
	s18 =	smul.u32 $0x188, s12  }
0xa: {  	s20 =	sshrl.u32 s1, $0x1;
	s23 =	smul.u32 $0x1260, s12;
	s5 =	sadd.s32 s2, s5  }
0xb: {  	s19 =	sadd.s32 s7, s0;
	s1 =	ssub.s32 s1, s20;
	s7 =	sor.u32 $0x1C01, s21  }
0xc: {  	s5 =	sshrl.u32 s5, $0x3;
	s6 =	sadd.s32 $0x2E600, s19;
	s11 =	smax.u32 s1, $0x1  }
0xd: {  	s24 =	sadd.s32 $0x38, s18;
	s25 =	sshrl.u32 s18, $0x3;
	s13 =	sadd.s32 s15, s23  }
0xe: {  	s26 =	sadd.s32 $0xA8, s18;
	s30 =	sadd.s32 $0x118, s18;
	s10 =	sadd.s32 s5, s0  }
0xf: {  	s0 =	sadd.s32 s18, s0;
	s5 =	sadd.s32 s2, s3;
	s14 =	sshrl.u32 s24, $0x3  }
0x10: {  	s1 =	smul.u32 $0xC, s24;
	s12 =	sadd.s32 s22, s25;
	s17 =	sadd.s32 $0x540, s13  }
0x11: {  	s19 =	sadd.s32 $0x7E0, s13;
	s31 =	sshrl.u32 s30, $0x3;
	s21 =	sadd.s32 $0xA80, s13  }
0x12: {  	s23 =	sadd.s32 $0xD20, s13;
	s25 =	sadd.s32 $0xFC0, s13;
	s8 =	sadd.s32 $0xBB600, s0  }
0x13: {  	s9 =	sadd.s32 $0x4BA00, s0;
	s10 =	sadd.s32 $0x38200, s10;
	s14 =	sadd.s32 s22, s14  }
0x14: {  	s16 =	sadd.s32 $0xE, s12;
	s0 =	sshrl.u32 s26, $0x3;
	s20 =	sadd.s32 $0x1C, s12  }
0x15: {  	s24 =	sadd.s32 $0x2A, s12;
	s26 =	simm.s32 $0x1;
	s15 =	sadd.s32 s15, s1  }
0x16: {  	s18 =	sadd.s32 s22, s0;
	s22 =	sadd.s32 s22, s31;
	s0 =	simm.s32 $0x0  }
.LBB2_1:
0x17: {  	s1 =	sshrl.u32 s5, $0x3  }
0x18: {  	[spmem:s1], [sflag:s7] =	dma.local [hbm:s6], $0x9C0  }
0x19: {  	_ =	swait.ge [sflag:s26], $0x9C0  }
0x1a: {  	[sflag:s26] =	ssyncset.done $0x0  }
0x1b: {  	[sflag:s26] =	ssyncadd.s32 $0xFFFFF640  }
0x1c: {  	[bflag:$0x0] =	sbarrier.arrive $0xFFFF  }
0x1d: {  	[tilespmem:s4], [sflag:$0x1] =	stream.linear.gather [hbm4b:s12+s4], $0x38, $0x38;
	[tilespmem:$0xACB8] =	vst v63  }
0x1e: {  	_ =	swait.ge [sflag:s26], $0x38  }
0x1f: {  	[sflag:s26] =	ssyncset.done $0x0  }
0x20: {  	[sflag:s26] =	ssyncadd.s32 $0xFFFFFFC8  }
0x21: {  	[tilespmem:s28], [sflag:$0x1] =	stream.linear.gather [hbm4b:s13+s4], $0x1500, $0x38;
	[tilespmem:$0xACB8] =	vst v63  }
0x22: {  	_ =	swait.ge [sflag:s26], $0x1500  }
0x23: {  	[sflag:s26] =	ssyncset.done $0x0  }
0x24: {  	[sflag:s26] =	ssyncadd.s32 $0xFFFFEB00  }
0x25: {  	[spmem:s3] =	stream.indirect.scatter.add.f32 [tilespmem:s28], [sflag:$0x1], $0x60, s4, s28, $0xb8;
	[tilespmem:$0xACB8] =	vst v63  }
0x26: {  	_ =	swait.ge [sflag:s26], $0x1500  }
0x27: {  	[sflag:s26] =	ssyncset.done $0x0  }
0x28: {  	[sflag:s26] =	ssyncadd.s32 $0xFFFFEB00  }
0x29: {  	[tilespmem:s4], [sflag:$0x1] =	stream.linear.gather [hbm4b:s14+s4], $0x38, $0x38;
	[tilespmem:$0xACB8] =	vst v63  }
0x2a: {  	_ =	swait.ge [sflag:s26], $0x38  }
0x2b: {  	[sflag:s26] =	ssyncset.done $0x0  }
0x2c: {  	[sflag:s26] =	ssyncadd.s32 $0xFFFFFFC8  }
0x2d: {  	[tilespmem:s28], [sflag:$0x1] =	stream.linear.gather [hbm4b:s15+s4], $0x1500, $0x38;
	[tilespmem:$0xACB8] =	vst v63  }
0x2e: {  	_ =	swait.ge [sflag:s26], $0x1500  }
0x2f: {  	[sflag:s26] =	ssyncset.done $0x0  }
0x30: {  	[sflag:s26] =	ssyncadd.s32 $0xFFFFEB00  }
0x31: {  	[spmem:s3] =	stream.indirect.scatter.add.f32 [tilespmem:s28], [sflag:$0x1], $0x60, s4, s28, $0xb8;
	[tilespmem:$0xACB8] =	vst v63  }
0x32: {  	_ =	swait.ge [sflag:s26], $0x1500  }
0x33: {  	[sflag:s26] =	ssyncset.done $0x0  }
0x34: {  	[sflag:s26] =	ssyncadd.s32 $0xFFFFEB00  }
0x35: {  	[tilespmem:s4], [sflag:$0x1] =	stream.linear.gather [hbm4b:s16+s4], $0x38, $0x38;
	[tilespmem:$0xACB8] =	vst v63  }
0x36: {  	_ =	swait.ge [sflag:s26], $0x38  }
0x37: {  	[sflag:s26] =	ssyncset.done $0x0  }
0x38: {  	[sflag:s26] =	ssyncadd.s32 $0xFFFFFFC8  }
0x39: {  	[tilespmem:s28], [sflag:$0x1] =	stream.linear.gather [hbm4b:s17+s4], $0x1500, $0x38;
	[tilespmem:$0xACB8] =	vst v63  }
0x3a: {  	_ =	swait.ge [sflag:s26], $0x1500  }
0x3b: {  	[sflag:s26] =	ssyncset.done $0x0  }
0x3c: {  	[sflag:s26] =	ssyncadd.s32 $0xFFFFEB00  }
0x3d: {  	[spmem:s3] =	stream.indirect.scatter.add.f32 [tilespmem:s28], [sflag:$0x1], $0x60, s4, s28, $0xb8;
	[tilespmem:$0xACB8] =	vst v63  }
0x3e: {  	_ =	swait.ge [sflag:s26], $0x1500  }
0x3f: {  	[sflag:s26] =	ssyncset.done $0x0  }
0x40: {  	[sflag:s26] =	ssyncadd.s32 $0xFFFFEB00  }
0x41: {  	[tilespmem:s4], [sflag:$0x1] =	stream.linear.gather [hbm4b:s18+s4], $0x38, $0x38;
	[tilespmem:$0xACB8] =	vst v63  }
0x42: {  	_ =	swait.ge [sflag:s26], $0x38  }
0x43: {  	[sflag:s26] =	ssyncset.done $0x0  }
0x44: {  	[sflag:s26] =	ssyncadd.s32 $0xFFFFFFC8  }
0x45: {  	[tilespmem:s28], [sflag:$0x1] =	stream.linear.gather [hbm4b:s19+s4], $0x1500, $0x38;
	[tilespmem:$0xACB8] =	vst v63  }
0x46: {  	_ =	swait.ge [sflag:s26], $0x1500  }
0x47: {  	[sflag:s26] =	ssyncset.done $0x0  }
0x48: {  	[sflag:s26] =	ssyncadd.s32 $0xFFFFEB00  }
0x49: {  	[spmem:s3] =	stream.indirect.scatter.add.f32 [tilespmem:s28], [sflag:$0x1], $0x60, s4, s28, $0xb8;
	[tilespmem:$0xACB8] =	vst v63  }
0x4a: {  	_ =	swait.ge [sflag:s26], $0x1500  }
0x4b: {  	[sflag:s26] =	ssyncset.done $0x0  }
0x4c: {  	[sflag:s26] =	ssyncadd.s32 $0xFFFFEB00  }
0x4d: {  	[tilespmem:s4], [sflag:$0x1] =	stream.linear.gather [hbm4b:s20+s4], $0x38, $0x38;
	[tilespmem:$0xACB8] =	vst v63  }
0x4e: {  	_ =	swait.ge [sflag:s26], $0x38  }
0x4f: {  	[sflag:s26] =	ssyncset.done $0x0  }
0x50: {  	[sflag:s26] =	ssyncadd.s32 $0xFFFFFFC8  }
0x51: {  	[tilespmem:s28], [sflag:$0x1] =	stream.linear.gather [hbm4b:s21+s4], $0x1500, $0x38;
	[tilespmem:$0xACB8] =	vst v63  }
0x52: {  	_ =	swait.ge [sflag:s26], $0x1500  }
0x53: {  	[sflag:s26] =	ssyncset.done $0x0  }
0x54: {  	[sflag:s26] =	ssyncadd.s32 $0xFFFFEB00  }
0x55: {  	[spmem:s3] =	stream.indirect.scatter.add.f32 [tilespmem:s28], [sflag:$0x1], $0x60, s4, s28, $0xb8;
	[tilespmem:$0xACB8] =	vst v63  }
0x56: {  	_ =	swait.ge [sflag:s26], $0x1500  }
0x57: {  	[sflag:s26] =	ssyncset.done $0x0  }
0x58: {  	[sflag:s26] =	ssyncadd.s32 $0xFFFFEB00  }
0x59: {  	[tilespmem:s4], [sflag:$0x1] =	stream.linear.gather [hbm4b:s22+s4], $0x38, $0x38;
	[tilespmem:$0xACB8] =	vst v63  }
0x5a: {  	_ =	swait.ge [sflag:s26], $0x38  }
0x5b: {  	[sflag:s26] =	ssyncset.done $0x0  }
0x5c: {  	[sflag:s26] =	ssyncadd.s32 $0xFFFFFFC8  }
0x5d: {  	[tilespmem:s28], [sflag:$0x1] =	stream.linear.gather [hbm4b:s23+s4], $0x1500, $0x38;
	[tilespmem:$0xACB8] =	vst v63  }
0x5e: {  	_ =	swait.ge [sflag:s26], $0x1500  }
0x5f: {  	[sflag:s26] =	ssyncset.done $0x0  }
0x60: {  	[sflag:s26] =	ssyncadd.s32 $0xFFFFEB00  }
0x61: {  	[spmem:s3] =	stream.indirect.scatter.add.f32 [tilespmem:s28], [sflag:$0x1], $0x60, s4, s28, $0xb8;
	[tilespmem:$0xACB8] =	vst v63  }
0x62: {  	_ =	swait.ge [sflag:s26], $0x1500  }
0x63: {  	[sflag:s26] =	ssyncset.done $0x0  }
0x64: {  	[sflag:s26] =	ssyncadd.s32 $0xFFFFEB00  }
0x65: {  	[tilespmem:s4], [sflag:$0x1] =	stream.linear.gather [hbm4b:s24+s4], $0x38, $0x38;
	[tilespmem:$0xACB8] =	vst v63  }
0x66: {  	_ =	swait.ge [sflag:s26], $0x38  }
0x67: {  	[sflag:s26] =	ssyncset.done $0x0  }
0x68: {  	[sflag:s26] =	ssyncadd.s32 $0xFFFFFFC8  }
0x69: {  	[tilespmem:s28], [sflag:$0x1] =	stream.linear.gather [hbm4b:s25+s4], $0x1500, $0x38;
	[tilespmem:$0xACB8] =	vst v63  }
0x6a: {  	_ =	swait.ge [sflag:s26], $0x1500  }
0x6b: {  	[sflag:s26] =	ssyncset.done $0x0  }
0x6c: {  	[sflag:s26] =	ssyncadd.s32 $0xFFFFEB00  }
0x6d: {  	[spmem:s3] =	stream.indirect.scatter.add.f32 [tilespmem:s28], [sflag:$0x1], $0x60, s4, s28, $0xb8;
	[tilespmem:$0xACB8] =	vst v63  }
0x6e: {  	_ =	swait.ge [sflag:s26], $0x1500  }
0x6f: {  	[sflag:s26] =	ssyncset.done $0x0  }
0x70: {  	[sflag:s26] =	ssyncadd.s32 $0xFFFFEB00  }
0x71: {  	s2 =	rddreg [dreg:$0x1]  }
0x72: {  	[tilespmem:s29], [sflag:$0x1] =	stream.linear.gather [hbm4b:s2+s4], $0x3100, $0x38;
	[tilespmem:$0xACB8] =	vst v63  }
0x73: {  	_ =	swait.ge [sflag:s26], $0x3100  }
0x74: {  	[sflag:s26] =	ssyncset.done $0x0  }
0x75: {  	s2 =	simm.s32 $0x4638;
	[sflag:s26] =	ssyncadd.s32 $0xFFFFCF00  }
0x76: {  	[tilespmem:s2], [sflag:$0x1] =	stream.linear.gather [hbm4b:s8+s4], $0xC40, $0x38;
	[tilespmem:$0xACB8] =	vst v63  }
0x77: {  	_ =	swait.ge [sflag:s26], $0xC40  }
0x78: {  	[sflag:s26] =	ssyncset.done $0x0  }
0x79: {  	s2 =	simm.s32 $0x0;
	[sflag:s26] =	ssyncadd.s32 $0xFFFFF3C0  }
0x7a: {  	v0 =	vld [tilespmem:s2+$0x4638];
	_ =	sdelay $0x7  }
0x7b: {  	s30 =	simm.s32 $0x10;
	s31 =	simm.s32 $0x80;
	v0 =	vld.idx.msk [tilespmem:v0+s29+$0x0], $0xffff  }
.LBB2_2:
0x7c: {  	p0 =	sne.s32 s31, $0x30C0;
	v1 =	vld [tilespmem:s30+$0x4638];
	_ =	sdelay $0x3  }
.Ltmp0:
0x7d: {  	(pc) =	sbr.rel @p0 .LBB2_2-.Ltmp0, $2  }
0x7e: {  	[tilespmem:s2+$0x5278] =	vst v0;
	s2 =	smov.u32 s30;
	_ =	sdelay $0x2  }
0x7f: {  	s30 =	sshra.s32 s31, $0x2;
	s31 =	sadd.s32 $0x40, s31;
	v0 =	vld.idx.msk [tilespmem:v1+s29+$0x0], $0xffff  }
0x80: {  	v1 =	vld [tilespmem:s30+$0x4638];
	_ =	sdelay $0x6  }
0x81: {  	[tilespmem:s2+$0x5278] =	vst v0  }
0x82: {  	v0 =	vld.idx.msk [tilespmem:v1+s29+$0x0], $0xffff;
	_ =	sdelay $0x4  }
0x83: {  	s31 =	simm.s32 $0x5278;
	[tilespmem:s30+$0x5278] =	vst v0  }
0x84: {  	[hbm4b:s9+s4] =	stream.linear.scatter [tilespmem:s31], [sflag:$0x1], $0xC40, $0x38;
	[tilespmem:$0xACB8] =	vst v63  }
0x85: {  	_ =	swait.ge [sflag:s26], $0xC40  }
0x86: {  	s0 =	sadd.s32 $0x1, s0;
	[sflag:s26] =	ssyncset.done $0x0  }
0x87: {  	p0 =	sne.s32 s0, s11;
	[sflag:s26] =	ssyncadd.s32 $0xFFFFF3C0  }
.Ltmp1:
0x88: {  	[bflag:$0x0] =	sbarrier.arrive $0xFFFF;
	(pc) =	sbr.rel @p0 .LBB2_1-.Ltmp1, $4  }
0x89: {  	[hbm:s10], [sflag:s7] =	dma.local [spmem:s1], $0x9C0  }
0x8a: {  	_ =	swait.ge [sflag:s26], $0x9C0  }
0x8b: {  	[sflag:s26] =	ssyncset.done $0x0  }
0x8c: {  	[sflag:s26] =	ssyncadd.s32 $0xFFFFF640  }
0x8d: {  	_ =	sfence.sel $0x180000  }
0x8e: {  	[bflag:$0x0] =	sbarrier.arrive $0xFFFF  }
0x8f: {  	_ =	strace $0x90000050  }
0x90: {  	s0 =	stileid.u32;
	[bflag:$0x2] =	sbarrier.arrive $0xFFFF  }
0x91: {  	p0 =	sne.s32 s0, $0x0;
	s0 =	rddreg [dreg:$0x3]  }
0x92: {  	s0 =	sadd.s32 @!p0 $0x100000, s0  }
0x93: {  	[sflag:s0] =	ssyncadd.tile.s32 @!p0 $0x1;
	_ =	shalt  }
.Lfunc_end2:
_tile_overlayer_lowered:
.L_overlay_start_2:
0x94: {  	(tag) =	ssettag $0x2  }
0x95: {  	s0 =	rddreg [dreg:$0x0];
	s2 =	stileid.u32  }
0x96: {  	s1 =	rddreg [dreg:$0x1];
	p0 =	sne.s32 s2, $0x0  }
0x97: {  	s3 =	rddreg [dreg:$0x2];
	[bflag:$0x3] =	sbarrier.arrive $0xFFFF;
	s2 =	simm.s32 @!p0 $0x1C01  }
0x98: {  	[timem:s3], [sflag:s2] =	dma.local @!p0 [hbm:s0], s1  }
0x99: {  	s0 =	simm.s32 @!p0 $0x1  }
0x9a: {  	_ =	swait.ge @!p0 [sflag:s0], s1  }
0x9b: {  	s1 =	ssub.s32 @!p0 $0x0, s1;
	[sflag:s0] =	ssyncset.done @!p0 $0x0  }
0x9c: {  	[sflag:s0] =	ssyncadd.s32 @!p0 s1  }
0x9d: {  	[bflag:$0x3] =	sbarrier.arrive $0xFFFF  }
0x9e: {  	_ =	shalt  }

// kernel: sc_pool_2.3.cloned.1.call-start
scs
__scs_entry_jumppad:
0x0: {  	(pc) =	sbr.rel $0x88, $3  }
0x1: {  	(tag) =	ssettag $0x0;
	lr =	simm.s32 $0x1  }
0x2: {  	[smem:$0x3F80] =	sst lr;
	_ =	strace $0xD0000000  }
0x3: {  	_ = 	snop  }
0x4: {  	_ = 	snop  }
0x5: {  	_ = 	snop  }
0x6: {  	_ = 	snop  }
0x7: {  	_ = 	snop  }
__scs_overlays_trampoline_lowered:
0x8: {  	[smem:$0x3F8F] =	sst s0  }
0x9: {  	[smem:$0x3F90] =	sst s1  }
0xa: {  	[smem:$0x3F91] =	sst s2  }
0xb: {  	[smem:$0x3F92] =	sst s3  }
0xc: {  	[smem:$0x3F93] =	sst s4  }
0xd: {  	[smem:$0x3F94] =	sst s5  }
0xe: {  	[smem:$0x3F95] =	sst s6  }
0xf: {  	[smem:$0x3F96] =	sst s7  }
0x10: {  	[smem:$0x3F97] =	sst s8  }
0x11: {  	[smem:$0x3F98] =	sst s9;
	s0 =	simm.s32 @!p0 $0x0  }
0x12: {  	s1 =	sld [smem:$0x3F7E];
	s0 =	simm.s32 @p0 $0x1  }
0x13: {  	[smem:$0x3F99] =	sst s0;
	s0 =	simm.s32 @!p1 $0x0  }
0x14: {  	s2 =	sld [smem:$0x3F7D];
	s0 =	simm.s32 @p1 $0x1  }
0x15: {  	[smem:$0x3F9A] =	sst s0;
	s0 =	simm.s32 @!p2 $0x0  }
0x16: {  	s3 =	sld [smem:$0x3FDB];
	s0 =	simm.s32 @p2 $0x1  }
0x17: {  	s4 =	simm.s32 $0x1BF5;
	[smem:$0x3F9C] =	sst s0  }
0x18: {  	s0 =	sld [smem:$0x3F7F];
	_ =	swait.ge [sflag:s4], $0x0  }
0x19: {  	s7 =	sld [smem:$0x3F80]  }
0x1a: {  	s8 =	sadd.s32 $0xFFFFE003, lr  }
0x1b: {  	s9 =	sadd.s32 $0xFFFFFEF7, lr;
	s5 =	simm.s32 $0xFFFFFFFF;
	p2 =	slt.u32 s8, $0xFFFFF086  }
0x1c: {  	p1 =	slt.u32 s9, $0xF7A;
	s5 =	simm.s32 @!p2 $0x0  }
0x1d: {  	s5 =	simm.s32 @p1 $0x1;
	p0 =	seq.s32 s7, s2  }
0x1e: {  	s7 =	smul.u32 @!p0 $0xF7A, s2;
	p2 =	seq.s32 @!p0 s5, $0x0  }
0x1f: {  	s9 =	smul.u32 $0xF7A, s1;
	s8 =	simm.s32 @!p0 $0x1BF5;
	p2 =	por !p2, p0  }
0x20: {  	[sflag:s8] =	ssyncset.s32 @!p0 $0xFFFFF086;
	s6 =	sadd.s32 @!p0 s3, s7;
	s7 =	simm.s32 @!p0 $0x108  }
0x21: {  	s3 =	sadd.s32 s3, s9;
	s6 =	sadd.s32 @!p0 $0x88, s6;
	s7 =	simm.s32 @p2 $0x1082  }
0x22: {  	[simem:s7], [sflag:s8] =	dma.local @!p0 [hbm:s6], $0xF7A  }
0x23: {  	s9 =	sor.u32 $0xD0000000, s2;
	s6 =	simm.s32 $0x108;
	_ =	swait.ge @!p0 [sflag:s8], $0x0  }
0x24: {  	s3 =	sadd.s32 $0x88, s3;
	s6 =	simm.s32 @!p1 $0x1082;
	[sflag:s4] =	ssyncset.s32 $0xFFFFF086  }
0x25: {  	[simem:s6], [sflag:s4] =	dma.local [hbm:s3], $0xF7A  }
0x26: {  	[smem:$0x3F80] =	sst s1;
	(tag) =	ssettag s2;
	_ =	strace s9  }
0x27: {  	s1 =	sld [smem:$0x3F90]  }
0x28: {  	s2 =	sld [smem:$0x3F91]  }
0x29: {  	s4 =	sld [smem:$0x3F93]  }
0x2a: {  	p0 =	seq.s32 s5, $0x0;
	s5 =	sld [smem:$0x3F94]  }
0x2b: {  	s6 =	sld [smem:$0x3F95]  }
0x2c: {  	s7 =	sld [smem:$0x3F96]  }
0x2d: {  	s3 =	simm.s32 $0x108;
	s8 =	sld [smem:$0x3F97]  }
0x2e: {  	s3 =	simm.s32 @!p0 $0x1082;
	s9 =	sld [smem:$0x3F98]  }
0x2f: {  	lr =	sadd.s32 s0, s3;
	s0 =	sld [smem:$0x3F8F]  }
0x30: {  	s3 =	sld [smem:$0x3F92]  }
0x31: {  	[smem:$0x3F9B] =	sst s10  }
0x32: {  	s10 =	sld [smem:$0x3F99];
	_ =	sdelay $0x3  }
0x33: {  	p0 =	seq.s32 s10, $0x1;
	s10 =	sld [smem:$0x3F9B];
	_ =	sdelay $0x3  }
0x34: {  	[smem:$0x3F9B] =	sst s10  }
0x35: {  	s10 =	sld [smem:$0x3F9A];
	_ =	sdelay $0x3  }
0x36: {  	p1 =	seq.s32 s10, $0x1;
	s10 =	sld [smem:$0x3F9B];
	_ =	sdelay $0x3  }
0x37: {  	[smem:$0x3F9B] =	sst s10  }
0x38: {  	s10 =	sld [smem:$0x3F9C]  }
0x39: {  	_ = 	snop;
	(pc) =	sbr.ind lr, $3  }
0x3a: {  	_ = 	snop  }
0x3b: {  	_ = 	snop  }
0x3c: {  	p2 =	seq.s32 s10, $0x1;
	s10 =	sld [smem:$0x3F9B]  }
0x3d: {  	_ =	shalt  }
0x3e: {  	_ =	shalt  }
0x3f: {  	_ =	shalt  }
0x40: {  	_ =	shalt  }
0x41: {  	_ =	shalt  }
0x42: {  	_ =	shalt  }
0x43: {  	_ =	shalt  }
0x44: {  	_ =	shalt  }
0x45: {  	_ =	shalt  }
0x46: {  	_ =	shalt  }
0x47: {  	_ =	shalt  }
0x48: {  	_ =	shalt  }
0x49: {  	_ =	shalt  }
0x4a: {  	_ =	shalt  }
0x4b: {  	_ =	shalt  }
0x4c: {  	_ =	shalt  }
0x4d: {  	_ =	shalt  }
0x4e: {  	_ =	shalt  }
0x4f: {  	_ =	shalt  }
0x50: {  	_ =	shalt  }
0x51: {  	_ =	shalt  }
0x52: {  	_ =	shalt  }
0x53: {  	_ =	shalt  }
0x54: {  	_ =	shalt  }
0x55: {  	_ =	shalt  }
0x56: {  	_ =	shalt  }
0x57: {  	_ =	shalt  }
0x58: {  	_ =	shalt  }
0x59: {  	_ =	shalt  }
0x5a: {  	_ =	shalt  }
0x5b: {  	_ =	shalt  }
0x5c: {  	_ =	shalt  }
0x5d: {  	_ =	shalt  }
0x5e: {  	_ =	shalt  }
0x5f: {  	_ =	shalt  }
0x60: {  	_ =	shalt  }
0x61: {  	_ =	shalt  }
0x62: {  	_ =	shalt  }
0x63: {  	_ =	shalt  }
0x64: {  	_ =	shalt  }
0x65: {  	_ =	shalt  }
0x66: {  	_ =	shalt  }
0x67: {  	_ =	shalt  }
0x68: {  	_ =	shalt  }
0x69: {  	_ =	shalt  }
0x6a: {  	_ =	shalt  }
0x6b: {  	_ =	shalt  }
0x6c: {  	_ =	shalt  }
0x6d: {  	_ =	shalt  }
0x6e: {  	_ =	shalt  }
0x6f: {  	_ =	shalt  }
0x70: {  	_ =	shalt  }
0x71: {  	_ =	shalt  }
0x72: {  	_ =	shalt  }
0x73: {  	_ =	shalt  }
0x74: {  	_ =	shalt  }
0x75: {  	_ =	shalt  }
0x76: {  	_ =	shalt  }
0x77: {  	_ =	shalt  }
0x78: {  	_ =	shalt  }
0x79: {  	_ =	shalt  }
0x7a: {  	_ =	shalt  }
0x7b: {  	_ =	shalt  }
0x7c: {  	_ =	shalt  }
0x7d: {  	_ =	shalt  }
0x7e: {  	_ =	shalt  }
0x7f: {  	_ =	shalt  }
0x80: {  	_ =	shalt  }
0x81: {  	_ =	shalt  }
0x82: {  	_ =	shalt  }
0x83: {  	_ =	shalt  }
0x84: {  	_ =	shalt  }
0x85: {  	_ =	shalt  }
0x86: {  	_ =	shalt  }
0x87: {  	_ =	shalt  }
.Lfunc_end0:
.L_simem_size_0:
called_computation.5_lowered:
.L_overlay_start_0:
0x88: {  	s2 =	sld [smem:$0x3FD9]  }
0x89: {  	s3 =	sld [smem:$0x3FFE];
	_ =	sdelay $0x1  }
0x8a: {  	s1 =	srdreg.scid  }
0x8b: {  	s0 =	sand.u32 $0x1, s1  }
0x8c: {  	s17 =	sshll.u32 s0, $0xA;
	s2 =	sadd.s32 s3, s2  }
0x8d: {  	s2 =	sadd.s32 s2, s17  }
0x8e: {  	[smem:$0x3FA7] =	sst s2  }
0x8f: {  	_ = 	snop  }
0x90: {  	s2 =	sld [smem:$0x3FD0];
	(tm) =	ssettm $0x1  }
0x91: {  	s18 =	sld [smem:$0x3FFB];
	_ =	sdelay $0x3  }
0x92: {  	_ =	strace s18  }
0x93: {  	s3 =	sld [smem:$0x3FFC];
	_ =	sdelay $0x3  }
0x94: {  	_ =	strace s3  }
0x95: {  	s3 =	sld [smem:$0x3FFD];
	_ =	sdelay $0x3  }
0x96: {  	_ =	strace s3  }
0x97: {  	_ =	strace $0x8FFFFFFF  }
0x98: {  	s19 =	sld [smem:$0x3FDB];
	_ =	sdelay $0x1  }
0x99: {  	s4 =	simm.s32 $_scs_section_size  }
0x9a: {  	s5 =	simm.s32 $_size__tile_overlayer_lowered;
	s6 =	simm.s32 $_tile_overlayer_lowered  }
0x9b: {  	s22 =	simm.s32 $0x1BFF;
	s21 =	sshll.u32 s6, $0x1;
	s3 =	sadd.s32 s4, s19  }
0x9c: {  	s7 =	simm.s32 $0x0;
	s20 =	sshll.u32 s5, $0x1;
	s5 =	sadd.s32 s21, s3  }
0x9d: {  	[timem:s7], [sflag:s22] =	dma.local [hbm:s5], s20  }
0x9e: {  	_ =	swait.ge [sflag:s22], s20  }
0x9f: {  	s4 =	ssub.s32 $0x0, s20;
	[sflag:s22] =	ssyncset.done $0x0  }
0xa0: {  	[sflag:s22] =	ssyncadd.s32 s4;
	_ =	sdelay $0x1  }
0xa1: {  	s23 =	simm.s32 $0x1B8B  }
0xa2: {  	_ =	swait.ge [sflag:s23], $0x1  }
0xa3: {  	[sflag:s23] =	ssyncset.done $0x0  }
0xa4: {  	s25 =	simm.s32 $0x1B8E;
	s24 =	sld [smem:$0x3FFE];
	[sflag:s23] =	ssyncadd.s32 $0xFFFFFFFF  }
0xa5: {  	s26 =	simm.s32 $execute0_lowered;
	[smem:$0x3FD2] =	sst s25  }
0xa6: {  	s5 =	sshll.u32 s26, $0x1;
	_ =	strace $0x80000055;
	[dreg:$0x1] =	wrdreg $0xFFFFFFFF  }
0xa7: {  	s28 =	simm.s32 $_size_execute0_lowered;
	s3 =	sadd.s32 s3, s5;
	[dreg:$0x0] =	wrdreg $0x0  }
0xa8: {  	s5 =	sshll.u32 s28, $0x1;
	[dreg:$0x2] =	wrdreg s3  }
0xa9: {  	[dreg:$0x3] =	wrdreg s5  }
0xaa: {  	[dreg:$0x4] =	wrdreg $0xC0  }
0xab: {  	_ =	task [dreg:s7], $0x5FFFF  }
0xac: {  	[dreg:$0x1] =	wrdreg $0xFFFFFFFF  }
0xad: {  	[dreg:$0x0] =	wrdreg $0x60  }
0xae: {  	[dreg:$0x2] =	wrdreg s24  }
0xaf: {  	[dreg:$0x3] =	wrdreg s2  }
0xb0: {  	[dreg:$0x4] =	wrdreg $0x54880  }
0xb1: {  	[dreg:$0x5] =	wrdreg $0x9  }
0xb2: {  	_ =	task.clear_ibuf [dreg:s7], $0x6FFFF;
	_ =	strace $0x90000055  }
0xb3: {  	s29 =	simm.s32 $0x9;
	_ =	strace $0x80000057  }
0xb4: {  	_ =	swait.ge [sflag:s29], $0x1  }
0xb5: {  	[sflag:s29] =	ssyncadd.s32 $0xFFFFFFFF  }
0xb6: {  	_ =	strace $0x90000057  }
0xb7: {  	_ =	sfence  }
0xb8: {  	s30 =	sld [smem:$0x0];
	_ =	sdelay $0x2  }
0xb9: {  	s31 =	sshll.u32 s1, $0xD;
	s1 =	sshrl.u32 s1, $0x2  }
0xba: {  	s3 =	sand.u32 $0x4000, s31;
	s1 =	sadd.s32 s1, s30  }
0xbb: {  	s0 =	sor.u32 s3, s0;
	s1 =	sshll.u32 s1, $0x11  }
0xbc: {  	s0 =	sor.u32 s1, s0  }
0xbd: {  	s0 =	sadd.s32 $0x8F2B, s0  }
0xbe: {  	[sflag:s0] =	ssyncadd.remote.s32 $0x1  }
0xbf: {  	_ =	sfence.sel $0xFFFF  }
0xc0: {  	[dreg:$0x0] =	wrdreg $0xFFFFFFFF;
	(pc) =	sbr.abs _section_cstart, $3  }
0xc1: {  	[dreg:$0x1] =	wrdreg $0xFFFFFFFF  }
0xc2: {  	_ =	task.clear_ibuf [dreg:s7], $0x2FFFF;
	_ =	strace $0x9FFFFFFF  }
0xc3: {  	(tm) =	ssettm $0x7FFFFFFF  }
tec
execute0_lowered:
.L_overlay_start_1:
0x0: {  	(tag) =	ssettag $0x1  }
0x1: {  	s5 =	rddreg [dreg:$0x0]  }
0x2: {  	s1 =	srdreg.scid;
	s9 =	rddreg [dreg:$0x1]  }
0x3: {  	s0 =	stileid.u32;
	s2 =	rddreg [dreg:$0x2];
	s3 =	simm.s32 $0x0  }
0x4: {  	s17 =	simm.s32 $0x4E68;
	s18 =	simm.s32 $0x5178;
	s19 =	simm.s32 $0x0  }
0x5: {  	s6 =	sand.u32 $0x1, s1;
	s28 =	sshll.u32 s0, $0x1;
	s8 =	smul.u32 $0x2800, s0  }
0x6: {  	s1 =	rddreg [dreg:$0x3];
	s7 =	sor.u32 s6, s28;
	s10 =	smul.u32 $0x28000, s6  }
0x7: {  	[smem:$0x7FF] =	sst s3;
	s31 =	sshll.u32 s0, $0x6;
	s4 =	smul.u32 $0x820, s7  }
0x8: {  	_ =	strace $0x80000056;
	s6 =	ssub.s32 $0x2, s6;
	s13 =	smul.u32 $0x62, s7  }
0x9: {  	s12 =	sshrl.u32 s8, $0x3;
	s30 =	sshrl.u32 s6, $0x1;
	s7 =	smul.u32 $0xD, s7  }
0xa: {  	s16 =	sadd.s32 s8, s2;
	s10 =	sadd.s32 s8, s10;
	s12 =	sadd.s32 s12, s5  }
0xb: {  	s15 =	ssub.s32 s6, s30;
	s6 =	sor.u32 $0x1C01, s31;
	s11 =	sadd.s32 s4, s5  }
0xc: {  	s4 =	sadd.s32 $0x19E00, s5;
	s10 =	sshrl.u32 s10, $0x3;
	s29 =	sadd.s32 s13, s5  }
0xd: {  	s9 =	sadd.s32 s9, s13;
	s13 =	sshrl.u32 s16, $0x3;
	s16 =	simm.s32 $0x4168  }
0xe: {  	s14 =	sadd.s32 s10, s5;
	s5 =	sadd.s32 $0x1A000, s12;
	s7 =	sadd.s32 s4, s7  }
0xf: {  	s8 =	sadd.s32 $0x9A00, s11;
	s10 =	sadd.s32 $0x29000, s29;
	s12 =	smax.u32 s15, $0x1  }
0x10: {  	s15 =	simm.s32 $0x68;
	s11 =	sadd.s32 $0x1F000, s14;
	s14 =	simm.s32 $0x1  }
.LBB2_1:
0x11: {  	[spmem:s13], [sflag:s6] =	dma.local [hbm:s5], $0x500  }
0x12: {  	_ =	swait.ge [sflag:s14], $0x500  }
0x13: {  	[sflag:s14] =	ssyncset.done $0x0  }
0x14: {  	[sflag:s14] =	ssyncadd.s32 $0xFFFFFB00  }
0x15: {  	[bflag:$0x0] =	sbarrier.arrive $0xFFFF  }
0x16: {  	[tilespmem:s3], [sflag:$0x1] =	stream.linear.gather [hbm4b:s7+s3], $0x68, $0x38;
	[tilespmem:$0x7C88] =	vst v63  }
0x17: {  	_ =	swait.ge [sflag:s14], $0x68  }
0x18: {  	[sflag:s14] =	ssyncset.done $0x0  }
0x19: {  	[sflag:s14] =	ssyncadd.s32 $0xFFFFFF98  }
0x1a: {  	[tilespmem:s15], [sflag:$0x1] =	stream.linear.gather [hbm4b:s8+s3], $0x4100, $0x38;
	[tilespmem:$0x7C88] =	vst v63  }
0x1b: {  	_ =	swait.ge [sflag:s14], $0x4100  }
0x1c: {  	[sflag:s14] =	ssyncset.done $0x0  }
0x1d: {  	[sflag:s14] =	ssyncadd.s32 $0xFFFFBF00  }
0x1e: {  	[spmem:s2] =	stream.indirect.scatter.add.f32 [tilespmem:s15], [sflag:$0x1], $0xA0, s3, s15, $0xb8;
	[tilespmem:$0x7C88] =	vst v63  }
0x1f: {  	_ =	swait.ge [sflag:s14], $0x4100  }
0x20: {  	[sflag:s14] =	ssyncset.done $0x0  }
0x21: {  	[sflag:s14] =	ssyncadd.s32 $0xFFFFBF00  }
0x22: {  	[tilespmem:s16], [sflag:$0x1] =	stream.linear.gather [hbm4b:s4+s3], $0xD00, $0x38;
	[tilespmem:$0x7C88] =	vst v63  }
0x23: {  	_ =	swait.ge [sflag:s14], $0xD00  }
0x24: {  	[sflag:s14] =	ssyncset.done $0x0  }
0x25: {  	[sflag:s14] =	ssyncadd.s32 $0xFFFFF300  }
0x26: {  	[tilespmem:s17], [sflag:$0x1] =	stream.linear.gather [hbm4b:s9+s3], $0x310, $0x38;
	[tilespmem:$0x7C88] =	vst v63  }
0x27: {  	_ =	swait.ge [sflag:s14], $0x310  }
0x28: {  	[sflag:s14] =	ssyncset.done $0x0  }
0x29: {  	s20 =	simm.s32 $0x0;
	[sflag:s14] =	ssyncadd.s32 $0xFFFFFCF0  }
0x2a: {  	v0 =	vld [tilespmem:s20+$0x4E68];
	_ =	sdelay $0x7  }
0x2b: {  	s21 =	simm.s32 $0x10;
	s22 =	simm.s32 $0x80;
	v0 =	vld.idx.msk [tilespmem:v0+s16+$0x0], $0xffff  }
.LBB2_2:
0x2c: {  	p0 =	sne.s32 s22, $0xC00;
	v1 =	vld [tilespmem:s21+$0x4E68];
	_ =	sdelay $0x3  }
.Ltmp0:
0x2d: {  	(pc) =	sbr.rel @p0 .LBB2_2-.Ltmp0, $2  }
0x2e: {  	[tilespmem:s20+$0x5178] =	vst v0;
	s20 =	smov.u32 s21;
	_ =	sdelay $0x2  }
0x2f: {  	s21 =	sshra.s32 s22, $0x2;
	s22 =	sadd.s32 $0x40, s22;
	v0 =	vld.idx.msk [tilespmem:v1+s16+$0x0], $0xffff  }
0x30: {  	v1 =	vld [tilespmem:s21+$0x4E68];
	_ =	sdelay $0x6  }
0x31: {  	[tilespmem:s20+$0x5178] =	vst v0  }
0x32: {  	v0 =	vld.idx.msk [tilespmem:v1+s16+$0x0], $0xffff;
	_ =	sdelay $0x4  }
0x33: {  	[tilespmem:s21+$0x5178] =	vst v0  }
0x34: {  	[hbm4b:s10+s3] =	stream.linear.scatter [tilespmem:s18], [sflag:$0x1], $0x310, $0x38;
	[tilespmem:$0x7C88] =	vst v63  }
0x35: {  	_ =	swait.ge [sflag:s14], $0x310  }
0x36: {  	s19 =	sadd.s32 $0x1, s19;
	[sflag:s14] =	ssyncset.done $0x0  }
0x37: {  	p0 =	sne.s32 s19, s12;
	[sflag:s14] =	ssyncadd.s32 $0xFFFFFCF0  }
.Ltmp1:
0x38: {  	[bflag:$0x0] =	sbarrier.arrive $0xFFFF;
	(pc) =	sbr.rel @p0 .LBB2_1-.Ltmp1, $4  }
0x39: {  	[hbm:s11], [sflag:s6] =	dma.local [spmem:s13], $0x500  }
0x3a: {  	_ =	swait.ge [sflag:s14], $0x500  }
0x3b: {  	[sflag:s14] =	ssyncset.done $0x0  }
0x3c: {  	[sflag:s14] =	ssyncadd.s32 $0xFFFFFB00  }
0x3d: {  	_ =	sfence.sel $0x180000  }
0x3e: {  	[bflag:$0x0] =	sbarrier.arrive $0xFFFF  }
0x3f: {  	p0 =	sne.s32 s0, $0x0;
	_ =	strace $0x90000056  }
0x40: {  	s0 =	sadd.s32 @!p0 $0x100000, s1;
	[bflag:$0x2] =	sbarrier.arrive $0xFFFF  }
0x41: {  	[sflag:s0] =	ssyncadd.tile.s32 @!p0 $0x1;
	_ =	shalt  }
.Lfunc_end2:
_tile_overlayer_lowered:
.L_overlay_start_2:
0x42: {  	(tag) =	ssettag $0x2  }
0x43: {  	s0 =	rddreg [dreg:$0x0];
	s2 =	stileid.u32  }
0x44: {  	s1 =	rddreg [dreg:$0x1];
	p0 =	sne.s32 s2, $0x0  }
0x45: {  	s3 =	rddreg [dreg:$0x2];
	[bflag:$0x3] =	sbarrier.arrive $0xFFFF;
	s2 =	simm.s32 @!p0 $0x1C01  }
0x46: {  	[timem:s3], [sflag:s2] =	dma.local @!p0 [hbm:s0], s1  }
0x47: {  	s0 =	simm.s32 @!p0 $0x1  }
0x48: {  	_ =	swait.ge @!p0 [sflag:s0], s1  }
0x49: {  	s1 =	ssub.s32 @!p0 $0x0, s1;
	[sflag:s0] =	ssyncset.done @!p0 $0x0  }
0x4a: {  	[sflag:s0] =	ssyncadd.s32 @!p0 s1  }
0x4b: {  	[bflag:$0x3] =	sbarrier.arrive $0xFFFF  }
0x4c: {  	_ =	shalt  }

// kernel: sc_pool_3.3.cloned.1.call-start
scs
__scs_entry_jumppad:
0x0: {  	(pc) =	sbr.rel $0x88, $3  }
0x1: {  	(tag) =	ssettag $0x0;
	lr =	simm.s32 $0x1  }
0x2: {  	[smem:$0x3F80] =	sst lr;
	_ =	strace $0xD0000000  }
0x3: {  	_ = 	snop  }
0x4: {  	_ = 	snop  }
0x5: {  	_ = 	snop  }
0x6: {  	_ = 	snop  }
0x7: {  	_ = 	snop  }
__scs_overlays_trampoline_lowered:
0x8: {  	[smem:$0x3F8F] =	sst s0  }
0x9: {  	[smem:$0x3F90] =	sst s1  }
0xa: {  	[smem:$0x3F91] =	sst s2  }
0xb: {  	[smem:$0x3F92] =	sst s3  }
0xc: {  	[smem:$0x3F93] =	sst s4  }
0xd: {  	[smem:$0x3F94] =	sst s5  }
0xe: {  	[smem:$0x3F95] =	sst s6  }
0xf: {  	[smem:$0x3F96] =	sst s7  }
0x10: {  	[smem:$0x3F97] =	sst s8  }
0x11: {  	[smem:$0x3F98] =	sst s9;
	s0 =	simm.s32 @!p0 $0x0  }
0x12: {  	s1 =	sld [smem:$0x3F7E];
	s0 =	simm.s32 @p0 $0x1  }
0x13: {  	[smem:$0x3F99] =	sst s0;
	s0 =	simm.s32 @!p1 $0x0  }
0x14: {  	s2 =	sld [smem:$0x3F7D];
	s0 =	simm.s32 @p1 $0x1  }
0x15: {  	[smem:$0x3F9A] =	sst s0;
	s0 =	simm.s32 @!p2 $0x0  }
0x16: {  	s3 =	sld [smem:$0x3FDB];
	s0 =	simm.s32 @p2 $0x1  }
0x17: {  	s4 =	simm.s32 $0x1BF5;
	[smem:$0x3F9C] =	sst s0  }
0x18: {  	s0 =	sld [smem:$0x3F7F];
	_ =	swait.ge [sflag:s4], $0x0  }
0x19: {  	s7 =	sld [smem:$0x3F80]  }
0x1a: {  	s8 =	sadd.s32 $0xFFFFE003, lr  }
0x1b: {  	s9 =	sadd.s32 $0xFFFFFEF7, lr;
	s5 =	simm.s32 $0xFFFFFFFF;
	p2 =	slt.u32 s8, $0xFFFFF086  }
0x1c: {  	p1 =	slt.u32 s9, $0xF7A;
	s5 =	simm.s32 @!p2 $0x0  }
0x1d: {  	s5 =	simm.s32 @p1 $0x1;
	p0 =	seq.s32 s7, s2  }
0x1e: {  	s7 =	smul.u32 @!p0 $0xF7A, s2;
	p2 =	seq.s32 @!p0 s5, $0x0  }
0x1f: {  	s9 =	smul.u32 $0xF7A, s1;
	s8 =	simm.s32 @!p0 $0x1BF5;
	p2 =	por !p2, p0  }
0x20: {  	[sflag:s8] =	ssyncset.s32 @!p0 $0xFFFFF086;
	s6 =	sadd.s32 @!p0 s3, s7;
	s7 =	simm.s32 @!p0 $0x108  }
0x21: {  	s3 =	sadd.s32 s3, s9;
	s6 =	sadd.s32 @!p0 $0x88, s6;
	s7 =	simm.s32 @p2 $0x1082  }
0x22: {  	[simem:s7], [sflag:s8] =	dma.local @!p0 [hbm:s6], $0xF7A  }
0x23: {  	s9 =	sor.u32 $0xD0000000, s2;
	s6 =	simm.s32 $0x108;
	_ =	swait.ge @!p0 [sflag:s8], $0x0  }
0x24: {  	s3 =	sadd.s32 $0x88, s3;
	s6 =	simm.s32 @!p1 $0x1082;
	[sflag:s4] =	ssyncset.s32 $0xFFFFF086  }
0x25: {  	[simem:s6], [sflag:s4] =	dma.local [hbm:s3], $0xF7A  }
0x26: {  	[smem:$0x3F80] =	sst s1;
	(tag) =	ssettag s2;
	_ =	strace s9  }
0x27: {  	s1 =	sld [smem:$0x3F90]  }
0x28: {  	s2 =	sld [smem:$0x3F91]  }
0x29: {  	s4 =	sld [smem:$0x3F93]  }
0x2a: {  	p0 =	seq.s32 s5, $0x0;
	s5 =	sld [smem:$0x3F94]  }
0x2b: {  	s6 =	sld [smem:$0x3F95]  }
0x2c: {  	s7 =	sld [smem:$0x3F96]  }
0x2d: {  	s3 =	simm.s32 $0x108;
	s8 =	sld [smem:$0x3F97]  }
0x2e: {  	s3 =	simm.s32 @!p0 $0x1082;
	s9 =	sld [smem:$0x3F98]  }
0x2f: {  	lr =	sadd.s32 s0, s3;
	s0 =	sld [smem:$0x3F8F]  }
0x30: {  	s3 =	sld [smem:$0x3F92]  }
0x31: {  	[smem:$0x3F9B] =	sst s10  }
0x32: {  	s10 =	sld [smem:$0x3F99];
	_ =	sdelay $0x3  }
0x33: {  	p0 =	seq.s32 s10, $0x1;
	s10 =	sld [smem:$0x3F9B];
	_ =	sdelay $0x3  }
0x34: {  	[smem:$0x3F9B] =	sst s10  }
0x35: {  	s10 =	sld [smem:$0x3F9A];
	_ =	sdelay $0x3  }
0x36: {  	p1 =	seq.s32 s10, $0x1;
	s10 =	sld [smem:$0x3F9B];
	_ =	sdelay $0x3  }
0x37: {  	[smem:$0x3F9B] =	sst s10  }
0x38: {  	s10 =	sld [smem:$0x3F9C]  }
0x39: {  	_ = 	snop;
	(pc) =	sbr.ind lr, $3  }
0x3a: {  	_ = 	snop  }
0x3b: {  	_ = 	snop  }
0x3c: {  	p2 =	seq.s32 s10, $0x1;
	s10 =	sld [smem:$0x3F9B]  }
0x3d: {  	_ =	shalt  }
0x3e: {  	_ =	shalt  }
0x3f: {  	_ =	shalt  }
0x40: {  	_ =	shalt  }
0x41: {  	_ =	shalt  }
0x42: {  	_ =	shalt  }
0x43: {  	_ =	shalt  }
0x44: {  	_ =	shalt  }
0x45: {  	_ =	shalt  }
0x46: {  	_ =	shalt  }
0x47: {  	_ =	shalt  }
0x48: {  	_ =	shalt  }
0x49: {  	_ =	shalt  }
0x4a: {  	_ =	shalt  }
0x4b: {  	_ =	shalt  }
0x4c: {  	_ =	shalt  }
0x4d: {  	_ =	shalt  }
0x4e: {  	_ =	shalt  }
0x4f: {  	_ =	shalt  }
0x50: {  	_ =	shalt  }
0x51: {  	_ =	shalt  }
0x52: {  	_ =	shalt  }
0x53: {  	_ =	shalt  }
0x54: {  	_ =	shalt  }
0x55: {  	_ =	shalt  }
0x56: {  	_ =	shalt  }
0x57: {  	_ =	shalt  }
0x58: {  	_ =	shalt  }
0x59: {  	_ =	shalt  }
0x5a: {  	_ =	shalt  }
0x5b: {  	_ =	shalt  }
0x5c: {  	_ =	shalt  }
0x5d: {  	_ =	shalt  }
0x5e: {  	_ =	shalt  }
0x5f: {  	_ =	shalt  }
0x60: {  	_ =	shalt  }
0x61: {  	_ =	shalt  }
0x62: {  	_ =	shalt  }
0x63: {  	_ =	shalt  }
0x64: {  	_ =	shalt  }
0x65: {  	_ =	shalt  }
0x66: {  	_ =	shalt  }
0x67: {  	_ =	shalt  }
0x68: {  	_ =	shalt  }
0x69: {  	_ =	shalt  }
0x6a: {  	_ =	shalt  }
0x6b: {  	_ =	shalt  }
0x6c: {  	_ =	shalt  }
0x6d: {  	_ =	shalt  }
0x6e: {  	_ =	shalt  }
0x6f: {  	_ =	shalt  }
0x70: {  	_ =	shalt  }
0x71: {  	_ =	shalt  }
0x72: {  	_ =	shalt  }
0x73: {  	_ =	shalt  }
0x74: {  	_ =	shalt  }
0x75: {  	_ =	shalt  }
0x76: {  	_ =	shalt  }
0x77: {  	_ =	shalt  }
0x78: {  	_ =	shalt  }
0x79: {  	_ =	shalt  }
0x7a: {  	_ =	shalt  }
0x7b: {  	_ =	shalt  }
0x7c: {  	_ =	shalt  }
0x7d: {  	_ =	shalt  }
0x7e: {  	_ =	shalt  }
0x7f: {  	_ =	shalt  }
0x80: {  	_ =	shalt  }
0x81: {  	_ =	shalt  }
0x82: {  	_ =	shalt  }
0x83: {  	_ =	shalt  }
0x84: {  	_ =	shalt  }
0x85: {  	_ =	shalt  }
0x86: {  	_ =	shalt  }
0x87: {  	_ =	shalt  }
.Lfunc_end0:
.L_simem_size_0:
called_computation.7_lowered:
.L_overlay_start_0:
0x88: {  	s2 =	sld [smem:$0x3FD9]  }
0x89: {  	s3 =	sld [smem:$0x3FFE];
	_ =	sdelay $0x1  }
0x8a: {  	s1 =	srdreg.scid  }
0x8b: {  	s0 =	sand.u32 $0x1, s1  }
0x8c: {  	s17 =	sshll.u32 s0, $0xA;
	s2 =	sadd.s32 s3, s2  }
0x8d: {  	s2 =	sadd.s32 s2, s17  }
0x8e: {  	[smem:$0x3FA7] =	sst s2  }
0x8f: {  	_ = 	snop  }
0x90: {  	s2 =	sld [smem:$0x3FD0];
	(tm) =	ssettm $0x1  }
0x91: {  	s18 =	sld [smem:$0x3FFB];
	_ =	sdelay $0x3  }
0x92: {  	_ =	strace s18  }
0x93: {  	s3 =	sld [smem:$0x3FFC];
	_ =	sdelay $0x3  }
0x94: {  	_ =	strace s3  }
0x95: {  	s3 =	sld [smem:$0x3FFD];
	_ =	sdelay $0x3  }
0x96: {  	_ =	strace s3  }
0x97: {  	_ =	strace $0x8FFFFFFF  }
0x98: {  	s19 =	sld [smem:$0x3FDB];
	_ =	sdelay $0x1  }
0x99: {  	s4 =	simm.s32 $_scs_section_size  }
0x9a: {  	s5 =	simm.s32 $_size__tile_overlayer_lowered;
	s6 =	simm.s32 $_tile_overlayer_lowered  }
0x9b: {  	s22 =	simm.s32 $0x1BFF;
	s21 =	sshll.u32 s6, $0x1;
	s3 =	sadd.s32 s4, s19  }
0x9c: {  	s7 =	simm.s32 $0x0;
	s20 =	sshll.u32 s5, $0x1;
	s5 =	sadd.s32 s21, s3  }
0x9d: {  	[timem:s7], [sflag:s22] =	dma.local [hbm:s5], s20  }
0x9e: {  	_ =	swait.ge [sflag:s22], s20  }
0x9f: {  	s4 =	ssub.s32 $0x0, s20;
	[sflag:s22] =	ssyncset.done $0x0  }
0xa0: {  	[sflag:s22] =	ssyncadd.s32 s4;
	_ =	sdelay $0x1  }
0xa1: {  	s23 =	simm.s32 $0x1B8B  }
0xa2: {  	_ =	swait.ge [sflag:s23], $0x1  }
0xa3: {  	[sflag:s23] =	ssyncset.done $0x0  }
0xa4: {  	s25 =	simm.s32 $0x1B8E;
	s24 =	sld [smem:$0x3FFE];
	[sflag:s23] =	ssyncadd.s32 $0xFFFFFFFF  }
0xa5: {  	s26 =	simm.s32 $execute0_lowered;
	[smem:$0x3FD2] =	sst s25  }
0xa6: {  	s5 =	sshll.u32 s26, $0x1;
	_ =	strace $0x8000005B;
	[dreg:$0x1] =	wrdreg $0xFFFFFFFF  }
0xa7: {  	s28 =	simm.s32 $_size_execute0_lowered;
	s3 =	sadd.s32 s3, s5;
	[dreg:$0x0] =	wrdreg $0x0  }
0xa8: {  	s5 =	sshll.u32 s28, $0x1;
	[dreg:$0x2] =	wrdreg s3  }
0xa9: {  	[dreg:$0x3] =	wrdreg s5  }
0xaa: {  	[dreg:$0x4] =	wrdreg $0xC0  }
0xab: {  	_ =	task [dreg:s7], $0x5FFFF  }
0xac: {  	[dreg:$0x1] =	wrdreg $0xFFFFFFFF  }
0xad: {  	[dreg:$0x0] =	wrdreg $0x60  }
0xae: {  	[dreg:$0x2] =	wrdreg s24  }
0xaf: {  	[dreg:$0x3] =	wrdreg s2  }
0xb0: {  	[dreg:$0x4] =	wrdreg $0x29C00  }
0xb1: {  	[dreg:$0x5] =	wrdreg $0x9  }
0xb2: {  	_ =	task.clear_ibuf [dreg:s7], $0x6FFFF;
	_ =	strace $0x9000005B  }
0xb3: {  	s29 =	simm.s32 $0x9;
	_ =	strace $0x8000005D  }
0xb4: {  	_ =	swait.ge [sflag:s29], $0x1  }
0xb5: {  	[sflag:s29] =	ssyncadd.s32 $0xFFFFFFFF  }
0xb6: {  	_ =	strace $0x9000005D  }
0xb7: {  	_ =	sfence  }
0xb8: {  	s30 =	sld [smem:$0x0];
	_ =	sdelay $0x2  }
0xb9: {  	s31 =	sshll.u32 s1, $0xD;
	s1 =	sshrl.u32 s1, $0x2  }
0xba: {  	s3 =	sand.u32 $0x4000, s31;
	s1 =	sadd.s32 s1, s30  }
0xbb: {  	s0 =	sor.u32 s3, s0;
	s1 =	sshll.u32 s1, $0x11  }
0xbc: {  	s0 =	sor.u32 s1, s0  }
0xbd: {  	s0 =	sadd.s32 $0x8F2B, s0  }
0xbe: {  	[sflag:s0] =	ssyncadd.remote.s32 $0x1  }
0xbf: {  	_ =	sfence.sel $0xFFFF  }
0xc0: {  	[dreg:$0x0] =	wrdreg $0xFFFFFFFF;
	(pc) =	sbr.abs _section_cstart, $3  }
0xc1: {  	[dreg:$0x1] =	wrdreg $0xFFFFFFFF  }
0xc2: {  	_ =	task.clear_ibuf [dreg:s7], $0x2FFFF;
	_ =	strace $0x9FFFFFFF  }
0xc3: {  	(tm) =	ssettm $0x7FFFFFFF  }
tec
execute0_lowered:
.L_overlay_start_1:
0x0: {  	(tag) =	ssettag $0x1  }
0x1: {  	s17 =	rddreg [dreg:$0x0]  }
0x2: {  	s15 =	rddreg [dreg:$0x1]  }
0x3: {  	s0 =	stileid.u32;
	s2 =	rddreg [dreg:$0x2]  }
0x4: {  	s1 =	rddreg [dreg:$0x3];
	s3 =	simm.s32 $0x0;
	s18 =	smul.u32 $0x1200, s0  }
0x5: {  	s8 =	srdreg.scid;
	[smem:$0x7FF] =	sst s3  }
0x6: {  	s5 =	sshll.u32 s0, $0x6;
	_ =	strace $0x8000005C;
	s4 =	sshrl.u32 s18, $0x3  }
0x7: {  	s5 =	sor.u32 $0x1C01, s5;
	s6 =	sadd.s32 s18, s2;
	s4 =	sadd.s32 s4, s17  }
0x8: {  	s7 =	sshrl.u32 s6, $0x3;
	s6 =	simm.s32 $0x1;
	s4 =	sadd.s32 $0x12C00, s4  }
0x9: {  	[spmem:s7], [sflag:s5] =	dma.local [hbm:s4], $0x240  }
0xa: {  	s19 =	sand.u32 $0x1, s8;
	s29 =	sshll.u32 s0, $0x1;
	_ =	swait.ge [sflag:s6], $0x240  }
0xb: {  	s12 =	sor.u32 s19, s29;
	[sflag:s6] =	ssyncset.done $0x0  }
0xc: {  	s8 =	sadd.s32 $0x12A00, s17;
	s9 =	sshll.u32 s12, $0x2;
	[sflag:s6] =	ssyncadd.s32 $0xFFFFFDC0  }
0xd: {  	s10 =	smul.u32 $0x480, s12;
	s9 =	sadd.s32 s8, s9;
	[bflag:$0x0] =	sbarrier.arrive $0xFFFF  }
0xe: {  	[tilespmem:s3], [sflag:$0x1] =	stream.linear.gather [hbm4b:s9+s3], $0x20, $0x38;
	[tilespmem:$0x3BC0] =	vst v63  }
0xf: {  	_ =	swait.ge [sflag:s6], $0x20  }
0x10: {  	s10 =	sadd.s32 s10, s17;
	[sflag:s6] =	ssyncset.done $0x0  }
0x11: {  	s11 =	simm.s32 $0x20;
	s10 =	sadd.s32 $0x9A00, s10;
	[sflag:s6] =	ssyncadd.s32 $0xFFFFFFE0  }
0x12: {  	[tilespmem:s11], [sflag:$0x1] =	stream.linear.gather [hbm4b:s10+s3], $0x2400, $0x38;
	[tilespmem:$0x3BC0] =	vst v63  }
0x13: {  	_ =	swait.ge [sflag:s6], $0x2400  }
0x14: {  	[sflag:s6] =	ssyncset.done $0x0  }
0x15: {  	[sflag:s6] =	ssyncadd.s32 $0xFFFFDC00  }
0x16: {  	[spmem:s2] =	stream.indirect.scatter.add.f32 [tilespmem:s11], [sflag:$0x1], $0x120, s3, s11, $0xb8;
	[tilespmem:$0x3BC0] =	vst v63  }
0x17: {  	_ =	swait.ge [sflag:s6], $0x2400  }
0x18: {  	[sflag:s6] =	ssyncset.done $0x0  }
0x19: {  	s16 =	smul.u32 $0x1A, s12;
	s12 =	simm.s32 $0x2420;
	[sflag:s6] =	ssyncadd.s32 $0xFFFFDC00  }
0x1a: {  	[tilespmem:s12], [sflag:$0x1] =	stream.linear.gather [hbm4b:s8+s3], $0x400, $0x38;
	[tilespmem:$0x3BC0] =	vst v63  }
0x1b: {  	_ =	swait.ge [sflag:s6], $0x400  }
0x1c: {  	s13 =	sadd.s32 s16, s17;
	[sflag:s6] =	ssyncset.done $0x0  }
0x1d: {  	s14 =	simm.s32 $0x2820;
	s13 =	sadd.s32 $0x2B200, s13;
	[sflag:s6] =	ssyncadd.s32 $0xFFFFFC00  }
0x1e: {  	[tilespmem:s14], [sflag:$0x1] =	stream.linear.gather [hbm4b:s13+s3], $0xD0, $0x38;
	[tilespmem:$0x3BC0] =	vst v63  }
0x1f: {  	_ =	swait.ge [sflag:s6], $0xD0  }
0x20: {  	[sflag:s6] =	ssyncset.done $0x0  }
0x21: {  	[sflag:s6] =	ssyncadd.s32 $0xFFFFFF30  }
0x22: {  	v0 =	vld [tilespmem:$0x2820];
	_ =	sdelay $0x5  }
0x23: {  	v1 =	vld [tilespmem:$0x2830];
	_ =	sdelay $0x1  }
0x24: {  	v0 =	vld.idx.msk [tilespmem:v0+s12+$0x0], $0xffff;
	_ =	sdelay $0x3  }
0x25: {  	v2 =	vld [tilespmem:$0x2840]  }
0x26: {  	[tilespmem:$0x28F0] =	vst v0  }
0x27: {  	v0 =	vld.idx.msk [tilespmem:v1+s12+$0x0], $0xffff;
	_ =	sdelay $0x3  }
0x28: {  	v54 =	vld [tilespmem:$0x2850]  }
0x29: {  	[tilespmem:$0x2900] =	vst v0  }
0x2a: {  	v0 =	vld.idx.msk [tilespmem:v2+s12+$0x0], $0xffff;
	_ =	sdelay $0x3  }
0x2b: {  	v55 =	vld [tilespmem:$0x2860]  }
0x2c: {  	[tilespmem:$0x2910] =	vst v0  }
0x2d: {  	v0 =	vld.idx.msk [tilespmem:v54+s12+$0x0], $0xffff;
	_ =	sdelay $0x3  }
0x2e: {  	v56 =	vld [tilespmem:$0x2870]  }
0x2f: {  	[tilespmem:$0x2920] =	vst v0  }
0x30: {  	v0 =	vld.idx.msk [tilespmem:v55+s12+$0x0], $0xffff;
	_ =	sdelay $0x3  }
0x31: {  	v57 =	vld [tilespmem:$0x2880]  }
0x32: {  	[tilespmem:$0x2930] =	vst v0  }
0x33: {  	v0 =	vld.idx.msk [tilespmem:v56+s12+$0x0], $0xffff;
	_ =	sdelay $0x3  }
0x34: {  	v58 =	vld [tilespmem:$0x2890]  }
0x35: {  	[tilespmem:$0x2940] =	vst v0  }
0x36: {  	v0 =	vld.idx.msk [tilespmem:v57+s12+$0x0], $0xffff;
	_ =	sdelay $0x3  }
0x37: {  	v59 =	vld [tilespmem:$0x28A0]  }
0x38: {  	[tilespmem:$0x2950] =	vst v0  }
0x39: {  	v0 =	vld.idx.msk [tilespmem:v58+s12+$0x0], $0xffff;
	_ =	sdelay $0x3  }
0x3a: {  	v60 =	vld [tilespmem:$0x28B0]  }
0x3b: {  	[tilespmem:$0x2960] =	vst v0  }
0x3c: {  	v0 =	vld.idx.msk [tilespmem:v59+s12+$0x0], $0xffff;
	_ =	sdelay $0x3  }
0x3d: {  	v61 =	vld [tilespmem:$0x28C0]  }
0x3e: {  	[tilespmem:$0x2970] =	vst v0  }
0x3f: {  	v0 =	vld.idx.msk [tilespmem:v60+s12+$0x0], $0xffff;
	_ =	sdelay $0x3  }
0x40: {  	v62 =	vld [tilespmem:$0x28D0]  }
0x41: {  	[tilespmem:$0x2980] =	vst v0  }
0x42: {  	v0 =	vld.idx.msk [tilespmem:v61+s12+$0x0], $0xffff;
	_ =	sdelay $0x3  }
0x43: {  	v63 =	vld [tilespmem:$0x28E0]  }
0x44: {  	[tilespmem:$0x2990] =	vst v0  }
0x45: {  	v0 =	vld.idx.msk [tilespmem:v62+s12+$0x0], $0xffff;
	_ =	sdelay $0x4  }
0x46: {  	[tilespmem:$0x29A0] =	vst v0  }
0x47: {  	v0 =	vld.idx.msk [tilespmem:v63+s12+$0x0], $0xffff;
	_ =	sdelay $0x1  }
0x48: {  	s20 =	smul.u32 $0x12000, s19;
	s19 =	ssub.s32 $0x2, s19  }
0x49: {  	s30 =	sshrl.u32 s19, $0x1  }
0x4a: {  	s18 =	sadd.s32 s18, s20;
	s31 =	ssub.s32 s19, s30  }
0x4b: {  	s15 =	sadd.s32 s15, s16;
	s16 =	simm.s32 $0x28F0;
	s18 =	sshrl.u32 s18, $0x3;
	[tilespmem:$0x29B0] =	vst v0  }
0x4c: {  	[hbm4b:s15+s3] =	stream.linear.scatter [tilespmem:s16], [sflag:$0x1], $0xD0, $0x38;
	[tilespmem:$0x3BC0] =	vst v63  }
0x4d: {  	s17 =	sadd.s32 s18, s17;
	s18 =	smax.u32 s31, $0x1;
	_ =	swait.ge [sflag:s6], $0xD0  }
0x4e: {  	p0 =	sne.s32 s18, $0x1;
	[sflag:s6] =	ssyncset.done $0x0  }
.Ltmp0:
0x4f: {  	[sflag:s6] =	ssyncadd.s32 $0xFFFFFF30;
	(pc) =	sbr.rel @!p0 .LBB2_2-.Ltmp0, $4  }
0x50: {  	s17 =	sadd.s32 $0x15000, s17;
	[bflag:$0x0] =	sbarrier.arrive $0xFFFF  }
0x51: {  	[hbm:s17], [sflag:s5] =	dma.local [spmem:s7], $0x240  }
0x52: {  	_ =	swait.ge [sflag:s6], $0x240  }
0x53: {  	s18 =	sadd.s32 $0xFFFFFFFF, s18;
	[sflag:s6] =	ssyncset.done $0x0  }
.LBB2_1:
0x54: {  	p0 =	sne.s32 s18, $0x1;
	s18 =	sadd.s32 $0xFFFFFFFF, s18;
	[sflag:s6] =	ssyncadd.s32 $0xFFFFFDC0  }
0x55: {  	[spmem:s7], [sflag:s5] =	dma.local [hbm:s4], $0x240  }
0x56: {  	_ =	swait.ge [sflag:s6], $0x240  }
0x57: {  	[sflag:s6] =	ssyncset.done $0x0  }
0x58: {  	[sflag:s6] =	ssyncadd.s32 $0xFFFFFDC0  }
0x59: {  	[bflag:$0x0] =	sbarrier.arrive $0xFFFF  }
0x5a: {  	[tilespmem:s3], [sflag:$0x1] =	stream.linear.gather [hbm4b:s9+s3], $0x20, $0x38;
	[tilespmem:$0x3BC0] =	vst v63  }
0x5b: {  	_ =	swait.ge [sflag:s6], $0x20  }
0x5c: {  	[sflag:s6] =	ssyncset.done $0x0  }
0x5d: {  	[sflag:s6] =	ssyncadd.s32 $0xFFFFFFE0  }
0x5e: {  	[tilespmem:s11], [sflag:$0x1] =	stream.linear.gather [hbm4b:s10+s3], $0x2400, $0x38;
	[tilespmem:$0x3BC0] =	vst v63  }
0x5f: {  	_ =	swait.ge [sflag:s6], $0x2400  }
0x60: {  	[sflag:s6] =	ssyncset.done $0x0  }
0x61: {  	[sflag:s6] =	ssyncadd.s32 $0xFFFFDC00  }
0x62: {  	[spmem:s2] =	stream.indirect.scatter.add.f32 [tilespmem:s11], [sflag:$0x1], $0x120, s3, s11, $0xb8;
	[tilespmem:$0x3BC0] =	vst v63  }
0x63: {  	_ =	swait.ge [sflag:s6], $0x2400  }
0x64: {  	[sflag:s6] =	ssyncset.done $0x0  }
0x65: {  	[sflag:s6] =	ssyncadd.s32 $0xFFFFDC00  }
0x66: {  	[tilespmem:s12], [sflag:$0x1] =	stream.linear.gather [hbm4b:s8+s3], $0x400, $0x38;
	[tilespmem:$0x3BC0] =	vst v63  }
0x67: {  	_ =	swait.ge [sflag:s6], $0x400  }
0x68: {  	[sflag:s6] =	ssyncset.done $0x0  }
0x69: {  	[sflag:s6] =	ssyncadd.s32 $0xFFFFFC00  }
0x6a: {  	[tilespmem:s14], [sflag:$0x1] =	stream.linear.gather [hbm4b:s13+s3], $0xD0, $0x38;
	[tilespmem:$0x3BC0] =	vst v63  }
0x6b: {  	_ =	swait.ge [sflag:s6], $0xD0  }
0x6c: {  	[sflag:s6] =	ssyncset.done $0x0  }
0x6d: {  	[sflag:s6] =	ssyncadd.s32 $0xFFFFFF30  }
0x6e: {  	v0 =	vld [tilespmem:$0x2820];
	_ =	sdelay $0x6  }
0x6f: {  	v1 =	vld [tilespmem:$0x2830]  }
0x70: {  	v0 =	vld.idx.msk [tilespmem:v0+s12+$0x0], $0xffff;
	_ =	sdelay $0x5  }
0x71: {  	[tilespmem:$0x28F0] =	vst v0;
	v0 =	vld [tilespmem:$0x2840]  }
0x72: {  	v1 =	vld.idx.msk [tilespmem:v1+s12+$0x0], $0xffff;
	_ =	sdelay $0x5  }
0x73: {  	[tilespmem:$0x2900] =	vst v1;
	v1 =	vld [tilespmem:$0x2850]  }
0x74: {  	v0 =	vld.idx.msk [tilespmem:v0+s12+$0x0], $0xffff;
	_ =	sdelay $0x5  }
0x75: {  	[tilespmem:$0x2910] =	vst v0;
	v0 =	vld [tilespmem:$0x2860]  }
0x76: {  	v1 =	vld.idx.msk [tilespmem:v1+s12+$0x0], $0xffff;
	_ =	sdelay $0x5  }
0x77: {  	[tilespmem:$0x2920] =	vst v1;
	v1 =	vld [tilespmem:$0x2870]  }
0x78: {  	v0 =	vld.idx.msk [tilespmem:v0+s12+$0x0], $0xffff;
	_ =	sdelay $0x5  }
0x79: {  	[tilespmem:$0x2930] =	vst v0;
	v0 =	vld [tilespmem:$0x2880]  }
0x7a: {  	v1 =	vld.idx.msk [tilespmem:v1+s12+$0x0], $0xffff;
	_ =	sdelay $0x5  }
0x7b: {  	[tilespmem:$0x2940] =	vst v1;
	v1 =	vld [tilespmem:$0x2890]  }
0x7c: {  	v0 =	vld.idx.msk [tilespmem:v0+s12+$0x0], $0xffff;
	_ =	sdelay $0x5  }
0x7d: {  	[tilespmem:$0x2950] =	vst v0;
	v0 =	vld [tilespmem:$0x28A0]  }
0x7e: {  	v1 =	vld.idx.msk [tilespmem:v1+s12+$0x0], $0xffff;
	_ =	sdelay $0x5  }
0x7f: {  	[tilespmem:$0x2960] =	vst v1;
	v1 =	vld [tilespmem:$0x28B0]  }
0x80: {  	v0 =	vld.idx.msk [tilespmem:v0+s12+$0x0], $0xffff;
	_ =	sdelay $0x5  }
0x81: {  	[tilespmem:$0x2970] =	vst v0;
	v0 =	vld [tilespmem:$0x28C0]  }
0x82: {  	v1 =	vld.idx.msk [tilespmem:v1+s12+$0x0], $0xffff;
	_ =	sdelay $0x5  }
0x83: {  	[tilespmem:$0x2980] =	vst v1;
	v1 =	vld [tilespmem:$0x28D0]  }
0x84: {  	v0 =	vld.idx.msk [tilespmem:v0+s12+$0x0], $0xffff;
	_ =	sdelay $0x5  }
0x85: {  	[tilespmem:$0x2990] =	vst v0;
	v0 =	vld [tilespmem:$0x28E0]  }
0x86: {  	v1 =	vld.idx.msk [tilespmem:v1+s12+$0x0], $0xffff;
	_ =	sdelay $0x5  }
0x87: {  	[tilespmem:$0x29A0] =	vst v1  }
0x88: {  	v0 =	vld.idx.msk [tilespmem:v0+s12+$0x0], $0xffff;
	_ =	sdelay $0x5  }
0x89: {  	[tilespmem:$0x29B0] =	vst v0  }
0x8a: {  	[hbm4b:s15+s3] =	stream.linear.scatter [tilespmem:s16], [sflag:$0x1], $0xD0, $0x38;
	[tilespmem:$0x3BC0] =	vst v63  }
0x8b: {  	_ =	swait.ge [sflag:s6], $0xD0  }
0x8c: {  	[sflag:s6] =	ssyncset.done $0x0  }
.Ltmp1:
0x8d: {  	[sflag:s6] =	ssyncadd.s32 $0xFFFFFF30;
	(pc) =	sbr.rel @p0 .LBB2_1-.Ltmp1, $4  }
0x8e: {  	[bflag:$0x0] =	sbarrier.arrive $0xFFFF  }
0x8f: {  	[hbm:s17], [sflag:s5] =	dma.local [spmem:s7], $0x240  }
0x90: {  	_ =	swait.ge [sflag:s6], $0x240  }
0x91: {  	[sflag:s6] =	ssyncset.done $0x0  }
.LBB2_2:
0x92: {  	[sflag:s6] =	ssyncadd.s32 $0xFFFFFDC0  }
0x93: {  	_ =	sfence.sel $0x180000  }
0x94: {  	[bflag:$0x0] =	sbarrier.arrive $0xFFFF  }
0x95: {  	p0 =	sne.s32 s0, $0x0;
	_ =	strace $0x9000005C  }
0x96: {  	s0 =	sadd.s32 @!p0 $0x100000, s1;
	[bflag:$0x2] =	sbarrier.arrive $0xFFFF  }
0x97: {  	[sflag:s0] =	ssyncadd.tile.s32 @!p0 $0x1;
	_ =	shalt  }
.Lfunc_end2:
_tile_overlayer_lowered:
.L_overlay_start_2:
0x98: {  	(tag) =	ssettag $0x2  }
0x99: {  	s0 =	rddreg [dreg:$0x0];
	s2 =	stileid.u32  }
0x9a: {  	s1 =	rddreg [dreg:$0x1];
	p0 =	sne.s32 s2, $0x0  }
0x9b: {  	s3 =	rddreg [dreg:$0x2];
	[bflag:$0x3] =	sbarrier.arrive $0xFFFF;
	s2 =	simm.s32 @!p0 $0x1C01  }
0x9c: {  	[timem:s3], [sflag:s2] =	dma.local @!p0 [hbm:s0], s1  }
0x9d: {  	s0 =	simm.s32 @!p0 $0x1  }
0x9e: {  	_ =	swait.ge @!p0 [sflag:s0], s1  }
0x9f: {  	s1 =	ssub.s32 @!p0 $0x0, s1;
	[sflag:s0] =	ssyncset.done @!p0 $0x0  }
0xa0: {  	[sflag:s0] =	ssyncadd.s32 @!p0 s1  }
0xa1: {  	[bflag:$0x3] =	sbarrier.arrive $0xFFFF  }
0xa2: {  	_ =	shalt  }

</sc_bundles>
